<compile_context>
chip_gen: v7x
topology: tpu7x:2x2x1
jax: 0.10.2.dev20260603
libtpu: 0.0.44.dev20260713+nightly
codegen_flags: <defaults>
</compile_context>

<pallas_src>
import functools

import jax
import jax.numpy as jnp
from jax import lax
from jax.experimental import pallas as pl
from jax.experimental.pallas import tpu as pltpu
from jax.experimental.pallas import tpu_sc as plsc

N = 100000
E = 1600000
H = 32
CONS = 80000
NC = 2
NS = 16
NW = NC * NS

NP = 100096
SL = NP // NS
E2 = 1638400
CHUNK = 512
NG = CHUNK // 16

DRANGE = CONS // NC
DRP = 44800
DSL = DRP // NS
DST = 700

_RB = 800

_mesh = plsc.VectorSubcoreMesh(
    core_axis_name="c", subcore_axis_name="s", num_cores=NC, num_subcores=NS)
_sc_params = pltpu.CompilerParams(
    needs_layout_passes=False, use_tc_tiling_on_sc=False)


def _iota16():
    return lax.broadcasted_iota(jnp.int32, (16,), 0)


@functools.partial(
    pl.kernel,
    out_type=jax.ShapeDtypeStruct((NC * 3 * NP,), jnp.float32),
    mesh=_mesh,
    compiler_params=_sc_params,
    scratch_types=[
        pltpu.VMEM_SHARED((NP,), jnp.float32),
        pltpu.VMEM_SHARED((NP,), jnp.float32),
        pltpu.VMEM_SHARED((NP,), jnp.float32),
        pltpu.VMEM_SHARED((NP,), jnp.float32),
        pltpu.VMEM_SHARED((NP,), jnp.float32),
        pltpu.VMEM((SL,), jnp.float32),
        pltpu.VMEM((4, 128), jnp.int32),
        pltpu.VMEM((4, 128), jnp.int32),
        pltpu.VMEM((CHUNK,), jnp.float32),
        pltpu.VMEM((4, 128), jnp.float32),
        pltpu.VMEM((4, 128), jnp.float32),
        pltpu.VMEM((4, 128), jnp.float32),
        pltpu.VMEM((4, 128), jnp.float32),
        pltpu.VMEM((4, 128), jnp.float32),
        pltpu.SemaphoreType.DMA,
    ],
)
def _sc_layer0(src2, dst2, w1, pN, muN, zN, partA,
               ptab, mtab, accp, accm, accc, stg,
               srcb, dstb, wb, pvb, mvb, wpb, wmb, wcb, sem):
    cid = lax.axis_index("c")
    sid = lax.axis_index("s")
    wid = cid * NS + sid
    tsl = pl.ds(sid * SL, SL)
    pltpu.sync_copy(pN.at[tsl], stg)
    pltpu.sync_copy(stg, ptab.at[tsl])
    pltpu.sync_copy(muN.at[tsl], stg)
    pltpu.sync_copy(stg, mtab.at[tsl])
    pltpu.sync_copy(zN, stg)
    pltpu.sync_copy(stg, accp.at[tsl])
    pltpu.sync_copy(stg, accm.at[tsl])
    pltpu.sync_copy(stg, accc.at[tsl])
    plsc.subcore_barrier()

    ept = E2 // NW
    e0t = wid * ept
    iota = _iota16()

    def chunk(k, carry):
        e0 = e0t + k * CHUNK
        r0 = e0 // 128
        pltpu.sync_copy(src2.at[pl.ds(r0, 4)], srcb)
        pltpu.sync_copy(dst2.at[pl.ds(r0, 4)], dstb)
        pltpu.sync_copy(w1.at[pl.ds(e0, CHUNK)], wb)
        for j in range(4):
            pltpu.sync_copy(ptab.at[srcb.at[j]], pvb.at[j])
            pltpu.sync_copy(mtab.at[srcb.at[j]], mvb.at[j])
        for j in range(4):
            for gi in range(8):
                sl = pl.ds(gi * 16, 16)
                sv = srcb[j, sl]
                wv = wb[pl.ds(j * 128 + gi * 16, 16)]
                wpb[j, sl] = wv * pvb[j, sl]
                wmb[j, sl] = wv * mvb[j, sl]
                wcb[j, sl] = jnp.where(sv < CONS, wv, jnp.zeros_like(wv))
        for j in range(4):
            pltpu.sync_copy(wpb.at[j], accp.at[dstb.at[j]], add=True)
            pltpu.sync_copy(wmb.at[j], accm.at[dstb.at[j]], add=True)
            pltpu.sync_copy(wcb.at[j], accc.at[dstb.at[j]], add=True)
        return carry

    lax.fori_loop(0, ept // CHUNK, chunk, 0)
    plsc.subcore_barrier()
    obase = cid * 3 * NP + sid * SL
    pltpu.sync_copy(accp.at[tsl], stg)
    pltpu.sync_copy(stg, partA.at[pl.ds(obase, SL)])
    pltpu.sync_copy(accm.at[tsl], stg)
    pltpu.sync_copy(stg, partA.at[pl.ds(obase + NP, SL)])
    pltpu.sync_copy(accc.at[tsl], stg)
    pltpu.sync_copy(stg, partA.at[pl.ds(obase + 2 * NP, SL)])


@functools.partial(
    pl.kernel,
    out_type=jax.ShapeDtypeStruct((NC * DRP, H), jnp.float32),
    mesh=_mesh,
    compiler_params=_sc_params,
    scratch_types=[
        pltpu.VMEM_SHARED((DRP, H), jnp.float32),
        pltpu.VMEM((4, 128), jnp.int32),
        pltpu.VMEM((4, 128), jnp.int32),
        pltpu.VMEM((CHUNK,), jnp.float32),
        pltpu.VMEM((4, 128), jnp.int32),
        pltpu.VMEM((CHUNK,), jnp.float32),
        pltpu.VMEM((CHUNK, H), jnp.float32),
        pltpu.VMEM((CHUNK, H), jnp.float32),
        pltpu.SemaphoreType.DMA,
    ],
)
def _sc_layer1(src2, dst2, w1, g, zC, msgout,
               acc, srcb, dstb, wb, ldb, wmb, rows, rows2, sem):
    cid = lax.axis_index("c")
    sid = lax.axis_index("s")
    base = cid * DRANGE
    pltpu.sync_copy(zC, rows2)
    for q in range(DSL // CHUNK):
        pltpu.sync_copy(rows2, acc.at[pl.ds(sid * DSL + q * CHUNK, CHUNK)])
    pltpu.sync_copy(rows2.at[pl.ds(0, DSL % CHUNK)],
                    acc.at[pl.ds(sid * DSL + (DSL // CHUNK) * CHUNK, DSL % CHUNK)])
    plsc.subcore_barrier()

    ept = E2 // NS
    e0t = sid * ept
    iota = _iota16()

    def chunk(k, carry):
        r0 = (e0t + k * CHUNK) // 128
        pltpu.sync_copy(src2.at[pl.ds(r0, 4)], srcb)
        pltpu.sync_copy(dst2.at[pl.ds(r0, 4)], dstb)
        pltpu.sync_copy(w1.at[pl.ds(e0t + k * CHUNK, CHUNK)], wb)
        for j in range(4):
            for gi in range(8):
                sl = pl.ds(gi * 16, 16)
                dv = dstb[j, sl]
                wv = wb[pl.ds(j * 128 + gi * 16, 16)]
                ok = (dv >= base) & (dv < base + DRANGE)
                eid = (k * CHUNK + j * 128 + gi * 16) + iota
                ldb[j, sl] = jnp.where(ok, dv - base, lax.rem(eid, DRP))
                wmb[pl.ds(j * 128 + gi * 16, 16)] = jnp.where(ok, wv, jnp.zeros_like(wv))
        descs = [pltpu.async_copy(g.at[srcb.at[j]], rows.at[pl.ds(j * 128, 128)], sem)
                 for j in range(4)]
        for d in descs:
            d.wait()
        def scale_group(gq, c2):
            e16 = gq * 16 + iota
            wv = wmb[pl.ds(gq * 16, 16)]
            for f in range(H):
                fv = jnp.full((16,), f, jnp.int32)
                v = plsc.load_gather(rows, [e16, fv])
                plsc.store_scatter(rows2, [e16, fv], v * wv)
            return c2
        lax.fori_loop(0, NG, scale_group, 0)
        for j in range(4):
            pltpu.sync_copy(rows2.at[pl.ds(j * 128, 128)], acc.at[ldb.at[j]], add=True)
        return carry

    lax.fori_loop(0, ept // CHUNK, chunk, 0)
    plsc.subcore_barrier()
    for q in range(DSL // CHUNK):
        r0 = sid * DSL + q * CHUNK
        pltpu.sync_copy(acc.at[pl.ds(r0, CHUNK)], rows)
        pltpu.sync_copy(rows, msgout.at[pl.ds(cid * DRP + r0, CHUNK)])
    r0 = sid * DSL + (DSL // CHUNK) * CHUNK
    tail = DSL % CHUNK
    pltpu.sync_copy(acc.at[pl.ds(r0, tail)], rows.at[pl.ds(0, tail)])
    pltpu.sync_copy(rows.at[pl.ds(0, tail)], msgout.at[pl.ds(cid * DRP + r0, tail)])


def _tc_dense_body(partA, pblk, mblk, W0r, W0n, b0, W1r, W1n, b1, gout, fout):
    i = pl.program_id(0)
    msg = partA[0] + partA[1]
    rows = i * _RB + lax.broadcasted_iota(jnp.int32, (_RB, 1), 0)
    cons = jnp.where(rows < CONS, 1.0, 0.0)
    x3 = jnp.concatenate([pblk[...], mblk[...], cons], axis=1)
    h = (jnp.dot(x3, W0r[...], preferred_element_type=jnp.float32)
         + jnp.dot(msg, W0n[...], preferred_element_type=jnp.float32))
    h = jnp.maximum(h + b0[...], 0.0)
    gout[...] = jnp.dot(h, W1n[...], preferred_element_type=jnp.float32)
    fout[...] = jnp.dot(h, W1r[...], preferred_element_type=jnp.float32) + b1[...]


def _tc_dense(partAT, p, mu, W0r, W0n, b0, W1r, W1n, b1):
    return pl.pallas_call(
        _tc_dense_body,
        grid=(N // _RB,),
        in_specs=[
            pl.BlockSpec((NC, _RB, 3), lambda i: (0, i, 0)),
            pl.BlockSpec((_RB, 1), lambda i: (i, 0)),
            pl.BlockSpec((_RB, 1), lambda i: (i, 0)),
            pl.BlockSpec((3, H), lambda i: (0, 0)),
            pl.BlockSpec((3, H), lambda i: (0, 0)),
            pl.BlockSpec((1, H), lambda i: (0, 0)),
            pl.BlockSpec((H, H), lambda i: (0, 0)),
            pl.BlockSpec((H, H), lambda i: (0, 0)),
            pl.BlockSpec((1, H), lambda i: (0, 0)),
        ],
        out_specs=[
            pl.BlockSpec((_RB, H), lambda i: (i, 0)),
            pl.BlockSpec((_RB, H), lambda i: (i, 0)),
        ],
        out_shape=[
            jax.ShapeDtypeStruct((N, H), jnp.float32),
            jax.ShapeDtypeStruct((N, H), jnp.float32),
        ],
    )(partAT, p, mu, W0r, W0n, b0, W1r, W1n, b1)


def _tc_out_body(fblk, mblk, Wout, bout, oblk):
    h2 = jnp.maximum(fblk[...] + mblk[0], 0.0)
    oblk[...] = jnp.dot(h2, Wout[...], preferred_element_type=jnp.float32) + bout[...]


def _tc_out(f, msg1, Wout, bout):
    nb = DRANGE // _RB
    return pl.pallas_call(
        _tc_out_body,
        grid=(CONS // _RB,),
        in_specs=[
            pl.BlockSpec((_RB, H), lambda i: (i, 0)),
            pl.BlockSpec((1, _RB, H), lambda i: (i // nb, i % nb, 0)),
            pl.BlockSpec((H, 1), lambda i: (0, 0)),
            pl.BlockSpec((1, 1), lambda i: (0, 0)),
        ],
        out_specs=pl.BlockSpec((_RB, 1), lambda i: (i, 0)),
        out_shape=jax.ShapeDtypeStruct((CONS, 1), jnp.float32),
    )(f, msg1, Wout, bout)


def kernel(block_id, mu, p, edge_index_l, edge_weight_l, transmitters_index,
           W0r, W0n, b0, W1r, W1n, b1, Wout, bout):
    src = edge_index_l[0].astype(jnp.int32)
    dst = edge_index_l[1].astype(jnp.int32)
    w = edge_weight_l.astype(jnp.float32)

    pad = E2 - E
    pad_idx = (jnp.arange(pad, dtype=jnp.int32) * 997) % N
    src2 = jnp.concatenate([src, pad_idx]).reshape(E2 // 128, 128)
    dst2 = jnp.concatenate([dst, pad_idx]).reshape(E2 // 128, 128)
    w1 = jnp.concatenate([w, jnp.zeros((pad,), jnp.float32)])

    zpad = jnp.zeros((NP - N,), jnp.float32)
    pN = jnp.concatenate([p[:, 0], zpad])
    muN = jnp.concatenate([mu[:, 0], zpad])
    zN = jnp.zeros((SL,), jnp.float32)
    zC = jnp.zeros((CHUNK, H), jnp.float32)

    partA = _sc_layer0(src2, dst2, w1, pN, muN, zN)
    partAT = jnp.transpose(partA.reshape(NC, 3, NP), (0, 2, 1))
    g, f = _tc_dense(partAT, p, mu, W0r, W0n,
                     b0.reshape(1, H), W1r, W1n, b1.reshape(1, H))
    msg1 = _sc_layer1(src2, dst2, w1, g, zC).reshape(NC, DRP, H)
    o = _tc_out(f, msg1, Wout, bout.reshape(1, 1))
    out = jnp.concatenate([o, jnp.zeros((N - CONS, 1), jnp.float32)], axis=0)
    return out

# --- scband reference (transcript-rebuilt; emitter-appended) ---
"""Pipeline reference for scband-dual-model-63960652972353 (READ-ONLY COPY).

The authoritative reference and input builder live on the scoring server;
editing this copy changes nothing except your own understanding.
"""

import jax, jax.numpy as jnp
import numpy as np

N = 100000
E = 1600000
N_PER_GRAPH = 100000
H = 32
CS = 0.8
R_MIN = 1.0
P_MAX = 1.0
MU_UNCONS = 0.0
CONS = int(np.floor(CS * N_PER_GRAPH))
UNCONS = int(np.ceil((1 - CS) * N_PER_GRAPH))


def setup_inputs(seed: int = 0):
    key = jax.random.key(seed)
    ks = jax.random.split(key, 14)
    s = 0.1
    inp = {}
    inp["block_id"] = 0
    inp["mu"] = jax.random.uniform(ks[0], (N, 1), dtype=jnp.float32)
    inp["p"] = jax.random.uniform(ks[1], (N, 1), dtype=jnp.float32)
    inp["edge_index_l"] = jax.random.randint(ks[2], (2, E), 0, N)
    inp["edge_weight_l"] = jax.random.uniform(ks[3], (E,), dtype=jnp.float32)
    inp["transmitters_index"] = jnp.arange(N)
    inp["W0r"] = s * jax.random.normal(ks[4], (3, H), dtype=jnp.float32)
    inp["W0n"] = s * jax.random.normal(ks[5], (3, H), dtype=jnp.float32)
    inp["b0"] = jnp.zeros((H,), dtype=jnp.float32)
    inp["W1r"] = s * jax.random.normal(ks[6], (H, H), dtype=jnp.float32)
    inp["W1n"] = s * jax.random.normal(ks[7], (H, H), dtype=jnp.float32)
    inp["b1"] = jnp.zeros((H,), dtype=jnp.float32)
    inp["Wout"] = s * jax.random.normal(ks[8], (H, 1), dtype=jnp.float32)
    inp["bout"] = jnp.zeros((1,), dtype=jnp.float32)
    return inp


def reference(block_id, mu, p, edge_index_l, edge_weight_l, transmitters_index, W0r, W0n, b0, W1r, W1n, b1, Wout, bout):
    # cons_lvl buffer built lazily in the torch module on first forward
    cons_lvl = jnp.concatenate([
        R_MIN * jnp.ones((1, CONS), dtype=jnp.float32),
        jnp.zeros((1, UNCONS), dtype=jnp.float32),
    ], axis=1).reshape(-1, 1)
    # x = cat(p / P_max, mu / normalized_mu, cons_lvl)
    x = jnp.concatenate([p / P_MAX, mu / 1.0, cons_lvl], axis=1)
    src = edge_index_l[0]
    dst = edge_index_l[1]

    def conv(h, Wr, Wn, b):
        # weighted message passing: gather src features, scale by edge weight, scatter-add to dst
        msg = jax.ops.segment_sum(edge_weight_l[:, None] * jnp.take(h, src, axis=0), dst, num_segments=N)
        return h @ Wr + msg @ Wn + b

    # block `block_id` (single unrolled block here): num_features_list = [3, 32, 32], final readout -> 1, activation=None
    h = jax.nn.relu(conv(x, W0r, W0n, b0))
    h = jax.nn.relu(conv(h, W1r, W1n, b1))
    out = h @ Wout + bout
    mu_out = jnp.take(out, transmitters_index, axis=0)
    # constrained_subnetwork < 1: overwrite unconstrained tail with mu_uncons
    mu_out = mu_out.reshape(-1, N_PER_GRAPH)
    mu_out = jnp.concatenate([
        mu_out[:, :CONS],
        MU_UNCONS * jnp.ones((mu_out.shape[0], UNCONS), dtype=jnp.float32),
    ], axis=1)
    return mu_out.reshape(-1, 1) * 1.0

if __name__ == "__main__":
    import jax
    _d = setup_inputs()
    print(jax.jit(kernel)(*tuple(_d.values())))

</pallas_src>

<mosaic_0001>
#map = affine_map<(d0, d1) -> (0, 0)>
#map1 = affine_map<(d0, d1) -> (0)>
module attributes {stable_mosaic.version = 14 : i64} {
  func.func @_sc_layer1(%arg0: i32, %arg1: i32, %arg2: memref<12800x128xi32, #tpu.memory_space<hbm>>, %arg3: memref<12800x128xi32, #tpu.memory_space<hbm>>, %arg4: memref<1638400xf32, #tpu.memory_space<hbm>>, %arg5: memref<100000x32xf32, #tpu.memory_space<hbm>>, %arg6: memref<512x32xf32, #tpu.memory_space<hbm>>, %arg7: memref<89600x32xf32, #tpu.memory_space<hbm>>, %arg8: memref<44800x32xf32, #tpu.memory_space<vmem_shared>>, %arg9: memref<4x128xi32, #tpu.memory_space<vmem>>, %arg10: memref<4x128xi32, #tpu.memory_space<vmem>>, %arg11: memref<512xf32, #tpu.memory_space<vmem>>, %arg12: memref<4x128xi32, #tpu.memory_space<vmem>>, %arg13: memref<512xf32, #tpu.memory_space<vmem>>, %arg14: memref<512x32xf32, #tpu.memory_space<vmem>>, %arg15: memref<512x32xf32, #tpu.memory_space<vmem>>, %arg16: memref<!tpu.dma_semaphore, #tpu.memory_space<semaphore_mem>>) attributes {dimension_semantics = [#tpu.dimension_semantics<core_parallel>, #tpu.dimension_semantics<subcore_parallel>], iteration_bounds = array<i64: 2, 16>, scalar_prefetch = 0 : i64, scratch_operands = 9 : i64, tpu.core_type = #tpu.core_type<sc_vector_subcore>, window_params = [{transform_indices = #map}, {transform_indices = #map}, {transform_indices = #map1}, {transform_indices = #map}, {transform_indices = #map}, {transform_indices = #map}]} {
    %mul3A = arith.constant 40000 : i32
    %mul3A_0 = arith.muli %arg0, %mul3A : i32
    "tpu.region"() ({
      %run_scoped3A = tpu.sem_alloc : memref<!tpu.dma_semaphore, #tpu.memory_space<semaphore_mem>>
      tpu.enqueue_dma source(%arg6 : memref<512x32xf32, #tpu.memory_space<hbm>>) target(%arg15 : memref<512x32xf32, #tpu.memory_space<vmem>>) target_semaphore(%run_scoped3A : memref<!tpu.dma_semaphore, #tpu.memory_space<semaphore_mem>>)
      tpu.wait_dma2 semaphore(%run_scoped3A : memref<!tpu.dma_semaphore, #tpu.memory_space<semaphore_mem>>) src(%arg6 : memref<512x32xf32, #tpu.memory_space<hbm>>) dst(%arg15 : memref<512x32xf32, #tpu.memory_space<vmem>>)
      tpu.yield
    }) : () -> ()
    %mul3A_1 = arith.constant 2800 : i32
    %mul3A_2 = arith.muli %arg1, %mul3A_1 : i32
    %add3A = arith.constant 0 : i32
    %add3A_3 = arith.addi %mul3A_2, %add3A : i32
    "tpu.region"() ({
      %run_scoped3A = tpu.sem_alloc : memref<!tpu.dma_semaphore, #tpu.memory_space<semaphore_mem>>
      %dma_start3A = arith.constant 0 : i32
      %dma_start3A_74 = tpu.memref_slice %arg8[%add3A_3, %dma_start3A] : memref<44800x32xf32, #tpu.memory_space<vmem_shared>> -> memref<512x32xf32, #tpu.memory_space<vmem_shared>>
      %dma_start3A_75 = arith.constant 0 : i32
      %dma_start3A_76 = tpu.memref_slice %arg8[%add3A_3, %dma_start3A_75] : memref<44800x32xf32, #tpu.memory_space<vmem_shared>> -> memref<512x32xf32, #tpu.memory_space<vmem_shared>>
      tpu.enqueue_dma source(%arg15 : memref<512x32xf32, #tpu.memory_space<vmem>>) target(%dma_start3A_76 : memref<512x32xf32, #tpu.memory_space<vmem_shared>>) target_semaphore(%run_scoped3A : memref<!tpu.dma_semaphore, #tpu.memory_space<semaphore_mem>>)
      %dma_wait3A = arith.constant 0 : i32
      %dma_wait3A_77 = tpu.memref_slice %arg8[%add3A_3, %dma_wait3A] : memref<44800x32xf32, #tpu.memory_space<vmem_shared>> -> memref<512x32xf32, #tpu.memory_space<vmem_shared>>
      %dma_wait3A_78 = arith.constant 0 : i32
      %dma_wait3A_79 = tpu.memref_slice %arg8[%add3A_3, %dma_wait3A_78] : memref<44800x32xf32, #tpu.memory_space<vmem_shared>> -> memref<512x32xf32, #tpu.memory_space<vmem_shared>>
      tpu.wait_dma2 semaphore(%run_scoped3A : memref<!tpu.dma_semaphore, #tpu.memory_space<semaphore_mem>>) src(%arg15 : memref<512x32xf32, #tpu.memory_space<vmem>>) dst(%dma_wait3A_79 : memref<512x32xf32, #tpu.memory_space<vmem_shared>>)
      tpu.yield
    }) : () -> ()
    %mul3A_4 = arith.constant 2800 : i32
    %mul3A_5 = arith.muli %arg1, %mul3A_4 : i32
    %add3A_6 = arith.constant 512 : i32
    %add3A_7 = arith.addi %mul3A_5, %add3A_6 : i32
    "tpu.region"() ({
      %run_scoped3A = tpu.sem_alloc : memref<!tpu.dma_semaphore, #tpu.memory_space<semaphore_mem>>
      %dma_start3A = arith.constant 0 : i32
      %dma_start3A_74 = tpu.memref_slice %arg8[%add3A_7, %dma_start3A] : memref<44800x32xf32, #tpu.memory_space<vmem_shared>> -> memref<512x32xf32, #tpu.memory_space<vmem_shared>>
      %dma_start3A_75 = arith.constant 0 : i32
      %dma_start3A_76 = tpu.memref_slice %arg8[%add3A_7, %dma_start3A_75] : memref<44800x32xf32, #tpu.memory_space<vmem_shared>> -> memref<512x32xf32, #tpu.memory_space<vmem_shared>>
      tpu.enqueue_dma source(%arg15 : memref<512x32xf32, #tpu.memory_space<vmem>>) target(%dma_start3A_76 : memref<512x32xf32, #tpu.memory_space<vmem_shared>>) target_semaphore(%run_scoped3A : memref<!tpu.dma_semaphore, #tpu.memory_space<semaphore_mem>>)
      %dma_wait3A = arith.constant 0 : i32
      %dma_wait3A_77 = tpu.memref_slice %arg8[%add3A_7, %dma_wait3A] : memref<44800x32xf32, #tpu.memory_space<vmem_shared>> -> memref<512x32xf32, #tpu.memory_space<vmem_shared>>
      %dma_wait3A_78 = arith.constant 0 : i32
      %dma_wait3A_79 = tpu.memref_slice %arg8[%add3A_7, %dma_wait3A_78] : memref<44800x32xf32, #tpu.memory_space<vmem_shared>> -> memref<512x32xf32, #tpu.memory_space<vmem_shared>>
      tpu.wait_dma2 semaphore(%run_scoped3A : memref<!tpu.dma_semaphore, #tpu.memory_space<semaphore_mem>>) src(%arg15 : memref<512x32xf32, #tpu.memory_space<vmem>>) dst(%dma_wait3A_79 : memref<512x32xf32, #tpu.memory_space<vmem_shared>>)
      tpu.yield
    }) : () -> ()
    %mul3A_8 = arith.constant 2800 : i32
    %mul3A_9 = arith.muli %arg1, %mul3A_8 : i32
    %add3A_10 = arith.constant 1024 : i32
    %add3A_11 = arith.addi %mul3A_9, %add3A_10 : i32
    "tpu.region"() ({
      %run_scoped3A = tpu.sem_alloc : memref<!tpu.dma_semaphore, #tpu.memory_space<semaphore_mem>>
      %dma_start3A = arith.constant 0 : i32
      %dma_start3A_74 = tpu.memref_slice %arg8[%add3A_11, %dma_start3A] : memref<44800x32xf32, #tpu.memory_space<vmem_shared>> -> memref<512x32xf32, #tpu.memory_space<vmem_shared>>
      %dma_start3A_75 = arith.constant 0 : i32
      %dma_start3A_76 = tpu.memref_slice %arg8[%add3A_11, %dma_start3A_75] : memref<44800x32xf32, #tpu.memory_space<vmem_shared>> -> memref<512x32xf32, #tpu.memory_space<vmem_shared>>
      tpu.enqueue_dma source(%arg15 : memref<512x32xf32, #tpu.memory_space<vmem>>) target(%dma_start3A_76 : memref<512x32xf32, #tpu.memory_space<vmem_shared>>) target_semaphore(%run_scoped3A : memref<!tpu.dma_semaphore, #tpu.memory_space<semaphore_mem>>)
      %dma_wait3A = arith.constant 0 : i32
      %dma_wait3A_77 = tpu.memref_slice %arg8[%add3A_11, %dma_wait3A] : memref<44800x32xf32, #tpu.memory_space<vmem_shared>> -> memref<512x32xf32, #tpu.memory_space<vmem_shared>>
      %dma_wait3A_78 = arith.constant 0 : i32
      %dma_wait3A_79 = tpu.memref_slice %arg8[%add3A_11, %dma_wait3A_78] : memref<44800x32xf32, #tpu.memory_space<vmem_shared>> -> memref<512x32xf32, #tpu.memory_space<vmem_shared>>
      tpu.wait_dma2 semaphore(%run_scoped3A : memref<!tpu.dma_semaphore, #tpu.memory_space<semaphore_mem>>) src(%arg15 : memref<512x32xf32, #tpu.memory_space<vmem>>) dst(%dma_wait3A_79 : memref<512x32xf32, #tpu.memory_space<vmem_shared>>)
      tpu.yield
    }) : () -> ()
    %mul3A_12 = arith.constant 2800 : i32
    %mul3A_13 = arith.muli %arg1, %mul3A_12 : i32
    %add3A_14 = arith.constant 1536 : i32
    %add3A_15 = arith.addi %mul3A_13, %add3A_14 : i32
    "tpu.region"() ({
      %run_scoped3A = tpu.sem_alloc : memref<!tpu.dma_semaphore, #tpu.memory_space<semaphore_mem>>
      %dma_start3A = arith.constant 0 : i32
      %dma_start3A_74 = tpu.memref_slice %arg8[%add3A_15, %dma_start3A] : memref<44800x32xf32, #tpu.memory_space<vmem_shared>> -> memref<512x32xf32, #tpu.memory_space<vmem_shared>>
      %dma_start3A_75 = arith.constant 0 : i32
      %dma_start3A_76 = tpu.memref_slice %arg8[%add3A_15, %dma_start3A_75] : memref<44800x32xf32, #tpu.memory_space<vmem_shared>> -> memref<512x32xf32, #tpu.memory_space<vmem_shared>>
      tpu.enqueue_dma source(%arg15 : memref<512x32xf32, #tpu.memory_space<vmem>>) target(%dma_start3A_76 : memref<512x32xf32, #tpu.memory_space<vmem_shared>>) target_semaphore(%run_scoped3A : memref<!tpu.dma_semaphore, #tpu.memory_space<semaphore_mem>>)
      %dma_wait3A = arith.constant 0 : i32
      %dma_wait3A_77 = tpu.memref_slice %arg8[%add3A_15, %dma_wait3A] : memref<44800x32xf32, #tpu.memory_space<vmem_shared>> -> memref<512x32xf32, #tpu.memory_space<vmem_shared>>
      %dma_wait3A_78 = arith.constant 0 : i32
      %dma_wait3A_79 = tpu.memref_slice %arg8[%add3A_15, %dma_wait3A_78] : memref<44800x32xf32, #tpu.memory_space<vmem_shared>> -> memref<512x32xf32, #tpu.memory_space<vmem_shared>>
      tpu.wait_dma2 semaphore(%run_scoped3A : memref<!tpu.dma_semaphore, #tpu.memory_space<semaphore_mem>>) src(%arg15 : memref<512x32xf32, #tpu.memory_space<vmem>>) dst(%dma_wait3A_79 : memref<512x32xf32, #tpu.memory_space<vmem_shared>>)
      tpu.yield
    }) : () -> ()
    %mul3A_16 = arith.constant 2800 : i32
    %mul3A_17 = arith.muli %arg1, %mul3A_16 : i32
    %add3A_18 = arith.constant 2048 : i32
    %add3A_19 = arith.addi %mul3A_17, %add3A_18 : i32
    "tpu.region"() ({
      %run_scoped3A = tpu.sem_alloc : memref<!tpu.dma_semaphore, #tpu.memory_space<semaphore_mem>>
      %dma_start3A = arith.constant 0 : i32
      %dma_start3A_74 = tpu.memref_slice %arg8[%add3A_19, %dma_start3A] : memref<44800x32xf32, #tpu.memory_space<vmem_shared>> -> memref<512x32xf32, #tpu.memory_space<vmem_shared>>
      %dma_start3A_75 = arith.constant 0 : i32
      %dma_start3A_76 = tpu.memref_slice %arg8[%add3A_19, %dma_start3A_75] : memref<44800x32xf32, #tpu.memory_space<vmem_shared>> -> memref<512x32xf32, #tpu.memory_space<vmem_shared>>
      tpu.enqueue_dma source(%arg15 : memref<512x32xf32, #tpu.memory_space<vmem>>) target(%dma_start3A_76 : memref<512x32xf32, #tpu.memory_space<vmem_shared>>) target_semaphore(%run_scoped3A : memref<!tpu.dma_semaphore, #tpu.memory_space<semaphore_mem>>)
      %dma_wait3A = arith.constant 0 : i32
      %dma_wait3A_77 = tpu.memref_slice %arg8[%add3A_19, %dma_wait3A] : memref<44800x32xf32, #tpu.memory_space<vmem_shared>> -> memref<512x32xf32, #tpu.memory_space<vmem_shared>>
      %dma_wait3A_78 = arith.constant 0 : i32
      %dma_wait3A_79 = tpu.memref_slice %arg8[%add3A_19, %dma_wait3A_78] : memref<44800x32xf32, #tpu.memory_space<vmem_shared>> -> memref<512x32xf32, #tpu.memory_space<vmem_shared>>
      tpu.wait_dma2 semaphore(%run_scoped3A : memref<!tpu.dma_semaphore, #tpu.memory_space<semaphore_mem>>) src(%arg15 : memref<512x32xf32, #tpu.memory_space<vmem>>) dst(%dma_wait3A_79 : memref<512x32xf32, #tpu.memory_space<vmem_shared>>)
      tpu.yield
    }) : () -> ()
    %mul3A_20 = arith.constant 2800 : i32
    %mul3A_21 = arith.muli %arg1, %mul3A_20 : i32
    %add3A_22 = arith.constant 2560 : i32
    %add3A_23 = arith.addi %mul3A_21, %add3A_22 : i32
    "tpu.region"() ({
      %run_scoped3A = tpu.sem_alloc : memref<!tpu.dma_semaphore, #tpu.memory_space<semaphore_mem>>
      %dma_start3A = arith.constant 0 : i32
      %dma_start3A_74 = arith.constant 0 : i32
      %dma_start3A_75 = tpu.memref_slice %arg15[%dma_start3A, %dma_start3A_74] : memref<512x32xf32, #tpu.memory_space<vmem>> -> memref<240x32xf32, #tpu.memory_space<vmem>>
      %dma_start3A_76 = arith.constant 0 : i32
      %dma_start3A_77 = tpu.memref_slice %arg8[%add3A_23, %dma_start3A_76] : memref<44800x32xf32, #tpu.memory_space<vmem_shared>> -> memref<240x32xf32, #tpu.memory_space<vmem_shared>>
      %dma_start3A_78 = arith.constant 0 : i32
      %dma_start3A_79 = tpu.memref_slice %arg8[%add3A_23, %dma_start3A_78] : memref<44800x32xf32, #tpu.memory_space<vmem_shared>> -> memref<240x32xf32, #tpu.memory_space<vmem_shared>>
      %dma_start3A_80 = arith.constant 0 : i32
      %dma_start3A_81 = arith.constant 0 : i32
      %dma_start3A_82 = tpu.memref_slice %arg15[%dma_start3A_80, %dma_start3A_81] : memref<512x32xf32, #tpu.memory_space<vmem>> -> memref<240x32xf32, #tpu.memory_space<vmem>>
      tpu.enqueue_dma source(%dma_start3A_82 : memref<240x32xf32, #tpu.memory_space<vmem>>) target(%dma_start3A_79 : memref<240x32xf32, #tpu.memory_space<vmem_shared>>) target_semaphore(%run_scoped3A : memref<!tpu.dma_semaphore, #tpu.memory_space<semaphore_mem>>)
      %dma_wait3A = arith.constant 0 : i32
      %dma_wait3A_83 = arith.constant 0 : i32
      %dma_wait3A_84 = tpu.memref_slice %arg15[%dma_wait3A, %dma_wait3A_83] : memref<512x32xf32, #tpu.memory_space<vmem>> -> memref<240x32xf32, #tpu.memory_space<vmem>>
      %dma_wait3A_85 = arith.constant 0 : i32
      %dma_wait3A_86 = tpu.memref_slice %arg8[%add3A_23, %dma_wait3A_85] : memref<44800x32xf32, #tpu.memory_space<vmem_shared>> -> memref<240x32xf32, #tpu.memory_space<vmem_shared>>
      %dma_wait3A_87 = arith.constant 0 : i32
      %dma_wait3A_88 = tpu.memref_slice %arg8[%add3A_23, %dma_wait3A_87] : memref<44800x32xf32, #tpu.memory_space<vmem_shared>> -> memref<240x32xf32, #tpu.memory_space<vmem_shared>>
      %dma_wait3A_89 = arith.constant 0 : i32
      %dma_wait3A_90 = arith.constant 0 : i32
      %dma_wait3A_91 = tpu.memref_slice %arg15[%dma_wait3A_89, %dma_wait3A_90] : memref<512x32xf32, #tpu.memory_space<vmem>> -> memref<240x32xf32, #tpu.memory_space<vmem>>
      tpu.wait_dma2 semaphore(%run_scoped3A : memref<!tpu.dma_semaphore, #tpu.memory_space<semaphore_mem>>) src(%dma_wait3A_91 : memref<240x32xf32, #tpu.memory_space<vmem>>) dst(%dma_wait3A_88 : memref<240x32xf32, #tpu.memory_space<vmem_shared>>)
      tpu.yield
    }) : () -> ()
    %barrier3A = arith.constant 0 : index
    tpu.barrier barrier_id(%barrier3A)
    %mul3A_24 = arith.constant 102400 : i32
    %mul3A_25 = arith.muli %arg1, %mul3A_24 : i32
    %iota3A = tpu.iota {dimensions = array<i32: 0>} : vector<16xi32>
    %scan3A = arith.constant 0 : i32
    %scan3A_26 = arith.constant 0 : i32
    %scan3A_27 = arith.constant 200 : i32
    %scan3A_28 = arith.addi %scan3A_26, %scan3A_27 : i32
    %scan3A_29 = arith.constant 1 : i32
    scf.for %scan3A_74 = %scan3A_26 to %scan3A_28 step %scan3A_29  : i32 {
      %mul3A_75 = arith.constant 512 : i32
      %mul3A_76 = arith.muli %scan3A_74, %mul3A_75 : i32
      %add3A_77 = arith.addi %mul3A_25, %mul3A_76 : i32
      %jit3A = arith.constant 128 : i32
      %div3A = arith.divsi %add3A_77, %jit3A : i32
      %sign3A = arith.constant 0 : i32
      %sign3A_78 = arith.cmpi sgt, %add3A_77, %sign3A : i32
      %sign3A_79 = arith.extui %sign3A_78 : i1 to i32
      %sign3A_80 = arith.constant 0 : i32
      %sign3A_81 = arith.cmpi slt, %add3A_77, %sign3A_80 : i32
      %sign3A_82 = arith.extui %sign3A_81 : i1 to i32
      %sign3A_83 = arith.subi %sign3A_79, %sign3A_82 : i32
      %sign3A_84 = arith.constant 0 : i32
      %sign3A_85 = arith.cmpi sgt, %jit3A, %sign3A_84 : i32
      %sign3A_86 = arith.extui %sign3A_85 : i1 to i32
      %sign3A_87 = arith.constant 0 : i32
      %sign3A_88 = arith.cmpi slt, %jit3A, %sign3A_87 : i32
      %sign3A_89 = arith.extui %sign3A_88 : i1 to i32
      %sign3A_90 = arith.subi %sign3A_86, %sign3A_89 : i32
      %ne3A = arith.cmpi ne, %sign3A_83, %sign3A_90 : i32
      %rem3A = arith.remsi %add3A_77, %jit3A : i32
      %ne3A_91 = arith.constant 0 : i32
      %ne3A_92 = arith.cmpi ne, %rem3A, %ne3A_91 : i32
      %and3A = arith.andi %ne3A, %ne3A_92 : i1
      %sub3A = arith.constant 1 : i32
      %sub3A_93 = arith.subi %div3A, %sub3A : i32
      %select_n3A = arith.select %and3A, %sub3A_93, %div3A : i32
      "tpu.region"() ({
        %run_scoped3A_1331 = tpu.sem_alloc : memref<!tpu.dma_semaphore, #tpu.memory_space<semaphore_mem>>
        %dma_start3A_1332 = arith.constant 0 : i32
        %dma_start3A_1333 = tpu.memref_slice %arg2[%select_n3A, %dma_start3A_1332] : memref<12800x128xi32, #tpu.memory_space<hbm>> -> memref<4x128xi32, #tpu.memory_space<hbm>>
        %dma_start3A_1334 = arith.constant 0 : i32
        %dma_start3A_1335 = tpu.memref_slice %arg2[%select_n3A, %dma_start3A_1334] : memref<12800x128xi32, #tpu.memory_space<hbm>> -> memref<4x128xi32, #tpu.memory_space<hbm>>
        tpu.enqueue_dma source(%dma_start3A_1335 : memref<4x128xi32, #tpu.memory_space<hbm>>) target(%arg9 : memref<4x128xi32, #tpu.memory_space<vmem>>) target_semaphore(%run_scoped3A_1331 : memref<!tpu.dma_semaphore, #tpu.memory_space<semaphore_mem>>)
        %dma_wait3A_1336 = arith.constant 0 : i32
        %dma_wait3A_1337 = tpu.memref_slice %arg2[%select_n3A, %dma_wait3A_1336] : memref<12800x128xi32, #tpu.memory_space<hbm>> -> memref<4x128xi32, #tpu.memory_space<hbm>>
        %dma_wait3A_1338 = arith.constant 0 : i32
        %dma_wait3A_1339 = tpu.memref_slice %arg2[%select_n3A, %dma_wait3A_1338] : memref<12800x128xi32, #tpu.memory_space<hbm>> -> memref<4x128xi32, #tpu.memory_space<hbm>>
        tpu.wait_dma2 semaphore(%run_scoped3A_1331 : memref<!tpu.dma_semaphore, #tpu.memory_space<semaphore_mem>>) src(%dma_wait3A_1339 : memref<4x128xi32, #tpu.memory_space<hbm>>) dst(%arg9 : memref<4x128xi32, #tpu.memory_space<vmem>>)
        tpu.yield
      }) : () -> ()
      "tpu.region"() ({
        %run_scoped3A_1331 = tpu.sem_alloc : memref<!tpu.dma_semaphore, #tpu.memory_space<semaphore_mem>>
        %dma_start3A_1332 = arith.constant 0 : i32
        %dma_start3A_1333 = tpu.memref_slice %arg3[%select_n3A, %dma_start3A_1332] : memref<12800x128xi32, #tpu.memory_space<hbm>> -> memref<4x128xi32, #tpu.memory_space<hbm>>
        %dma_start3A_1334 = arith.constant 0 : i32
        %dma_start3A_1335 = tpu.memref_slice %arg3[%select_n3A, %dma_start3A_1334] : memref<12800x128xi32, #tpu.memory_space<hbm>> -> memref<4x128xi32, #tpu.memory_space<hbm>>
        tpu.enqueue_dma source(%dma_start3A_1335 : memref<4x128xi32, #tpu.memory_space<hbm>>) target(%arg10 : memref<4x128xi32, #tpu.memory_space<vmem>>) target_semaphore(%run_scoped3A_1331 : memref<!tpu.dma_semaphore, #tpu.memory_space<semaphore_mem>>)
        %dma_wait3A_1336 = arith.constant 0 : i32
        %dma_wait3A_1337 = tpu.memref_slice %arg3[%select_n3A, %dma_wait3A_1336] : memref<12800x128xi32, #tpu.memory_space<hbm>> -> memref<4x128xi32, #tpu.memory_space<hbm>>
        %dma_wait3A_1338 = arith.constant 0 : i32
        %dma_wait3A_1339 = tpu.memref_slice %arg3[%select_n3A, %dma_wait3A_1338] : memref<12800x128xi32, #tpu.memory_space<hbm>> -> memref<4x128xi32, #tpu.memory_space<hbm>>
        tpu.wait_dma2 semaphore(%run_scoped3A_1331 : memref<!tpu.dma_semaphore, #tpu.memory_space<semaphore_mem>>) src(%dma_wait3A_1339 : memref<4x128xi32, #tpu.memory_space<hbm>>) dst(%arg10 : memref<4x128xi32, #tpu.memory_space<vmem>>)
        tpu.yield
      }) : () -> ()
      %mul3A_94 = arith.constant 512 : i32
      %mul3A_95 = arith.muli %scan3A_74, %mul3A_94 : i32
      %add3A_96 = arith.addi %mul3A_25, %mul3A_95 : i32
      "tpu.region"() ({
        %run_scoped3A_1331 = tpu.sem_alloc : memref<!tpu.dma_semaphore, #tpu.memory_space<semaphore_mem>>
        %dma_start3A_1332 = tpu.memref_slice %arg4[%add3A_96] : memref<1638400xf32, #tpu.memory_space<hbm>> -> memref<512xf32, #tpu.memory_space<hbm>>
        %dma_start3A_1333 = tpu.memref_slice %arg4[%add3A_96] : memref<1638400xf32, #tpu.memory_space<hbm>> -> memref<512xf32, #tpu.memory_space<hbm>>
        tpu.enqueue_dma source(%dma_start3A_1333 : memref<512xf32, #tpu.memory_space<hbm>>) target(%arg11 : memref<512xf32, #tpu.memory_space<vmem>>) target_semaphore(%run_scoped3A_1331 : memref<!tpu.dma_semaphore, #tpu.memory_space<semaphore_mem>>)
        %dma_wait3A_1334 = tpu.memref_slice %arg4[%add3A_96] : memref<1638400xf32, #tpu.memory_space<hbm>> -> memref<512xf32, #tpu.memory_space<hbm>>
        %dma_wait3A_1335 = tpu.memref_slice %arg4[%add3A_96] : memref<1638400xf32, #tpu.memory_space<hbm>> -> memref<512xf32, #tpu.memory_space<hbm>>
        tpu.wait_dma2 semaphore(%run_scoped3A_1331 : memref<!tpu.dma_semaphore, #tpu.memory_space<semaphore_mem>>) src(%dma_wait3A_1335 : memref<512xf32, #tpu.memory_space<hbm>>) dst(%arg11 : memref<512xf32, #tpu.memory_space<vmem>>)
        tpu.yield
      }) : () -> ()
      %get3A = arith.constant 0 : i32
      %get3A_97 = arith.index_cast %get3A : i32 to index
      %get3A_98 = arith.constant 0 : index
      %get3A_99 = tpu.vector_load %arg10[%get3A_97, %get3A_98] {strides = array<i32>} : memref<4x128xi32, #tpu.memory_space<vmem>>, vector<16xi32>,
      %get3A_100 = arith.constant 0 : index
      %get3A_101 = tpu.vector_load %arg11[%get3A_100] {strides = array<i32>} : memref<512xf32, #tpu.memory_space<vmem>>, vector<16xf32>,
      %ge3A = vector.broadcast %mul3A_0 : i32 to vector<16xi32>
      %ge3A_102 = arith.cmpi sge, %get3A_99, %ge3A : vector<16xi32>
      %add3A_103 = arith.constant 40000 : i32
      %add3A_104 = arith.addi %mul3A_0, %add3A_103 : i32
      %lt3A = vector.broadcast %add3A_104 : i32 to vector<16xi32>
      %lt3A_105 = arith.cmpi slt, %get3A_99, %lt3A : vector<16xi32>
      %and3A_106 = arith.andi %ge3A_102, %lt3A_105 : vector<16xi1>
      %mul3A_107 = arith.constant 512 : i32
      %mul3A_108 = arith.muli %scan3A_74, %mul3A_107 : i32
      %add3A_109 = arith.constant 0 : i32
      %add3A_110 = arith.addi %mul3A_108, %add3A_109 : i32
      %add3A_111 = arith.constant 0 : i32
      %add3A_112 = arith.addi %add3A_110, %add3A_111 : i32
      %add3A_113 = vector.broadcast %add3A_112 : i32 to vector<16xi32>
      %add3A_114 = arith.addi %add3A_113, %iota3A : vector<16xi32>
      %sub3A_115 = vector.broadcast %mul3A_0 : i32 to vector<16xi32>
      %sub3A_116 = arith.subi %get3A_99, %sub3A_115 : vector<16xi32>
      %rem3A_117 = arith.constant 44800 : i32
      %rem3A_118 = vector.broadcast %rem3A_117 : i32 to vector<16xi32>
      %rem3A_119 = arith.remsi %add3A_114, %rem3A_118 : vector<16xi32>
      %select_n3A_120 = arith.select %and3A_106, %sub3A_116, %rem3A_119 : vector<16xi1>, vector<16xi32>
      %swap3A = arith.constant 0 : i32
      %swap3A_121 = arith.index_cast %swap3A : i32 to index
      %swap3A_122 = arith.constant 0 : index
      %swap3A_123 = tpu.vector_load %arg12[%swap3A_121, %swap3A_122] {strides = array<i32>} : memref<4x128xi32, #tpu.memory_space<vmem>>, vector<16xi32>,
      tpu.vector_store %arg12[%swap3A_121, %swap3A_122], %select_n3A_120 {strides = array<i32>} : memref<4x128xi32, #tpu.memory_space<vmem>>, vector<16xi32>,
      %broadcast_in_dim3A = arith.constant 0.000000e+00 : f32
      %broadcast_in_dim3A_124 = vector.broadcast %broadcast_in_dim3A : f32 to vector<16xf32>
      %select_n3A_125 = arith.select %and3A_106, %get3A_101, %broadcast_in_dim3A_124 : vector<16xi1>, vector<16xf32>
      %swap3A_126 = arith.constant 0 : index
      %swap3A_127 = tpu.vector_load %arg13[%swap3A_126] {strides = array<i32>} : memref<512xf32, #tpu.memory_space<vmem>>, vector<16xf32>,
      tpu.vector_store %arg13[%swap3A_126], %select_n3A_125 {strides = array<i32>} : memref<512xf32, #tpu.memory_space<vmem>>, vector<16xf32>,
      %get3A_128 = arith.constant 0 : i32
      %get3A_129 = arith.index_cast %get3A_128 : i32 to index
      %get3A_130 = arith.constant 16 : index
      %get3A_131 = tpu.vector_load %arg10[%get3A_129, %get3A_130] {strides = array<i32>} : memref<4x128xi32, #tpu.memory_space<vmem>>, vector<16xi32>,
      %get3A_132 = arith.constant 16 : index
      %get3A_133 = tpu.vector_load %arg11[%get3A_132] {strides = array<i32>} : memref<512xf32, #tpu.memory_space<vmem>>, vector<16xf32>,
      %ge3A_134 = vector.broadcast %mul3A_0 : i32 to vector<16xi32>
      %ge3A_135 = arith.cmpi sge, %get3A_131, %ge3A_134 : vector<16xi32>
      %add3A_136 = arith.constant 40000 : i32
      %add3A_137 = arith.addi %mul3A_0, %add3A_136 : i32
      %lt3A_138 = vector.broadcast %add3A_137 : i32 to vector<16xi32>
      %lt3A_139 = arith.cmpi slt, %get3A_131, %lt3A_138 : vector<16xi32>
      %and3A_140 = arith.andi %ge3A_135, %lt3A_139 : vector<16xi1>
      %mul3A_141 = arith.constant 512 : i32
      %mul3A_142 = arith.muli %scan3A_74, %mul3A_141 : i32
      %add3A_143 = arith.constant 0 : i32
      %add3A_144 = arith.addi %mul3A_142, %add3A_143 : i32
      %add3A_145 = arith.constant 16 : i32
      %add3A_146 = arith.addi %add3A_144, %add3A_145 : i32
      %add3A_147 = vector.broadcast %add3A_146 : i32 to vector<16xi32>
      %add3A_148 = arith.addi %add3A_147, %iota3A : vector<16xi32>
      %sub3A_149 = vector.broadcast %mul3A_0 : i32 to vector<16xi32>
      %sub3A_150 = arith.subi %get3A_131, %sub3A_149 : vector<16xi32>
      %rem3A_151 = arith.constant 44800 : i32
      %rem3A_152 = vector.broadcast %rem3A_151 : i32 to vector<16xi32>
      %rem3A_153 = arith.remsi %add3A_148, %rem3A_152 : vector<16xi32>
      %select_n3A_154 = arith.select %and3A_140, %sub3A_150, %rem3A_153 : vector<16xi1>, vector<16xi32>
      %swap3A_155 = arith.constant 0 : i32
      %swap3A_156 = arith.index_cast %swap3A_155 : i32 to index
      %swap3A_157 = arith.constant 16 : index
      %swap3A_158 = tpu.vector_load %arg12[%swap3A_156, %swap3A_157] {strides = array<i32>} : memref<4x128xi32, #tpu.memory_space<vmem>>, vector<16xi32>,
      tpu.vector_store %arg12[%swap3A_156, %swap3A_157], %select_n3A_154 {strides = array<i32>} : memref<4x128xi32, #tpu.memory_space<vmem>>, vector<16xi32>,
      %broadcast_in_dim3A_159 = arith.constant 0.000000e+00 : f32
      %broadcast_in_dim3A_160 = vector.broadcast %broadcast_in_dim3A_159 : f32 to vector<16xf32>
      %select_n3A_161 = arith.select %and3A_140, %get3A_133, %broadcast_in_dim3A_160 : vector<16xi1>, vector<16xf32>
      %swap3A_162 = arith.constant 16 : index
      %swap3A_163 = tpu.vector_load %arg13[%swap3A_162] {strides = array<i32>} : memref<512xf32, #tpu.memory_space<vmem>>, vector<16xf32>,
      tpu.vector_store %arg13[%swap3A_162], %select_n3A_161 {strides = array<i32>} : memref<512xf32, #tpu.memory_space<vmem>>, vector<16xf32>,
      %get3A_164 = arith.constant 0 : i32
      %get3A_165 = arith.index_cast %get3A_164 : i32 to index
      %get3A_166 = arith.constant 32 : index
      %get3A_167 = tpu.vector_load %arg10[%get3A_165, %get3A_166] {strides = array<i32>} : memref<4x128xi32, #tpu.memory_space<vmem>>, vector<16xi32>,
      %get3A_168 = arith.constant 32 : index
      %get3A_169 = tpu.vector_load %arg11[%get3A_168] {strides = array<i32>} : memref<512xf32, #tpu.memory_space<vmem>>, vector<16xf32>,
      %ge3A_170 = vector.broadcast %mul3A_0 : i32 to vector<16xi32>
      %ge3A_171 = arith.cmpi sge, %get3A_167, %ge3A_170 : vector<16xi32>
      %add3A_172 = arith.constant 40000 : i32
      %add3A_173 = arith.addi %mul3A_0, %add3A_172 : i32
      %lt3A_174 = vector.broadcast %add3A_173 : i32 to vector<16xi32>
      %lt3A_175 = arith.cmpi slt, %get3A_167, %lt3A_174 : vector<16xi32>
      %and3A_176 = arith.andi %ge3A_171, %lt3A_175 : vector<16xi1>
      %mul3A_177 = arith.constant 512 : i32
      %mul3A_178 = arith.muli %scan3A_74, %mul3A_177 : i32
      %add3A_179 = arith.constant 0 : i32
      %add3A_180 = arith.addi %mul3A_178, %add3A_179 : i32
      %add3A_181 = arith.constant 32 : i32
      %add3A_182 = arith.addi %add3A_180, %add3A_181 : i32
      %add3A_183 = vector.broadcast %add3A_182 : i32 to vector<16xi32>
      %add3A_184 = arith.addi %add3A_183, %iota3A : vector<16xi32>
      %sub3A_185 = vector.broadcast %mul3A_0 : i32 to vector<16xi32>
      %sub3A_186 = arith.subi %get3A_167, %sub3A_185 : vector<16xi32>
      %rem3A_187 = arith.constant 44800 : i32
      %rem3A_188 = vector.broadcast %rem3A_187 : i32 to vector<16xi32>
      %rem3A_189 = arith.remsi %add3A_184, %rem3A_188 : vector<16xi32>
      %select_n3A_190 = arith.select %and3A_176, %sub3A_186, %rem3A_189 : vector<16xi1>, vector<16xi32>
      %swap3A_191 = arith.constant 0 : i32
      %swap3A_192 = arith.index_cast %swap3A_191 : i32 to index
      %swap3A_193 = arith.constant 32 : index
      %swap3A_194 = tpu.vector_load %arg12[%swap3A_192, %swap3A_193] {strides = array<i32>} : memref<4x128xi32, #tpu.memory_space<vmem>>, vector<16xi32>,
      tpu.vector_store %arg12[%swap3A_192, %swap3A_193], %select_n3A_190 {strides = array<i32>} : memref<4x128xi32, #tpu.memory_space<vmem>>, vector<16xi32>,
      %broadcast_in_dim3A_195 = arith.constant 0.000000e+00 : f32
      %broadcast_in_dim3A_196 = vector.broadcast %broadcast_in_dim3A_195 : f32 to vector<16xf32>
      %select_n3A_197 = arith.select %and3A_176, %get3A_169, %broadcast_in_dim3A_196 : vector<16xi1>, vector<16xf32>
      %swap3A_198 = arith.constant 32 : index
      %swap3A_199 = tpu.vector_load %arg13[%swap3A_198] {strides = array<i32>} : memref<512xf32, #tpu.memory_space<vmem>>, vector<16xf32>,
      tpu.vector_store %arg13[%swap3A_198], %select_n3A_197 {strides = array<i32>} : memref<512xf32, #tpu.memory_space<vmem>>, vector<16xf32>,
      %get3A_200 = arith.constant 0 : i32
      %get3A_201 = arith.index_cast %get3A_200 : i32 to index
      %get3A_202 = arith.constant 48 : index
      %get3A_203 = tpu.vector_load %arg10[%get3A_201, %get3A_202] {strides = array<i32>} : memref<4x128xi32, #tpu.memory_space<vmem>>, vector<16xi32>,
      %get3A_204 = arith.constant 48 : index
      %get3A_205 = tpu.vector_load %arg11[%get3A_204] {strides = array<i32>} : memref<512xf32, #tpu.memory_space<vmem>>, vector<16xf32>,
      %ge3A_206 = vector.broadcast %mul3A_0 : i32 to vector<16xi32>
      %ge3A_207 = arith.cmpi sge, %get3A_203, %ge3A_206 : vector<16xi32>
      %add3A_208 = arith.constant 40000 : i32
      %add3A_209 = arith.addi %mul3A_0, %add3A_208 : i32
      %lt3A_210 = vector.broadcast %add3A_209 : i32 to vector<16xi32>
      %lt3A_211 = arith.cmpi slt, %get3A_203, %lt3A_210 : vector<16xi32>
      %and3A_212 = arith.andi %ge3A_207, %lt3A_211 : vector<16xi1>
      %mul3A_213 = arith.constant 512 : i32
      %mul3A_214 = arith.muli %scan3A_74, %mul3A_213 : i32
      %add3A_215 = arith.constant 0 : i32
      %add3A_216 = arith.addi %mul3A_214, %add3A_215 : i32
      %add3A_217 = arith.constant 48 : i32
      %add3A_218 = arith.addi %add3A_216, %add3A_217 : i32
      %add3A_219 = vector.broadcast %add3A_218 : i32 to vector<16xi32>
      %add3A_220 = arith.addi %add3A_219, %iota3A : vector<16xi32>
      %sub3A_221 = vector.broadcast %mul3A_0 : i32 to vector<16xi32>
      %sub3A_222 = arith.subi %get3A_203, %sub3A_221 : vector<16xi32>
      %rem3A_223 = arith.constant 44800 : i32
      %rem3A_224 = vector.broadcast %rem3A_223 : i32 to vector<16xi32>
      %rem3A_225 = arith.remsi %add3A_220, %rem3A_224 : vector<16xi32>
      %select_n3A_226 = arith.select %and3A_212, %sub3A_222, %rem3A_225 : vector<16xi1>, vector<16xi32>
      %swap3A_227 = arith.constant 0 : i32
      %swap3A_228 = arith.index_cast %swap3A_227 : i32 to index
      %swap3A_229 = arith.constant 48 : index
      %swap3A_230 = tpu.vector_load %arg12[%swap3A_228, %swap3A_229] {strides = array<i32>} : memref<4x128xi32, #tpu.memory_space<vmem>>, vector<16xi32>,
      tpu.vector_store %arg12[%swap3A_228, %swap3A_229], %select_n3A_226 {strides = array<i32>} : memref<4x128xi32, #tpu.memory_space<vmem>>, vector<16xi32>,
      %broadcast_in_dim3A_231 = arith.constant 0.000000e+00 : f32
      %broadcast_in_dim3A_232 = vector.broadcast %broadcast_in_dim3A_231 : f32 to vector<16xf32>
      %select_n3A_233 = arith.select %and3A_212, %get3A_205, %broadcast_in_dim3A_232 : vector<16xi1>, vector<16xf32>
      %swap3A_234 = arith.constant 48 : index
      %swap3A_235 = tpu.vector_load %arg13[%swap3A_234] {strides = array<i32>} : memref<512xf32, #tpu.memory_space<vmem>>, vector<16xf32>,
      tpu.vector_store %arg13[%swap3A_234], %select_n3A_233 {strides = array<i32>} : memref<512xf32, #tpu.memory_space<vmem>>, vector<16xf32>,
      %get3A_236 = arith.constant 0 : i32
      %get3A_237 = arith.index_cast %get3A_236 : i32 to index
      %get3A_238 = arith.constant 64 : index
      %get3A_239 = tpu.vector_load %arg10[%get3A_237, %get3A_238] {strides = array<i32>} : memref<4x128xi32, #tpu.memory_space<vmem>>, vector<16xi32>,
      %get3A_240 = arith.constant 64 : index
      %get3A_241 = tpu.vector_load %arg11[%get3A_240] {strides = array<i32>} : memref<512xf32, #tpu.memory_space<vmem>>, vector<16xf32>,
      %ge3A_242 = vector.broadcast %mul3A_0 : i32 to vector<16xi32>
      %ge3A_243 = arith.cmpi sge, %get3A_239, %ge3A_242 : vector<16xi32>
      %add3A_244 = arith.constant 40000 : i32
      %add3A_245 = arith.addi %mul3A_0, %add3A_244 : i32
      %lt3A_246 = vector.broadcast %add3A_245 : i32 to vector<16xi32>
      %lt3A_247 = arith.cmpi slt, %get3A_239, %lt3A_246 : vector<16xi32>
      %and3A_248 = arith.andi %ge3A_243, %lt3A_247 : vector<16xi1>
      %mul3A_249 = arith.constant 512 : i32
      %mul3A_250 = arith.muli %scan3A_74, %mul3A_249 : i32
      %add3A_251 = arith.constant 0 : i32
      %add3A_252 = arith.addi %mul3A_250, %add3A_251 : i32
      %add3A_253 = arith.constant 64 : i32
      %add3A_254 = arith.addi %add3A_252, %add3A_253 : i32
      %add3A_255 = vector.broadcast %add3A_254 : i32 to vector<16xi32>
      %add3A_256 = arith.addi %add3A_255, %iota3A : vector<16xi32>
      %sub3A_257 = vector.broadcast %mul3A_0 : i32 to vector<16xi32>
      %sub3A_258 = arith.subi %get3A_239, %sub3A_257 : vector<16xi32>
      %rem3A_259 = arith.constant 44800 : i32
      %rem3A_260 = vector.broadcast %rem3A_259 : i32 to vector<16xi32>
      %rem3A_261 = arith.remsi %add3A_256, %rem3A_260 : vector<16xi32>
      %select_n3A_262 = arith.select %and3A_248, %sub3A_258, %rem3A_261 : vector<16xi1>, vector<16xi32>
      %swap3A_263 = arith.constant 0 : i32
      %swap3A_264 = arith.index_cast %swap3A_263 : i32 to index
      %swap3A_265 = arith.constant 64 : index
      %swap3A_266 = tpu.vector_load %arg12[%swap3A_264, %swap3A_265] {strides = array<i32>} : memref<4x128xi32, #tpu.memory_space<vmem>>, vector<16xi32>,
      tpu.vector_store %arg12[%swap3A_264, %swap3A_265], %select_n3A_262 {strides = array<i32>} : memref<4x128xi32, #tpu.memory_space<vmem>>, vector<16xi32>,
      %broadcast_in_dim3A_267 = arith.constant 0.000000e+00 : f32
      %broadcast_in_dim3A_268 = vector.broadcast %broadcast_in_dim3A_267 : f32 to vector<16xf32>
      %select_n3A_269 = arith.select %and3A_248, %get3A_241, %broadcast_in_dim3A_268 : vector<16xi1>, vector<16xf32>
      %swap3A_270 = arith.constant 64 : index
      %swap3A_271 = tpu.vector_load %arg13[%swap3A_270] {strides = array<i32>} : memref<512xf32, #tpu.memory_space<vmem>>, vector<16xf32>,
      tpu.vector_store %arg13[%swap3A_270], %select_n3A_269 {strides = array<i32>} : memref<512xf32, #tpu.memory_space<vmem>>, vector<16xf32>,
      %get3A_272 = arith.constant 0 : i32
      %get3A_273 = arith.index_cast %get3A_272 : i32 to index
      %get3A_274 = arith.constant 80 : index
      %get3A_275 = tpu.vector_load %arg10[%get3A_273, %get3A_274] {strides = array<i32>} : memref<4x128xi32, #tpu.memory_space<vmem>>, vector<16xi32>,
      %get3A_276 = arith.constant 80 : index
      %get3A_277 = tpu.vector_load %arg11[%get3A_276] {strides = array<i32>} : memref<512xf32, #tpu.memory_space<vmem>>, vector<16xf32>,
      %ge3A_278 = vector.broadcast %mul3A_0 : i32 to vector<16xi32>
      %ge3A_279 = arith.cmpi sge, %get3A_275, %ge3A_278 : vector<16xi32>
      %add3A_280 = arith.constant 40000 : i32
      %add3A_281 = arith.addi %mul3A_0, %add3A_280 : i32
      %lt3A_282 = vector.broadcast %add3A_281 : i32 to vector<16xi32>
      %lt3A_283 = arith.cmpi slt, %get3A_275, %lt3A_282 : vector<16xi32>
      %and3A_284 = arith.andi %ge3A_279, %lt3A_283 : vector<16xi1>
      %mul3A_285 = arith.constant 512 : i32
      %mul3A_286 = arith.muli %scan3A_74, %mul3A_285 : i32
      %add3A_287 = arith.constant 0 : i32
      %add3A_288 = arith.addi %mul3A_286, %add3A_287 : i32
      %add3A_289 = arith.constant 80 : i32
      %add3A_290 = arith.addi %add3A_288, %add3A_289 : i32
      %add3A_291 = vector.broadcast %add3A_290 : i32 to vector<16xi32>
      %add3A_292 = arith.addi %add3A_291, %iota3A : vector<16xi32>
      %sub3A_293 = vector.broadcast %mul3A_0 : i32 to vector<16xi32>
      %sub3A_294 = arith.subi %get3A_275, %sub3A_293 : vector<16xi32>
      %rem3A_295 = arith.constant 44800 : i32
      %rem3A_296 = vector.broadcast %rem3A_295 : i32 to vector<16xi32>
      %rem3A_297 = arith.remsi %add3A_292, %rem3A_296 : vector<16xi32>
      %select_n3A_298 = arith.select %and3A_284, %sub3A_294, %rem3A_297 : vector<16xi1>, vector<16xi32>
      %swap3A_299 = arith.constant 0 : i32
      %swap3A_300 = arith.index_cast %swap3A_299 : i32 to index
      %swap3A_301 = arith.constant 80 : index
      %swap3A_302 = tpu.vector_load %arg12[%swap3A_300, %swap3A_301] {strides = array<i32>} : memref<4x128xi32, #tpu.memory_space<vmem>>, vector<16xi32>,
      tpu.vector_store %arg12[%swap3A_300, %swap3A_301], %select_n3A_298 {strides = array<i32>} : memref<4x128xi32, #tpu.memory_space<vmem>>, vector<16xi32>,
      %broadcast_in_dim3A_303 = arith.constant 0.000000e+00 : f32
      %broadcast_in_dim3A_304 = vector.broadcast %broadcast_in_dim3A_303 : f32 to vector<16xf32>
      %select_n3A_305 = arith.select %and3A_284, %get3A_277, %broadcast_in_dim3A_304 : vector<16xi1>, vector<16xf32>
      %swap3A_306 = arith.constant 80 : index
      %swap3A_307 = tpu.vector_load %arg13[%swap3A_306] {strides = array<i32>} : memref<512xf32, #tpu.memory_space<vmem>>, vector<16xf32>,
      tpu.vector_store %arg13[%swap3A_306], %select_n3A_305 {strides = array<i32>} : memref<512xf32, #tpu.memory_space<vmem>>, vector<16xf32>,
      %get3A_308 = arith.constant 0 : i32
      %get3A_309 = arith.index_cast %get3A_308 : i32 to index
      %get3A_310 = arith.constant 96 : index
      %get3A_311 = tpu.vector_load %arg10[%get3A_309, %get3A_310] {strides = array<i32>} : memref<4x128xi32, #tpu.memory_space<vmem>>, vector<16xi32>,
      %get3A_312 = arith.constant 96 : index
      %get3A_313 = tpu.vector_load %arg11[%get3A_312] {strides = array<i32>} : memref<512xf32, #tpu.memory_space<vmem>>, vector<16xf32>,
      %ge3A_314 = vector.broadcast %mul3A_0 : i32 to vector<16xi32>
      %ge3A_315 = arith.cmpi sge, %get3A_311, %ge3A_314 : vector<16xi32>
      %add3A_316 = arith.constant 40000 : i32
      %add3A_317 = arith.addi %mul3A_0, %add3A_316 : i32
      %lt3A_318 = vector.broadcast %add3A_317 : i32 to vector<16xi32>
      %lt3A_319 = arith.cmpi slt, %get3A_311, %lt3A_318 : vector<16xi32>
      %and3A_320 = arith.andi %ge3A_315, %lt3A_319 : vector<16xi1>
      %mul3A_321 = arith.constant 512 : i32
      %mul3A_322 = arith.muli %scan3A_74, %mul3A_321 : i32
      %add3A_323 = arith.constant 0 : i32
      %add3A_324 = arith.addi %mul3A_322, %add3A_323 : i32
      %add3A_325 = arith.constant 96 : i32
      %add3A_326 = arith.addi %add3A_324, %add3A_325 : i32
      %add3A_327 = vector.broadcast %add3A_326 : i32 to vector<16xi32>
      %add3A_328 = arith.addi %add3A_327, %iota3A : vector<16xi32>
      %sub3A_329 = vector.broadcast %mul3A_0 : i32 to vector<16xi32>
      %sub3A_330 = arith.subi %get3A_311, %sub3A_329 : vector<16xi32>
      %rem3A_331 = arith.constant 44800 : i32
      %rem3A_332 = vector.broadcast %rem3A_331 : i32 to vector<16xi32>
      %rem3A_333 = arith.remsi %add3A_328, %rem3A_332 : vector<16xi32>
      %select_n3A_334 = arith.select %and3A_320, %sub3A_330, %rem3A_333 : vector<16xi1>, vector<16xi32>
      %swap3A_335 = arith.constant 0 : i32
      %swap3A_336 = arith.index_cast %swap3A_335 : i32 to index
      %swap3A_337 = arith.constant 96 : index
      %swap3A_338 = tpu.vector_load %arg12[%swap3A_336, %swap3A_337] {strides = array<i32>} : memref<4x128xi32, #tpu.memory_space<vmem>>, vector<16xi32>,
      tpu.vector_store %arg12[%swap3A_336, %swap3A_337], %select_n3A_334 {strides = array<i32>} : memref<4x128xi32, #tpu.memory_space<vmem>>, vector<16xi32>,
      %broadcast_in_dim3A_339 = arith.constant 0.000000e+00 : f32
      %broadcast_in_dim3A_340 = vector.broadcast %broadcast_in_dim3A_339 : f32 to vector<16xf32>
      %select_n3A_341 = arith.select %and3A_320, %get3A_313, %broadcast_in_dim3A_340 : vector<16xi1>, vector<16xf32>
      %swap3A_342 = arith.constant 96 : index
      %swap3A_343 = tpu.vector_load %arg13[%swap3A_342] {strides = array<i32>} : memref<512xf32, #tpu.memory_space<vmem>>, vector<16xf32>,
      tpu.vector_store %arg13[%swap3A_342], %select_n3A_341 {strides = array<i32>} : memref<512xf32, #tpu.memory_space<vmem>>, vector<16xf32>,
      %get3A_344 = arith.constant 0 : i32
      %get3A_345 = arith.index_cast %get3A_344 : i32 to index
      %get3A_346 = arith.constant 112 : index
      %get3A_347 = tpu.vector_load %arg10[%get3A_345, %get3A_346] {strides = array<i32>} : memref<4x128xi32, #tpu.memory_space<vmem>>, vector<16xi32>,
      %get3A_348 = arith.constant 112 : index
      %get3A_349 = tpu.vector_load %arg11[%get3A_348] {strides = array<i32>} : memref<512xf32, #tpu.memory_space<vmem>>, vector<16xf32>,
      %ge3A_350 = vector.broadcast %mul3A_0 : i32 to vector<16xi32>
      %ge3A_351 = arith.cmpi sge, %get3A_347, %ge3A_350 : vector<16xi32>
      %add3A_352 = arith.constant 40000 : i32
      %add3A_353 = arith.addi %mul3A_0, %add3A_352 : i32
      %lt3A_354 = vector.broadcast %add3A_353 : i32 to vector<16xi32>
      %lt3A_355 = arith.cmpi slt, %get3A_347, %lt3A_354 : vector<16xi32>
      %and3A_356 = arith.andi %ge3A_351, %lt3A_355 : vector<16xi1>
      %mul3A_357 = arith.constant 512 : i32
      %mul3A_358 = arith.muli %scan3A_74, %mul3A_357 : i32
      %add3A_359 = arith.constant 0 : i32
      %add3A_360 = arith.addi %mul3A_358, %add3A_359 : i32
      %add3A_361 = arith.constant 112 : i32
      %add3A_362 = arith.addi %add3A_360, %add3A_361 : i32
      %add3A_363 = vector.broadcast %add3A_362 : i32 to vector<16xi32>
      %add3A_364 = arith.addi %add3A_363, %iota3A : vector<16xi32>
      %sub3A_365 = vector.broadcast %mul3A_0 : i32 to vector<16xi32>
      %sub3A_366 = arith.subi %get3A_347, %sub3A_365 : vector<16xi32>
      %rem3A_367 = arith.constant 44800 : i32
      %rem3A_368 = vector.broadcast %rem3A_367 : i32 to vector<16xi32>
      %rem3A_369 = arith.remsi %add3A_364, %rem3A_368 : vector<16xi32>
      %select_n3A_370 = arith.select %and3A_356, %sub3A_366, %rem3A_369 : vector<16xi1>, vector<16xi32>
      %swap3A_371 = arith.constant 0 : i32
      %swap3A_372 = arith.index_cast %swap3A_371 : i32 to index
      %swap3A_373 = arith.constant 112 : index
      %swap3A_374 = tpu.vector_load %arg12[%swap3A_372, %swap3A_373] {strides = array<i32>} : memref<4x128xi32, #tpu.memory_space<vmem>>, vector<16xi32>,
      tpu.vector_store %arg12[%swap3A_372, %swap3A_373], %select_n3A_370 {strides = array<i32>} : memref<4x128xi32, #tpu.memory_space<vmem>>, vector<16xi32>,
      %broadcast_in_dim3A_375 = arith.constant 0.000000e+00 : f32
      %broadcast_in_dim3A_376 = vector.broadcast %broadcast_in_dim3A_375 : f32 to vector<16xf32>
      %select_n3A_377 = arith.select %and3A_356, %get3A_349, %broadcast_in_dim3A_376 : vector<16xi1>, vector<16xf32>
      %swap3A_378 = arith.constant 112 : index
      %swap3A_379 = tpu.vector_load %arg13[%swap3A_378] {strides = array<i32>} : memref<512xf32, #tpu.memory_space<vmem>>, vector<16xf32>,
      tpu.vector_store %arg13[%swap3A_378], %select_n3A_377 {strides = array<i32>} : memref<512xf32, #tpu.memory_space<vmem>>, vector<16xf32>,
      %get3A_380 = arith.constant 1 : i32
      %get3A_381 = arith.index_cast %get3A_380 : i32 to index
      %get3A_382 = arith.constant 0 : index
      %get3A_383 = tpu.vector_load %arg10[%get3A_381, %get3A_382] {strides = array<i32>} : memref<4x128xi32, #tpu.memory_space<vmem>>, vector<16xi32>,
      %get3A_384 = arith.constant 128 : index
      %get3A_385 = tpu.vector_load %arg11[%get3A_384] {strides = array<i32>} : memref<512xf32, #tpu.memory_space<vmem>>, vector<16xf32>,
      %ge3A_386 = vector.broadcast %mul3A_0 : i32 to vector<16xi32>
      %ge3A_387 = arith.cmpi sge, %get3A_383, %ge3A_386 : vector<16xi32>
      %add3A_388 = arith.constant 40000 : i32
      %add3A_389 = arith.addi %mul3A_0, %add3A_388 : i32
      %lt3A_390 = vector.broadcast %add3A_389 : i32 to vector<16xi32>
      %lt3A_391 = arith.cmpi slt, %get3A_383, %lt3A_390 : vector<16xi32>
      %and3A_392 = arith.andi %ge3A_387, %lt3A_391 : vector<16xi1>
      %mul3A_393 = arith.constant 512 : i32
      %mul3A_394 = arith.muli %scan3A_74, %mul3A_393 : i32
      %add3A_395 = arith.constant 128 : i32
      %add3A_396 = arith.addi %mul3A_394, %add3A_395 : i32
      %add3A_397 = arith.constant 0 : i32
      %add3A_398 = arith.addi %add3A_396, %add3A_397 : i32
      %add3A_399 = vector.broadcast %add3A_398 : i32 to vector<16xi32>
      %add3A_400 = arith.addi %add3A_399, %iota3A : vector<16xi32>
      %sub3A_401 = vector.broadcast %mul3A_0 : i32 to vector<16xi32>
      %sub3A_402 = arith.subi %get3A_383, %sub3A_401 : vector<16xi32>
      %rem3A_403 = arith.constant 44800 : i32
      %rem3A_404 = vector.broadcast %rem3A_403 : i32 to vector<16xi32>
      %rem3A_405 = arith.remsi %add3A_400, %rem3A_404 : vector<16xi32>
      %select_n3A_406 = arith.select %and3A_392, %sub3A_402, %rem3A_405 : vector<16xi1>, vector<16xi32>
      %swap3A_407 = arith.constant 1 : i32
      %swap3A_408 = arith.index_cast %swap3A_407 : i32 to index
      %swap3A_409 = arith.constant 0 : index
      %swap3A_410 = tpu.vector_load %arg12[%swap3A_408, %swap3A_409] {strides = array<i32>} : memref<4x128xi32, #tpu.memory_space<vmem>>, vector<16xi32>,
      tpu.vector_store %arg12[%swap3A_408, %swap3A_409], %select_n3A_406 {strides = array<i32>} : memref<4x128xi32, #tpu.memory_space<vmem>>, vector<16xi32>,
      %broadcast_in_dim3A_411 = arith.constant 0.000000e+00 : f32
      %broadcast_in_dim3A_412 = vector.broadcast %broadcast_in_dim3A_411 : f32 to vector<16xf32>
      %select_n3A_413 = arith.select %and3A_392, %get3A_385, %broadcast_in_dim3A_412 : vector<16xi1>, vector<16xf32>
      %swap3A_414 = arith.constant 128 : index
      %swap3A_415 = tpu.vector_load %arg13[%swap3A_414] {strides = array<i32>} : memref<512xf32, #tpu.memory_space<vmem>>, vector<16xf32>,
      tpu.vector_store %arg13[%swap3A_414], %select_n3A_413 {strides = array<i32>} : memref<512xf32, #tpu.memory_space<vmem>>, vector<16xf32>,
      %get3A_416 = arith.constant 1 : i32
      %get3A_417 = arith.index_cast %get3A_416 : i32 to index
      %get3A_418 = arith.constant 16 : index
      %get3A_419 = tpu.vector_load %arg10[%get3A_417, %get3A_418] {strides = array<i32>} : memref<4x128xi32, #tpu.memory_space<vmem>>, vector<16xi32>,
      %get3A_420 = arith.constant 144 : index
      %get3A_421 = tpu.vector_load %arg11[%get3A_420] {strides = array<i32>} : memref<512xf32, #tpu.memory_space<vmem>>, vector<16xf32>,
      %ge3A_422 = vector.broadcast %mul3A_0 : i32 to vector<16xi32>
      %ge3A_423 = arith.cmpi sge, %get3A_419, %ge3A_422 : vector<16xi32>
      %add3A_424 = arith.constant 40000 : i32
      %add3A_425 = arith.addi %mul3A_0, %add3A_424 : i32
      %lt3A_426 = vector.broadcast %add3A_425 : i32 to vector<16xi32>
      %lt3A_427 = arith.cmpi slt, %get3A_419, %lt3A_426 : vector<16xi32>
      %and3A_428 = arith.andi %ge3A_423, %lt3A_427 : vector<16xi1>
      %mul3A_429 = arith.constant 512 : i32
      %mul3A_430 = arith.muli %scan3A_74, %mul3A_429 : i32
      %add3A_431 = arith.constant 128 : i32
      %add3A_432 = arith.addi %mul3A_430, %add3A_431 : i32
      %add3A_433 = arith.constant 16 : i32
      %add3A_434 = arith.addi %add3A_432, %add3A_433 : i32
      %add3A_435 = vector.broadcast %add3A_434 : i32 to vector<16xi32>
      %add3A_436 = arith.addi %add3A_435, %iota3A : vector<16xi32>
      %sub3A_437 = vector.broadcast %mul3A_0 : i32 to vector<16xi32>
      %sub3A_438 = arith.subi %get3A_419, %sub3A_437 : vector<16xi32>
      %rem3A_439 = arith.constant 44800 : i32
      %rem3A_440 = vector.broadcast %rem3A_439 : i32 to vector<16xi32>
      %rem3A_441 = arith.remsi %add3A_436, %rem3A_440 : vector<16xi32>
      %select_n3A_442 = arith.select %and3A_428, %sub3A_438, %rem3A_441 : vector<16xi1>, vector<16xi32>
      %swap3A_443 = arith.constant 1 : i32
      %swap3A_444 = arith.index_cast %swap3A_443 : i32 to index
      %swap3A_445 = arith.constant 16 : index
      %swap3A_446 = tpu.vector_load %arg12[%swap3A_444, %swap3A_445] {strides = array<i32>} : memref<4x128xi32, #tpu.memory_space<vmem>>, vector<16xi32>,
      tpu.vector_store %arg12[%swap3A_444, %swap3A_445], %select_n3A_442 {strides = array<i32>} : memref<4x128xi32, #tpu.memory_space<vmem>>, vector<16xi32>,
      %broadcast_in_dim3A_447 = arith.constant 0.000000e+00 : f32
      %broadcast_in_dim3A_448 = vector.broadcast %broadcast_in_dim3A_447 : f32 to vector<16xf32>
      %select_n3A_449 = arith.select %and3A_428, %get3A_421, %broadcast_in_dim3A_448 : vector<16xi1>, vector<16xf32>
      %swap3A_450 = arith.constant 144 : index
      %swap3A_451 = tpu.vector_load %arg13[%swap3A_450] {strides = array<i32>} : memref<512xf32, #tpu.memory_space<vmem>>, vector<16xf32>,
      tpu.vector_store %arg13[%swap3A_450], %select_n3A_449 {strides = array<i32>} : memref<512xf32, #tpu.memory_space<vmem>>, vector<16xf32>,
      %get3A_452 = arith.constant 1 : i32
      %get3A_453 = arith.index_cast %get3A_452 : i32 to index
      %get3A_454 = arith.constant 32 : index
      %get3A_455 = tpu.vector_load %arg10[%get3A_453, %get3A_454] {strides = array<i32>} : memref<4x128xi32, #tpu.memory_space<vmem>>, vector<16xi32>,
      %get3A_456 = arith.constant 160 : index
      %get3A_457 = tpu.vector_load %arg11[%get3A_456] {strides = array<i32>} : memref<512xf32, #tpu.memory_space<vmem>>, vector<16xf32>,
      %ge3A_458 = vector.broadcast %mul3A_0 : i32 to vector<16xi32>
      %ge3A_459 = arith.cmpi sge, %get3A_455, %ge3A_458 : vector<16xi32>
      %add3A_460 = arith.constant 40000 : i32
      %add3A_461 = arith.addi %mul3A_0, %add3A_460 : i32
      %lt3A_462 = vector.broadcast %add3A_461 : i32 to vector<16xi32>
      %lt3A_463 = arith.cmpi slt, %get3A_455, %lt3A_462 : vector<16xi32>
      %and3A_464 = arith.andi %ge3A_459, %lt3A_463 : vector<16xi1>
      %mul3A_465 = arith.constant 512 : i32
      %mul3A_466 = arith.muli %scan3A_74, %mul3A_465 : i32
      %add3A_467 = arith.constant 128 : i32
      %add3A_468 = arith.addi %mul3A_466, %add3A_467 : i32
      %add3A_469 = arith.constant 32 : i32
      %add3A_470 = arith.addi %add3A_468, %add3A_469 : i32
      %add3A_471 = vector.broadcast %add3A_470 : i32 to vector<16xi32>
      %add3A_472 = arith.addi %add3A_471, %iota3A : vector<16xi32>
      %sub3A_473 = vector.broadcast %mul3A_0 : i32 to vector<16xi32>
      %sub3A_474 = arith.subi %get3A_455, %sub3A_473 : vector<16xi32>
      %rem3A_475 = arith.constant 44800 : i32
      %rem3A_476 = vector.broadcast %rem3A_475 : i32 to vector<16xi32>
      %rem3A_477 = arith.remsi %add3A_472, %rem3A_476 : vector<16xi32>
      %select_n3A_478 = arith.select %and3A_464, %sub3A_474, %rem3A_477 : vector<16xi1>, vector<16xi32>
      %swap3A_479 = arith.constant 1 : i32
      %swap3A_480 = arith.index_cast %swap3A_479 : i32 to index
      %swap3A_481 = arith.constant 32 : index
      %swap3A_482 = tpu.vector_load %arg12[%swap3A_480, %swap3A_481] {strides = array<i32>} : memref<4x128xi32, #tpu.memory_space<vmem>>, vector<16xi32>,
      tpu.vector_store %arg12[%swap3A_480, %swap3A_481], %select_n3A_478 {strides = array<i32>} : memref<4x128xi32, #tpu.memory_space<vmem>>, vector<16xi32>,
      %broadcast_in_dim3A_483 = arith.constant 0.000000e+00 : f32
      %broadcast_in_dim3A_484 = vector.broadcast %broadcast_in_dim3A_483 : f32 to vector<16xf32>
      %select_n3A_485 = arith.select %and3A_464, %get3A_457, %broadcast_in_dim3A_484 : vector<16xi1>, vector<16xf32>
      %swap3A_486 = arith.constant 160 : index
      %swap3A_487 = tpu.vector_load %arg13[%swap3A_486] {strides = array<i32>} : memref<512xf32, #tpu.memory_space<vmem>>, vector<16xf32>,
      tpu.vector_store %arg13[%swap3A_486], %select_n3A_485 {strides = array<i32>} : memref<512xf32, #tpu.memory_space<vmem>>, vector<16xf32>,
      %get3A_488 = arith.constant 1 : i32
      %get3A_489 = arith.index_cast %get3A_488 : i32 to index
      %get3A_490 = arith.constant 48 : index
      %get3A_491 = tpu.vector_load %arg10[%get3A_489, %get3A_490] {strides = array<i32>} : memref<4x128xi32, #tpu.memory_space<vmem>>, vector<16xi32>,
      %get3A_492 = arith.constant 176 : index
      %get3A_493 = tpu.vector_load %arg11[%get3A_492] {strides = array<i32>} : memref<512xf32, #tpu.memory_space<vmem>>, vector<16xf32>,
      %ge3A_494 = vector.broadcast %mul3A_0 : i32 to vector<16xi32>
      %ge3A_495 = arith.cmpi sge, %get3A_491, %ge3A_494 : vector<16xi32>
      %add3A_496 = arith.constant 40000 : i32
      %add3A_497 = arith.addi %mul3A_0, %add3A_496 : i32
      %lt3A_498 = vector.broadcast %add3A_497 : i32 to vector<16xi32>
      %lt3A_499 = arith.cmpi slt, %get3A_491, %lt3A_498 : vector<16xi32>
      %and3A_500 = arith.andi %ge3A_495, %lt3A_499 : vector<16xi1>
      %mul3A_501 = arith.constant 512 : i32
      %mul3A_502 = arith.muli %scan3A_74, %mul3A_501 : i32
      %add3A_503 = arith.constant 128 : i32
      %add3A_504 = arith.addi %mul3A_502, %add3A_503 : i32
      %add3A_505 = arith.constant 48 : i32
      %add3A_506 = arith.addi %add3A_504, %add3A_505 : i32
      %add3A_507 = vector.broadcast %add3A_506 : i32 to vector<16xi32>
      %add3A_508 = arith.addi %add3A_507, %iota3A : vector<16xi32>
      %sub3A_509 = vector.broadcast %mul3A_0 : i32 to vector<16xi32>
      %sub3A_510 = arith.subi %get3A_491, %sub3A_509 : vector<16xi32>
      %rem3A_511 = arith.constant 44800 : i32
      %rem3A_512 = vector.broadcast %rem3A_511 : i32 to vector<16xi32>
      %rem3A_513 = arith.remsi %add3A_508, %rem3A_512 : vector<16xi32>
      %select_n3A_514 = arith.select %and3A_500, %sub3A_510, %rem3A_513 : vector<16xi1>, vector<16xi32>
      %swap3A_515 = arith.constant 1 : i32
      %swap3A_516 = arith.index_cast %swap3A_515 : i32 to index
      %swap3A_517 = arith.constant 48 : index
      %swap3A_518 = tpu.vector_load %arg12[%swap3A_516, %swap3A_517] {strides = array<i32>} : memref<4x128xi32, #tpu.memory_space<vmem>>, vector<16xi32>,
      tpu.vector_store %arg12[%swap3A_516, %swap3A_517], %select_n3A_514 {strides = array<i32>} : memref<4x128xi32, #tpu.memory_space<vmem>>, vector<16xi32>,
      %broadcast_in_dim3A_519 = arith.constant 0.000000e+00 : f32
      %broadcast_in_dim3A_520 = vector.broadcast %broadcast_in_dim3A_519 : f32 to vector<16xf32>
      %select_n3A_521 = arith.select %and3A_500, %get3A_493, %broadcast_in_dim3A_520 : vector<16xi1>, vector<16xf32>
      %swap3A_522 = arith.constant 176 : index
      %swap3A_523 = tpu.vector_load %arg13[%swap3A_522] {strides = array<i32>} : memref<512xf32, #tpu.memory_space<vmem>>, vector<16xf32>,
      tpu.vector_store %arg13[%swap3A_522], %select_n3A_521 {strides = array<i32>} : memref<512xf32, #tpu.memory_space<vmem>>, vector<16xf32>,
      %get3A_524 = arith.constant 1 : i32
      %get3A_525 = arith.index_cast %get3A_524 : i32 to index
      %get3A_526 = arith.constant 64 : index
      %get3A_527 = tpu.vector_load %arg10[%get3A_525, %get3A_526] {strides = array<i32>} : memref<4x128xi32, #tpu.memory_space<vmem>>, vector<16xi32>,
      %get3A_528 = arith.constant 192 : index
      %get3A_529 = tpu.vector_load %arg11[%get3A_528] {strides = array<i32>} : memref<512xf32, #tpu.memory_space<vmem>>, vector<16xf32>,
      %ge3A_530 = vector.broadcast %mul3A_0 : i32 to vector<16xi32>
      %ge3A_531 = arith.cmpi sge, %get3A_527, %ge3A_530 : vector<16xi32>
      %add3A_532 = arith.constant 40000 : i32
      %add3A_533 = arith.addi %mul3A_0, %add3A_532 : i32
      %lt3A_534 = vector.broadcast %add3A_533 : i32 to vector<16xi32>
      %lt3A_535 = arith.cmpi slt, %get3A_527, %lt3A_534 : vector<16xi32>
      %and3A_536 = arith.andi %ge3A_531, %lt3A_535 : vector<16xi1>
      %mul3A_537 = arith.constant 512 : i32
      %mul3A_538 = arith.muli %scan3A_74, %mul3A_537 : i32
      %add3A_539 = arith.constant 128 : i32
      %add3A_540 = arith.addi %mul3A_538, %add3A_539 : i32
      %add3A_541 = arith.constant 64 : i32
      %add3A_542 = arith.addi %add3A_540, %add3A_541 : i32
      %add3A_543 = vector.broadcast %add3A_542 : i32 to vector<16xi32>
      %add3A_544 = arith.addi %add3A_543, %iota3A : vector<16xi32>
      %sub3A_545 = vector.broadcast %mul3A_0 : i32 to vector<16xi32>
      %sub3A_546 = arith.subi %get3A_527, %sub3A_545 : vector<16xi32>
      %rem3A_547 = arith.constant 44800 : i32
      %rem3A_548 = vector.broadcast %rem3A_547 : i32 to vector<16xi32>
      %rem3A_549 = arith.remsi %add3A_544, %rem3A_548 : vector<16xi32>
      %select_n3A_550 = arith.select %and3A_536, %sub3A_546, %rem3A_549 : vector<16xi1>, vector<16xi32>
      %swap3A_551 = arith.constant 1 : i32
      %swap3A_552 = arith.index_cast %swap3A_551 : i32 to index
      %swap3A_553 = arith.constant 64 : index
      %swap3A_554 = tpu.vector_load %arg12[%swap3A_552, %swap3A_553] {strides = array<i32>} : memref<4x128xi32, #tpu.memory_space<vmem>>, vector<16xi32>,
      tpu.vector_store %arg12[%swap3A_552, %swap3A_553], %select_n3A_550 {strides = array<i32>} : memref<4x128xi32, #tpu.memory_space<vmem>>, vector<16xi32>,
      %broadcast_in_dim3A_555 = arith.constant 0.000000e+00 : f32
      %broadcast_in_dim3A_556 = vector.broadcast %broadcast_in_dim3A_555 : f32 to vector<16xf32>
      %select_n3A_557 = arith.select %and3A_536, %get3A_529, %broadcast_in_dim3A_556 : vector<16xi1>, vector<16xf32>
      %swap3A_558 = arith.constant 192 : index
      %swap3A_559 = tpu.vector_load %arg13[%swap3A_558] {strides = array<i32>} : memref<512xf32, #tpu.memory_space<vmem>>, vector<16xf32>,
      tpu.vector_store %arg13[%swap3A_558], %select_n3A_557 {strides = array<i32>} : memref<512xf32, #tpu.memory_space<vmem>>, vector<16xf32>,
      %get3A_560 = arith.constant 1 : i32
      %get3A_561 = arith.index_cast %get3A_560 : i32 to index
      %get3A_562 = arith.constant 80 : index
      %get3A_563 = tpu.vector_load %arg10[%get3A_561, %get3A_562] {strides = array<i32>} : memref<4x128xi32, #tpu.memory_space<vmem>>, vector<16xi32>,
      %get3A_564 = arith.constant 208 : index
      %get3A_565 = tpu.vector_load %arg11[%get3A_564] {strides = array<i32>} : memref<512xf32, #tpu.memory_space<vmem>>, vector<16xf32>,
      %ge3A_566 = vector.broadcast %mul3A_0 : i32 to vector<16xi32>
      %ge3A_567 = arith.cmpi sge, %get3A_563, %ge3A_566 : vector<16xi32>
      %add3A_568 = arith.constant 40000 : i32
      %add3A_569 = arith.addi %mul3A_0, %add3A_568 : i32
      %lt3A_570 = vector.broadcast %add3A_569 : i32 to vector<16xi32>
      %lt3A_571 = arith.cmpi slt, %get3A_563, %lt3A_570 : vector<16xi32>
      %and3A_572 = arith.andi %ge3A_567, %lt3A_571 : vector<16xi1>
      %mul3A_573 = arith.constant 512 : i32
      %mul3A_574 = arith.muli %scan3A_74, %mul3A_573 : i32
      %add3A_575 = arith.constant 128 : i32
      %add3A_576 = arith.addi %mul3A_574, %add3A_575 : i32
      %add3A_577 = arith.constant 80 : i32
      %add3A_578 = arith.addi %add3A_576, %add3A_577 : i32
      %add3A_579 = vector.broadcast %add3A_578 : i32 to vector<16xi32>
      %add3A_580 = arith.addi %add3A_579, %iota3A : vector<16xi32>
      %sub3A_581 = vector.broadcast %mul3A_0 : i32 to vector<16xi32>
      %sub3A_582 = arith.subi %get3A_563, %sub3A_581 : vector<16xi32>
      %rem3A_583 = arith.constant 44800 : i32
      %rem3A_584 = vector.broadcast %rem3A_583 : i32 to vector<16xi32>
      %rem3A_585 = arith.remsi %add3A_580, %rem3A_584 : vector<16xi32>
      %select_n3A_586 = arith.select %and3A_572, %sub3A_582, %rem3A_585 : vector<16xi1>, vector<16xi32>
      %swap3A_587 = arith.constant 1 : i32
      %swap3A_588 = arith.index_cast %swap3A_587 : i32 to index
      %swap3A_589 = arith.constant 80 : index
      %swap3A_590 = tpu.vector_load %arg12[%swap3A_588, %swap3A_589] {strides = array<i32>} : memref<4x128xi32, #tpu.memory_space<vmem>>, vector<16xi32>,
      tpu.vector_store %arg12[%swap3A_588, %swap3A_589], %select_n3A_586 {strides = array<i32>} : memref<4x128xi32, #tpu.memory_space<vmem>>, vector<16xi32>,
      %broadcast_in_dim3A_591 = arith.constant 0.000000e+00 : f32
      %broadcast_in_dim3A_592 = vector.broadcast %broadcast_in_dim3A_591 : f32 to vector<16xf32>
      %select_n3A_593 = arith.select %and3A_572, %get3A_565, %broadcast_in_dim3A_592 : vector<16xi1>, vector<16xf32>
      %swap3A_594 = arith.constant 208 : index
      %swap3A_595 = tpu.vector_load %arg13[%swap3A_594] {strides = array<i32>} : memref<512xf32, #tpu.memory_space<vmem>>, vector<16xf32>,
      tpu.vector_store %arg13[%swap3A_594], %select_n3A_593 {strides = array<i32>} : memref<512xf32, #tpu.memory_space<vmem>>, vector<16xf32>,
      %get3A_596 = arith.constant 1 : i32
      %get3A_597 = arith.index_cast %get3A_596 : i32 to index
      %get3A_598 = arith.constant 96 : index
      %get3A_599 = tpu.vector_load %arg10[%get3A_597, %get3A_598] {strides = array<i32>} : memref<4x128xi32, #tpu.memory_space<vmem>>, vector<16xi32>,
      %get3A_600 = arith.constant 224 : index
      %get3A_601 = tpu.vector_load %arg11[%get3A_600] {strides = array<i32>} : memref<512xf32, #tpu.memory_space<vmem>>, vector<16xf32>,
      %ge3A_602 = vector.broadcast %mul3A_0 : i32 to vector<16xi32>
      %ge3A_603 = arith.cmpi sge, %get3A_599, %ge3A_602 : vector<16xi32>
      %add3A_604 = arith.constant 40000 : i32
      %add3A_605 = arith.addi %mul3A_0, %add3A_604 : i32
      %lt3A_606 = vector.broadcast %add3A_605 : i32 to vector<16xi32>
      %lt3A_607 = arith.cmpi slt, %get3A_599, %lt3A_606 : vector<16xi32>
      %and3A_608 = arith.andi %ge3A_603, %lt3A_607 : vector<16xi1>
      %mul3A_609 = arith.constant 512 : i32
      %mul3A_610 = arith.muli %scan3A_74, %mul3A_609 : i32
      %add3A_611 = arith.constant 128 : i32
      %add3A_612 = arith.addi %mul3A_610, %add3A_611 : i32
      %add3A_613 = arith.constant 96 : i32
      %add3A_614 = arith.addi %add3A_612, %add3A_613 : i32
      %add3A_615 = vector.broadcast %add3A_614 : i32 to vector<16xi32>
      %add3A_616 = arith.addi %add3A_615, %iota3A : vector<16xi32>
      %sub3A_617 = vector.broadcast %mul3A_0 : i32 to vector<16xi32>
      %sub3A_618 = arith.subi %get3A_599, %sub3A_617 : vector<16xi32>
      %rem3A_619 = arith.constant 44800 : i32
      %rem3A_620 = vector.broadcast %rem3A_619 : i32 to vector<16xi32>
      %rem3A_621 = arith.remsi %add3A_616, %rem3A_620 : vector<16xi32>
      %select_n3A_622 = arith.select %and3A_608, %sub3A_618, %rem3A_621 : vector<16xi1>, vector<16xi32>
      %swap3A_623 = arith.constant 1 : i32
      %swap3A_624 = arith.index_cast %swap3A_623 : i32 to index
      %swap3A_625 = arith.constant 96 : index
      %swap3A_626 = tpu.vector_load %arg12[%swap3A_624, %swap3A_625] {strides = array<i32>} : memref<4x128xi32, #tpu.memory_space<vmem>>, vector<16xi32>,
      tpu.vector_store %arg12[%swap3A_624, %swap3A_625], %select_n3A_622 {strides = array<i32>} : memref<4x128xi32, #tpu.memory_space<vmem>>, vector<16xi32>,
      %broadcast_in_dim3A_627 = arith.constant 0.000000e+00 : f32
      %broadcast_in_dim3A_628 = vector.broadcast %broadcast_in_dim3A_627 : f32 to vector<16xf32>
      %select_n3A_629 = arith.select %and3A_608, %get3A_601, %broadcast_in_dim3A_628 : vector<16xi1>, vector<16xf32>
      %swap3A_630 = arith.constant 224 : index
      %swap3A_631 = tpu.vector_load %arg13[%swap3A_630] {strides = array<i32>} : memref<512xf32, #tpu.memory_space<vmem>>, vector<16xf32>,
      tpu.vector_store %arg13[%swap3A_630], %select_n3A_629 {strides = array<i32>} : memref<512xf32, #tpu.memory_space<vmem>>, vector<16xf32>,
      %get3A_632 = arith.constant 1 : i32
      %get3A_633 = arith.index_cast %get3A_632 : i32 to index
      %get3A_634 = arith.constant 112 : index
      %get3A_635 = tpu.vector_load %arg10[%get3A_633, %get3A_634] {strides = array<i32>} : memref<4x128xi32, #tpu.memory_space<vmem>>, vector<16xi32>,
      %get3A_636 = arith.constant 240 : index
      %get3A_637 = tpu.vector_load %arg11[%get3A_636] {strides = array<i32>} : memref<512xf32, #tpu.memory_space<vmem>>, vector<16xf32>,
      %ge3A_638 = vector.broadcast %mul3A_0 : i32 to vector<16xi32>
      %ge3A_639 = arith.cmpi sge, %get3A_635, %ge3A_638 : vector<16xi32>
      %add3A_640 = arith.constant 40000 : i32
      %add3A_641 = arith.addi %mul3A_0, %add3A_640 : i32
      %lt3A_642 = vector.broadcast %add3A_641 : i32 to vector<16xi32>
      %lt3A_643 = arith.cmpi slt, %get3A_635, %lt3A_642 : vector<16xi32>
      %and3A_644 = arith.andi %ge3A_639, %lt3A_643 : vector<16xi1>
      %mul3A_645 = arith.constant 512 : i32
      %mul3A_646 = arith.muli %scan3A_74, %mul3A_645 : i32
      %add3A_647 = arith.constant 128 : i32
      %add3A_648 = arith.addi %mul3A_646, %add3A_647 : i32
      %add3A_649 = arith.constant 112 : i32
      %add3A_650 = arith.addi %add3A_648, %add3A_649 : i32
      %add3A_651 = vector.broadcast %add3A_650 : i32 to vector<16xi32>
      %add3A_652 = arith.addi %add3A_651, %iota3A : vector<16xi32>
      %sub3A_653 = vector.broadcast %mul3A_0 : i32 to vector<16xi32>
      %sub3A_654 = arith.subi %get3A_635, %sub3A_653 : vector<16xi32>
      %rem3A_655 = arith.constant 44800 : i32
      %rem3A_656 = vector.broadcast %rem3A_655 : i32 to vector<16xi32>
      %rem3A_657 = arith.remsi %add3A_652, %rem3A_656 : vector<16xi32>
      %select_n3A_658 = arith.select %and3A_644, %sub3A_654, %rem3A_657 : vector<16xi1>, vector<16xi32>
      %swap3A_659 = arith.constant 1 : i32
      %swap3A_660 = arith.index_cast %swap3A_659 : i32 to index
      %swap3A_661 = arith.constant 112 : index
      %swap3A_662 = tpu.vector_load %arg12[%swap3A_660, %swap3A_661] {strides = array<i32>} : memref<4x128xi32, #tpu.memory_space<vmem>>, vector<16xi32>,
      tpu.vector_store %arg12[%swap3A_660, %swap3A_661], %select_n3A_658 {strides = array<i32>} : memref<4x128xi32, #tpu.memory_space<vmem>>, vector<16xi32>,
      %broadcast_in_dim3A_663 = arith.constant 0.000000e+00 : f32
      %broadcast_in_dim3A_664 = vector.broadcast %broadcast_in_dim3A_663 : f32 to vector<16xf32>
      %select_n3A_665 = arith.select %and3A_644, %get3A_637, %broadcast_in_dim3A_664 : vector<16xi1>, vector<16xf32>
      %swap3A_666 = arith.constant 240 : index
      %swap3A_667 = tpu.vector_load %arg13[%swap3A_666] {strides = array<i32>} : memref<512xf32, #tpu.memory_space<vmem>>, vector<16xf32>,
      tpu.vector_store %arg13[%swap3A_666], %select_n3A_665 {strides = array<i32>} : memref<512xf32, #tpu.memory_space<vmem>>, vector<16xf32>,
      %get3A_668 = arith.constant 2 : i32
      %get3A_669 = arith.index_cast %get3A_668 : i32 to index
      %get3A_670 = arith.constant 0 : index
      %get3A_671 = tpu.vector_load %arg10[%get3A_669, %get3A_670] {strides = array<i32>} : memref<4x128xi32, #tpu.memory_space<vmem>>, vector<16xi32>,
      %get3A_672 = arith.constant 256 : index
      %get3A_673 = tpu.vector_load %arg11[%get3A_672] {strides = array<i32>} : memref<512xf32, #tpu.memory_space<vmem>>, vector<16xf32>,
      %ge3A_674 = vector.broadcast %mul3A_0 : i32 to vector<16xi32>
      %ge3A_675 = arith.cmpi sge, %get3A_671, %ge3A_674 : vector<16xi32>
      %add3A_676 = arith.constant 40000 : i32
      %add3A_677 = arith.addi %mul3A_0, %add3A_676 : i32
      %lt3A_678 = vector.broadcast %add3A_677 : i32 to vector<16xi32>
      %lt3A_679 = arith.cmpi slt, %get3A_671, %lt3A_678 : vector<16xi32>
      %and3A_680 = arith.andi %ge3A_675, %lt3A_679 : vector<16xi1>
      %mul3A_681 = arith.constant 512 : i32
      %mul3A_682 = arith.muli %scan3A_74, %mul3A_681 : i32
      %add3A_683 = arith.constant 256 : i32
      %add3A_684 = arith.addi %mul3A_682, %add3A_683 : i32
      %add3A_685 = arith.constant 0 : i32
      %add3A_686 = arith.addi %add3A_684, %add3A_685 : i32
      %add3A_687 = vector.broadcast %add3A_686 : i32 to vector<16xi32>
      %add3A_688 = arith.addi %add3A_687, %iota3A : vector<16xi32>
      %sub3A_689 = vector.broadcast %mul3A_0 : i32 to vector<16xi32>
      %sub3A_690 = arith.subi %get3A_671, %sub3A_689 : vector<16xi32>
      %rem3A_691 = arith.constant 44800 : i32
      %rem3A_692 = vector.broadcast %rem3A_691 : i32 to vector<16xi32>
      %rem3A_693 = arith.remsi %add3A_688, %rem3A_692 : vector<16xi32>
      %select_n3A_694 = arith.select %and3A_680, %sub3A_690, %rem3A_693 : vector<16xi1>, vector<16xi32>
      %swap3A_695 = arith.constant 2 : i32
      %swap3A_696 = arith.index_cast %swap3A_695 : i32 to index
      %swap3A_697 = arith.constant 0 : index
      %swap3A_698 = tpu.vector_load %arg12[%swap3A_696, %swap3A_697] {strides = array<i32>} : memref<4x128xi32, #tpu.memory_space<vmem>>, vector<16xi32>,
      tpu.vector_store %arg12[%swap3A_696, %swap3A_697], %select_n3A_694 {strides = array<i32>} : memref<4x128xi32, #tpu.memory_space<vmem>>, vector<16xi32>,
      %broadcast_in_dim3A_699 = arith.constant 0.000000e+00 : f32
      %broadcast_in_dim3A_700 = vector.broadcast %broadcast_in_dim3A_699 : f32 to vector<16xf32>
      %select_n3A_701 = arith.select %and3A_680, %get3A_673, %broadcast_in_dim3A_700 : vector<16xi1>, vector<16xf32>
      %swap3A_702 = arith.constant 256 : index
      %swap3A_703 = tpu.vector_load %arg13[%swap3A_702] {strides = array<i32>} : memref<512xf32, #tpu.memory_space<vmem>>, vector<16xf32>,
      tpu.vector_store %arg13[%swap3A_702], %select_n3A_701 {strides = array<i32>} : memref<512xf32, #tpu.memory_space<vmem>>, vector<16xf32>,
      %get3A_704 = arith.constant 2 : i32
      %get3A_705 = arith.index_cast %get3A_704 : i32 to index
      %get3A_706 = arith.constant 16 : index
      %get3A_707 = tpu.vector_load %arg10[%get3A_705, %get3A_706] {strides = array<i32>} : memref<4x128xi32, #tpu.memory_space<vmem>>, vector<16xi32>,
      %get3A_708 = arith.constant 272 : index
      %get3A_709 = tpu.vector_load %arg11[%get3A_708] {strides = array<i32>} : memref<512xf32, #tpu.memory_space<vmem>>, vector<16xf32>,
      %ge3A_710 = vector.broadcast %mul3A_0 : i32 to vector<16xi32>
      %ge3A_711 = arith.cmpi sge, %get3A_707, %ge3A_710 : vector<16xi32>
      %add3A_712 = arith.constant 40000 : i32
      %add3A_713 = arith.addi %mul3A_0, %add3A_712 : i32
      %lt3A_714 = vector.broadcast %add3A_713 : i32 to vector<16xi32>
      %lt3A_715 = arith.cmpi slt, %get3A_707, %lt3A_714 : vector<16xi32>
      %and3A_716 = arith.andi %ge3A_711, %lt3A_715 : vector<16xi1>
      %mul3A_717 = arith.constant 512 : i32
      %mul3A_718 = arith.muli %scan3A_74, %mul3A_717 : i32
      %add3A_719 = arith.constant 256 : i32
      %add3A_720 = arith.addi %mul3A_718, %add3A_719 : i32
      %add3A_721 = arith.constant 16 : i32
      %add3A_722 = arith.addi %add3A_720, %add3A_721 : i32
      %add3A_723 = vector.broadcast %add3A_722 : i32 to vector<16xi32>
      %add3A_724 = arith.addi %add3A_723, %iota3A : vector<16xi32>
      %sub3A_725 = vector.broadcast %mul3A_0 : i32 to vector<16xi32>
      %sub3A_726 = arith.subi %get3A_707, %sub3A_725 : vector<16xi32>
      %rem3A_727 = arith.constant 44800 : i32
      %rem3A_728 = vector.broadcast %rem3A_727 : i32 to vector<16xi32>
      %rem3A_729 = arith.remsi %add3A_724, %rem3A_728 : vector<16xi32>
      %select_n3A_730 = arith.select %and3A_716, %sub3A_726, %rem3A_729 : vector<16xi1>, vector<16xi32>
      %swap3A_731 = arith.constant 2 : i32
      %swap3A_732 = arith.index_cast %swap3A_731 : i32 to index
      %swap3A_733 = arith.constant 16 : index
      %swap3A_734 = tpu.vector_load %arg12[%swap3A_732, %swap3A_733] {strides = array<i32>} : memref<4x128xi32, #tpu.memory_space<vmem>>, vector<16xi32>,
      tpu.vector_store %arg12[%swap3A_732, %swap3A_733], %select_n3A_730 {strides = array<i32>} : memref<4x128xi32, #tpu.memory_space<vmem>>, vector<16xi32>,
      %broadcast_in_dim3A_735 = arith.constant 0.000000e+00 : f32
      %broadcast_in_dim3A_736 = vector.broadcast %broadcast_in_dim3A_735 : f32 to vector<16xf32>
      %select_n3A_737 = arith.select %and3A_716, %get3A_709, %broadcast_in_dim3A_736 : vector<16xi1>, vector<16xf32>
      %swap3A_738 = arith.constant 272 : index
      %swap3A_739 = tpu.vector_load %arg13[%swap3A_738] {strides = array<i32>} : memref<512xf32, #tpu.memory_space<vmem>>, vector<16xf32>,
      tpu.vector_store %arg13[%swap3A_738], %select_n3A_737 {strides = array<i32>} : memref<512xf32, #tpu.memory_space<vmem>>, vector<16xf32>,
      %get3A_740 = arith.constant 2 : i32
      %get3A_741 = arith.index_cast %get3A_740 : i32 to index
      %get3A_742 = arith.constant 32 : index
      %get3A_743 = tpu.vector_load %arg10[%get3A_741, %get3A_742] {strides = array<i32>} : memref<4x128xi32, #tpu.memory_space<vmem>>, vector<16xi32>,
      %get3A_744 = arith.constant 288 : index
      %get3A_745 = tpu.vector_load %arg11[%get3A_744] {strides = array<i32>} : memref<512xf32, #tpu.memory_space<vmem>>, vector<16xf32>,
      %ge3A_746 = vector.broadcast %mul3A_0 : i32 to vector<16xi32>
      %ge3A_747 = arith.cmpi sge, %get3A_743, %ge3A_746 : vector<16xi32>
      %add3A_748 = arith.constant 40000 : i32
      %add3A_749 = arith.addi %mul3A_0, %add3A_748 : i32
      %lt3A_750 = vector.broadcast %add3A_749 : i32 to vector<16xi32>
      %lt3A_751 = arith.cmpi slt, %get3A_743, %lt3A_750 : vector<16xi32>
      %and3A_752 = arith.andi %ge3A_747, %lt3A_751 : vector<16xi1>
      %mul3A_753 = arith.constant 512 : i32
      %mul3A_754 = arith.muli %scan3A_74, %mul3A_753 : i32
      %add3A_755 = arith.constant 256 : i32
      %add3A_756 = arith.addi %mul3A_754, %add3A_755 : i32
      %add3A_757 = arith.constant 32 : i32
      %add3A_758 = arith.addi %add3A_756, %add3A_757 : i32
      %add3A_759 = vector.broadcast %add3A_758 : i32 to vector<16xi32>
      %add3A_760 = arith.addi %add3A_759, %iota3A : vector<16xi32>
      %sub3A_761 = vector.broadcast %mul3A_0 : i32 to vector<16xi32>
      %sub3A_762 = arith.subi %get3A_743, %sub3A_761 : vector<16xi32>
      %rem3A_763 = arith.constant 44800 : i32
      %rem3A_764 = vector.broadcast %rem3A_763 : i32 to vector<16xi32>
      %rem3A_765 = arith.remsi %add3A_760, %rem3A_764 : vector<16xi32>
      %select_n3A_766 = arith.select %and3A_752, %sub3A_762, %rem3A_765 : vector<16xi1>, vector<16xi32>
      %swap3A_767 = arith.constant 2 : i32
      %swap3A_768 = arith.index_cast %swap3A_767 : i32 to index
      %swap3A_769 = arith.constant 32 : index
      %swap3A_770 = tpu.vector_load %arg12[%swap3A_768, %swap3A_769] {strides = array<i32>} : memref<4x128xi32, #tpu.memory_space<vmem>>, vector<16xi32>,
      tpu.vector_store %arg12[%swap3A_768, %swap3A_769], %select_n3A_766 {strides = array<i32>} : memref<4x128xi32, #tpu.memory_space<vmem>>, vector<16xi32>,
      %broadcast_in_dim3A_771 = arith.constant 0.000000e+00 : f32
      %broadcast_in_dim3A_772 = vector.broadcast %broadcast_in_dim3A_771 : f32 to vector<16xf32>
      %select_n3A_773 = arith.select %and3A_752, %get3A_745, %broadcast_in_dim3A_772 : vector<16xi1>, vector<16xf32>
      %swap3A_774 = arith.constant 288 : index
      %swap3A_775 = tpu.vector_load %arg13[%swap3A_774] {strides = array<i32>} : memref<512xf32, #tpu.memory_space<vmem>>, vector<16xf32>,
      tpu.vector_store %arg13[%swap3A_774], %select_n3A_773 {strides = array<i32>} : memref<512xf32, #tpu.memory_space<vmem>>, vector<16xf32>,
      %get3A_776 = arith.constant 2 : i32
      %get3A_777 = arith.index_cast %get3A_776 : i32 to index
      %get3A_778 = arith.constant 48 : index
      %get3A_779 = tpu.vector_load %arg10[%get3A_777, %get3A_778] {strides = array<i32>} : memref<4x128xi32, #tpu.memory_space<vmem>>, vector<16xi32>,
      %get3A_780 = arith.constant 304 : index
      %get3A_781 = tpu.vector_load %arg11[%get3A_780] {strides = array<i32>} : memref<512xf32, #tpu.memory_space<vmem>>, vector<16xf32>,
      %ge3A_782 = vector.broadcast %mul3A_0 : i32 to vector<16xi32>
      %ge3A_783 = arith.cmpi sge, %get3A_779, %ge3A_782 : vector<16xi32>
      %add3A_784 = arith.constant 40000 : i32
      %add3A_785 = arith.addi %mul3A_0, %add3A_784 : i32
      %lt3A_786 = vector.broadcast %add3A_785 : i32 to vector<16xi32>
      %lt3A_787 = arith.cmpi slt, %get3A_779, %lt3A_786 : vector<16xi32>
      %and3A_788 = arith.andi %ge3A_783, %lt3A_787 : vector<16xi1>
      %mul3A_789 = arith.constant 512 : i32
      %mul3A_790 = arith.muli %scan3A_74, %mul3A_789 : i32
      %add3A_791 = arith.constant 256 : i32
      %add3A_792 = arith.addi %mul3A_790, %add3A_791 : i32
      %add3A_793 = arith.constant 48 : i32
      %add3A_794 = arith.addi %add3A_792, %add3A_793 : i32
      %add3A_795 = vector.broadcast %add3A_794 : i32 to vector<16xi32>
      %add3A_796 = arith.addi %add3A_795, %iota3A : vector<16xi32>
      %sub3A_797 = vector.broadcast %mul3A_0 : i32 to vector<16xi32>
      %sub3A_798 = arith.subi %get3A_779, %sub3A_797 : vector<16xi32>
      %rem3A_799 = arith.constant 44800 : i32
      %rem3A_800 = vector.broadcast %rem3A_799 : i32 to vector<16xi32>
      %rem3A_801 = arith.remsi %add3A_796, %rem3A_800 : vector<16xi32>
      %select_n3A_802 = arith.select %and3A_788, %sub3A_798, %rem3A_801 : vector<16xi1>, vector<16xi32>
      %swap3A_803 = arith.constant 2 : i32
      %swap3A_804 = arith.index_cast %swap3A_803 : i32 to index
      %swap3A_805 = arith.constant 48 : index
      %swap3A_806 = tpu.vector_load %arg12[%swap3A_804, %swap3A_805] {strides = array<i32>} : memref<4x128xi32, #tpu.memory_space<vmem>>, vector<16xi32>,
      tpu.vector_store %arg12[%swap3A_804, %swap3A_805], %select_n3A_802 {strides = array<i32>} : memref<4x128xi32, #tpu.memory_space<vmem>>, vector<16xi32>,
      %broadcast_in_dim3A_807 = arith.constant 0.000000e+00 : f32
      %broadcast_in_dim3A_808 = vector.broadcast %broadcast_in_dim3A_807 : f32 to vector<16xf32>
      %select_n3A_809 = arith.select %and3A_788, %get3A_781, %broadcast_in_dim3A_808 : vector<16xi1>, vector<16xf32>
      %swap3A_810 = arith.constant 304 : index
      %swap3A_811 = tpu.vector_load %arg13[%swap3A_810] {strides = array<i32>} : memref<512xf32, #tpu.memory_space<vmem>>, vector<16xf32>,
      tpu.vector_store %arg13[%swap3A_810], %select_n3A_809 {strides = array<i32>} : memref<512xf32, #tpu.memory_space<vmem>>, vector<16xf32>,
      %get3A_812 = arith.constant 2 : i32
      %get3A_813 = arith.index_cast %get3A_812 : i32 to index
      %get3A_814 = arith.constant 64 : index
      %get3A_815 = tpu.vector_load %arg10[%get3A_813, %get3A_814] {strides = array<i32>} : memref<4x128xi32, #tpu.memory_space<vmem>>, vector<16xi32>,
      %get3A_816 = arith.constant 320 : index
      %get3A_817 = tpu.vector_load %arg11[%get3A_816] {strides = array<i32>} : memref<512xf32, #tpu.memory_space<vmem>>, vector<16xf32>,
      %ge3A_818 = vector.broadcast %mul3A_0 : i32 to vector<16xi32>
      %ge3A_819 = arith.cmpi sge, %get3A_815, %ge3A_818 : vector<16xi32>
      %add3A_820 = arith.constant 40000 : i32
      %add3A_821 = arith.addi %mul3A_0, %add3A_820 : i32
      %lt3A_822 = vector.broadcast %add3A_821 : i32 to vector<16xi32>
      %lt3A_823 = arith.cmpi slt, %get3A_815, %lt3A_822 : vector<16xi32>
      %and3A_824 = arith.andi %ge3A_819, %lt3A_823 : vector<16xi1>
      %mul3A_825 = arith.constant 512 : i32
      %mul3A_826 = arith.muli %scan3A_74, %mul3A_825 : i32
      %add3A_827 = arith.constant 256 : i32
      %add3A_828 = arith.addi %mul3A_826, %add3A_827 : i32
      %add3A_829 = arith.constant 64 : i32
      %add3A_830 = arith.addi %add3A_828, %add3A_829 : i32
      %add3A_831 = vector.broadcast %add3A_830 : i32 to vector<16xi32>
      %add3A_832 = arith.addi %add3A_831, %iota3A : vector<16xi32>
      %sub3A_833 = vector.broadcast %mul3A_0 : i32 to vector<16xi32>
      %sub3A_834 = arith.subi %get3A_815, %sub3A_833 : vector<16xi32>
      %rem3A_835 = arith.constant 44800 : i32
      %rem3A_836 = vector.broadcast %rem3A_835 : i32 to vector<16xi32>
      %rem3A_837 = arith.remsi %add3A_832, %rem3A_836 : vector<16xi32>
      %select_n3A_838 = arith.select %and3A_824, %sub3A_834, %rem3A_837 : vector<16xi1>, vector<16xi32>
      %swap3A_839 = arith.constant 2 : i32
      %swap3A_840 = arith.index_cast %swap3A_839 : i32 to index
      %swap3A_841 = arith.constant 64 : index
      %swap3A_842 = tpu.vector_load %arg12[%swap3A_840, %swap3A_841] {strides = array<i32>} : memref<4x128xi32, #tpu.memory_space<vmem>>, vector<16xi32>,
      tpu.vector_store %arg12[%swap3A_840, %swap3A_841], %select_n3A_838 {strides = array<i32>} : memref<4x128xi32, #tpu.memory_space<vmem>>, vector<16xi32>,
      %broadcast_in_dim3A_843 = arith.constant 0.000000e+00 : f32
      %broadcast_in_dim3A_844 = vector.broadcast %broadcast_in_dim3A_843 : f32 to vector<16xf32>
      %select_n3A_845 = arith.select %and3A_824, %get3A_817, %broadcast_in_dim3A_844 : vector<16xi1>, vector<16xf32>
      %swap3A_846 = arith.constant 320 : index
      %swap3A_847 = tpu.vector_load %arg13[%swap3A_846] {strides = array<i32>} : memref<512xf32, #tpu.memory_space<vmem>>, vector<16xf32>,
      tpu.vector_store %arg13[%swap3A_846], %select_n3A_845 {strides = array<i32>} : memref<512xf32, #tpu.memory_space<vmem>>, vector<16xf32>,
      %get3A_848 = arith.constant 2 : i32
      %get3A_849 = arith.index_cast %get3A_848 : i32 to index
      %get3A_850 = arith.constant 80 : index
      %get3A_851 = tpu.vector_load %arg10[%get3A_849, %get3A_850] {strides = array<i32>} : memref<4x128xi32, #tpu.memory_space<vmem>>, vector<16xi32>,
      %get3A_852 = arith.constant 336 : index
      %get3A_853 = tpu.vector_load %arg11[%get3A_852] {strides = array<i32>} : memref<512xf32, #tpu.memory_space<vmem>>, vector<16xf32>,
      %ge3A_854 = vector.broadcast %mul3A_0 : i32 to vector<16xi32>
      %ge3A_855 = arith.cmpi sge, %get3A_851, %ge3A_854 : vector<16xi32>
      %add3A_856 = arith.constant 40000 : i32
      %add3A_857 = arith.addi %mul3A_0, %add3A_856 : i32
      %lt3A_858 = vector.broadcast %add3A_857 : i32 to vector<16xi32>
      %lt3A_859 = arith.cmpi slt, %get3A_851, %lt3A_858 : vector<16xi32>
      %and3A_860 = arith.andi %ge3A_855, %lt3A_859 : vector<16xi1>
      %mul3A_861 = arith.constant 512 : i32
      %mul3A_862 = arith.muli %scan3A_74, %mul3A_861 : i32
      %add3A_863 = arith.constant 256 : i32
      %add3A_864 = arith.addi %mul3A_862, %add3A_863 : i32
      %add3A_865 = arith.constant 80 : i32
      %add3A_866 = arith.addi %add3A_864, %add3A_865 : i32
      %add3A_867 = vector.broadcast %add3A_866 : i32 to vector<16xi32>
      %add3A_868 = arith.addi %add3A_867, %iota3A : vector<16xi32>
      %sub3A_869 = vector.broadcast %mul3A_0 : i32 to vector<16xi32>
      %sub3A_870 = arith.subi %get3A_851, %sub3A_869 : vector<16xi32>
      %rem3A_871 = arith.constant 44800 : i32
      %rem3A_872 = vector.broadcast %rem3A_871 : i32 to vector<16xi32>
      %rem3A_873 = arith.remsi %add3A_868, %rem3A_872 : vector<16xi32>
      %select_n3A_874 = arith.select %and3A_860, %sub3A_870, %rem3A_873 : vector<16xi1>, vector<16xi32>
      %swap3A_875 = arith.constant 2 : i32
      %swap3A_876 = arith.index_cast %swap3A_875 : i32 to index
      %swap3A_877 = arith.constant 80 : index
      %swap3A_878 = tpu.vector_load %arg12[%swap3A_876, %swap3A_877] {strides = array<i32>} : memref<4x128xi32, #tpu.memory_space<vmem>>, vector<16xi32>,
      tpu.vector_store %arg12[%swap3A_876, %swap3A_877], %select_n3A_874 {strides = array<i32>} : memref<4x128xi32, #tpu.memory_space<vmem>>, vector<16xi32>,
      %broadcast_in_dim3A_879 = arith.constant 0.000000e+00 : f32
      %broadcast_in_dim3A_880 = vector.broadcast %broadcast_in_dim3A_879 : f32 to vector<16xf32>
      %select_n3A_881 = arith.select %and3A_860, %get3A_853, %broadcast_in_dim3A_880 : vector<16xi1>, vector<16xf32>
      %swap3A_882 = arith.constant 336 : index
      %swap3A_883 = tpu.vector_load %arg13[%swap3A_882] {strides = array<i32>} : memref<512xf32, #tpu.memory_space<vmem>>, vector<16xf32>,
      tpu.vector_store %arg13[%swap3A_882], %select_n3A_881 {strides = array<i32>} : memref<512xf32, #tpu.memory_space<vmem>>, vector<16xf32>,
      %get3A_884 = arith.constant 2 : i32
      %get3A_885 = arith.index_cast %get3A_884 : i32 to index
      %get3A_886 = arith.constant 96 : index
      %get3A_887 = tpu.vector_load %arg10[%get3A_885, %get3A_886] {strides = array<i32>} : memref<4x128xi32, #tpu.memory_space<vmem>>, vector<16xi32>,
      %get3A_888 = arith.constant 352 : index
      %get3A_889 = tpu.vector_load %arg11[%get3A_888] {strides = array<i32>} : memref<512xf32, #tpu.memory_space<vmem>>, vector<16xf32>,
      %ge3A_890 = vector.broadcast %mul3A_0 : i32 to vector<16xi32>
      %ge3A_891 = arith.cmpi sge, %get3A_887, %ge3A_890 : vector<16xi32>
      %add3A_892 = arith.constant 40000 : i32
      %add3A_893 = arith.addi %mul3A_0, %add3A_892 : i32
      %lt3A_894 = vector.broadcast %add3A_893 : i32 to vector<16xi32>
      %lt3A_895 = arith.cmpi slt, %get3A_887, %lt3A_894 : vector<16xi32>
      %and3A_896 = arith.andi %ge3A_891, %lt3A_895 : vector<16xi1>
      %mul3A_897 = arith.constant 512 : i32
      %mul3A_898 = arith.muli %scan3A_74, %mul3A_897 : i32
      %add3A_899 = arith.constant 256 : i32
      %add3A_900 = arith.addi %mul3A_898, %add3A_899 : i32
      %add3A_901 = arith.constant 96 : i32
      %add3A_902 = arith.addi %add3A_900, %add3A_901 : i32
      %add3A_903 = vector.broadcast %add3A_902 : i32 to vector<16xi32>
      %add3A_904 = arith.addi %add3A_903, %iota3A : vector<16xi32>
      %sub3A_905 = vector.broadcast %mul3A_0 : i32 to vector<16xi32>
      %sub3A_906 = arith.subi %get3A_887, %sub3A_905 : vector<16xi32>
      %rem3A_907 = arith.constant 44800 : i32
      %rem3A_908 = vector.broadcast %rem3A_907 : i32 to vector<16xi32>
      %rem3A_909 = arith.remsi %add3A_904, %rem3A_908 : vector<16xi32>
      %select_n3A_910 = arith.select %and3A_896, %sub3A_906, %rem3A_909 : vector<16xi1>, vector<16xi32>
      %swap3A_911 = arith.constant 2 : i32
      %swap3A_912 = arith.index_cast %swap3A_911 : i32 to index
      %swap3A_913 = arith.constant 96 : index
      %swap3A_914 = tpu.vector_load %arg12[%swap3A_912, %swap3A_913] {strides = array<i32>} : memref<4x128xi32, #tpu.memory_space<vmem>>, vector<16xi32>,
      tpu.vector_store %arg12[%swap3A_912, %swap3A_913], %select_n3A_910 {strides = array<i32>} : memref<4x128xi32, #tpu.memory_space<vmem>>, vector<16xi32>,
      %broadcast_in_dim3A_915 = arith.constant 0.000000e+00 : f32
      %broadcast_in_dim3A_916 = vector.broadcast %broadcast_in_dim3A_915 : f32 to vector<16xf32>
      %select_n3A_917 = arith.select %and3A_896, %get3A_889, %broadcast_in_dim3A_916 : vector<16xi1>, vector<16xf32>
      %swap3A_918 = arith.constant 352 : index
      %swap3A_919 = tpu.vector_load %arg13[%swap3A_918] {strides = array<i32>} : memref<512xf32, #tpu.memory_space<vmem>>, vector<16xf32>,
      tpu.vector_store %arg13[%swap3A_918], %select_n3A_917 {strides = array<i32>} : memref<512xf32, #tpu.memory_space<vmem>>, vector<16xf32>,
      %get3A_920 = arith.constant 2 : i32
      %get3A_921 = arith.index_cast %get3A_920 : i32 to index
      %get3A_922 = arith.constant 112 : index
      %get3A_923 = tpu.vector_load %arg10[%get3A_921, %get3A_922] {strides = array<i32>} : memref<4x128xi32, #tpu.memory_space<vmem>>, vector<16xi32>,
      %get3A_924 = arith.constant 368 : index
      %get3A_925 = tpu.vector_load %arg11[%get3A_924] {strides = array<i32>} : memref<512xf32, #tpu.memory_space<vmem>>, vector<16xf32>,
      %ge3A_926 = vector.broadcast %mul3A_0 : i32 to vector<16xi32>
      %ge3A_927 = arith.cmpi sge, %get3A_923, %ge3A_926 : vector<16xi32>
      %add3A_928 = arith.constant 40000 : i32
      %add3A_929 = arith.addi %mul3A_0, %add3A_928 : i32
      %lt3A_930 = vector.broadcast %add3A_929 : i32 to vector<16xi32>
      %lt3A_931 = arith.cmpi slt, %get3A_923, %lt3A_930 : vector<16xi32>
      %and3A_932 = arith.andi %ge3A_927, %lt3A_931 : vector<16xi1>
      %mul3A_933 = arith.constant 512 : i32
      %mul3A_934 = arith.muli %scan3A_74, %mul3A_933 : i32
      %add3A_935 = arith.constant 256 : i32
      %add3A_936 = arith.addi %mul3A_934, %add3A_935 : i32
      %add3A_937 = arith.constant 112 : i32
      %add3A_938 = arith.addi %add3A_936, %add3A_937 : i32
      %add3A_939 = vector.broadcast %add3A_938 : i32 to vector<16xi32>
      %add3A_940 = arith.addi %add3A_939, %iota3A : vector<16xi32>
      %sub3A_941 = vector.broadcast %mul3A_0 : i32 to vector<16xi32>
      %sub3A_942 = arith.subi %get3A_923, %sub3A_941 : vector<16xi32>
      %rem3A_943 = arith.constant 44800 : i32
      %rem3A_944 = vector.broadcast %rem3A_943 : i32 to vector<16xi32>
      %rem3A_945 = arith.remsi %add3A_940, %rem3A_944 : vector<16xi32>
      %select_n3A_946 = arith.select %and3A_932, %sub3A_942, %rem3A_945 : vector<16xi1>, vector<16xi32>
      %swap3A_947 = arith.constant 2 : i32
      %swap3A_948 = arith.index_cast %swap3A_947 : i32 to index
      %swap3A_949 = arith.constant 112 : index
      %swap3A_950 = tpu.vector_load %arg12[%swap3A_948, %swap3A_949] {strides = array<i32>} : memref<4x128xi32, #tpu.memory_space<vmem>>, vector<16xi32>,
      tpu.vector_store %arg12[%swap3A_948, %swap3A_949], %select_n3A_946 {strides = array<i32>} : memref<4x128xi32, #tpu.memory_space<vmem>>, vector<16xi32>,
      %broadcast_in_dim3A_951 = arith.constant 0.000000e+00 : f32
      %broadcast_in_dim3A_952 = vector.broadcast %broadcast_in_dim3A_951 : f32 to vector<16xf32>
      %select_n3A_953 = arith.select %and3A_932, %get3A_925, %broadcast_in_dim3A_952 : vector<16xi1>, vector<16xf32>
      %swap3A_954 = arith.constant 368 : index
      %swap3A_955 = tpu.vector_load %arg13[%swap3A_954] {strides = array<i32>} : memref<512xf32, #tpu.memory_space<vmem>>, vector<16xf32>,
      tpu.vector_store %arg13[%swap3A_954], %select_n3A_953 {strides = array<i32>} : memref<512xf32, #tpu.memory_space<vmem>>, vector<16xf32>,
      %get3A_956 = arith.constant 3 : i32
      %get3A_957 = arith.index_cast %get3A_956 : i32 to index
      %get3A_958 = arith.constant 0 : index
      %get3A_959 = tpu.vector_load %arg10[%get3A_957, %get3A_958] {strides = array<i32>} : memref<4x128xi32, #tpu.memory_space<vmem>>, vector<16xi32>,
      %get3A_960 = arith.constant 384 : index
      %get3A_961 = tpu.vector_load %arg11[%get3A_960] {strides = array<i32>} : memref<512xf32, #tpu.memory_space<vmem>>, vector<16xf32>,
      %ge3A_962 = vector.broadcast %mul3A_0 : i32 to vector<16xi32>
      %ge3A_963 = arith.cmpi sge, %get3A_959, %ge3A_962 : vector<16xi32>
      %add3A_964 = arith.constant 40000 : i32
      %add3A_965 = arith.addi %mul3A_0, %add3A_964 : i32
      %lt3A_966 = vector.broadcast %add3A_965 : i32 to vector<16xi32>
      %lt3A_967 = arith.cmpi slt, %get3A_959, %lt3A_966 : vector<16xi32>
      %and3A_968 = arith.andi %ge3A_963, %lt3A_967 : vector<16xi1>
      %mul3A_969 = arith.constant 512 : i32
      %mul3A_970 = arith.muli %scan3A_74, %mul3A_969 : i32
      %add3A_971 = arith.constant 384 : i32
      %add3A_972 = arith.addi %mul3A_970, %add3A_971 : i32
      %add3A_973 = arith.constant 0 : i32
      %add3A_974 = arith.addi %add3A_972, %add3A_973 : i32
      %add3A_975 = vector.broadcast %add3A_974 : i32 to vector<16xi32>
      %add3A_976 = arith.addi %add3A_975, %iota3A : vector<16xi32>
      %sub3A_977 = vector.broadcast %mul3A_0 : i32 to vector<16xi32>
      %sub3A_978 = arith.subi %get3A_959, %sub3A_977 : vector<16xi32>
      %rem3A_979 = arith.constant 44800 : i32
      %rem3A_980 = vector.broadcast %rem3A_979 : i32 to vector<16xi32>
      %rem3A_981 = arith.remsi %add3A_976, %rem3A_980 : vector<16xi32>
      %select_n3A_982 = arith.select %and3A_968, %sub3A_978, %rem3A_981 : vector<16xi1>, vector<16xi32>
      %swap3A_983 = arith.constant 3 : i32
      %swap3A_984 = arith.index_cast %swap3A_983 : i32 to index
      %swap3A_985 = arith.constant 0 : index
      %swap3A_986 = tpu.vector_load %arg12[%swap3A_984, %swap3A_985] {strides = array<i32>} : memref<4x128xi32, #tpu.memory_space<vmem>>, vector<16xi32>,
      tpu.vector_store %arg12[%swap3A_984, %swap3A_985], %select_n3A_982 {strides = array<i32>} : memref<4x128xi32, #tpu.memory_space<vmem>>, vector<16xi32>,
      %broadcast_in_dim3A_987 = arith.constant 0.000000e+00 : f32
      %broadcast_in_dim3A_988 = vector.broadcast %broadcast_in_dim3A_987 : f32 to vector<16xf32>
      %select_n3A_989 = arith.select %and3A_968, %get3A_961, %broadcast_in_dim3A_988 : vector<16xi1>, vector<16xf32>
      %swap3A_990 = arith.constant 384 : index
      %swap3A_991 = tpu.vector_load %arg13[%swap3A_990] {strides = array<i32>} : memref<512xf32, #tpu.memory_space<vmem>>, vector<16xf32>,
      tpu.vector_store %arg13[%swap3A_990], %select_n3A_989 {strides = array<i32>} : memref<512xf32, #tpu.memory_space<vmem>>, vector<16xf32>,
      %get3A_992 = arith.constant 3 : i32
      %get3A_993 = arith.index_cast %get3A_992 : i32 to index
      %get3A_994 = arith.constant 16 : index
      %get3A_995 = tpu.vector_load %arg10[%get3A_993, %get3A_994] {strides = array<i32>} : memref<4x128xi32, #tpu.memory_space<vmem>>, vector<16xi32>,
      %get3A_996 = arith.constant 400 : index
      %get3A_997 = tpu.vector_load %arg11[%get3A_996] {strides = array<i32>} : memref<512xf32, #tpu.memory_space<vmem>>, vector<16xf32>,
      %ge3A_998 = vector.broadcast %mul3A_0 : i32 to vector<16xi32>
      %ge3A_999 = arith.cmpi sge, %get3A_995, %ge3A_998 : vector<16xi32>
      %add3A_1000 = arith.constant 40000 : i32
      %add3A_1001 = arith.addi %mul3A_0, %add3A_1000 : i32
      %lt3A_1002 = vector.broadcast %add3A_1001 : i32 to vector<16xi32>
      %lt3A_1003 = arith.cmpi slt, %get3A_995, %lt3A_1002 : vector<16xi32>
      %and3A_1004 = arith.andi %ge3A_999, %lt3A_1003 : vector<16xi1>
      %mul3A_1005 = arith.constant 512 : i32
      %mul3A_1006 = arith.muli %scan3A_74, %mul3A_1005 : i32
      %add3A_1007 = arith.constant 384 : i32
      %add3A_1008 = arith.addi %mul3A_1006, %add3A_1007 : i32
      %add3A_1009 = arith.constant 16 : i32
      %add3A_1010 = arith.addi %add3A_1008, %add3A_1009 : i32
      %add3A_1011 = vector.broadcast %add3A_1010 : i32 to vector<16xi32>
      %add3A_1012 = arith.addi %add3A_1011, %iota3A : vector<16xi32>
      %sub3A_1013 = vector.broadcast %mul3A_0 : i32 to vector<16xi32>
      %sub3A_1014 = arith.subi %get3A_995, %sub3A_1013 : vector<16xi32>
      %rem3A_1015 = arith.constant 44800 : i32
      %rem3A_1016 = vector.broadcast %rem3A_1015 : i32 to vector<16xi32>
      %rem3A_1017 = arith.remsi %add3A_1012, %rem3A_1016 : vector<16xi32>
      %select_n3A_1018 = arith.select %and3A_1004, %sub3A_1014, %rem3A_1017 : vector<16xi1>, vector<16xi32>
      %swap3A_1019 = arith.constant 3 : i32
      %swap3A_1020 = arith.index_cast %swap3A_1019 : i32 to index
      %swap3A_1021 = arith.constant 16 : index
      %swap3A_1022 = tpu.vector_load %arg12[%swap3A_1020, %swap3A_1021] {strides = array<i32>} : memref<4x128xi32, #tpu.memory_space<vmem>>, vector<16xi32>,
      tpu.vector_store %arg12[%swap3A_1020, %swap3A_1021], %select_n3A_1018 {strides = array<i32>} : memref<4x128xi32, #tpu.memory_space<vmem>>, vector<16xi32>,
      %broadcast_in_dim3A_1023 = arith.constant 0.000000e+00 : f32
      %broadcast_in_dim3A_1024 = vector.broadcast %broadcast_in_dim3A_1023 : f32 to vector<16xf32>
      %select_n3A_1025 = arith.select %and3A_1004, %get3A_997, %broadcast_in_dim3A_1024 : vector<16xi1>, vector<16xf32>
      %swap3A_1026 = arith.constant 400 : index
      %swap3A_1027 = tpu.vector_load %arg13[%swap3A_1026] {strides = array<i32>} : memref<512xf32, #tpu.memory_space<vmem>>, vector<16xf32>,
      tpu.vector_store %arg13[%swap3A_1026], %select_n3A_1025 {strides = array<i32>} : memref<512xf32, #tpu.memory_space<vmem>>, vector<16xf32>,
      %get3A_1028 = arith.constant 3 : i32
      %get3A_1029 = arith.index_cast %get3A_1028 : i32 to index
      %get3A_1030 = arith.constant 32 : index
      %get3A_1031 = tpu.vector_load %arg10[%get3A_1029, %get3A_1030] {strides = array<i32>} : memref<4x128xi32, #tpu.memory_space<vmem>>, vector<16xi32>,
      %get3A_1032 = arith.constant 416 : index
      %get3A_1033 = tpu.vector_load %arg11[%get3A_1032] {strides = array<i32>} : memref<512xf32, #tpu.memory_space<vmem>>, vector<16xf32>,
      %ge3A_1034 = vector.broadcast %mul3A_0 : i32 to vector<16xi32>
      %ge3A_1035 = arith.cmpi sge, %get3A_1031, %ge3A_1034 : vector<16xi32>
      %add3A_1036 = arith.constant 40000 : i32
      %add3A_1037 = arith.addi %mul3A_0, %add3A_1036 : i32
      %lt3A_1038 = vector.broadcast %add3A_1037 : i32 to vector<16xi32>
      %lt3A_1039 = arith.cmpi slt, %get3A_1031, %lt3A_1038 : vector<16xi32>
      %and3A_1040 = arith.andi %ge3A_1035, %lt3A_1039 : vector<16xi1>
      %mul3A_1041 = arith.constant 512 : i32
      %mul3A_1042 = arith.muli %scan3A_74, %mul3A_1041 : i32
      %add3A_1043 = arith.constant 384 : i32
      %add3A_1044 = arith.addi %mul3A_1042, %add3A_1043 : i32
      %add3A_1045 = arith.constant 32 : i32
      %add3A_1046 = arith.addi %add3A_1044, %add3A_1045 : i32
      %add3A_1047 = vector.broadcast %add3A_1046 : i32 to vector<16xi32>
      %add3A_1048 = arith.addi %add3A_1047, %iota3A : vector<16xi32>
      %sub3A_1049 = vector.broadcast %mul3A_0 : i32 to vector<16xi32>
      %sub3A_1050 = arith.subi %get3A_1031, %sub3A_1049 : vector<16xi32>
      %rem3A_1051 = arith.constant 44800 : i32
      %rem3A_1052 = vector.broadcast %rem3A_1051 : i32 to vector<16xi32>
      %rem3A_1053 = arith.remsi %add3A_1048, %rem3A_1052 : vector<16xi32>
      %select_n3A_1054 = arith.select %and3A_1040, %sub3A_1050, %rem3A_1053 : vector<16xi1>, vector<16xi32>
      %swap3A_1055 = arith.constant 3 : i32
      %swap3A_1056 = arith.index_cast %swap3A_1055 : i32 to index
      %swap3A_1057 = arith.constant 32 : index
      %swap3A_1058 = tpu.vector_load %arg12[%swap3A_1056, %swap3A_1057] {strides = array<i32>} : memref<4x128xi32, #tpu.memory_space<vmem>>, vector<16xi32>,
      tpu.vector_store %arg12[%swap3A_1056, %swap3A_1057], %select_n3A_1054 {strides = array<i32>} : memref<4x128xi32, #tpu.memory_space<vmem>>, vector<16xi32>,
      %broadcast_in_dim3A_1059 = arith.constant 0.000000e+00 : f32
      %broadcast_in_dim3A_1060 = vector.broadcast %broadcast_in_dim3A_1059 : f32 to vector<16xf32>
      %select_n3A_1061 = arith.select %and3A_1040, %get3A_1033, %broadcast_in_dim3A_1060 : vector<16xi1>, vector<16xf32>
      %swap3A_1062 = arith.constant 416 : index
      %swap3A_1063 = tpu.vector_load %arg13[%swap3A_1062] {strides = array<i32>} : memref<512xf32, #tpu.memory_space<vmem>>, vector<16xf32>,
      tpu.vector_store %arg13[%swap3A_1062], %select_n3A_1061 {strides = array<i32>} : memref<512xf32, #tpu.memory_space<vmem>>, vector<16xf32>,
      %get3A_1064 = arith.constant 3 : i32
      %get3A_1065 = arith.index_cast %get3A_1064 : i32 to index
      %get3A_1066 = arith.constant 48 : index
      %get3A_1067 = tpu.vector_load %arg10[%get3A_1065, %get3A_1066] {strides = array<i32>} : memref<4x128xi32, #tpu.memory_space<vmem>>, vector<16xi32>,
      %get3A_1068 = arith.constant 432 : index
      %get3A_1069 = tpu.vector_load %arg11[%get3A_1068] {strides = array<i32>} : memref<512xf32, #tpu.memory_space<vmem>>, vector<16xf32>,
      %ge3A_1070 = vector.broadcast %mul3A_0 : i32 to vector<16xi32>
      %ge3A_1071 = arith.cmpi sge, %get3A_1067, %ge3A_1070 : vector<16xi32>
      %add3A_1072 = arith.constant 40000 : i32
      %add3A_1073 = arith.addi %mul3A_0, %add3A_1072 : i32
      %lt3A_1074 = vector.broadcast %add3A_1073 : i32 to vector<16xi32>
      %lt3A_1075 = arith.cmpi slt, %get3A_1067, %lt3A_1074 : vector<16xi32>
      %and3A_1076 = arith.andi %ge3A_1071, %lt3A_1075 : vector<16xi1>
      %mul3A_1077 = arith.constant 512 : i32
      %mul3A_1078 = arith.muli %scan3A_74, %mul3A_1077 : i32
      %add3A_1079 = arith.constant 384 : i32
      %add3A_1080 = arith.addi %mul3A_1078, %add3A_1079 : i32
      %add3A_1081 = arith.constant 48 : i32
      %add3A_1082 = arith.addi %add3A_1080, %add3A_1081 : i32
      %add3A_1083 = vector.broadcast %add3A_1082 : i32 to vector<16xi32>
      %add3A_1084 = arith.addi %add3A_1083, %iota3A : vector<16xi32>
      %sub3A_1085 = vector.broadcast %mul3A_0 : i32 to vector<16xi32>
      %sub3A_1086 = arith.subi %get3A_1067, %sub3A_1085 : vector<16xi32>
      %rem3A_1087 = arith.constant 44800 : i32
      %rem3A_1088 = vector.broadcast %rem3A_1087 : i32 to vector<16xi32>
      %rem3A_1089 = arith.remsi %add3A_1084, %rem3A_1088 : vector<16xi32>
      %select_n3A_1090 = arith.select %and3A_1076, %sub3A_1086, %rem3A_1089 : vector<16xi1>, vector<16xi32>
      %swap3A_1091 = arith.constant 3 : i32
      %swap3A_1092 = arith.index_cast %swap3A_1091 : i32 to index
      %swap3A_1093 = arith.constant 48 : index
      %swap3A_1094 = tpu.vector_load %arg12[%swap3A_1092, %swap3A_1093] {strides = array<i32>} : memref<4x128xi32, #tpu.memory_space<vmem>>, vector<16xi32>,
      tpu.vector_store %arg12[%swap3A_1092, %swap3A_1093], %select_n3A_1090 {strides = array<i32>} : memref<4x128xi32, #tpu.memory_space<vmem>>, vector<16xi32>,
      %broadcast_in_dim3A_1095 = arith.constant 0.000000e+00 : f32
      %broadcast_in_dim3A_1096 = vector.broadcast %broadcast_in_dim3A_1095 : f32 to vector<16xf32>
      %select_n3A_1097 = arith.select %and3A_1076, %get3A_1069, %broadcast_in_dim3A_1096 : vector<16xi1>, vector<16xf32>
      %swap3A_1098 = arith.constant 432 : index
      %swap3A_1099 = tpu.vector_load %arg13[%swap3A_1098] {strides = array<i32>} : memref<512xf32, #tpu.memory_space<vmem>>, vector<16xf32>,
      tpu.vector_store %arg13[%swap3A_1098], %select_n3A_1097 {strides = array<i32>} : memref<512xf32, #tpu.memory_space<vmem>>, vector<16xf32>,
      %get3A_1100 = arith.constant 3 : i32
      %get3A_1101 = arith.index_cast %get3A_1100 : i32 to index
      %get3A_1102 = arith.constant 64 : index
      %get3A_1103 = tpu.vector_load %arg10[%get3A_1101, %get3A_1102] {strides = array<i32>} : memref<4x128xi32, #tpu.memory_space<vmem>>, vector<16xi32>,
      %get3A_1104 = arith.constant 448 : index
      %get3A_1105 = tpu.vector_load %arg11[%get3A_1104] {strides = array<i32>} : memref<512xf32, #tpu.memory_space<vmem>>, vector<16xf32>,
      %ge3A_1106 = vector.broadcast %mul3A_0 : i32 to vector<16xi32>
      %ge3A_1107 = arith.cmpi sge, %get3A_1103, %ge3A_1106 : vector<16xi32>
      %add3A_1108 = arith.constant 40000 : i32
      %add3A_1109 = arith.addi %mul3A_0, %add3A_1108 : i32
      %lt3A_1110 = vector.broadcast %add3A_1109 : i32 to vector<16xi32>
      %lt3A_1111 = arith.cmpi slt, %get3A_1103, %lt3A_1110 : vector<16xi32>
      %and3A_1112 = arith.andi %ge3A_1107, %lt3A_1111 : vector<16xi1>
      %mul3A_1113 = arith.constant 512 : i32
      %mul3A_1114 = arith.muli %scan3A_74, %mul3A_1113 : i32
      %add3A_1115 = arith.constant 384 : i32
      %add3A_1116 = arith.addi %mul3A_1114, %add3A_1115 : i32
      %add3A_1117 = arith.constant 64 : i32
      %add3A_1118 = arith.addi %add3A_1116, %add3A_1117 : i32
      %add3A_1119 = vector.broadcast %add3A_1118 : i32 to vector<16xi32>
      %add3A_1120 = arith.addi %add3A_1119, %iota3A : vector<16xi32>
      %sub3A_1121 = vector.broadcast %mul3A_0 : i32 to vector<16xi32>
      %sub3A_1122 = arith.subi %get3A_1103, %sub3A_1121 : vector<16xi32>
      %rem3A_1123 = arith.constant 44800 : i32
      %rem3A_1124 = vector.broadcast %rem3A_1123 : i32 to vector<16xi32>
      %rem3A_1125 = arith.remsi %add3A_1120, %rem3A_1124 : vector<16xi32>
      %select_n3A_1126 = arith.select %and3A_1112, %sub3A_1122, %rem3A_1125 : vector<16xi1>, vector<16xi32>
      %swap3A_1127 = arith.constant 3 : i32
      %swap3A_1128 = arith.index_cast %swap3A_1127 : i32 to index
      %swap3A_1129 = arith.constant 64 : index
      %swap3A_1130 = tpu.vector_load %arg12[%swap3A_1128, %swap3A_1129] {strides = array<i32>} : memref<4x128xi32, #tpu.memory_space<vmem>>, vector<16xi32>,
      tpu.vector_store %arg12[%swap3A_1128, %swap3A_1129], %select_n3A_1126 {strides = array<i32>} : memref<4x128xi32, #tpu.memory_space<vmem>>, vector<16xi32>,
      %broadcast_in_dim3A_1131 = arith.constant 0.000000e+00 : f32
      %broadcast_in_dim3A_1132 = vector.broadcast %broadcast_in_dim3A_1131 : f32 to vector<16xf32>
      %select_n3A_1133 = arith.select %and3A_1112, %get3A_1105, %broadcast_in_dim3A_1132 : vector<16xi1>, vector<16xf32>
      %swap3A_1134 = arith.constant 448 : index
      %swap3A_1135 = tpu.vector_load %arg13[%swap3A_1134] {strides = array<i32>} : memref<512xf32, #tpu.memory_space<vmem>>, vector<16xf32>,
      tpu.vector_store %arg13[%swap3A_1134], %select_n3A_1133 {strides = array<i32>} : memref<512xf32, #tpu.memory_space<vmem>>, vector<16xf32>,
      %get3A_1136 = arith.constant 3 : i32
      %get3A_1137 = arith.index_cast %get3A_1136 : i32 to index
      %get3A_1138 = arith.constant 80 : index
      %get3A_1139 = tpu.vector_load %arg10[%get3A_1137, %get3A_1138] {strides = array<i32>} : memref<4x128xi32, #tpu.memory_space<vmem>>, vector<16xi32>,
      %get3A_1140 = arith.constant 464 : index
      %get3A_1141 = tpu.vector_load %arg11[%get3A_1140] {strides = array<i32>} : memref<512xf32, #tpu.memory_space<vmem>>, vector<16xf32>,
      %ge3A_1142 = vector.broadcast %mul3A_0 : i32 to vector<16xi32>
      %ge3A_1143 = arith.cmpi sge, %get3A_1139, %ge3A_1142 : vector<16xi32>
      %add3A_1144 = arith.constant 40000 : i32
      %add3A_1145 = arith.addi %mul3A_0, %add3A_1144 : i32
      %lt3A_1146 = vector.broadcast %add3A_1145 : i32 to vector<16xi32>
      %lt3A_1147 = arith.cmpi slt, %get3A_1139, %lt3A_1146 : vector<16xi32>
      %and3A_1148 = arith.andi %ge3A_1143, %lt3A_1147 : vector<16xi1>
      %mul3A_1149 = arith.constant 512 : i32
      %mul3A_1150 = arith.muli %scan3A_74, %mul3A_1149 : i32
      %add3A_1151 = arith.constant 384 : i32
      %add3A_1152 = arith.addi %mul3A_1150, %add3A_1151 : i32
      %add3A_1153 = arith.constant 80 : i32
      %add3A_1154 = arith.addi %add3A_1152, %add3A_1153 : i32
      %add3A_1155 = vector.broadcast %add3A_1154 : i32 to vector<16xi32>
      %add3A_1156 = arith.addi %add3A_1155, %iota3A : vector<16xi32>
      %sub3A_1157 = vector.broadcast %mul3A_0 : i32 to vector<16xi32>
      %sub3A_1158 = arith.subi %get3A_1139, %sub3A_1157 : vector<16xi32>
      %rem3A_1159 = arith.constant 44800 : i32
      %rem3A_1160 = vector.broadcast %rem3A_1159 : i32 to vector<16xi32>
      %rem3A_1161 = arith.remsi %add3A_1156, %rem3A_1160 : vector<16xi32>
      %select_n3A_1162 = arith.select %and3A_1148, %sub3A_1158, %rem3A_1161 : vector<16xi1>, vector<16xi32>
      %swap3A_1163 = arith.constant 3 : i32
      %swap3A_1164 = arith.index_cast %swap3A_1163 : i32 to index
      %swap3A_1165 = arith.constant 80 : index
      %swap3A_1166 = tpu.vector_load %arg12[%swap3A_1164, %swap3A_1165] {strides = array<i32>} : memref<4x128xi32, #tpu.memory_space<vmem>>, vector<16xi32>,
      tpu.vector_store %arg12[%swap3A_1164, %swap3A_1165], %select_n3A_1162 {strides = array<i32>} : memref<4x128xi32, #tpu.memory_space<vmem>>, vector<16xi32>,
      %broadcast_in_dim3A_1167 = arith.constant 0.000000e+00 : f32
      %broadcast_in_dim3A_1168 = vector.broadcast %broadcast_in_dim3A_1167 : f32 to vector<16xf32>
      %select_n3A_1169 = arith.select %and3A_1148, %get3A_1141, %broadcast_in_dim3A_1168 : vector<16xi1>, vector<16xf32>
      %swap3A_1170 = arith.constant 464 : index
      %swap3A_1171 = tpu.vector_load %arg13[%swap3A_1170] {strides = array<i32>} : memref<512xf32, #tpu.memory_space<vmem>>, vector<16xf32>,
      tpu.vector_store %arg13[%swap3A_1170], %select_n3A_1169 {strides = array<i32>} : memref<512xf32, #tpu.memory_space<vmem>>, vector<16xf32>,
      %get3A_1172 = arith.constant 3 : i32
      %get3A_1173 = arith.index_cast %get3A_1172 : i32 to index
      %get3A_1174 = arith.constant 96 : index
      %get3A_1175 = tpu.vector_load %arg10[%get3A_1173, %get3A_1174] {strides = array<i32>} : memref<4x128xi32, #tpu.memory_space<vmem>>, vector<16xi32>,
      %get3A_1176 = arith.constant 480 : index
      %get3A_1177 = tpu.vector_load %arg11[%get3A_1176] {strides = array<i32>} : memref<512xf32, #tpu.memory_space<vmem>>, vector<16xf32>,
      %ge3A_1178 = vector.broadcast %mul3A_0 : i32 to vector<16xi32>
      %ge3A_1179 = arith.cmpi sge, %get3A_1175, %ge3A_1178 : vector<16xi32>
      %add3A_1180 = arith.constant 40000 : i32
      %add3A_1181 = arith.addi %mul3A_0, %add3A_1180 : i32
      %lt3A_1182 = vector.broadcast %add3A_1181 : i32 to vector<16xi32>
      %lt3A_1183 = arith.cmpi slt, %get3A_1175, %lt3A_1182 : vector<16xi32>
      %and3A_1184 = arith.andi %ge3A_1179, %lt3A_1183 : vector<16xi1>
      %mul3A_1185 = arith.constant 512 : i32
      %mul3A_1186 = arith.muli %scan3A_74, %mul3A_1185 : i32
      %add3A_1187 = arith.constant 384 : i32
      %add3A_1188 = arith.addi %mul3A_1186, %add3A_1187 : i32
      %add3A_1189 = arith.constant 96 : i32
      %add3A_1190 = arith.addi %add3A_1188, %add3A_1189 : i32
      %add3A_1191 = vector.broadcast %add3A_1190 : i32 to vector<16xi32>
      %add3A_1192 = arith.addi %add3A_1191, %iota3A : vector<16xi32>
      %sub3A_1193 = vector.broadcast %mul3A_0 : i32 to vector<16xi32>
      %sub3A_1194 = arith.subi %get3A_1175, %sub3A_1193 : vector<16xi32>
      %rem3A_1195 = arith.constant 44800 : i32
      %rem3A_1196 = vector.broadcast %rem3A_1195 : i32 to vector<16xi32>
      %rem3A_1197 = arith.remsi %add3A_1192, %rem3A_1196 : vector<16xi32>
      %select_n3A_1198 = arith.select %and3A_1184, %sub3A_1194, %rem3A_1197 : vector<16xi1>, vector<16xi32>
      %swap3A_1199 = arith.constant 3 : i32
      %swap3A_1200 = arith.index_cast %swap3A_1199 : i32 to index
      %swap3A_1201 = arith.constant 96 : index
      %swap3A_1202 = tpu.vector_load %arg12[%swap3A_1200, %swap3A_1201] {strides = array<i32>} : memref<4x128xi32, #tpu.memory_space<vmem>>, vector<16xi32>,
      tpu.vector_store %arg12[%swap3A_1200, %swap3A_1201], %select_n3A_1198 {strides = array<i32>} : memref<4x128xi32, #tpu.memory_space<vmem>>, vector<16xi32>,
      %broadcast_in_dim3A_1203 = arith.constant 0.000000e+00 : f32
      %broadcast_in_dim3A_1204 = vector.broadcast %broadcast_in_dim3A_1203 : f32 to vector<16xf32>
      %select_n3A_1205 = arith.select %and3A_1184, %get3A_1177, %broadcast_in_dim3A_1204 : vector<16xi1>, vector<16xf32>
      %swap3A_1206 = arith.constant 480 : index
      %swap3A_1207 = tpu.vector_load %arg13[%swap3A_1206] {strides = array<i32>} : memref<512xf32, #tpu.memory_space<vmem>>, vector<16xf32>,
      tpu.vector_store %arg13[%swap3A_1206], %select_n3A_1205 {strides = array<i32>} : memref<512xf32, #tpu.memory_space<vmem>>, vector<16xf32>,
      %get3A_1208 = arith.constant 3 : i32
      %get3A_1209 = arith.index_cast %get3A_1208 : i32 to index
      %get3A_1210 = arith.constant 112 : index
      %get3A_1211 = tpu.vector_load %arg10[%get3A_1209, %get3A_1210] {strides = array<i32>} : memref<4x128xi32, #tpu.memory_space<vmem>>, vector<16xi32>,
      %get3A_1212 = arith.constant 496 : index
      %get3A_1213 = tpu.vector_load %arg11[%get3A_1212] {strides = array<i32>} : memref<512xf32, #tpu.memory_space<vmem>>, vector<16xf32>,
      %ge3A_1214 = vector.broadcast %mul3A_0 : i32 to vector<16xi32>
      %ge3A_1215 = arith.cmpi sge, %get3A_1211, %ge3A_1214 : vector<16xi32>
      %add3A_1216 = arith.constant 40000 : i32
      %add3A_1217 = arith.addi %mul3A_0, %add3A_1216 : i32
      %lt3A_1218 = vector.broadcast %add3A_1217 : i32 to vector<16xi32>
      %lt3A_1219 = arith.cmpi slt, %get3A_1211, %lt3A_1218 : vector<16xi32>
      %and3A_1220 = arith.andi %ge3A_1215, %lt3A_1219 : vector<16xi1>
      %mul3A_1221 = arith.constant 512 : i32
      %mul3A_1222 = arith.muli %scan3A_74, %mul3A_1221 : i32
      %add3A_1223 = arith.constant 384 : i32
      %add3A_1224 = arith.addi %mul3A_1222, %add3A_1223 : i32
      %add3A_1225 = arith.constant 112 : i32
      %add3A_1226 = arith.addi %add3A_1224, %add3A_1225 : i32
      %add3A_1227 = vector.broadcast %add3A_1226 : i32 to vector<16xi32>
      %add3A_1228 = arith.addi %add3A_1227, %iota3A : vector<16xi32>
      %sub3A_1229 = vector.broadcast %mul3A_0 : i32 to vector<16xi32>
      %sub3A_1230 = arith.subi %get3A_1211, %sub3A_1229 : vector<16xi32>
      %rem3A_1231 = arith.constant 44800 : i32
      %rem3A_1232 = vector.broadcast %rem3A_1231 : i32 to vector<16xi32>
      %rem3A_1233 = arith.remsi %add3A_1228, %rem3A_1232 : vector<16xi32>
      %select_n3A_1234 = arith.select %and3A_1220, %sub3A_1230, %rem3A_1233 : vector<16xi1>, vector<16xi32>
      %swap3A_1235 = arith.constant 3 : i32
      %swap3A_1236 = arith.index_cast %swap3A_1235 : i32 to index
      %swap3A_1237 = arith.constant 112 : index
      %swap3A_1238 = tpu.vector_load %arg12[%swap3A_1236, %swap3A_1237] {strides = array<i32>} : memref<4x128xi32, #tpu.memory_space<vmem>>, vector<16xi32>,
      tpu.vector_store %arg12[%swap3A_1236, %swap3A_1237], %select_n3A_1234 {strides = array<i32>} : memref<4x128xi32, #tpu.memory_space<vmem>>, vector<16xi32>,
      %broadcast_in_dim3A_1239 = arith.constant 0.000000e+00 : f32
      %broadcast_in_dim3A_1240 = vector.broadcast %broadcast_in_dim3A_1239 : f32 to vector<16xf32>
      %select_n3A_1241 = arith.select %and3A_1220, %get3A_1213, %broadcast_in_dim3A_1240 : vector<16xi1>, vector<16xf32>
      %swap3A_1242 = arith.constant 496 : index
      %swap3A_1243 = tpu.vector_load %arg13[%swap3A_1242] {strides = array<i32>} : memref<512xf32, #tpu.memory_space<vmem>>, vector<16xf32>,
      tpu.vector_store %arg13[%swap3A_1242], %select_n3A_1241 {strides = array<i32>} : memref<512xf32, #tpu.memory_space<vmem>>, vector<16xf32>,
      %dma_start3A = arith.constant 0 : i32
      %dma_start3A_1244 = arith.constant 0 : i32
      %dma_start3A_1245 = arith.constant 0 : i32
      %dma_start3A_1246 = tpu.memref_slice %arg14[%dma_start3A_1244, %dma_start3A_1245] : memref<512x32xf32, #tpu.memory_space<vmem>> -> memref<128x32xf32, #tpu.memory_space<vmem>>
      %dma_start3A_1247 = arith.constant 0 : i32
      %dma_start3A_1248 = tpu.memref_slice %arg9[%dma_start3A, %dma_start3A_1247] : memref<4x128xi32, #tpu.memory_space<vmem>> -> memref<1x128xi32, #tpu.memory_space<vmem>>
      %dma_start3A_1249 = tpu.memref_squeeze %dma_start3A_1248 : memref<1x128xi32, #tpu.memory_space<vmem>> -> memref<128xi32, #tpu.memory_space<vmem>>
      %dma_start3A_1250 = arith.constant 0 : i32
      %dma_start3A_1251 = arith.constant 0 : i32
      %dma_start3A_1252 = tpu.memref_slice %arg5[%dma_start3A_1250, %dma_start3A_1251] : memref<100000x32xf32, #tpu.memory_space<hbm>> -> memref<100000x32xf32, #tpu.memory_space<hbm>>
      tpu.enqueue_indirect_dma source(%dma_start3A_1252 : memref<100000x32xf32, #tpu.memory_space<hbm>>) target(%dma_start3A_1246 : memref<128x32xf32, #tpu.memory_space<vmem>>) offsets(%dma_start3A_1249 : memref<128xi32, #tpu.memory_space<vmem>>) semaphore(%arg16 : memref<!tpu.dma_semaphore, #tpu.memory_space<semaphore_mem>>)
      %dma_start3A_1253 = arith.constant 1 : i32
      %dma_start3A_1254 = arith.constant 128 : i32
      %dma_start3A_1255 = arith.constant 0 : i32
      %dma_start3A_1256 = tpu.memref_slice %arg14[%dma_start3A_1254, %dma_start3A_1255] : memref<512x32xf32, #tpu.memory_space<vmem>> -> memref<128x32xf32, #tpu.memory_space<vmem>>
      %dma_start3A_1257 = arith.constant 0 : i32
      %dma_start3A_1258 = tpu.memref_slice %arg9[%dma_start3A_1253, %dma_start3A_1257] : memref<4x128xi32, #tpu.memory_space<vmem>> -> memref<1x128xi32, #tpu.memory_space<vmem>>
      %dma_start3A_1259 = tpu.memref_squeeze %dma_start3A_1258 : memref<1x128xi32, #tpu.memory_space<vmem>> -> memref<128xi32, #tpu.memory_space<vmem>>
      %dma_start3A_1260 = arith.constant 0 : i32
      %dma_start3A_1261 = arith.constant 0 : i32
      %dma_start3A_1262 = tpu.memref_slice %arg5[%dma_start3A_1260, %dma_start3A_1261] : memref<100000x32xf32, #tpu.memory_space<hbm>> -> memref<100000x32xf32, #tpu.memory_space<hbm>>
      tpu.enqueue_indirect_dma source(%dma_start3A_1262 : memref<100000x32xf32, #tpu.memory_space<hbm>>) target(%dma_start3A_1256 : memref<128x32xf32, #tpu.memory_space<vmem>>) offsets(%dma_start3A_1259 : memref<128xi32, #tpu.memory_space<vmem>>) semaphore(%arg16 : memref<!tpu.dma_semaphore, #tpu.memory_space<semaphore_mem>>)
      %dma_start3A_1263 = arith.constant 2 : i32
      %dma_start3A_1264 = arith.constant 256 : i32
      %dma_start3A_1265 = arith.constant 0 : i32
      %dma_start3A_1266 = tpu.memref_slice %arg14[%dma_start3A_1264, %dma_start3A_1265] : memref<512x32xf32, #tpu.memory_space<vmem>> -> memref<128x32xf32, #tpu.memory_space<vmem>>
      %dma_start3A_1267 = arith.constant 0 : i32
      %dma_start3A_1268 = tpu.memref_slice %arg9[%dma_start3A_1263, %dma_start3A_1267] : memref<4x128xi32, #tpu.memory_space<vmem>> -> memref<1x128xi32, #tpu.memory_space<vmem>>
      %dma_start3A_1269 = tpu.memref_squeeze %dma_start3A_1268 : memref<1x128xi32, #tpu.memory_space<vmem>> -> memref<128xi32, #tpu.memory_space<vmem>>
      %dma_start3A_1270 = arith.constant 0 : i32
      %dma_start3A_1271 = arith.constant 0 : i32
      %dma_start3A_1272 = tpu.memref_slice %arg5[%dma_start3A_1270, %dma_start3A_1271] : memref<100000x32xf32, #tpu.memory_space<hbm>> -> memref<100000x32xf32, #tpu.memory_space<hbm>>
      tpu.enqueue_indirect_dma source(%dma_start3A_1272 : memref<100000x32xf32, #tpu.memory_space<hbm>>) target(%dma_start3A_1266 : memref<128x32xf32, #tpu.memory_space<vmem>>) offsets(%dma_start3A_1269 : memref<128xi32, #tpu.memory_space<vmem>>) semaphore(%arg16 : memref<!tpu.dma_semaphore, #tpu.memory_space<semaphore_mem>>)
      %dma_start3A_1273 = arith.constant 3 : i32
      %dma_start3A_1274 = arith.constant 384 : i32
      %dma_start3A_1275 = arith.constant 0 : i32
      %dma_start3A_1276 = tpu.memref_slice %arg14[%dma_start3A_1274, %dma_start3A_1275] : memref<512x32xf32, #tpu.memory_space<vmem>> -> memref<128x32xf32, #tpu.memory_space<vmem>>
      %dma_start3A_1277 = arith.constant 0 : i32
      %dma_start3A_1278 = tpu.memref_slice %arg9[%dma_start3A_1273, %dma_start3A_1277] : memref<4x128xi32, #tpu.memory_space<vmem>> -> memref<1x128xi32, #tpu.memory_space<vmem>>
      %dma_start3A_1279 = tpu.memref_squeeze %dma_start3A_1278 : memref<1x128xi32, #tpu.memory_space<vmem>> -> memref<128xi32, #tpu.memory_space<vmem>>
      %dma_start3A_1280 = arith.constant 0 : i32
      %dma_start3A_1281 = arith.constant 0 : i32
      %dma_start3A_1282 = tpu.memref_slice %arg5[%dma_start3A_1280, %dma_start3A_1281] : memref<100000x32xf32, #tpu.memory_space<hbm>> -> memref<100000x32xf32, #tpu.memory_space<hbm>>
      tpu.enqueue_indirect_dma source(%dma_start3A_1282 : memref<100000x32xf32, #tpu.memory_space<hbm>>) target(%dma_start3A_1276 : memref<128x32xf32, #tpu.memory_space<vmem>>) offsets(%dma_start3A_1279 : memref<128xi32, #tpu.memory_space<vmem>>) semaphore(%arg16 : memref<!tpu.dma_semaphore, #tpu.memory_space<semaphore_mem>>)
      %dma_wait3A = arith.constant 0 : i32
      %dma_wait3A_1283 = arith.constant 0 : i32
      %dma_wait3A_1284 = arith.constant 0 : i32
      %dma_wait3A_1285 = tpu.memref_slice %arg14[%dma_wait3A_1283, %dma_wait3A_1284] : memref<512x32xf32, #tpu.memory_space<vmem>> -> memref<128x32xf32, #tpu.memory_space<vmem>>
      %dma_wait3A_1286 = arith.constant 0 : i32
      %dma_wait3A_1287 = tpu.memref_slice %arg9[%dma_wait3A, %dma_wait3A_1286] : memref<4x128xi32, #tpu.memory_space<vmem>> -> memref<1x128xi32, #tpu.memory_space<vmem>>
      %dma_wait3A_1288 = tpu.memref_squeeze %dma_wait3A_1287 : memref<1x128xi32, #tpu.memory_space<vmem>> -> memref<128xi32, #tpu.memory_space<vmem>>
      %dma_wait3A_1289 = arith.constant 0 : i32
      %dma_wait3A_1290 = arith.constant 0 : i32
      %dma_wait3A_1291 = tpu.memref_slice %arg5[%dma_wait3A_1289, %dma_wait3A_1290] : memref<100000x32xf32, #tpu.memory_space<hbm>> -> memref<100000x32xf32, #tpu.memory_space<hbm>>
      tpu.wait_indirect_dma semaphore(%arg16 : memref<!tpu.dma_semaphore, #tpu.memory_space<semaphore_mem>>) src(%dma_wait3A_1291 : memref<100000x32xf32, #tpu.memory_space<hbm>>) dst(%dma_wait3A_1285 : memref<128x32xf32, #tpu.memory_space<vmem>>)
      %dma_wait3A_1292 = arith.constant 1 : i32
      %dma_wait3A_1293 = arith.constant 128 : i32
      %dma_wait3A_1294 = arith.constant 0 : i32
      %dma_wait3A_1295 = tpu.memref_slice %arg14[%dma_wait3A_1293, %dma_wait3A_1294] : memref<512x32xf32, #tpu.memory_space<vmem>> -> memref<128x32xf32, #tpu.memory_space<vmem>>
      %dma_wait3A_1296 = arith.constant 0 : i32
      %dma_wait3A_1297 = tpu.memref_slice %arg9[%dma_wait3A_1292, %dma_wait3A_1296] : memref<4x128xi32, #tpu.memory_space<vmem>> -> memref<1x128xi32, #tpu.memory_space<vmem>>
      %dma_wait3A_1298 = tpu.memref_squeeze %dma_wait3A_1297 : memref<1x128xi32, #tpu.memory_space<vmem>> -> memref<128xi32, #tpu.memory_space<vmem>>
      %dma_wait3A_1299 = arith.constant 0 : i32
      %dma_wait3A_1300 = arith.constant 0 : i32
      %dma_wait3A_1301 = tpu.memref_slice %arg5[%dma_wait3A_1299, %dma_wait3A_1300] : memref<100000x32xf32, #tpu.memory_space<hbm>> -> memref<100000x32xf32, #tpu.memory_space<hbm>>
      tpu.wait_indirect_dma semaphore(%arg16 : memref<!tpu.dma_semaphore, #tpu.memory_space<semaphore_mem>>) src(%dma_wait3A_1301 : memref<100000x32xf32, #tpu.memory_space<hbm>>) dst(%dma_wait3A_1295 : memref<128x32xf32, #tpu.memory_space<vmem>>)
      %dma_wait3A_1302 = arith.constant 2 : i32
      %dma_wait3A_1303 = arith.constant 256 : i32
      %dma_wait3A_1304 = arith.constant 0 : i32
      %dma_wait3A_1305 = tpu.memref_slice %arg14[%dma_wait3A_1303, %dma_wait3A_1304] : memref<512x32xf32, #tpu.memory_space<vmem>> -> memref<128x32xf32, #tpu.memory_space<vmem>>
      %dma_wait3A_1306 = arith.constant 0 : i32
      %dma_wait3A_1307 = tpu.memref_slice %arg9[%dma_wait3A_1302, %dma_wait3A_1306] : memref<4x128xi32, #tpu.memory_space<vmem>> -> memref<1x128xi32, #tpu.memory_space<vmem>>
      %dma_wait3A_1308 = tpu.memref_squeeze %dma_wait3A_1307 : memref<1x128xi32, #tpu.memory_space<vmem>> -> memref<128xi32, #tpu.memory_space<vmem>>
      %dma_wait3A_1309 = arith.constant 0 : i32
      %dma_wait3A_1310 = arith.constant 0 : i32
      %dma_wait3A_1311 = tpu.memref_slice %arg5[%dma_wait3A_1309, %dma_wait3A_1310] : memref<100000x32xf32, #tpu.memory_space<hbm>> -> memref<100000x32xf32, #tpu.memory_space<hbm>>
      tpu.wait_indirect_dma semaphore(%arg16 : memref<!tpu.dma_semaphore, #tpu.memory_space<semaphore_mem>>) src(%dma_wait3A_1311 : memref<100000x32xf32, #tpu.memory_space<hbm>>) dst(%dma_wait3A_1305 : memref<128x32xf32, #tpu.memory_space<vmem>>)
      %dma_wait3A_1312 = arith.constant 3 : i32
      %dma_wait3A_1313 = arith.constant 384 : i32
      %dma_wait3A_1314 = arith.constant 0 : i32
      %dma_wait3A_1315 = tpu.memref_slice %arg14[%dma_wait3A_1313, %dma_wait3A_1314] : memref<512x32xf32, #tpu.memory_space<vmem>> -> memref<128x32xf32, #tpu.memory_space<vmem>>
      %dma_wait3A_1316 = arith.constant 0 : i32
      %dma_wait3A_1317 = tpu.memref_slice %arg9[%dma_wait3A_1312, %dma_wait3A_1316] : memref<4x128xi32, #tpu.memory_space<vmem>> -> memref<1x128xi32, #tpu.memory_space<vmem>>
      %dma_wait3A_1318 = tpu.memref_squeeze %dma_wait3A_1317 : memref<1x128xi32, #tpu.memory_space<vmem>> -> memref<128xi32, #tpu.memory_space<vmem>>
      %dma_wait3A_1319 = arith.constant 0 : i32
      %dma_wait3A_1320 = arith.constant 0 : i32
      %dma_wait3A_1321 = tpu.memref_slice %arg5[%dma_wait3A_1319, %dma_wait3A_1320] : memref<100000x32xf32, #tpu.memory_space<hbm>> -> memref<100000x32xf32, #tpu.memory_space<hbm>>
      tpu.wait_indirect_dma semaphore(%arg16 : memref<!tpu.dma_semaphore, #tpu.memory_space<semaphore_mem>>) src(%dma_wait3A_1321 : memref<100000x32xf32, #tpu.memory_space<hbm>>) dst(%dma_wait3A_1315 : memref<128x32xf32, #tpu.memory_space<vmem>>)
      %scan3A_1322 = arith.constant 0 : i32
      %scan3A_1323 = arith.constant 0 : i32
      %scan3A_1324 = arith.constant 32 : i32
      %scan3A_1325 = arith.addi %scan3A_1323, %scan3A_1324 : i32
      %scan3A_1326 = arith.constant 1 : i32
      scf.for %scan3A_1331 = %scan3A_1323 to %scan3A_1325 step %scan3A_1326  : i32 {
        %mul3A_1332 = arith.constant 16 : i32
        %mul3A_1333 = arith.muli %scan3A_1331, %mul3A_1332 : i32
        %add3A_1334 = vector.broadcast %mul3A_1333 : i32 to vector<16xi32>
        %add3A_1335 = arith.addi %add3A_1334, %iota3A : vector<16xi32>
        %mul3A_1336 = arith.constant 16 : i32
        %mul3A_1337 = arith.muli %scan3A_1331, %mul3A_1336 : i32
        %get3A_1338 = arith.index_cast %mul3A_1337 : i32 to index
        %get3A_1339 = tpu.vector_load %arg13[%get3A_1338] {strides = array<i32>} : memref<512xf32, #tpu.memory_space<vmem>>, vector<16xf32>,
        %broadcast_in_dim3A_1340 = arith.constant 0 : i32
        %broadcast_in_dim3A_1341 = vector.broadcast %broadcast_in_dim3A_1340 : i32 to vector<16xi32>
        %gather3A = tpu.vector_load_idx %arg14[%add3A_1335, %broadcast_in_dim3A_1341] : memref<512x32xf32, #tpu.memory_space<vmem>>[vector<16xi32>, vector<16xi32>], vector<16xf32>,
        %mul3A_1342 = arith.mulf %gather3A, %get3A_1339 : vector<16xf32>
        tpu.vector_store_idx %arg15[%add3A_1335, %broadcast_in_dim3A_1341], %mul3A_1342 : memref<512x32xf32, #tpu.memory_space<vmem>>[vector<16xi32>, vector<16xi32>], vector<16xf32>,
        %broadcast_in_dim3A_1343 = arith.constant 1 : i32
        %broadcast_in_dim3A_1344 = vector.broadcast %broadcast_in_dim3A_1343 : i32 to vector<16xi32>
        %gather3A_1345 = tpu.vector_load_idx %arg14[%add3A_1335, %broadcast_in_dim3A_1344] : memref<512x32xf32, #tpu.memory_space<vmem>>[vector<16xi32>, vector<16xi32>], vector<16xf32>,
        %mul3A_1346 = arith.mulf %gather3A_1345, %get3A_1339 : vector<16xf32>
        tpu.vector_store_idx %arg15[%add3A_1335, %broadcast_in_dim3A_1344], %mul3A_1346 : memref<512x32xf32, #tpu.memory_space<vmem>>[vector<16xi32>, vector<16xi32>], vector<16xf32>,
        %broadcast_in_dim3A_1347 = arith.constant 2 : i32
        %broadcast_in_dim3A_1348 = vector.broadcast %broadcast_in_dim3A_1347 : i32 to vector<16xi32>
        %gather3A_1349 = tpu.vector_load_idx %arg14[%add3A_1335, %broadcast_in_dim3A_1348] : memref<512x32xf32, #tpu.memory_space<vmem>>[vector<16xi32>, vector<16xi32>], vector<16xf32>,
        %mul3A_1350 = arith.mulf %gather3A_1349, %get3A_1339 : vector<16xf32>
        tpu.vector_store_idx %arg15[%add3A_1335, %broadcast_in_dim3A_1348], %mul3A_1350 : memref<512x32xf32, #tpu.memory_space<vmem>>[vector<16xi32>, vector<16xi32>], vector<16xf32>,
        %broadcast_in_dim3A_1351 = arith.constant 3 : i32
        %broadcast_in_dim3A_1352 = vector.broadcast %broadcast_in_dim3A_1351 : i32 to vector<16xi32>
        %gather3A_1353 = tpu.vector_load_idx %arg14[%add3A_1335, %broadcast_in_dim3A_1352] : memref<512x32xf32, #tpu.memory_space<vmem>>[vector<16xi32>, vector<16xi32>], vector<16xf32>,
        %mul3A_1354 = arith.mulf %gather3A_1353, %get3A_1339 : vector<16xf32>
        tpu.vector_store_idx %arg15[%add3A_1335, %broadcast_in_dim3A_1352], %mul3A_1354 : memref<512x32xf32, #tpu.memory_space<vmem>>[vector<16xi32>, vector<16xi32>], vector<16xf32>,
        %broadcast_in_dim3A_1355 = arith.constant 4 : i32
        %broadcast_in_dim3A_1356 = vector.broadcast %broadcast_in_dim3A_1355 : i32 to vector<16xi32>
        %gather3A_1357 = tpu.vector_load_idx %arg14[%add3A_1335, %broadcast_in_dim3A_1356] : memref<512x32xf32, #tpu.memory_space<vmem>>[vector<16xi32>, vector<16xi32>], vector<16xf32>,
        %mul3A_1358 = arith.mulf %gather3A_1357, %get3A_1339 : vector<16xf32>
        tpu.vector_store_idx %arg15[%add3A_1335, %broadcast_in_dim3A_1356], %mul3A_1358 : memref<512x32xf32, #tpu.memory_space<vmem>>[vector<16xi32>, vector<16xi32>], vector<16xf32>,
        %broadcast_in_dim3A_1359 = arith.constant 5 : i32
        %broadcast_in_dim3A_1360 = vector.broadcast %broadcast_in_dim3A_1359 : i32 to vector<16xi32>
        %gather3A_1361 = tpu.vector_load_idx %arg14[%add3A_1335, %broadcast_in_dim3A_1360] : memref<512x32xf32, #tpu.memory_space<vmem>>[vector<16xi32>, vector<16xi32>], vector<16xf32>,
        %mul3A_1362 = arith.mulf %gather3A_1361, %get3A_1339 : vector<16xf32>
        tpu.vector_store_idx %arg15[%add3A_1335, %broadcast_in_dim3A_1360], %mul3A_1362 : memref<512x32xf32, #tpu.memory_space<vmem>>[vector<16xi32>, vector<16xi32>], vector<16xf32>,
        %broadcast_in_dim3A_1363 = arith.constant 6 : i32
        %broadcast_in_dim3A_1364 = vector.broadcast %broadcast_in_dim3A_1363 : i32 to vector<16xi32>
        %gather3A_1365 = tpu.vector_load_idx %arg14[%add3A_1335, %broadcast_in_dim3A_1364] : memref<512x32xf32, #tpu.memory_space<vmem>>[vector<16xi32>, vector<16xi32>], vector<16xf32>,
        %mul3A_1366 = arith.mulf %gather3A_1365, %get3A_1339 : vector<16xf32>
        tpu.vector_store_idx %arg15[%add3A_1335, %broadcast_in_dim3A_1364], %mul3A_1366 : memref<512x32xf32, #tpu.memory_space<vmem>>[vector<16xi32>, vector<16xi32>], vector<16xf32>,
        %broadcast_in_dim3A_1367 = arith.constant 7 : i32
        %broadcast_in_dim3A_1368 = vector.broadcast %broadcast_in_dim3A_1367 : i32 to vector<16xi32>
        %gather3A_1369 = tpu.vector_load_idx %arg14[%add3A_1335, %broadcast_in_dim3A_1368] : memref<512x32xf32, #tpu.memory_space<vmem>>[vector<16xi32>, vector<16xi32>], vector<16xf32>,
        %mul3A_1370 = arith.mulf %gather3A_1369, %get3A_1339 : vector<16xf32>
        tpu.vector_store_idx %arg15[%add3A_1335, %broadcast_in_dim3A_1368], %mul3A_1370 : memref<512x32xf32, #tpu.memory_space<vmem>>[vector<16xi32>, vector<16xi32>], vector<16xf32>,
        %broadcast_in_dim3A_1371 = arith.constant 8 : i32
        %broadcast_in_dim3A_1372 = vector.broadcast %broadcast_in_dim3A_1371 : i32 to vector<16xi32>
        %gather3A_1373 = tpu.vector_load_idx %arg14[%add3A_1335, %broadcast_in_dim3A_1372] : memref<512x32xf32, #tpu.memory_space<vmem>>[vector<16xi32>, vector<16xi32>], vector<16xf32>,
        %mul3A_1374 = arith.mulf %gather3A_1373, %get3A_1339 : vector<16xf32>
        tpu.vector_store_idx %arg15[%add3A_1335, %broadcast_in_dim3A_1372], %mul3A_1374 : memref<512x32xf32, #tpu.memory_space<vmem>>[vector<16xi32>, vector<16xi32>], vector<16xf32>,
        %broadcast_in_dim3A_1375 = arith.constant 9 : i32
        %broadcast_in_dim3A_1376 = vector.broadcast %broadcast_in_dim3A_1375 : i32 to vector<16xi32>
        %gather3A_1377 = tpu.vector_load_idx %arg14[%add3A_1335, %broadcast_in_dim3A_1376] : memref<512x32xf32, #tpu.memory_space<vmem>>[vector<16xi32>, vector<16xi32>], vector<16xf32>,
        %mul3A_1378 = arith.mulf %gather3A_1377, %get3A_1339 : vector<16xf32>
        tpu.vector_store_idx %arg15[%add3A_1335, %broadcast_in_dim3A_1376], %mul3A_1378 : memref<512x32xf32, #tpu.memory_space<vmem>>[vector<16xi32>, vector<16xi32>], vector<16xf32>,
        %broadcast_in_dim3A_1379 = arith.constant 10 : i32
        %broadcast_in_dim3A_1380 = vector.broadcast %broadcast_in_dim3A_1379 : i32 to vector<16xi32>
        %gather3A_1381 = tpu.vector_load_idx %arg14[%add3A_1335, %broadcast_in_dim3A_1380] : memref<512x32xf32, #tpu.memory_space<vmem>>[vector<16xi32>, vector<16xi32>], vector<16xf32>,
        %mul3A_1382 = arith.mulf %gather3A_1381, %get3A_1339 : vector<16xf32>
        tpu.vector_store_idx %arg15[%add3A_1335, %broadcast_in_dim3A_1380], %mul3A_1382 : memref<512x32xf32, #tpu.memory_space<vmem>>[vector<16xi32>, vector<16xi32>], vector<16xf32>,
        %broadcast_in_dim3A_1383 = arith.constant 11 : i32
        %broadcast_in_dim3A_1384 = vector.broadcast %broadcast_in_dim3A_1383 : i32 to vector<16xi32>
        %gather3A_1385 = tpu.vector_load_idx %arg14[%add3A_1335, %broadcast_in_dim3A_1384] : memref<512x32xf32, #tpu.memory_space<vmem>>[vector<16xi32>, vector<16xi32>], vector<16xf32>,
        %mul3A_1386 = arith.mulf %gather3A_1385, %get3A_1339 : vector<16xf32>
        tpu.vector_store_idx %arg15[%add3A_1335, %broadcast_in_dim3A_1384], %mul3A_1386 : memref<512x32xf32, #tpu.memory_space<vmem>>[vector<16xi32>, vector<16xi32>], vector<16xf32>,
        %broadcast_in_dim3A_1387 = arith.constant 12 : i32
        %broadcast_in_dim3A_1388 = vector.broadcast %broadcast_in_dim3A_1387 : i32 to vector<16xi32>
        %gather3A_1389 = tpu.vector_load_idx %arg14[%add3A_1335, %broadcast_in_dim3A_1388] : memref<512x32xf32, #tpu.memory_space<vmem>>[vector<16xi32>, vector<16xi32>], vector<16xf32>,
        %mul3A_1390 = arith.mulf %gather3A_1389, %get3A_1339 : vector<16xf32>
        tpu.vector_store_idx %arg15[%add3A_1335, %broadcast_in_dim3A_1388], %mul3A_1390 : memref<512x32xf32, #tpu.memory_space<vmem>>[vector<16xi32>, vector<16xi32>], vector<16xf32>,
        %broadcast_in_dim3A_1391 = arith.constant 13 : i32
        %broadcast_in_dim3A_1392 = vector.broadcast %broadcast_in_dim3A_1391 : i32 to vector<16xi32>
        %gather3A_1393 = tpu.vector_load_idx %arg14[%add3A_1335, %broadcast_in_dim3A_1392] : memref<512x32xf32, #tpu.memory_space<vmem>>[vector<16xi32>, vector<16xi32>], vector<16xf32>,
        %mul3A_1394 = arith.mulf %gather3A_1393, %get3A_1339 : vector<16xf32>
        tpu.vector_store_idx %arg15[%add3A_1335, %broadcast_in_dim3A_1392], %mul3A_1394 : memref<512x32xf32, #tpu.memory_space<vmem>>[vector<16xi32>, vector<16xi32>], vector<16xf32>,
        %broadcast_in_dim3A_1395 = arith.constant 14 : i32
        %broadcast_in_dim3A_1396 = vector.broadcast %broadcast_in_dim3A_1395 : i32 to vector<16xi32>
        %gather3A_1397 = tpu.vector_load_idx %arg14[%add3A_1335, %broadcast_in_dim3A_1396] : memref<512x32xf32, #tpu.memory_space<vmem>>[vector<16xi32>, vector<16xi32>], vector<16xf32>,
        %mul3A_1398 = arith.mulf %gather3A_1397, %get3A_1339 : vector<16xf32>
        tpu.vector_store_idx %arg15[%add3A_1335, %broadcast_in_dim3A_1396], %mul3A_1398 : memref<512x32xf32, #tpu.memory_space<vmem>>[vector<16xi32>, vector<16xi32>], vector<16xf32>,
        %broadcast_in_dim3A_1399 = arith.constant 15 : i32
        %broadcast_in_dim3A_1400 = vector.broadcast %broadcast_in_dim3A_1399 : i32 to vector<16xi32>
        %gather3A_1401 = tpu.vector_load_idx %arg14[%add3A_1335, %broadcast_in_dim3A_1400] : memref<512x32xf32, #tpu.memory_space<vmem>>[vector<16xi32>, vector<16xi32>], vector<16xf32>,
        %mul3A_1402 = arith.mulf %gather3A_1401, %get3A_1339 : vector<16xf32>
        tpu.vector_store_idx %arg15[%add3A_1335, %broadcast_in_dim3A_1400], %mul3A_1402 : memref<512x32xf32, #tpu.memory_space<vmem>>[vector<16xi32>, vector<16xi32>], vector<16xf32>,
        %broadcast_in_dim3A_1403 = arith.constant 16 : i32
        %broadcast_in_dim3A_1404 = vector.broadcast %broadcast_in_dim3A_1403 : i32 to vector<16xi32>
        %gather3A_1405 = tpu.vector_load_idx %arg14[%add3A_1335, %broadcast_in_dim3A_1404] : memref<512x32xf32, #tpu.memory_space<vmem>>[vector<16xi32>, vector<16xi32>], vector<16xf32>,
        %mul3A_1406 = arith.mulf %gather3A_1405, %get3A_1339 : vector<16xf32>
        tpu.vector_store_idx %arg15[%add3A_1335, %broadcast_in_dim3A_1404], %mul3A_1406 : memref<512x32xf32, #tpu.memory_space<vmem>>[vector<16xi32>, vector<16xi32>], vector<16xf32>,
        %broadcast_in_dim3A_1407 = arith.constant 17 : i32
        %broadcast_in_dim3A_1408 = vector.broadcast %broadcast_in_dim3A_1407 : i32 to vector<16xi32>
        %gather3A_1409 = tpu.vector_load_idx %arg14[%add3A_1335, %broadcast_in_dim3A_1408] : memref<512x32xf32, #tpu.memory_space<vmem>>[vector<16xi32>, vector<16xi32>], vector<16xf32>,
        %mul3A_1410 = arith.mulf %gather3A_1409, %get3A_1339 : vector<16xf32>
        tpu.vector_store_idx %arg15[%add3A_1335, %broadcast_in_dim3A_1408], %mul3A_1410 : memref<512x32xf32, #tpu.memory_space<vmem>>[vector<16xi32>, vector<16xi32>], vector<16xf32>,
        %broadcast_in_dim3A_1411 = arith.constant 18 : i32
        %broadcast_in_dim3A_1412 = vector.broadcast %broadcast_in_dim3A_1411 : i32 to vector<16xi32>
        %gather3A_1413 = tpu.vector_load_idx %arg14[%add3A_1335, %broadcast_in_dim3A_1412] : memref<512x32xf32, #tpu.memory_space<vmem>>[vector<16xi32>, vector<16xi32>], vector<16xf32>,
        %mul3A_1414 = arith.mulf %gather3A_1413, %get3A_1339 : vector<16xf32>
        tpu.vector_store_idx %arg15[%add3A_1335, %broadcast_in_dim3A_1412], %mul3A_1414 : memref<512x32xf32, #tpu.memory_space<vmem>>[vector<16xi32>, vector<16xi32>], vector<16xf32>,
        %broadcast_in_dim3A_1415 = arith.constant 19 : i32
        %broadcast_in_dim3A_1416 = vector.broadcast %broadcast_in_dim3A_1415 : i32 to vector<16xi32>
        %gather3A_1417 = tpu.vector_load_idx %arg14[%add3A_1335, %broadcast_in_dim3A_1416] : memref<512x32xf32, #tpu.memory_space<vmem>>[vector<16xi32>, vector<16xi32>], vector<16xf32>,
        %mul3A_1418 = arith.mulf %gather3A_1417, %get3A_1339 : vector<16xf32>
        tpu.vector_store_idx %arg15[%add3A_1335, %broadcast_in_dim3A_1416], %mul3A_1418 : memref<512x32xf32, #tpu.memory_space<vmem>>[vector<16xi32>, vector<16xi32>], vector<16xf32>,
        %broadcast_in_dim3A_1419 = arith.constant 20 : i32
        %broadcast_in_dim3A_1420 = vector.broadcast %broadcast_in_dim3A_1419 : i32 to vector<16xi32>
        %gather3A_1421 = tpu.vector_load_idx %arg14[%add3A_1335, %broadcast_in_dim3A_1420] : memref<512x32xf32, #tpu.memory_space<vmem>>[vector<16xi32>, vector<16xi32>], vector<16xf32>,
        %mul3A_1422 = arith.mulf %gather3A_1421, %get3A_1339 : vector<16xf32>
        tpu.vector_store_idx %arg15[%add3A_1335, %broadcast_in_dim3A_1420], %mul3A_1422 : memref<512x32xf32, #tpu.memory_space<vmem>>[vector<16xi32>, vector<16xi32>], vector<16xf32>,
        %broadcast_in_dim3A_1423 = arith.constant 21 : i32
        %broadcast_in_dim3A_1424 = vector.broadcast %broadcast_in_dim3A_1423 : i32 to vector<16xi32>
        %gather3A_1425 = tpu.vector_load_idx %arg14[%add3A_1335, %broadcast_in_dim3A_1424] : memref<512x32xf32, #tpu.memory_space<vmem>>[vector<16xi32>, vector<16xi32>], vector<16xf32>,
        %mul3A_1426 = arith.mulf %gather3A_1425, %get3A_1339 : vector<16xf32>
        tpu.vector_store_idx %arg15[%add3A_1335, %broadcast_in_dim3A_1424], %mul3A_1426 : memref<512x32xf32, #tpu.memory_space<vmem>>[vector<16xi32>, vector<16xi32>], vector<16xf32>,
        %broadcast_in_dim3A_1427 = arith.constant 22 : i32
        %broadcast_in_dim3A_1428 = vector.broadcast %broadcast_in_dim3A_1427 : i32 to vector<16xi32>
        %gather3A_1429 = tpu.vector_load_idx %arg14[%add3A_1335, %broadcast_in_dim3A_1428] : memref<512x32xf32, #tpu.memory_space<vmem>>[vector<16xi32>, vector<16xi32>], vector<16xf32>,
        %mul3A_1430 = arith.mulf %gather3A_1429, %get3A_1339 : vector<16xf32>
        tpu.vector_store_idx %arg15[%add3A_1335, %broadcast_in_dim3A_1428], %mul3A_1430 : memref<512x32xf32, #tpu.memory_space<vmem>>[vector<16xi32>, vector<16xi32>], vector<16xf32>,
        %broadcast_in_dim3A_1431 = arith.constant 23 : i32
        %broadcast_in_dim3A_1432 = vector.broadcast %broadcast_in_dim3A_1431 : i32 to vector<16xi32>
        %gather3A_1433 = tpu.vector_load_idx %arg14[%add3A_1335, %broadcast_in_dim3A_1432] : memref<512x32xf32, #tpu.memory_space<vmem>>[vector<16xi32>, vector<16xi32>], vector<16xf32>,
        %mul3A_1434 = arith.mulf %gather3A_1433, %get3A_1339 : vector<16xf32>
        tpu.vector_store_idx %arg15[%add3A_1335, %broadcast_in_dim3A_1432], %mul3A_1434 : memref<512x32xf32, #tpu.memory_space<vmem>>[vector<16xi32>, vector<16xi32>], vector<16xf32>,
        %broadcast_in_dim3A_1435 = arith.constant 24 : i32
        %broadcast_in_dim3A_1436 = vector.broadcast %broadcast_in_dim3A_1435 : i32 to vector<16xi32>
        %gather3A_1437 = tpu.vector_load_idx %arg14[%add3A_1335, %broadcast_in_dim3A_1436] : memref<512x32xf32, #tpu.memory_space<vmem>>[vector<16xi32>, vector<16xi32>], vector<16xf32>,
        %mul3A_1438 = arith.mulf %gather3A_1437, %get3A_1339 : vector<16xf32>
        tpu.vector_store_idx %arg15[%add3A_1335, %broadcast_in_dim3A_1436], %mul3A_1438 : memref<512x32xf32, #tpu.memory_space<vmem>>[vector<16xi32>, vector<16xi32>], vector<16xf32>,
        %broadcast_in_dim3A_1439 = arith.constant 25 : i32
        %broadcast_in_dim3A_1440 = vector.broadcast %broadcast_in_dim3A_1439 : i32 to vector<16xi32>
        %gather3A_1441 = tpu.vector_load_idx %arg14[%add3A_1335, %broadcast_in_dim3A_1440] : memref<512x32xf32, #tpu.memory_space<vmem>>[vector<16xi32>, vector<16xi32>], vector<16xf32>,
        %mul3A_1442 = arith.mulf %gather3A_1441, %get3A_1339 : vector<16xf32>
        tpu.vector_store_idx %arg15[%add3A_1335, %broadcast_in_dim3A_1440], %mul3A_1442 : memref<512x32xf32, #tpu.memory_space<vmem>>[vector<16xi32>, vector<16xi32>], vector<16xf32>,
        %broadcast_in_dim3A_1443 = arith.constant 26 : i32
        %broadcast_in_dim3A_1444 = vector.broadcast %broadcast_in_dim3A_1443 : i32 to vector<16xi32>
        %gather3A_1445 = tpu.vector_load_idx %arg14[%add3A_1335, %broadcast_in_dim3A_1444] : memref<512x32xf32, #tpu.memory_space<vmem>>[vector<16xi32>, vector<16xi32>], vector<16xf32>,
        %mul3A_1446 = arith.mulf %gather3A_1445, %get3A_1339 : vector<16xf32>
        tpu.vector_store_idx %arg15[%add3A_1335, %broadcast_in_dim3A_1444], %mul3A_1446 : memref<512x32xf32, #tpu.memory_space<vmem>>[vector<16xi32>, vector<16xi32>], vector<16xf32>,
        %broadcast_in_dim3A_1447 = arith.constant 27 : i32
        %broadcast_in_dim3A_1448 = vector.broadcast %broadcast_in_dim3A_1447 : i32 to vector<16xi32>
        %gather3A_1449 = tpu.vector_load_idx %arg14[%add3A_1335, %broadcast_in_dim3A_1448] : memref<512x32xf32, #tpu.memory_space<vmem>>[vector<16xi32>, vector<16xi32>], vector<16xf32>,
        %mul3A_1450 = arith.mulf %gather3A_1449, %get3A_1339 : vector<16xf32>
        tpu.vector_store_idx %arg15[%add3A_1335, %broadcast_in_dim3A_1448], %mul3A_1450 : memref<512x32xf32, #tpu.memory_space<vmem>>[vector<16xi32>, vector<16xi32>], vector<16xf32>,
        %broadcast_in_dim3A_1451 = arith.constant 28 : i32
        %broadcast_in_dim3A_1452 = vector.broadcast %broadcast_in_dim3A_1451 : i32 to vector<16xi32>
        %gather3A_1453 = tpu.vector_load_idx %arg14[%add3A_1335, %broadcast_in_dim3A_1452] : memref<512x32xf32, #tpu.memory_space<vmem>>[vector<16xi32>, vector<16xi32>], vector<16xf32>,
        %mul3A_1454 = arith.mulf %gather3A_1453, %get3A_1339 : vector<16xf32>
        tpu.vector_store_idx %arg15[%add3A_1335, %broadcast_in_dim3A_1452], %mul3A_1454 : memref<512x32xf32, #tpu.memory_space<vmem>>[vector<16xi32>, vector<16xi32>], vector<16xf32>,
        %broadcast_in_dim3A_1455 = arith.constant 29 : i32
        %broadcast_in_dim3A_1456 = vector.broadcast %broadcast_in_dim3A_1455 : i32 to vector<16xi32>
        %gather3A_1457 = tpu.vector_load_idx %arg14[%add3A_1335, %broadcast_in_dim3A_1456] : memref<512x32xf32, #tpu.memory_space<vmem>>[vector<16xi32>, vector<16xi32>], vector<16xf32>,
        %mul3A_1458 = arith.mulf %gather3A_1457, %get3A_1339 : vector<16xf32>
        tpu.vector_store_idx %arg15[%add3A_1335, %broadcast_in_dim3A_1456], %mul3A_1458 : memref<512x32xf32, #tpu.memory_space<vmem>>[vector<16xi32>, vector<16xi32>], vector<16xf32>,
        %broadcast_in_dim3A_1459 = arith.constant 30 : i32
        %broadcast_in_dim3A_1460 = vector.broadcast %broadcast_in_dim3A_1459 : i32 to vector<16xi32>
        %gather3A_1461 = tpu.vector_load_idx %arg14[%add3A_1335, %broadcast_in_dim3A_1460] : memref<512x32xf32, #tpu.memory_space<vmem>>[vector<16xi32>, vector<16xi32>], vector<16xf32>,
        %mul3A_1462 = arith.mulf %gather3A_1461, %get3A_1339 : vector<16xf32>
        tpu.vector_store_idx %arg15[%add3A_1335, %broadcast_in_dim3A_1460], %mul3A_1462 : memref<512x32xf32, #tpu.memory_space<vmem>>[vector<16xi32>, vector<16xi32>], vector<16xf32>,
        %broadcast_in_dim3A_1463 = arith.constant 31 : i32
        %broadcast_in_dim3A_1464 = vector.broadcast %broadcast_in_dim3A_1463 : i32 to vector<16xi32>
        %gather3A_1465 = tpu.vector_load_idx %arg14[%add3A_1335, %broadcast_in_dim3A_1464] : memref<512x32xf32, #tpu.memory_space<vmem>>[vector<16xi32>, vector<16xi32>], vector<16xf32>,
        %mul3A_1466 = arith.mulf %gather3A_1465, %get3A_1339 : vector<16xf32>
        tpu.vector_store_idx %arg15[%add3A_1335, %broadcast_in_dim3A_1464], %mul3A_1466 : memref<512x32xf32, #tpu.memory_space<vmem>>[vector<16xi32>, vector<16xi32>], vector<16xf32>,
      }
      %scan3A_1327 = arith.constant 32 : i32
      %run_scoped3A = arith.constant 0 : i32
      "tpu.region"() ({
        %run_scoped3A_1331 = tpu.sem_alloc : memref<!tpu.dma_semaphore, #tpu.memory_space<semaphore_mem>>
        %dma_start3A_1332 = arith.constant 0 : i32
        %dma_start3A_1333 = arith.constant 0 : i32
        %dma_start3A_1334 = tpu.memref_slice %arg15[%dma_start3A_1332, %dma_start3A_1333] : memref<512x32xf32, #tpu.memory_space<vmem>> -> memref<128x32xf32, #tpu.memory_space<vmem>>
        %dma_start3A_1335 = arith.constant 0 : i32
        %dma_start3A_1336 = tpu.memref_slice %arg12[%run_scoped3A, %dma_start3A_1335] : memref<4x128xi32, #tpu.memory_space<vmem>> -> memref<1x128xi32, #tpu.memory_space<vmem>>
        %dma_start3A_1337 = tpu.memref_squeeze %dma_start3A_1336 : memref<1x128xi32, #tpu.memory_space<vmem>> -> memref<128xi32, #tpu.memory_space<vmem>>
        %dma_start3A_1338 = arith.constant 0 : i32
        %dma_start3A_1339 = arith.constant 0 : i32
        %dma_start3A_1340 = tpu.memref_slice %arg8[%dma_start3A_1338, %dma_start3A_1339] : memref<44800x32xf32, #tpu.memory_space<vmem_shared>> -> memref<44800x32xf32, #tpu.memory_space<vmem_shared>>
        tpu.enqueue_indirect_dma source(%dma_start3A_1334 : memref<128x32xf32, #tpu.memory_space<vmem>>) target(%dma_start3A_1340 : memref<44800x32xf32, #tpu.memory_space<vmem_shared>>) offsets(%dma_start3A_1337 : memref<128xi32, #tpu.memory_space<vmem>>) semaphore(%run_scoped3A_1331 : memref<!tpu.dma_semaphore, #tpu.memory_space<semaphore_mem>>) {add = true}
        %dma_wait3A_1341 = arith.constant 0 : i32
        %dma_wait3A_1342 = arith.constant 0 : i32
        %dma_wait3A_1343 = tpu.memref_slice %arg15[%dma_wait3A_1341, %dma_wait3A_1342] : memref<512x32xf32, #tpu.memory_space<vmem>> -> memref<128x32xf32, #tpu.memory_space<vmem>>
        %dma_wait3A_1344 = arith.constant 0 : i32
        %dma_wait3A_1345 = tpu.memref_slice %arg12[%run_scoped3A, %dma_wait3A_1344] : memref<4x128xi32, #tpu.memory_space<vmem>> -> memref<1x128xi32, #tpu.memory_space<vmem>>
        %dma_wait3A_1346 = tpu.memref_squeeze %dma_wait3A_1345 : memref<1x128xi32, #tpu.memory_space<vmem>> -> memref<128xi32, #tpu.memory_space<vmem>>
        %dma_wait3A_1347 = arith.constant 0 : i32
        %dma_wait3A_1348 = arith.constant 0 : i32
        %dma_wait3A_1349 = tpu.memref_slice %arg8[%dma_wait3A_1347, %dma_wait3A_1348] : memref<44800x32xf32, #tpu.memory_space<vmem_shared>> -> memref<44800x32xf32, #tpu.memory_space<vmem_shared>>
        tpu.wait_indirect_dma semaphore(%run_scoped3A_1331 : memref<!tpu.dma_semaphore, #tpu.memory_space<semaphore_mem>>) src(%dma_wait3A_1343 : memref<128x32xf32, #tpu.memory_space<vmem>>) dst(%dma_wait3A_1349 : memref<44800x32xf32, #tpu.memory_space<vmem_shared>>)
        tpu.yield
      }) : () -> ()
      %run_scoped3A_1328 = arith.constant 1 : i32
      "tpu.region"() ({
        %run_scoped3A_1331 = tpu.sem_alloc : memref<!tpu.dma_semaphore, #tpu.memory_space<semaphore_mem>>
        %dma_start3A_1332 = arith.constant 128 : i32
        %dma_start3A_1333 = arith.constant 0 : i32
        %dma_start3A_1334 = tpu.memref_slice %arg15[%dma_start3A_1332, %dma_start3A_1333] : memref<512x32xf32, #tpu.memory_space<vmem>> -> memref<128x32xf32, #tpu.memory_space<vmem>>
        %dma_start3A_1335 = arith.constant 0 : i32
        %dma_start3A_1336 = tpu.memref_slice %arg12[%run_scoped3A_1328, %dma_start3A_1335] : memref<4x128xi32, #tpu.memory_space<vmem>> -> memref<1x128xi32, #tpu.memory_space<vmem>>
        %dma_start3A_1337 = tpu.memref_squeeze %dma_start3A_1336 : memref<1x128xi32, #tpu.memory_space<vmem>> -> memref<128xi32, #tpu.memory_space<vmem>>
        %dma_start3A_1338 = arith.constant 0 : i32
        %dma_start3A_1339 = arith.constant 0 : i32
        %dma_start3A_1340 = tpu.memref_slice %arg8[%dma_start3A_1338, %dma_start3A_1339] : memref<44800x32xf32, #tpu.memory_space<vmem_shared>> -> memref<44800x32xf32, #tpu.memory_space<vmem_shared>>
        tpu.enqueue_indirect_dma source(%dma_start3A_1334 : memref<128x32xf32, #tpu.memory_space<vmem>>) target(%dma_start3A_1340 : memref<44800x32xf32, #tpu.memory_space<vmem_shared>>) offsets(%dma_start3A_1337 : memref<128xi32, #tpu.memory_space<vmem>>) semaphore(%run_scoped3A_1331 : memref<!tpu.dma_semaphore, #tpu.memory_space<semaphore_mem>>) {add = true}
        %dma_wait3A_1341 = arith.constant 128 : i32
        %dma_wait3A_1342 = arith.constant 0 : i32
        %dma_wait3A_1343 = tpu.memref_slice %arg15[%dma_wait3A_1341, %dma_wait3A_1342] : memref<512x32xf32, #tpu.memory_space<vmem>> -> memref<128x32xf32, #tpu.memory_space<vmem>>
        %dma_wait3A_1344 = arith.constant 0 : i32
        %dma_wait3A_1345 = tpu.memref_slice %arg12[%run_scoped3A_1328, %dma_wait3A_1344] : memref<4x128xi32, #tpu.memory_space<vmem>> -> memref<1x128xi32, #tpu.memory_space<vmem>>
        %dma_wait3A_1346 = tpu.memref_squeeze %dma_wait3A_1345 : memref<1x128xi32, #tpu.memory_space<vmem>> -> memref<128xi32, #tpu.memory_space<vmem>>
        %dma_wait3A_1347 = arith.constant 0 : i32
        %dma_wait3A_1348 = arith.constant 0 : i32
        %dma_wait3A_1349 = tpu.memref_slice %arg8[%dma_wait3A_1347, %dma_wait3A_1348] : memref<44800x32xf32, #tpu.memory_space<vmem_shared>> -> memref<44800x32xf32, #tpu.memory_space<vmem_shared>>
        tpu.wait_indirect_dma semaphore(%run_scoped3A_1331 : memref<!tpu.dma_semaphore, #tpu.memory_space<semaphore_mem>>) src(%dma_wait3A_1343 : memref<128x32xf32, #tpu.memory_space<vmem>>) dst(%dma_wait3A_1349 : memref<44800x32xf32, #tpu.memory_space<vmem_shared>>)
        tpu.yield
      }) : () -> ()
      %run_scoped3A_1329 = arith.constant 2 : i32
      "tpu.region"() ({
        %run_scoped3A_1331 = tpu.sem_alloc : memref<!tpu.dma_semaphore, #tpu.memory_space<semaphore_mem>>
        %dma_start3A_1332 = arith.constant 256 : i32
        %dma_start3A_1333 = arith.constant 0 : i32
        %dma_start3A_1334 = tpu.memref_slice %arg15[%dma_start3A_1332, %dma_start3A_1333] : memref<512x32xf32, #tpu.memory_space<vmem>> -> memref<128x32xf32, #tpu.memory_space<vmem>>
        %dma_start3A_1335 = arith.constant 0 : i32
        %dma_start3A_1336 = tpu.memref_slice %arg12[%run_scoped3A_1329, %dma_start3A_1335] : memref<4x128xi32, #tpu.memory_space<vmem>> -> memref<1x128xi32, #tpu.memory_space<vmem>>
        %dma_start3A_1337 = tpu.memref_squeeze %dma_start3A_1336 : memref<1x128xi32, #tpu.memory_space<vmem>> -> memref<128xi32, #tpu.memory_space<vmem>>
        %dma_start3A_1338 = arith.constant 0 : i32
        %dma_start3A_1339 = arith.constant 0 : i32
        %dma_start3A_1340 = tpu.memref_slice %arg8[%dma_start3A_1338, %dma_start3A_1339] : memref<44800x32xf32, #tpu.memory_space<vmem_shared>> -> memref<44800x32xf32, #tpu.memory_space<vmem_shared>>
        tpu.enqueue_indirect_dma source(%dma_start3A_1334 : memref<128x32xf32, #tpu.memory_space<vmem>>) target(%dma_start3A_1340 : memref<44800x32xf32, #tpu.memory_space<vmem_shared>>) offsets(%dma_start3A_1337 : memref<128xi32, #tpu.memory_space<vmem>>) semaphore(%run_scoped3A_1331 : memref<!tpu.dma_semaphore, #tpu.memory_space<semaphore_mem>>) {add = true}
        %dma_wait3A_1341 = arith.constant 256 : i32
        %dma_wait3A_1342 = arith.constant 0 : i32
        %dma_wait3A_1343 = tpu.memref_slice %arg15[%dma_wait3A_1341, %dma_wait3A_1342] : memref<512x32xf32, #tpu.memory_space<vmem>> -> memref<128x32xf32, #tpu.memory_space<vmem>>
        %dma_wait3A_1344 = arith.constant 0 : i32
        %dma_wait3A_1345 = tpu.memref_slice %arg12[%run_scoped3A_1329, %dma_wait3A_1344] : memref<4x128xi32, #tpu.memory_space<vmem>> -> memref<1x128xi32, #tpu.memory_space<vmem>>
        %dma_wait3A_1346 = tpu.memref_squeeze %dma_wait3A_1345 : memref<1x128xi32, #tpu.memory_space<vmem>> -> memref<128xi32, #tpu.memory_space<vmem>>
        %dma_wait3A_1347 = arith.constant 0 : i32
        %dma_wait3A_1348 = arith.constant 0 : i32
        %dma_wait3A_1349 = tpu.memref_slice %arg8[%dma_wait3A_1347, %dma_wait3A_1348] : memref<44800x32xf32, #tpu.memory_space<vmem_shared>> -> memref<44800x32xf32, #tpu.memory_space<vmem_shared>>
        tpu.wait_indirect_dma semaphore(%run_scoped3A_1331 : memref<!tpu.dma_semaphore, #tpu.memory_space<semaphore_mem>>) src(%dma_wait3A_1343 : memref<128x32xf32, #tpu.memory_space<vmem>>) dst(%dma_wait3A_1349 : memref<44800x32xf32, #tpu.memory_space<vmem_shared>>)
        tpu.yield
      }) : () -> ()
      %run_scoped3A_1330 = arith.constant 3 : i32
      "tpu.region"() ({
        %run_scoped3A_1331 = tpu.sem_alloc : memref<!tpu.dma_semaphore, #tpu.memory_space<semaphore_mem>>
        %dma_start3A_1332 = arith.constant 384 : i32
        %dma_start3A_1333 = arith.constant 0 : i32
        %dma_start3A_1334 = tpu.memref_slice %arg15[%dma_start3A_1332, %dma_start3A_1333] : memref<512x32xf32, #tpu.memory_space<vmem>> -> memref<128x32xf32, #tpu.memory_space<vmem>>
        %dma_start3A_1335 = arith.constant 0 : i32
        %dma_start3A_1336 = tpu.memref_slice %arg12[%run_scoped3A_1330, %dma_start3A_1335] : memref<4x128xi32, #tpu.memory_space<vmem>> -> memref<1x128xi32, #tpu.memory_space<vmem>>
        %dma_start3A_1337 = tpu.memref_squeeze %dma_start3A_1336 : memref<1x128xi32, #tpu.memory_space<vmem>> -> memref<128xi32, #tpu.memory_space<vmem>>
        %dma_start3A_1338 = arith.constant 0 : i32
        %dma_start3A_1339 = arith.constant 0 : i32
        %dma_start3A_1340 = tpu.memref_slice %arg8[%dma_start3A_1338, %dma_start3A_1339] : memref<44800x32xf32, #tpu.memory_space<vmem_shared>> -> memref<44800x32xf32, #tpu.memory_space<vmem_shared>>
        tpu.enqueue_indirect_dma source(%dma_start3A_1334 : memref<128x32xf32, #tpu.memory_space<vmem>>) target(%dma_start3A_1340 : memref<44800x32xf32, #tpu.memory_space<vmem_shared>>) offsets(%dma_start3A_1337 : memref<128xi32, #tpu.memory_space<vmem>>) semaphore(%run_scoped3A_1331 : memref<!tpu.dma_semaphore, #tpu.memory_space<semaphore_mem>>) {add = true}
        %dma_wait3A_1341 = arith.constant 384 : i32
        %dma_wait3A_1342 = arith.constant 0 : i32
        %dma_wait3A_1343 = tpu.memref_slice %arg15[%dma_wait3A_1341, %dma_wait3A_1342] : memref<512x32xf32, #tpu.memory_space<vmem>> -> memref<128x32xf32, #tpu.memory_space<vmem>>
        %dma_wait3A_1344 = arith.constant 0 : i32
        %dma_wait3A_1345 = tpu.memref_slice %arg12[%run_scoped3A_1330, %dma_wait3A_1344] : memref<4x128xi32, #tpu.memory_space<vmem>> -> memref<1x128xi32, #tpu.memory_space<vmem>>
        %dma_wait3A_1346 = tpu.memref_squeeze %dma_wait3A_1345 : memref<1x128xi32, #tpu.memory_space<vmem>> -> memref<128xi32, #tpu.memory_space<vmem>>
        %dma_wait3A_1347 = arith.constant 0 : i32
        %dma_wait3A_1348 = arith.constant 0 : i32
        %dma_wait3A_1349 = tpu.memref_slice %arg8[%dma_wait3A_1347, %dma_wait3A_1348] : memref<44800x32xf32, #tpu.memory_space<vmem_shared>> -> memref<44800x32xf32, #tpu.memory_space<vmem_shared>>
        tpu.wait_indirect_dma semaphore(%run_scoped3A_1331 : memref<!tpu.dma_semaphore, #tpu.memory_space<semaphore_mem>>) src(%dma_wait3A_1343 : memref<128x32xf32, #tpu.memory_space<vmem>>) dst(%dma_wait3A_1349 : memref<44800x32xf32, #tpu.memory_space<vmem_shared>>)
        tpu.yield
      }) : () -> ()
    }
    %scan3A_30 = arith.constant 200 : i32
    %barrier3A_31 = arith.constant 0 : index
    tpu.barrier barrier_id(%barrier3A_31)
    %mul3A_32 = arith.constant 2800 : i32
    %mul3A_33 = arith.muli %arg1, %mul3A_32 : i32
    %add3A_34 = arith.constant 0 : i32
    %add3A_35 = arith.addi %mul3A_33, %add3A_34 : i32
    "tpu.region"() ({
      %run_scoped3A = tpu.sem_alloc : memref<!tpu.dma_semaphore, #tpu.memory_space<semaphore_mem>>
      %dma_start3A = arith.constant 0 : i32
      %dma_start3A_74 = tpu.memref_slice %arg8[%add3A_35, %dma_start3A] : memref<44800x32xf32, #tpu.memory_space<vmem_shared>> -> memref<512x32xf32, #tpu.memory_space<vmem_shared>>
      %dma_start3A_75 = arith.constant 0 : i32
      %dma_start3A_76 = tpu.memref_slice %arg8[%add3A_35, %dma_start3A_75] : memref<44800x32xf32, #tpu.memory_space<vmem_shared>> -> memref<512x32xf32, #tpu.memory_space<vmem_shared>>
      tpu.enqueue_dma source(%dma_start3A_76 : memref<512x32xf32, #tpu.memory_space<vmem_shared>>) target(%arg14 : memref<512x32xf32, #tpu.memory_space<vmem>>) target_semaphore(%run_scoped3A : memref<!tpu.dma_semaphore, #tpu.memory_space<semaphore_mem>>)
      %dma_wait3A = arith.constant 0 : i32
      %dma_wait3A_77 = tpu.memref_slice %arg8[%add3A_35, %dma_wait3A] : memref<44800x32xf32, #tpu.memory_space<vmem_shared>> -> memref<512x32xf32, #tpu.memory_space<vmem_shared>>
      %dma_wait3A_78 = arith.constant 0 : i32
      %dma_wait3A_79 = tpu.memref_slice %arg8[%add3A_35, %dma_wait3A_78] : memref<44800x32xf32, #tpu.memory_space<vmem_shared>> -> memref<512x32xf32, #tpu.memory_space<vmem_shared>>
      tpu.wait_dma2 semaphore(%run_scoped3A : memref<!tpu.dma_semaphore, #tpu.memory_space<semaphore_mem>>) src(%dma_wait3A_79 : memref<512x32xf32, #tpu.memory_space<vmem_shared>>) dst(%arg14 : memref<512x32xf32, #tpu.memory_space<vmem>>)
      tpu.yield
    }) : () -> ()
    %mul3A_36 = arith.constant 44800 : i32
    %mul3A_37 = arith.muli %arg0, %mul3A_36 : i32
    %add3A_38 = arith.addi %mul3A_37, %add3A_35 : i32
    "tpu.region"() ({
      %run_scoped3A = tpu.sem_alloc : memref<!tpu.dma_semaphore, #tpu.memory_space<semaphore_mem>>
      %dma_start3A = arith.constant 0 : i32
      %dma_start3A_74 = tpu.memref_slice %arg7[%add3A_38, %dma_start3A] : memref<89600x32xf32, #tpu.memory_space<hbm>> -> memref<512x32xf32, #tpu.memory_space<hbm>>
      %dma_start3A_75 = arith.constant 0 : i32
      %dma_start3A_76 = tpu.memref_slice %arg7[%add3A_38, %dma_start3A_75] : memref<89600x32xf32, #tpu.memory_space<hbm>> -> memref<512x32xf32, #tpu.memory_space<hbm>>
      tpu.enqueue_dma source(%arg14 : memref<512x32xf32, #tpu.memory_space<vmem>>) target(%dma_start3A_76 : memref<512x32xf32, #tpu.memory_space<hbm>>) target_semaphore(%run_scoped3A : memref<!tpu.dma_semaphore, #tpu.memory_space<semaphore_mem>>)
      %dma_wait3A = arith.constant 0 : i32
      %dma_wait3A_77 = tpu.memref_slice %arg7[%add3A_38, %dma_wait3A] : memref<89600x32xf32, #tpu.memory_space<hbm>> -> memref<512x32xf32, #tpu.memory_space<hbm>>
      %dma_wait3A_78 = arith.constant 0 : i32
      %dma_wait3A_79 = tpu.memref_slice %arg7[%add3A_38, %dma_wait3A_78] : memref<89600x32xf32, #tpu.memory_space<hbm>> -> memref<512x32xf32, #tpu.memory_space<hbm>>
      tpu.wait_dma2 semaphore(%run_scoped3A : memref<!tpu.dma_semaphore, #tpu.memory_space<semaphore_mem>>) src(%arg14 : memref<512x32xf32, #tpu.memory_space<vmem>>) dst(%dma_wait3A_79 : memref<512x32xf32, #tpu.memory_space<hbm>>)
      tpu.yield
    }) : () -> ()
    %mul3A_39 = arith.constant 2800 : i32
    %mul3A_40 = arith.muli %arg1, %mul3A_39 : i32
    %add3A_41 = arith.constant 512 : i32
    %add3A_42 = arith.addi %mul3A_40, %add3A_41 : i32
    "tpu.region"() ({
      %run_scoped3A = tpu.sem_alloc : memref<!tpu.dma_semaphore, #tpu.memory_space<semaphore_mem>>
      %dma_start3A = arith.constant 0 : i32
      %dma_start3A_74 = tpu.memref_slice %arg8[%add3A_42, %dma_start3A] : memref<44800x32xf32, #tpu.memory_space<vmem_shared>> -> memref<512x32xf32, #tpu.memory_space<vmem_shared>>
      %dma_start3A_75 = arith.constant 0 : i32
      %dma_start3A_76 = tpu.memref_slice %arg8[%add3A_42, %dma_start3A_75] : memref<44800x32xf32, #tpu.memory_space<vmem_shared>> -> memref<512x32xf32, #tpu.memory_space<vmem_shared>>
      tpu.enqueue_dma source(%dma_start3A_76 : memref<512x32xf32, #tpu.memory_space<vmem_shared>>) target(%arg14 : memref<512x32xf32, #tpu.memory_space<vmem>>) target_semaphore(%run_scoped3A : memref<!tpu.dma_semaphore, #tpu.memory_space<semaphore_mem>>)
      %dma_wait3A = arith.constant 0 : i32
      %dma_wait3A_77 = tpu.memref_slice %arg8[%add3A_42, %dma_wait3A] : memref<44800x32xf32, #tpu.memory_space<vmem_shared>> -> memref<512x32xf32, #tpu.memory_space<vmem_shared>>
      %dma_wait3A_78 = arith.constant 0 : i32
      %dma_wait3A_79 = tpu.memref_slice %arg8[%add3A_42, %dma_wait3A_78] : memref<44800x32xf32, #tpu.memory_space<vmem_shared>> -> memref<512x32xf32, #tpu.memory_space<vmem_shared>>
      tpu.wait_dma2 semaphore(%run_scoped3A : memref<!tpu.dma_semaphore, #tpu.memory_space<semaphore_mem>>) src(%dma_wait3A_79 : memref<512x32xf32, #tpu.memory_space<vmem_shared>>) dst(%arg14 : memref<512x32xf32, #tpu.memory_space<vmem>>)
      tpu.yield
    }) : () -> ()
    %mul3A_43 = arith.constant 44800 : i32
    %mul3A_44 = arith.muli %arg0, %mul3A_43 : i32
    %add3A_45 = arith.addi %mul3A_44, %add3A_42 : i32
    "tpu.region"() ({
      %run_scoped3A = tpu.sem_alloc : memref<!tpu.dma_semaphore, #tpu.memory_space<semaphore_mem>>
      %dma_start3A = arith.constant 0 : i32
      %dma_start3A_74 = tpu.memref_slice %arg7[%add3A_45, %dma_start3A] : memref<89600x32xf32, #tpu.memory_space<hbm>> -> memref<512x32xf32, #tpu.memory_space<hbm>>
      %dma_start3A_75 = arith.constant 0 : i32
      %dma_start3A_76 = tpu.memref_slice %arg7[%add3A_45, %dma_start3A_75] : memref<89600x32xf32, #tpu.memory_space<hbm>> -> memref<512x32xf32, #tpu.memory_space<hbm>>
      tpu.enqueue_dma source(%arg14 : memref<512x32xf32, #tpu.memory_space<vmem>>) target(%dma_start3A_76 : memref<512x32xf32, #tpu.memory_space<hbm>>) target_semaphore(%run_scoped3A : memref<!tpu.dma_semaphore, #tpu.memory_space<semaphore_mem>>)
      %dma_wait3A = arith.constant 0 : i32
      %dma_wait3A_77 = tpu.memref_slice %arg7[%add3A_45, %dma_wait3A] : memref<89600x32xf32, #tpu.memory_space<hbm>> -> memref<512x32xf32, #tpu.memory_space<hbm>>
      %dma_wait3A_78 = arith.constant 0 : i32
      %dma_wait3A_79 = tpu.memref_slice %arg7[%add3A_45, %dma_wait3A_78] : memref<89600x32xf32, #tpu.memory_space<hbm>> -> memref<512x32xf32, #tpu.memory_space<hbm>>
      tpu.wait_dma2 semaphore(%run_scoped3A : memref<!tpu.dma_semaphore, #tpu.memory_space<semaphore_mem>>) src(%arg14 : memref<512x32xf32, #tpu.memory_space<vmem>>) dst(%dma_wait3A_79 : memref<512x32xf32, #tpu.memory_space<hbm>>)
      tpu.yield
    }) : () -> ()
    %mul3A_46 = arith.constant 2800 : i32
    %mul3A_47 = arith.muli %arg1, %mul3A_46 : i32
    %add3A_48 = arith.constant 1024 : i32
    %add3A_49 = arith.addi %mul3A_47, %add3A_48 : i32
    "tpu.region"() ({
      %run_scoped3A = tpu.sem_alloc : memref<!tpu.dma_semaphore, #tpu.memory_space<semaphore_mem>>
      %dma_start3A = arith.constant 0 : i32
      %dma_start3A_74 = tpu.memref_slice %arg8[%add3A_49, %dma_start3A] : memref<44800x32xf32, #tpu.memory_space<vmem_shared>> -> memref<512x32xf32, #tpu.memory_space<vmem_shared>>
      %dma_start3A_75 = arith.constant 0 : i32
      %dma_start3A_76 = tpu.memref_slice %arg8[%add3A_49, %dma_start3A_75] : memref<44800x32xf32, #tpu.memory_space<vmem_shared>> -> memref<512x32xf32, #tpu.memory_space<vmem_shared>>
      tpu.enqueue_dma source(%dma_start3A_76 : memref<512x32xf32, #tpu.memory_space<vmem_shared>>) target(%arg14 : memref<512x32xf32, #tpu.memory_space<vmem>>) target_semaphore(%run_scoped3A : memref<!tpu.dma_semaphore, #tpu.memory_space<semaphore_mem>>)
      %dma_wait3A = arith.constant 0 : i32
      %dma_wait3A_77 = tpu.memref_slice %arg8[%add3A_49, %dma_wait3A] : memref<44800x32xf32, #tpu.memory_space<vmem_shared>> -> memref<512x32xf32, #tpu.memory_space<vmem_shared>>
      %dma_wait3A_78 = arith.constant 0 : i32
      %dma_wait3A_79 = tpu.memref_slice %arg8[%add3A_49, %dma_wait3A_78] : memref<44800x32xf32, #tpu.memory_space<vmem_shared>> -> memref<512x32xf32, #tpu.memory_space<vmem_shared>>
      tpu.wait_dma2 semaphore(%run_scoped3A : memref<!tpu.dma_semaphore, #tpu.memory_space<semaphore_mem>>) src(%dma_wait3A_79 : memref<512x32xf32, #tpu.memory_space<vmem_shared>>) dst(%arg14 : memref<512x32xf32, #tpu.memory_space<vmem>>)
      tpu.yield
    }) : () -> ()
    %mul3A_50 = arith.constant 44800 : i32
    %mul3A_51 = arith.muli %arg0, %mul3A_50 : i32
    %add3A_52 = arith.addi %mul3A_51, %add3A_49 : i32
    "tpu.region"() ({
      %run_scoped3A = tpu.sem_alloc : memref<!tpu.dma_semaphore, #tpu.memory_space<semaphore_mem>>
      %dma_start3A = arith.constant 0 : i32
      %dma_start3A_74 = tpu.memref_slice %arg7[%add3A_52, %dma_start3A] : memref<89600x32xf32, #tpu.memory_space<hbm>> -> memref<512x32xf32, #tpu.memory_space<hbm>>
      %dma_start3A_75 = arith.constant 0 : i32
      %dma_start3A_76 = tpu.memref_slice %arg7[%add3A_52, %dma_start3A_75] : memref<89600x32xf32, #tpu.memory_space<hbm>> -> memref<512x32xf32, #tpu.memory_space<hbm>>
      tpu.enqueue_dma source(%arg14 : memref<512x32xf32, #tpu.memory_space<vmem>>) target(%dma_start3A_76 : memref<512x32xf32, #tpu.memory_space<hbm>>) target_semaphore(%run_scoped3A : memref<!tpu.dma_semaphore, #tpu.memory_space<semaphore_mem>>)
      %dma_wait3A = arith.constant 0 : i32
      %dma_wait3A_77 = tpu.memref_slice %arg7[%add3A_52, %dma_wait3A] : memref<89600x32xf32, #tpu.memory_space<hbm>> -> memref<512x32xf32, #tpu.memory_space<hbm>>
      %dma_wait3A_78 = arith.constant 0 : i32
      %dma_wait3A_79 = tpu.memref_slice %arg7[%add3A_52, %dma_wait3A_78] : memref<89600x32xf32, #tpu.memory_space<hbm>> -> memref<512x32xf32, #tpu.memory_space<hbm>>
      tpu.wait_dma2 semaphore(%run_scoped3A : memref<!tpu.dma_semaphore, #tpu.memory_space<semaphore_mem>>) src(%arg14 : memref<512x32xf32, #tpu.memory_space<vmem>>) dst(%dma_wait3A_79 : memref<512x32xf32, #tpu.memory_space<hbm>>)
      tpu.yield
    }) : () -> ()
    %mul3A_53 = arith.constant 2800 : i32
    %mul3A_54 = arith.muli %arg1, %mul3A_53 : i32
    %add3A_55 = arith.constant 1536 : i32
    %add3A_56 = arith.addi %mul3A_54, %add3A_55 : i32
    "tpu.region"() ({
      %run_scoped3A = tpu.sem_alloc : memref<!tpu.dma_semaphore, #tpu.memory_space<semaphore_mem>>
      %dma_start3A = arith.constant 0 : i32
      %dma_start3A_74 = tpu.memref_slice %arg8[%add3A_56, %dma_start3A] : memref<44800x32xf32, #tpu.memory_space<vmem_shared>> -> memref<512x32xf32, #tpu.memory_space<vmem_shared>>
      %dma_start3A_75 = arith.constant 0 : i32
      %dma_start3A_76 = tpu.memref_slice %arg8[%add3A_56, %dma_start3A_75] : memref<44800x32xf32, #tpu.memory_space<vmem_shared>> -> memref<512x32xf32, #tpu.memory_space<vmem_shared>>
      tpu.enqueue_dma source(%dma_start3A_76 : memref<512x32xf32, #tpu.memory_space<vmem_shared>>) target(%arg14 : memref<512x32xf32, #tpu.memory_space<vmem>>) target_semaphore(%run_scoped3A : memref<!tpu.dma_semaphore, #tpu.memory_space<semaphore_mem>>)
      %dma_wait3A = arith.constant 0 : i32
      %dma_wait3A_77 = tpu.memref_slice %arg8[%add3A_56, %dma_wait3A] : memref<44800x32xf32, #tpu.memory_space<vmem_shared>> -> memref<512x32xf32, #tpu.memory_space<vmem_shared>>
      %dma_wait3A_78 = arith.constant 0 : i32
      %dma_wait3A_79 = tpu.memref_slice %arg8[%add3A_56, %dma_wait3A_78] : memref<44800x32xf32, #tpu.memory_space<vmem_shared>> -> memref<512x32xf32, #tpu.memory_space<vmem_shared>>
      tpu.wait_dma2 semaphore(%run_scoped3A : memref<!tpu.dma_semaphore, #tpu.memory_space<semaphore_mem>>) src(%dma_wait3A_79 : memref<512x32xf32, #tpu.memory_space<vmem_shared>>) dst(%arg14 : memref<512x32xf32, #tpu.memory_space<vmem>>)
      tpu.yield
    }) : () -> ()
    %mul3A_57 = arith.constant 44800 : i32
    %mul3A_58 = arith.muli %arg0, %mul3A_57 : i32
    %add3A_59 = arith.addi %mul3A_58, %add3A_56 : i32
    "tpu.region"() ({
      %run_scoped3A = tpu.sem_alloc : memref<!tpu.dma_semaphore, #tpu.memory_space<semaphore_mem>>
      %dma_start3A = arith.constant 0 : i32
      %dma_start3A_74 = tpu.memref_slice %arg7[%add3A_59, %dma_start3A] : memref<89600x32xf32, #tpu.memory_space<hbm>> -> memref<512x32xf32, #tpu.memory_space<hbm>>
      %dma_start3A_75 = arith.constant 0 : i32
      %dma_start3A_76 = tpu.memref_slice %arg7[%add3A_59, %dma_start3A_75] : memref<89600x32xf32, #tpu.memory_space<hbm>> -> memref<512x32xf32, #tpu.memory_space<hbm>>
      tpu.enqueue_dma source(%arg14 : memref<512x32xf32, #tpu.memory_space<vmem>>) target(%dma_start3A_76 : memref<512x32xf32, #tpu.memory_space<hbm>>) target_semaphore(%run_scoped3A : memref<!tpu.dma_semaphore, #tpu.memory_space<semaphore_mem>>)
      %dma_wait3A = arith.constant 0 : i32
      %dma_wait3A_77 = tpu.memref_slice %arg7[%add3A_59, %dma_wait3A] : memref<89600x32xf32, #tpu.memory_space<hbm>> -> memref<512x32xf32, #tpu.memory_space<hbm>>
      %dma_wait3A_78 = arith.constant 0 : i32
      %dma_wait3A_79 = tpu.memref_slice %arg7[%add3A_59, %dma_wait3A_78] : memref<89600x32xf32, #tpu.memory_space<hbm>> -> memref<512x32xf32, #tpu.memory_space<hbm>>
      tpu.wait_dma2 semaphore(%run_scoped3A : memref<!tpu.dma_semaphore, #tpu.memory_space<semaphore_mem>>) src(%arg14 : memref<512x32xf32, #tpu.memory_space<vmem>>) dst(%dma_wait3A_79 : memref<512x32xf32, #tpu.memory_space<hbm>>)
      tpu.yield
    }) : () -> ()
    %mul3A_60 = arith.constant 2800 : i32
    %mul3A_61 = arith.muli %arg1, %mul3A_60 : i32
    %add3A_62 = arith.constant 2048 : i32
    %add3A_63 = arith.addi %mul3A_61, %add3A_62 : i32
    "tpu.region"() ({
      %run_scoped3A = tpu.sem_alloc : memref<!tpu.dma_semaphore, #tpu.memory_space<semaphore_mem>>
      %dma_start3A = arith.constant 0 : i32
      %dma_start3A_74 = tpu.memref_slice %arg8[%add3A_63, %dma_start3A] : memref<44800x32xf32, #tpu.memory_space<vmem_shared>> -> memref<512x32xf32, #tpu.memory_space<vmem_shared>>
      %dma_start3A_75 = arith.constant 0 : i32
      %dma_start3A_76 = tpu.memref_slice %arg8[%add3A_63, %dma_start3A_75] : memref<44800x32xf32, #tpu.memory_space<vmem_shared>> -> memref<512x32xf32, #tpu.memory_space<vmem_shared>>
      tpu.enqueue_dma source(%dma_start3A_76 : memref<512x32xf32, #tpu.memory_space<vmem_shared>>) target(%arg14 : memref<512x32xf32, #tpu.memory_space<vmem>>) target_semaphore(%run_scoped3A : memref<!tpu.dma_semaphore, #tpu.memory_space<semaphore_mem>>)
      %dma_wait3A = arith.constant 0 : i32
      %dma_wait3A_77 = tpu.memref_slice %arg8[%add3A_63, %dma_wait3A] : memref<44800x32xf32, #tpu.memory_space<vmem_shared>> -> memref<512x32xf32, #tpu.memory_space<vmem_shared>>
      %dma_wait3A_78 = arith.constant 0 : i32
      %dma_wait3A_79 = tpu.memref_slice %arg8[%add3A_63, %dma_wait3A_78] : memref<44800x32xf32, #tpu.memory_space<vmem_shared>> -> memref<512x32xf32, #tpu.memory_space<vmem_shared>>
      tpu.wait_dma2 semaphore(%run_scoped3A : memref<!tpu.dma_semaphore, #tpu.memory_space<semaphore_mem>>) src(%dma_wait3A_79 : memref<512x32xf32, #tpu.memory_space<vmem_shared>>) dst(%arg14 : memref<512x32xf32, #tpu.memory_space<vmem>>)
      tpu.yield
    }) : () -> ()
    %mul3A_64 = arith.constant 44800 : i32
    %mul3A_65 = arith.muli %arg0, %mul3A_64 : i32
    %add3A_66 = arith.addi %mul3A_65, %add3A_63 : i32
    "tpu.region"() ({
      %run_scoped3A = tpu.sem_alloc : memref<!tpu.dma_semaphore, #tpu.memory_space<semaphore_mem>>
      %dma_start3A = arith.constant 0 : i32
      %dma_start3A_74 = tpu.memref_slice %arg7[%add3A_66, %dma_start3A] : memref<89600x32xf32, #tpu.memory_space<hbm>> -> memref<512x32xf32, #tpu.memory_space<hbm>>
      %dma_start3A_75 = arith.constant 0 : i32
      %dma_start3A_76 = tpu.memref_slice %arg7[%add3A_66, %dma_start3A_75] : memref<89600x32xf32, #tpu.memory_space<hbm>> -> memref<512x32xf32, #tpu.memory_space<hbm>>
      tpu.enqueue_dma source(%arg14 : memref<512x32xf32, #tpu.memory_space<vmem>>) target(%dma_start3A_76 : memref<512x32xf32, #tpu.memory_space<hbm>>) target_semaphore(%run_scoped3A : memref<!tpu.dma_semaphore, #tpu.memory_space<semaphore_mem>>)
      %dma_wait3A = arith.constant 0 : i32
      %dma_wait3A_77 = tpu.memref_slice %arg7[%add3A_66, %dma_wait3A] : memref<89600x32xf32, #tpu.memory_space<hbm>> -> memref<512x32xf32, #tpu.memory_space<hbm>>
      %dma_wait3A_78 = arith.constant 0 : i32
      %dma_wait3A_79 = tpu.memref_slice %arg7[%add3A_66, %dma_wait3A_78] : memref<89600x32xf32, #tpu.memory_space<hbm>> -> memref<512x32xf32, #tpu.memory_space<hbm>>
      tpu.wait_dma2 semaphore(%run_scoped3A : memref<!tpu.dma_semaphore, #tpu.memory_space<semaphore_mem>>) src(%arg14 : memref<512x32xf32, #tpu.memory_space<vmem>>) dst(%dma_wait3A_79 : memref<512x32xf32, #tpu.memory_space<hbm>>)
      tpu.yield
    }) : () -> ()
    %mul3A_67 = arith.constant 2800 : i32
    %mul3A_68 = arith.muli %arg1, %mul3A_67 : i32
    %add3A_69 = arith.constant 2560 : i32
    %add3A_70 = arith.addi %mul3A_68, %add3A_69 : i32
    "tpu.region"() ({
      %run_scoped3A = tpu.sem_alloc : memref<!tpu.dma_semaphore, #tpu.memory_space<semaphore_mem>>
      %dma_start3A = arith.constant 0 : i32
      %dma_start3A_74 = arith.constant 0 : i32
      %dma_start3A_75 = tpu.memref_slice %arg14[%dma_start3A, %dma_start3A_74] : memref<512x32xf32, #tpu.memory_space<vmem>> -> memref<240x32xf32, #tpu.memory_space<vmem>>
      %dma_start3A_76 = arith.constant 0 : i32
      %dma_start3A_77 = tpu.memref_slice %arg8[%add3A_70, %dma_start3A_76] : memref<44800x32xf32, #tpu.memory_space<vmem_shared>> -> memref<240x32xf32, #tpu.memory_space<vmem_shared>>
      %dma_start3A_78 = arith.constant 0 : i32
      %dma_start3A_79 = arith.constant 0 : i32
      %dma_start3A_80 = tpu.memref_slice %arg14[%dma_start3A_78, %dma_start3A_79] : memref<512x32xf32, #tpu.memory_space<vmem>> -> memref<240x32xf32, #tpu.memory_space<vmem>>
      %dma_start3A_81 = arith.constant 0 : i32
      %dma_start3A_82 = tpu.memref_slice %arg8[%add3A_70, %dma_start3A_81] : memref<44800x32xf32, #tpu.memory_space<vmem_shared>> -> memref<240x32xf32, #tpu.memory_space<vmem_shared>>
      tpu.enqueue_dma source(%dma_start3A_82 : memref<240x32xf32, #tpu.memory_space<vmem_shared>>) target(%dma_start3A_80 : memref<240x32xf32, #tpu.memory_space<vmem>>) target_semaphore(%run_scoped3A : memref<!tpu.dma_semaphore, #tpu.memory_space<semaphore_mem>>)
      %dma_wait3A = arith.constant 0 : i32
      %dma_wait3A_83 = arith.constant 0 : i32
      %dma_wait3A_84 = tpu.memref_slice %arg14[%dma_wait3A, %dma_wait3A_83] : memref<512x32xf32, #tpu.memory_space<vmem>> -> memref<240x32xf32, #tpu.memory_space<vmem>>
      %dma_wait3A_85 = arith.constant 0 : i32
      %dma_wait3A_86 = tpu.memref_slice %arg8[%add3A_70, %dma_wait3A_85] : memref<44800x32xf32, #tpu.memory_space<vmem_shared>> -> memref<240x32xf32, #tpu.memory_space<vmem_shared>>
      %dma_wait3A_87 = arith.constant 0 : i32
      %dma_wait3A_88 = arith.constant 0 : i32
      %dma_wait3A_89 = tpu.memref_slice %arg14[%dma_wait3A_87, %dma_wait3A_88] : memref<512x32xf32, #tpu.memory_space<vmem>> -> memref<240x32xf32, #tpu.memory_space<vmem>>
      %dma_wait3A_90 = arith.constant 0 : i32
      %dma_wait3A_91 = tpu.memref_slice %arg8[%add3A_70, %dma_wait3A_90] : memref<44800x32xf32, #tpu.memory_space<vmem_shared>> -> memref<240x32xf32, #tpu.memory_space<vmem_shared>>
      tpu.wait_dma2 semaphore(%run_scoped3A : memref<!tpu.dma_semaphore, #tpu.memory_space<semaphore_mem>>) src(%dma_wait3A_91 : memref<240x32xf32, #tpu.memory_space<vmem_shared>>) dst(%dma_wait3A_89 : memref<240x32xf32, #tpu.memory_space<vmem>>)
      tpu.yield
    }) : () -> ()
    %mul3A_71 = arith.constant 44800 : i32
    %mul3A_72 = arith.muli %arg0, %mul3A_71 : i32
    %add3A_73 = arith.addi %mul3A_72, %add3A_70 : i32
    "tpu.region"() ({
      %run_scoped3A = tpu.sem_alloc : memref<!tpu.dma_semaphore, #tpu.memory_space<semaphore_mem>>
      %dma_start3A = arith.constant 0 : i32
      %dma_start3A_74 = arith.constant 0 : i32
      %dma_start3A_75 = tpu.memref_slice %arg14[%dma_start3A, %dma_start3A_74] : memref<512x32xf32, #tpu.memory_space<vmem>> -> memref<240x32xf32, #tpu.memory_space<vmem>>
      %dma_start3A_76 = arith.constant 0 : i32
      %dma_start3A_77 = tpu.memref_slice %arg7[%add3A_73, %dma_start3A_76] : memref<89600x32xf32, #tpu.memory_space<hbm>> -> memref<240x32xf32, #tpu.memory_space<hbm>>
      %dma_start3A_78 = arith.constant 0 : i32
      %dma_start3A_79 = tpu.memref_slice %arg7[%add3A_73, %dma_start3A_78] : memref<89600x32xf32, #tpu.memory_space<hbm>> -> memref<240x32xf32, #tpu.memory_space<hbm>>
      %dma_start3A_80 = arith.constant 0 : i32
      %dma_start3A_81 = arith.constant 0 : i32
      %dma_start3A_82 = tpu.memref_slice %arg14[%dma_start3A_80, %dma_start3A_81] : memref<512x32xf32, #tpu.memory_space<vmem>> -> memref<240x32xf32, #tpu.memory_space<vmem>>
      tpu.enqueue_dma source(%dma_start3A_82 : memref<240x32xf32, #tpu.memory_space<vmem>>) target(%dma_start3A_79 : memref<240x32xf32, #tpu.memory_space<hbm>>) target_semaphore(%run_scoped3A : memref<!tpu.dma_semaphore, #tpu.memory_space<semaphore_mem>>)
      %dma_wait3A = arith.constant 0 : i32
      %dma_wait3A_83 = arith.constant 0 : i32
      %dma_wait3A_84 = tpu.memref_slice %arg14[%dma_wait3A, %dma_wait3A_83] : memref<512x32xf32, #tpu.memory_space<vmem>> -> memref<240x32xf32, #tpu.memory_space<vmem>>
      %dma_wait3A_85 = arith.constant 0 : i32
      %dma_wait3A_86 = tpu.memref_slice %arg7[%add3A_73, %dma_wait3A_85] : memref<89600x32xf32, #tpu.memory_space<hbm>> -> memref<240x32xf32, #tpu.memory_space<hbm>>
      %dma_wait3A_87 = arith.constant 0 : i32
      %dma_wait3A_88 = tpu.memref_slice %arg7[%add3A_73, %dma_wait3A_87] : memref<89600x32xf32, #tpu.memory_space<hbm>> -> memref<240x32xf32, #tpu.memory_space<hbm>>
      %dma_wait3A_89 = arith.constant 0 : i32
      %dma_wait3A_90 = arith.constant 0 : i32
      %dma_wait3A_91 = tpu.memref_slice %arg14[%dma_wait3A_89, %dma_wait3A_90] : memref<512x32xf32, #tpu.memory_space<vmem>> -> memref<240x32xf32, #tpu.memory_space<vmem>>
      tpu.wait_dma2 semaphore(%run_scoped3A : memref<!tpu.dma_semaphore, #tpu.memory_space<semaphore_mem>>) src(%dma_wait3A_91 : memref<240x32xf32, #tpu.memory_space<vmem>>) dst(%dma_wait3A_88 : memref<240x32xf32, #tpu.memory_space<hbm>>)
      tpu.yield
    }) : () -> ()
    return
  }
}

#map = affine_map<(d0, d1) -> (0, 0)>
#map1 = affine_map<(d0, d1) -> (0)>
module attributes {stable_mosaic.version = 14 : i64} {
  func.func @_sc_layer0(%arg0: i32, %arg1: i32, %arg2: memref<12800x128xi32, #tpu.memory_space<hbm>>, %arg3: memref<12800x128xi32, #tpu.memory_space<hbm>>, %arg4: memref<1638400xf32, #tpu.memory_space<hbm>>, %arg5: memref<100096xf32, #tpu.memory_space<hbm>>, %arg6: memref<100096xf32, #tpu.memory_space<hbm>>, %arg7: memref<6256xf32, #tpu.memory_space<hbm>>, %arg8: memref<600576xf32, #tpu.memory_space<hbm>>, %arg9: memref<100096xf32, #tpu.memory_space<vmem_shared>>, %arg10: memref<100096xf32, #tpu.memory_space<vmem_shared>>, %arg11: memref<100096xf32, #tpu.memory_space<vmem_shared>>, %arg12: memref<100096xf32, #tpu.memory_space<vmem_shared>>, %arg13: memref<100096xf32, #tpu.memory_space<vmem_shared>>, %arg14: memref<6256xf32, #tpu.memory_space<vmem>>, %arg15: memref<4x128xi32, #tpu.memory_space<vmem>>, %arg16: memref<4x128xi32, #tpu.memory_space<vmem>>, %arg17: memref<512xf32, #tpu.memory_space<vmem>>, %arg18: memref<4x128xf32, #tpu.memory_space<vmem>>, %arg19: memref<4x128xf32, #tpu.memory_space<vmem>>, %arg20: memref<4x128xf32, #tpu.memory_space<vmem>>, %arg21: memref<4x128xf32, #tpu.memory_space<vmem>>, %arg22: memref<4x128xf32, #tpu.memory_space<vmem>>, %arg23: memref<!tpu.dma_semaphore, #tpu.memory_space<semaphore_mem>>) attributes {dimension_semantics = [#tpu.dimension_semantics<core_parallel>, #tpu.dimension_semantics<subcore_parallel>], iteration_bounds = array<i64: 2, 16>, scalar_prefetch = 0 : i64, scratch_operands = 15 : i64, tpu.core_type = #tpu.core_type<sc_vector_subcore>, window_params = [{transform_indices = #map}, {transform_indices = #map}, {transform_indices = #map1}, {transform_indices = #map1}, {transform_indices = #map1}, {transform_indices = #map1}, {transform_indices = #map1}]} {
    %mul3A = arith.constant 16 : i32
    %mul3A_0 = arith.muli %arg0, %mul3A : i32
    %add3A = arith.addi %mul3A_0, %arg1 : i32
    %mul3A_1 = arith.constant 6256 : i32
    %mul3A_2 = arith.muli %arg1, %mul3A_1 : i32
    "tpu.region"() ({
      %run_scoped3A = tpu.sem_alloc : memref<!tpu.dma_semaphore, #tpu.memory_space<semaphore_mem>>
      %dma_start3A = tpu.memref_slice %arg5[%mul3A_2] : memref<100096xf32, #tpu.memory_space<hbm>> -> memref<6256xf32, #tpu.memory_space<hbm>>
      %dma_start3A_22 = tpu.memref_slice %arg5[%mul3A_2] : memref<100096xf32, #tpu.memory_space<hbm>> -> memref<6256xf32, #tpu.memory_space<hbm>>
      tpu.enqueue_dma source(%dma_start3A_22 : memref<6256xf32, #tpu.memory_space<hbm>>) target(%arg14 : memref<6256xf32, #tpu.memory_space<vmem>>) target_semaphore(%run_scoped3A : memref<!tpu.dma_semaphore, #tpu.memory_space<semaphore_mem>>)
      %dma_wait3A = tpu.memref_slice %arg5[%mul3A_2] : memref<100096xf32, #tpu.memory_space<hbm>> -> memref<6256xf32, #tpu.memory_space<hbm>>
      %dma_wait3A_23 = tpu.memref_slice %arg5[%mul3A_2] : memref<100096xf32, #tpu.memory_space<hbm>> -> memref<6256xf32, #tpu.memory_space<hbm>>
      tpu.wait_dma2 semaphore(%run_scoped3A : memref<!tpu.dma_semaphore, #tpu.memory_space<semaphore_mem>>) src(%dma_wait3A_23 : memref<6256xf32, #tpu.memory_space<hbm>>) dst(%arg14 : memref<6256xf32, #tpu.memory_space<vmem>>)
      tpu.yield
    }) : () -> ()
    "tpu.region"() ({
      %run_scoped3A = tpu.sem_alloc : memref<!tpu.dma_semaphore, #tpu.memory_space<semaphore_mem>>
      %dma_start3A = tpu.memref_slice %arg9[%mul3A_2] : memref<100096xf32, #tpu.memory_space<vmem_shared>> -> memref<6256xf32, #tpu.memory_space<vmem_shared>>
      %dma_start3A_22 = tpu.memref_slice %arg9[%mul3A_2] : memref<100096xf32, #tpu.memory_space<vmem_shared>> -> memref<6256xf32, #tpu.memory_space<vmem_shared>>
      tpu.enqueue_dma source(%arg14 : memref<6256xf32, #tpu.memory_space<vmem>>) target(%dma_start3A_22 : memref<6256xf32, #tpu.memory_space<vmem_shared>>) target_semaphore(%run_scoped3A : memref<!tpu.dma_semaphore, #tpu.memory_space<semaphore_mem>>)
      %dma_wait3A = tpu.memref_slice %arg9[%mul3A_2] : memref<100096xf32, #tpu.memory_space<vmem_shared>> -> memref<6256xf32, #tpu.memory_space<vmem_shared>>
      %dma_wait3A_23 = tpu.memref_slice %arg9[%mul3A_2] : memref<100096xf32, #tpu.memory_space<vmem_shared>> -> memref<6256xf32, #tpu.memory_space<vmem_shared>>
      tpu.wait_dma2 semaphore(%run_scoped3A : memref<!tpu.dma_semaphore, #tpu.memory_space<semaphore_mem>>) src(%arg14 : memref<6256xf32, #tpu.memory_space<vmem>>) dst(%dma_wait3A_23 : memref<6256xf32, #tpu.memory_space<vmem_shared>>)
      tpu.yield
    }) : () -> ()
    "tpu.region"() ({
      %run_scoped3A = tpu.sem_alloc : memref<!tpu.dma_semaphore, #tpu.memory_space<semaphore_mem>>
      %dma_start3A = tpu.memref_slice %arg6[%mul3A_2] : memref<100096xf32, #tpu.memory_space<hbm>> -> memref<6256xf32, #tpu.memory_space<hbm>>
      %dma_start3A_22 = tpu.memref_slice %arg6[%mul3A_2] : memref<100096xf32, #tpu.memory_space<hbm>> -> memref<6256xf32, #tpu.memory_space<hbm>>
      tpu.enqueue_dma source(%dma_start3A_22 : memref<6256xf32, #tpu.memory_space<hbm>>) target(%arg14 : memref<6256xf32, #tpu.memory_space<vmem>>) target_semaphore(%run_scoped3A : memref<!tpu.dma_semaphore, #tpu.memory_space<semaphore_mem>>)
      %dma_wait3A = tpu.memref_slice %arg6[%mul3A_2] : memref<100096xf32, #tpu.memory_space<hbm>> -> memref<6256xf32, #tpu.memory_space<hbm>>
      %dma_wait3A_23 = tpu.memref_slice %arg6[%mul3A_2] : memref<100096xf32, #tpu.memory_space<hbm>> -> memref<6256xf32, #tpu.memory_space<hbm>>
      tpu.wait_dma2 semaphore(%run_scoped3A : memref<!tpu.dma_semaphore, #tpu.memory_space<semaphore_mem>>) src(%dma_wait3A_23 : memref<6256xf32, #tpu.memory_space<hbm>>) dst(%arg14 : memref<6256xf32, #tpu.memory_space<vmem>>)
      tpu.yield
    }) : () -> ()
    "tpu.region"() ({
      %run_scoped3A = tpu.sem_alloc : memref<!tpu.dma_semaphore, #tpu.memory_space<semaphore_mem>>
      %dma_start3A = tpu.memref_slice %arg10[%mul3A_2] : memref<100096xf32, #tpu.memory_space<vmem_shared>> -> memref<6256xf32, #tpu.memory_space<vmem_shared>>
      %dma_start3A_22 = tpu.memref_slice %arg10[%mul3A_2] : memref<100096xf32, #tpu.memory_space<vmem_shared>> -> memref<6256xf32, #tpu.memory_space<vmem_shared>>
      tpu.enqueue_dma source(%arg14 : memref<6256xf32, #tpu.memory_space<vmem>>) target(%dma_start3A_22 : memref<6256xf32, #tpu.memory_space<vmem_shared>>) target_semaphore(%run_scoped3A : memref<!tpu.dma_semaphore, #tpu.memory_space<semaphore_mem>>)
      %dma_wait3A = tpu.memref_slice %arg10[%mul3A_2] : memref<100096xf32, #tpu.memory_space<vmem_shared>> -> memref<6256xf32, #tpu.memory_space<vmem_shared>>
      %dma_wait3A_23 = tpu.memref_slice %arg10[%mul3A_2] : memref<100096xf32, #tpu.memory_space<vmem_shared>> -> memref<6256xf32, #tpu.memory_space<vmem_shared>>
      tpu.wait_dma2 semaphore(%run_scoped3A : memref<!tpu.dma_semaphore, #tpu.memory_space<semaphore_mem>>) src(%arg14 : memref<6256xf32, #tpu.memory_space<vmem>>) dst(%dma_wait3A_23 : memref<6256xf32, #tpu.memory_space<vmem_shared>>)
      tpu.yield
    }) : () -> ()
    "tpu.region"() ({
      %run_scoped3A = tpu.sem_alloc : memref<!tpu.dma_semaphore, #tpu.memory_space<semaphore_mem>>
      tpu.enqueue_dma source(%arg7 : memref<6256xf32, #tpu.memory_space<hbm>>) target(%arg14 : memref<6256xf32, #tpu.memory_space<vmem>>) target_semaphore(%run_scoped3A : memref<!tpu.dma_semaphore, #tpu.memory_space<semaphore_mem>>)
      tpu.wait_dma2 semaphore(%run_scoped3A : memref<!tpu.dma_semaphore, #tpu.memory_space<semaphore_mem>>) src(%arg7 : memref<6256xf32, #tpu.memory_space<hbm>>) dst(%arg14 : memref<6256xf32, #tpu.memory_space<vmem>>)
      tpu.yield
    }) : () -> ()
    "tpu.region"() ({
      %run_scoped3A = tpu.sem_alloc : memref<!tpu.dma_semaphore, #tpu.memory_space<semaphore_mem>>
      %dma_start3A = tpu.memref_slice %arg11[%mul3A_2] : memref<100096xf32, #tpu.memory_space<vmem_shared>> -> memref<6256xf32, #tpu.memory_space<vmem_shared>>
      %dma_start3A_22 = tpu.memref_slice %arg11[%mul3A_2] : memref<100096xf32, #tpu.memory_space<vmem_shared>> -> memref<6256xf32, #tpu.memory_space<vmem_shared>>
      tpu.enqueue_dma source(%arg14 : memref<6256xf32, #tpu.memory_space<vmem>>) target(%dma_start3A_22 : memref<6256xf32, #tpu.memory_space<vmem_shared>>) target_semaphore(%run_scoped3A : memref<!tpu.dma_semaphore, #tpu.memory_space<semaphore_mem>>)
      %dma_wait3A = tpu.memref_slice %arg11[%mul3A_2] : memref<100096xf32, #tpu.memory_space<vmem_shared>> -> memref<6256xf32, #tpu.memory_space<vmem_shared>>
      %dma_wait3A_23 = tpu.memref_slice %arg11[%mul3A_2] : memref<100096xf32, #tpu.memory_space<vmem_shared>> -> memref<6256xf32, #tpu.memory_space<vmem_shared>>
      tpu.wait_dma2 semaphore(%run_scoped3A : memref<!tpu.dma_semaphore, #tpu.memory_space<semaphore_mem>>) src(%arg14 : memref<6256xf32, #tpu.memory_space<vmem>>) dst(%dma_wait3A_23 : memref<6256xf32, #tpu.memory_space<vmem_shared>>)
      tpu.yield
    }) : () -> ()
    "tpu.region"() ({
      %run_scoped3A = tpu.sem_alloc : memref<!tpu.dma_semaphore, #tpu.memory_space<semaphore_mem>>
      %dma_start3A = tpu.memref_slice %arg12[%mul3A_2] : memref<100096xf32, #tpu.memory_space<vmem_shared>> -> memref<6256xf32, #tpu.memory_space<vmem_shared>>
      %dma_start3A_22 = tpu.memref_slice %arg12[%mul3A_2] : memref<100096xf32, #tpu.memory_space<vmem_shared>> -> memref<6256xf32, #tpu.memory_space<vmem_shared>>
      tpu.enqueue_dma source(%arg14 : memref<6256xf32, #tpu.memory_space<vmem>>) target(%dma_start3A_22 : memref<6256xf32, #tpu.memory_space<vmem_shared>>) target_semaphore(%run_scoped3A : memref<!tpu.dma_semaphore, #tpu.memory_space<semaphore_mem>>)
      %dma_wait3A = tpu.memref_slice %arg12[%mul3A_2] : memref<100096xf32, #tpu.memory_space<vmem_shared>> -> memref<6256xf32, #tpu.memory_space<vmem_shared>>
      %dma_wait3A_23 = tpu.memref_slice %arg12[%mul3A_2] : memref<100096xf32, #tpu.memory_space<vmem_shared>> -> memref<6256xf32, #tpu.memory_space<vmem_shared>>
      tpu.wait_dma2 semaphore(%run_scoped3A : memref<!tpu.dma_semaphore, #tpu.memory_space<semaphore_mem>>) src(%arg14 : memref<6256xf32, #tpu.memory_space<vmem>>) dst(%dma_wait3A_23 : memref<6256xf32, #tpu.memory_space<vmem_shared>>)
      tpu.yield
    }) : () -> ()
    "tpu.region"() ({
      %run_scoped3A = tpu.sem_alloc : memref<!tpu.dma_semaphore, #tpu.memory_space<semaphore_mem>>
      %dma_start3A = tpu.memref_slice %arg13[%mul3A_2] : memref<100096xf32, #tpu.memory_space<vmem_shared>> -> memref<6256xf32, #tpu.memory_space<vmem_shared>>
      %dma_start3A_22 = tpu.memref_slice %arg13[%mul3A_2] : memref<100096xf32, #tpu.memory_space<vmem_shared>> -> memref<6256xf32, #tpu.memory_space<vmem_shared>>
      tpu.enqueue_dma source(%arg14 : memref<6256xf32, #tpu.memory_space<vmem>>) target(%dma_start3A_22 : memref<6256xf32, #tpu.memory_space<vmem_shared>>) target_semaphore(%run_scoped3A : memref<!tpu.dma_semaphore, #tpu.memory_space<semaphore_mem>>)
      %dma_wait3A = tpu.memref_slice %arg13[%mul3A_2] : memref<100096xf32, #tpu.memory_space<vmem_shared>> -> memref<6256xf32, #tpu.memory_space<vmem_shared>>
      %dma_wait3A_23 = tpu.memref_slice %arg13[%mul3A_2] : memref<100096xf32, #tpu.memory_space<vmem_shared>> -> memref<6256xf32, #tpu.memory_space<vmem_shared>>
      tpu.wait_dma2 semaphore(%run_scoped3A : memref<!tpu.dma_semaphore, #tpu.memory_space<semaphore_mem>>) src(%arg14 : memref<6256xf32, #tpu.memory_space<vmem>>) dst(%dma_wait3A_23 : memref<6256xf32, #tpu.memory_space<vmem_shared>>)
      tpu.yield
    }) : () -> ()
    %barrier3A = arith.constant 0 : index
    tpu.barrier barrier_id(%barrier3A)
    %mul3A_3 = arith.constant 51200 : i32
    %mul3A_4 = arith.muli %add3A, %mul3A_3 : i32
    %iota3A = tpu.iota {dimensions = array<i32: 0>} : vector<16xi32>
    %scan3A = arith.constant 0 : i32
    %scan3A_5 = arith.constant 0 : i32
    %scan3A_6 = arith.constant 100 : i32
    %scan3A_7 = arith.addi %scan3A_5, %scan3A_6 : i32
    %scan3A_8 = arith.constant 1 : i32
    scf.for %scan3A_22 = %scan3A_5 to %scan3A_7 step %scan3A_8  : i32 {
      %mul3A_23 = arith.constant 512 : i32
      %mul3A_24 = arith.muli %scan3A_22, %mul3A_23 : i32
      %add3A_25 = arith.addi %mul3A_4, %mul3A_24 : i32
      %jit3A = arith.constant 128 : i32
      %div3A = arith.divsi %add3A_25, %jit3A : i32
      %sign3A = arith.constant 0 : i32
      %sign3A_26 = arith.cmpi sgt, %add3A_25, %sign3A : i32
      %sign3A_27 = arith.extui %sign3A_26 : i1 to i32
      %sign3A_28 = arith.constant 0 : i32
      %sign3A_29 = arith.cmpi slt, %add3A_25, %sign3A_28 : i32
      %sign3A_30 = arith.extui %sign3A_29 : i1 to i32
      %sign3A_31 = arith.subi %sign3A_27, %sign3A_30 : i32
      %sign3A_32 = arith.constant 0 : i32
      %sign3A_33 = arith.cmpi sgt, %jit3A, %sign3A_32 : i32
      %sign3A_34 = arith.extui %sign3A_33 : i1 to i32
      %sign3A_35 = arith.constant 0 : i32
      %sign3A_36 = arith.cmpi slt, %jit3A, %sign3A_35 : i32
      %sign3A_37 = arith.extui %sign3A_36 : i1 to i32
      %sign3A_38 = arith.subi %sign3A_34, %sign3A_37 : i32
      %ne3A = arith.cmpi ne, %sign3A_31, %sign3A_38 : i32
      %rem3A = arith.remsi %add3A_25, %jit3A : i32
      %ne3A_39 = arith.constant 0 : i32
      %ne3A_40 = arith.cmpi ne, %rem3A, %ne3A_39 : i32
      %and3A = arith.andi %ne3A, %ne3A_40 : i1
      %sub3A = arith.constant 1 : i32
      %sub3A_41 = arith.subi %div3A, %sub3A : i32
      %select_n3A = arith.select %and3A, %sub3A_41, %div3A : i32
      "tpu.region"() ({
        %run_scoped3A_1165 = tpu.sem_alloc : memref<!tpu.dma_semaphore, #tpu.memory_space<semaphore_mem>>
        %dma_start3A = arith.constant 0 : i32
        %dma_start3A_1166 = tpu.memref_slice %arg2[%select_n3A, %dma_start3A] : memref<12800x128xi32, #tpu.memory_space<hbm>> -> memref<4x128xi32, #tpu.memory_space<hbm>>
        %dma_start3A_1167 = arith.constant 0 : i32
        %dma_start3A_1168 = tpu.memref_slice %arg2[%select_n3A, %dma_start3A_1167] : memref<12800x128xi32, #tpu.memory_space<hbm>> -> memref<4x128xi32, #tpu.memory_space<hbm>>
        tpu.enqueue_dma source(%dma_start3A_1168 : memref<4x128xi32, #tpu.memory_space<hbm>>) target(%arg15 : memref<4x128xi32, #tpu.memory_space<vmem>>) target_semaphore(%run_scoped3A_1165 : memref<!tpu.dma_semaphore, #tpu.memory_space<semaphore_mem>>)
        %dma_wait3A = arith.constant 0 : i32
        %dma_wait3A_1169 = tpu.memref_slice %arg2[%select_n3A, %dma_wait3A] : memref<12800x128xi32, #tpu.memory_space<hbm>> -> memref<4x128xi32, #tpu.memory_space<hbm>>
        %dma_wait3A_1170 = arith.constant 0 : i32
        %dma_wait3A_1171 = tpu.memref_slice %arg2[%select_n3A, %dma_wait3A_1170] : memref<12800x128xi32, #tpu.memory_space<hbm>> -> memref<4x128xi32, #tpu.memory_space<hbm>>
        tpu.wait_dma2 semaphore(%run_scoped3A_1165 : memref<!tpu.dma_semaphore, #tpu.memory_space<semaphore_mem>>) src(%dma_wait3A_1171 : memref<4x128xi32, #tpu.memory_space<hbm>>) dst(%arg15 : memref<4x128xi32, #tpu.memory_space<vmem>>)
        tpu.yield
      }) : () -> ()
      "tpu.region"() ({
        %run_scoped3A_1165 = tpu.sem_alloc : memref<!tpu.dma_semaphore, #tpu.memory_space<semaphore_mem>>
        %dma_start3A = arith.constant 0 : i32
        %dma_start3A_1166 = tpu.memref_slice %arg3[%select_n3A, %dma_start3A] : memref<12800x128xi32, #tpu.memory_space<hbm>> -> memref<4x128xi32, #tpu.memory_space<hbm>>
        %dma_start3A_1167 = arith.constant 0 : i32
        %dma_start3A_1168 = tpu.memref_slice %arg3[%select_n3A, %dma_start3A_1167] : memref<12800x128xi32, #tpu.memory_space<hbm>> -> memref<4x128xi32, #tpu.memory_space<hbm>>
        tpu.enqueue_dma source(%dma_start3A_1168 : memref<4x128xi32, #tpu.memory_space<hbm>>) target(%arg16 : memref<4x128xi32, #tpu.memory_space<vmem>>) target_semaphore(%run_scoped3A_1165 : memref<!tpu.dma_semaphore, #tpu.memory_space<semaphore_mem>>)
        %dma_wait3A = arith.constant 0 : i32
        %dma_wait3A_1169 = tpu.memref_slice %arg3[%select_n3A, %dma_wait3A] : memref<12800x128xi32, #tpu.memory_space<hbm>> -> memref<4x128xi32, #tpu.memory_space<hbm>>
        %dma_wait3A_1170 = arith.constant 0 : i32
        %dma_wait3A_1171 = tpu.memref_slice %arg3[%select_n3A, %dma_wait3A_1170] : memref<12800x128xi32, #tpu.memory_space<hbm>> -> memref<4x128xi32, #tpu.memory_space<hbm>>
        tpu.wait_dma2 semaphore(%run_scoped3A_1165 : memref<!tpu.dma_semaphore, #tpu.memory_space<semaphore_mem>>) src(%dma_wait3A_1171 : memref<4x128xi32, #tpu.memory_space<hbm>>) dst(%arg16 : memref<4x128xi32, #tpu.memory_space<vmem>>)
        tpu.yield
      }) : () -> ()
      "tpu.region"() ({
        %run_scoped3A_1165 = tpu.sem_alloc : memref<!tpu.dma_semaphore, #tpu.memory_space<semaphore_mem>>
        %dma_start3A = tpu.memref_slice %arg4[%add3A_25] : memref<1638400xf32, #tpu.memory_space<hbm>> -> memref<512xf32, #tpu.memory_space<hbm>>
        %dma_start3A_1166 = tpu.memref_slice %arg4[%add3A_25] : memref<1638400xf32, #tpu.memory_space<hbm>> -> memref<512xf32, #tpu.memory_space<hbm>>
        tpu.enqueue_dma source(%dma_start3A_1166 : memref<512xf32, #tpu.memory_space<hbm>>) target(%arg17 : memref<512xf32, #tpu.memory_space<vmem>>) target_semaphore(%run_scoped3A_1165 : memref<!tpu.dma_semaphore, #tpu.memory_space<semaphore_mem>>)
        %dma_wait3A = tpu.memref_slice %arg4[%add3A_25] : memref<1638400xf32, #tpu.memory_space<hbm>> -> memref<512xf32, #tpu.memory_space<hbm>>
        %dma_wait3A_1167 = tpu.memref_slice %arg4[%add3A_25] : memref<1638400xf32, #tpu.memory_space<hbm>> -> memref<512xf32, #tpu.memory_space<hbm>>
        tpu.wait_dma2 semaphore(%run_scoped3A_1165 : memref<!tpu.dma_semaphore, #tpu.memory_space<semaphore_mem>>) src(%dma_wait3A_1167 : memref<512xf32, #tpu.memory_space<hbm>>) dst(%arg17 : memref<512xf32, #tpu.memory_space<vmem>>)
        tpu.yield
      }) : () -> ()
      %run_scoped3A = arith.constant 0 : i32
      %run_scoped3A_42 = arith.constant 0 : i32
      "tpu.region"() ({
        %run_scoped3A_1165 = tpu.sem_alloc : memref<!tpu.dma_semaphore, #tpu.memory_space<semaphore_mem>>
        %dma_start3A = arith.constant 0 : i32
        %dma_start3A_1166 = tpu.memref_slice %arg18[%run_scoped3A_42, %dma_start3A] : memref<4x128xf32, #tpu.memory_space<vmem>> -> memref<1x128xf32, #tpu.memory_space<vmem>>
        %dma_start3A_1167 = tpu.memref_squeeze %dma_start3A_1166 : memref<1x128xf32, #tpu.memory_space<vmem>> -> memref<128xf32, #tpu.memory_space<vmem>>
        %dma_start3A_1168 = arith.constant 0 : i32
        %dma_start3A_1169 = tpu.memref_slice %arg15[%run_scoped3A, %dma_start3A_1168] : memref<4x128xi32, #tpu.memory_space<vmem>> -> memref<1x128xi32, #tpu.memory_space<vmem>>
        %dma_start3A_1170 = tpu.memref_squeeze %dma_start3A_1169 : memref<1x128xi32, #tpu.memory_space<vmem>> -> memref<128xi32, #tpu.memory_space<vmem>>
        %dma_start3A_1171 = arith.constant 0 : i32
        %dma_start3A_1172 = tpu.memref_slice %arg9[%dma_start3A_1171] : memref<100096xf32, #tpu.memory_space<vmem_shared>> -> memref<100096xf32, #tpu.memory_space<vmem_shared>>
        tpu.enqueue_indirect_dma source(%dma_start3A_1172 : memref<100096xf32, #tpu.memory_space<vmem_shared>>) target(%dma_start3A_1167 : memref<128xf32, #tpu.memory_space<vmem>>) offsets(%dma_start3A_1170 : memref<128xi32, #tpu.memory_space<vmem>>) semaphore(%run_scoped3A_1165 : memref<!tpu.dma_semaphore, #tpu.memory_space<semaphore_mem>>)
        %dma_wait3A = arith.constant 0 : i32
        %dma_wait3A_1173 = tpu.memref_slice %arg18[%run_scoped3A_42, %dma_wait3A] : memref<4x128xf32, #tpu.memory_space<vmem>> -> memref<1x128xf32, #tpu.memory_space<vmem>>
        %dma_wait3A_1174 = tpu.memref_squeeze %dma_wait3A_1173 : memref<1x128xf32, #tpu.memory_space<vmem>> -> memref<128xf32, #tpu.memory_space<vmem>>
        %dma_wait3A_1175 = arith.constant 0 : i32
        %dma_wait3A_1176 = tpu.memref_slice %arg15[%run_scoped3A, %dma_wait3A_1175] : memref<4x128xi32, #tpu.memory_space<vmem>> -> memref<1x128xi32, #tpu.memory_space<vmem>>
        %dma_wait3A_1177 = tpu.memref_squeeze %dma_wait3A_1176 : memref<1x128xi32, #tpu.memory_space<vmem>> -> memref<128xi32, #tpu.memory_space<vmem>>
        %dma_wait3A_1178 = arith.constant 0 : i32
        %dma_wait3A_1179 = tpu.memref_slice %arg9[%dma_wait3A_1178] : memref<100096xf32, #tpu.memory_space<vmem_shared>> -> memref<100096xf32, #tpu.memory_space<vmem_shared>>
        tpu.wait_indirect_dma semaphore(%run_scoped3A_1165 : memref<!tpu.dma_semaphore, #tpu.memory_space<semaphore_mem>>) src(%dma_wait3A_1179 : memref<100096xf32, #tpu.memory_space<vmem_shared>>) dst(%dma_wait3A_1174 : memref<128xf32, #tpu.memory_space<vmem>>)
        tpu.yield
      }) : () -> ()
      %run_scoped3A_43 = arith.constant 0 : i32
      %run_scoped3A_44 = arith.constant 0 : i32
      "tpu.region"() ({
        %run_scoped3A_1165 = tpu.sem_alloc : memref<!tpu.dma_semaphore, #tpu.memory_space<semaphore_mem>>
        %dma_start3A = arith.constant 0 : i32
        %dma_start3A_1166 = tpu.memref_slice %arg19[%run_scoped3A_44, %dma_start3A] : memref<4x128xf32, #tpu.memory_space<vmem>> -> memref<1x128xf32, #tpu.memory_space<vmem>>
        %dma_start3A_1167 = tpu.memref_squeeze %dma_start3A_1166 : memref<1x128xf32, #tpu.memory_space<vmem>> -> memref<128xf32, #tpu.memory_space<vmem>>
        %dma_start3A_1168 = arith.constant 0 : i32
        %dma_start3A_1169 = tpu.memref_slice %arg15[%run_scoped3A_43, %dma_start3A_1168] : memref<4x128xi32, #tpu.memory_space<vmem>> -> memref<1x128xi32, #tpu.memory_space<vmem>>
        %dma_start3A_1170 = tpu.memref_squeeze %dma_start3A_1169 : memref<1x128xi32, #tpu.memory_space<vmem>> -> memref<128xi32, #tpu.memory_space<vmem>>
        %dma_start3A_1171 = arith.constant 0 : i32
        %dma_start3A_1172 = tpu.memref_slice %arg10[%dma_start3A_1171] : memref<100096xf32, #tpu.memory_space<vmem_shared>> -> memref<100096xf32, #tpu.memory_space<vmem_shared>>
        tpu.enqueue_indirect_dma source(%dma_start3A_1172 : memref<100096xf32, #tpu.memory_space<vmem_shared>>) target(%dma_start3A_1167 : memref<128xf32, #tpu.memory_space<vmem>>) offsets(%dma_start3A_1170 : memref<128xi32, #tpu.memory_space<vmem>>) semaphore(%run_scoped3A_1165 : memref<!tpu.dma_semaphore, #tpu.memory_space<semaphore_mem>>)
        %dma_wait3A = arith.constant 0 : i32
        %dma_wait3A_1173 = tpu.memref_slice %arg19[%run_scoped3A_44, %dma_wait3A] : memref<4x128xf32, #tpu.memory_space<vmem>> -> memref<1x128xf32, #tpu.memory_space<vmem>>
        %dma_wait3A_1174 = tpu.memref_squeeze %dma_wait3A_1173 : memref<1x128xf32, #tpu.memory_space<vmem>> -> memref<128xf32, #tpu.memory_space<vmem>>
        %dma_wait3A_1175 = arith.constant 0 : i32
        %dma_wait3A_1176 = tpu.memref_slice %arg15[%run_scoped3A_43, %dma_wait3A_1175] : memref<4x128xi32, #tpu.memory_space<vmem>> -> memref<1x128xi32, #tpu.memory_space<vmem>>
        %dma_wait3A_1177 = tpu.memref_squeeze %dma_wait3A_1176 : memref<1x128xi32, #tpu.memory_space<vmem>> -> memref<128xi32, #tpu.memory_space<vmem>>
        %dma_wait3A_1178 = arith.constant 0 : i32
        %dma_wait3A_1179 = tpu.memref_slice %arg10[%dma_wait3A_1178] : memref<100096xf32, #tpu.memory_space<vmem_shared>> -> memref<100096xf32, #tpu.memory_space<vmem_shared>>
        tpu.wait_indirect_dma semaphore(%run_scoped3A_1165 : memref<!tpu.dma_semaphore, #tpu.memory_space<semaphore_mem>>) src(%dma_wait3A_1179 : memref<100096xf32, #tpu.memory_space<vmem_shared>>) dst(%dma_wait3A_1174 : memref<128xf32, #tpu.memory_space<vmem>>)
        tpu.yield
      }) : () -> ()
      %run_scoped3A_45 = arith.constant 1 : i32
      %run_scoped3A_46 = arith.constant 1 : i32
      "tpu.region"() ({
        %run_scoped3A_1165 = tpu.sem_alloc : memref<!tpu.dma_semaphore, #tpu.memory_space<semaphore_mem>>
        %dma_start3A = arith.constant 0 : i32
        %dma_start3A_1166 = tpu.memref_slice %arg18[%run_scoped3A_46, %dma_start3A] : memref<4x128xf32, #tpu.memory_space<vmem>> -> memref<1x128xf32, #tpu.memory_space<vmem>>
        %dma_start3A_1167 = tpu.memref_squeeze %dma_start3A_1166 : memref<1x128xf32, #tpu.memory_space<vmem>> -> memref<128xf32, #tpu.memory_space<vmem>>
        %dma_start3A_1168 = arith.constant 0 : i32
        %dma_start3A_1169 = tpu.memref_slice %arg15[%run_scoped3A_45, %dma_start3A_1168] : memref<4x128xi32, #tpu.memory_space<vmem>> -> memref<1x128xi32, #tpu.memory_space<vmem>>
        %dma_start3A_1170 = tpu.memref_squeeze %dma_start3A_1169 : memref<1x128xi32, #tpu.memory_space<vmem>> -> memref<128xi32, #tpu.memory_space<vmem>>
        %dma_start3A_1171 = arith.constant 0 : i32
        %dma_start3A_1172 = tpu.memref_slice %arg9[%dma_start3A_1171] : memref<100096xf32, #tpu.memory_space<vmem_shared>> -> memref<100096xf32, #tpu.memory_space<vmem_shared>>
        tpu.enqueue_indirect_dma source(%dma_start3A_1172 : memref<100096xf32, #tpu.memory_space<vmem_shared>>) target(%dma_start3A_1167 : memref<128xf32, #tpu.memory_space<vmem>>) offsets(%dma_start3A_1170 : memref<128xi32, #tpu.memory_space<vmem>>) semaphore(%run_scoped3A_1165 : memref<!tpu.dma_semaphore, #tpu.memory_space<semaphore_mem>>)
        %dma_wait3A = arith.constant 0 : i32
        %dma_wait3A_1173 = tpu.memref_slice %arg18[%run_scoped3A_46, %dma_wait3A] : memref<4x128xf32, #tpu.memory_space<vmem>> -> memref<1x128xf32, #tpu.memory_space<vmem>>
        %dma_wait3A_1174 = tpu.memref_squeeze %dma_wait3A_1173 : memref<1x128xf32, #tpu.memory_space<vmem>> -> memref<128xf32, #tpu.memory_space<vmem>>
        %dma_wait3A_1175 = arith.constant 0 : i32
        %dma_wait3A_1176 = tpu.memref_slice %arg15[%run_scoped3A_45, %dma_wait3A_1175] : memref<4x128xi32, #tpu.memory_space<vmem>> -> memref<1x128xi32, #tpu.memory_space<vmem>>
        %dma_wait3A_1177 = tpu.memref_squeeze %dma_wait3A_1176 : memref<1x128xi32, #tpu.memory_space<vmem>> -> memref<128xi32, #tpu.memory_space<vmem>>
        %dma_wait3A_1178 = arith.constant 0 : i32
        %dma_wait3A_1179 = tpu.memref_slice %arg9[%dma_wait3A_1178] : memref<100096xf32, #tpu.memory_space<vmem_shared>> -> memref<100096xf32, #tpu.memory_space<vmem_shared>>
        tpu.wait_indirect_dma semaphore(%run_scoped3A_1165 : memref<!tpu.dma_semaphore, #tpu.memory_space<semaphore_mem>>) src(%dma_wait3A_1179 : memref<100096xf32, #tpu.memory_space<vmem_shared>>) dst(%dma_wait3A_1174 : memref<128xf32, #tpu.memory_space<vmem>>)
        tpu.yield
      }) : () -> ()
      %run_scoped3A_47 = arith.constant 1 : i32
      %run_scoped3A_48 = arith.constant 1 : i32
      "tpu.region"() ({
        %run_scoped3A_1165 = tpu.sem_alloc : memref<!tpu.dma_semaphore, #tpu.memory_space<semaphore_mem>>
        %dma_start3A = arith.constant 0 : i32
        %dma_start3A_1166 = tpu.memref_slice %arg19[%run_scoped3A_48, %dma_start3A] : memref<4x128xf32, #tpu.memory_space<vmem>> -> memref<1x128xf32, #tpu.memory_space<vmem>>
        %dma_start3A_1167 = tpu.memref_squeeze %dma_start3A_1166 : memref<1x128xf32, #tpu.memory_space<vmem>> -> memref<128xf32, #tpu.memory_space<vmem>>
        %dma_start3A_1168 = arith.constant 0 : i32
        %dma_start3A_1169 = tpu.memref_slice %arg15[%run_scoped3A_47, %dma_start3A_1168] : memref<4x128xi32, #tpu.memory_space<vmem>> -> memref<1x128xi32, #tpu.memory_space<vmem>>
        %dma_start3A_1170 = tpu.memref_squeeze %dma_start3A_1169 : memref<1x128xi32, #tpu.memory_space<vmem>> -> memref<128xi32, #tpu.memory_space<vmem>>
        %dma_start3A_1171 = arith.constant 0 : i32
        %dma_start3A_1172 = tpu.memref_slice %arg10[%dma_start3A_1171] : memref<100096xf32, #tpu.memory_space<vmem_shared>> -> memref<100096xf32, #tpu.memory_space<vmem_shared>>
        tpu.enqueue_indirect_dma source(%dma_start3A_1172 : memref<100096xf32, #tpu.memory_space<vmem_shared>>) target(%dma_start3A_1167 : memref<128xf32, #tpu.memory_space<vmem>>) offsets(%dma_start3A_1170 : memref<128xi32, #tpu.memory_space<vmem>>) semaphore(%run_scoped3A_1165 : memref<!tpu.dma_semaphore, #tpu.memory_space<semaphore_mem>>)
        %dma_wait3A = arith.constant 0 : i32
        %dma_wait3A_1173 = tpu.memref_slice %arg19[%run_scoped3A_48, %dma_wait3A] : memref<4x128xf32, #tpu.memory_space<vmem>> -> memref<1x128xf32, #tpu.memory_space<vmem>>
        %dma_wait3A_1174 = tpu.memref_squeeze %dma_wait3A_1173 : memref<1x128xf32, #tpu.memory_space<vmem>> -> memref<128xf32, #tpu.memory_space<vmem>>
        %dma_wait3A_1175 = arith.constant 0 : i32
        %dma_wait3A_1176 = tpu.memref_slice %arg15[%run_scoped3A_47, %dma_wait3A_1175] : memref<4x128xi32, #tpu.memory_space<vmem>> -> memref<1x128xi32, #tpu.memory_space<vmem>>
        %dma_wait3A_1177 = tpu.memref_squeeze %dma_wait3A_1176 : memref<1x128xi32, #tpu.memory_space<vmem>> -> memref<128xi32, #tpu.memory_space<vmem>>
        %dma_wait3A_1178 = arith.constant 0 : i32
        %dma_wait3A_1179 = tpu.memref_slice %arg10[%dma_wait3A_1178] : memref<100096xf32, #tpu.memory_space<vmem_shared>> -> memref<100096xf32, #tpu.memory_space<vmem_shared>>
        tpu.wait_indirect_dma semaphore(%run_scoped3A_1165 : memref<!tpu.dma_semaphore, #tpu.memory_space<semaphore_mem>>) src(%dma_wait3A_1179 : memref<100096xf32, #tpu.memory_space<vmem_shared>>) dst(%dma_wait3A_1174 : memref<128xf32, #tpu.memory_space<vmem>>)
        tpu.yield
      }) : () -> ()
      %run_scoped3A_49 = arith.constant 2 : i32
      %run_scoped3A_50 = arith.constant 2 : i32
      "tpu.region"() ({
        %run_scoped3A_1165 = tpu.sem_alloc : memref<!tpu.dma_semaphore, #tpu.memory_space<semaphore_mem>>
        %dma_start3A = arith.constant 0 : i32
        %dma_start3A_1166 = tpu.memref_slice %arg18[%run_scoped3A_50, %dma_start3A] : memref<4x128xf32, #tpu.memory_space<vmem>> -> memref<1x128xf32, #tpu.memory_space<vmem>>
        %dma_start3A_1167 = tpu.memref_squeeze %dma_start3A_1166 : memref<1x128xf32, #tpu.memory_space<vmem>> -> memref<128xf32, #tpu.memory_space<vmem>>
        %dma_start3A_1168 = arith.constant 0 : i32
        %dma_start3A_1169 = tpu.memref_slice %arg15[%run_scoped3A_49, %dma_start3A_1168] : memref<4x128xi32, #tpu.memory_space<vmem>> -> memref<1x128xi32, #tpu.memory_space<vmem>>
        %dma_start3A_1170 = tpu.memref_squeeze %dma_start3A_1169 : memref<1x128xi32, #tpu.memory_space<vmem>> -> memref<128xi32, #tpu.memory_space<vmem>>
        %dma_start3A_1171 = arith.constant 0 : i32
        %dma_start3A_1172 = tpu.memref_slice %arg9[%dma_start3A_1171] : memref<100096xf32, #tpu.memory_space<vmem_shared>> -> memref<100096xf32, #tpu.memory_space<vmem_shared>>
        tpu.enqueue_indirect_dma source(%dma_start3A_1172 : memref<100096xf32, #tpu.memory_space<vmem_shared>>) target(%dma_start3A_1167 : memref<128xf32, #tpu.memory_space<vmem>>) offsets(%dma_start3A_1170 : memref<128xi32, #tpu.memory_space<vmem>>) semaphore(%run_scoped3A_1165 : memref<!tpu.dma_semaphore, #tpu.memory_space<semaphore_mem>>)
        %dma_wait3A = arith.constant 0 : i32
        %dma_wait3A_1173 = tpu.memref_slice %arg18[%run_scoped3A_50, %dma_wait3A] : memref<4x128xf32, #tpu.memory_space<vmem>> -> memref<1x128xf32, #tpu.memory_space<vmem>>
        %dma_wait3A_1174 = tpu.memref_squeeze %dma_wait3A_1173 : memref<1x128xf32, #tpu.memory_space<vmem>> -> memref<128xf32, #tpu.memory_space<vmem>>
        %dma_wait3A_1175 = arith.constant 0 : i32
        %dma_wait3A_1176 = tpu.memref_slice %arg15[%run_scoped3A_49, %dma_wait3A_1175] : memref<4x128xi32, #tpu.memory_space<vmem>> -> memref<1x128xi32, #tpu.memory_space<vmem>>
        %dma_wait3A_1177 = tpu.memref_squeeze %dma_wait3A_1176 : memref<1x128xi32, #tpu.memory_space<vmem>> -> memref<128xi32, #tpu.memory_space<vmem>>
        %dma_wait3A_1178 = arith.constant 0 : i32
        %dma_wait3A_1179 = tpu.memref_slice %arg9[%dma_wait3A_1178] : memref<100096xf32, #tpu.memory_space<vmem_shared>> -> memref<100096xf32, #tpu.memory_space<vmem_shared>>
        tpu.wait_indirect_dma semaphore(%run_scoped3A_1165 : memref<!tpu.dma_semaphore, #tpu.memory_space<semaphore_mem>>) src(%dma_wait3A_1179 : memref<100096xf32, #tpu.memory_space<vmem_shared>>) dst(%dma_wait3A_1174 : memref<128xf32, #tpu.memory_space<vmem>>)
        tpu.yield
      }) : () -> ()
      %run_scoped3A_51 = arith.constant 2 : i32
      %run_scoped3A_52 = arith.constant 2 : i32
      "tpu.region"() ({
        %run_scoped3A_1165 = tpu.sem_alloc : memref<!tpu.dma_semaphore, #tpu.memory_space<semaphore_mem>>
        %dma_start3A = arith.constant 0 : i32
        %dma_start3A_1166 = tpu.memref_slice %arg19[%run_scoped3A_52, %dma_start3A] : memref<4x128xf32, #tpu.memory_space<vmem>> -> memref<1x128xf32, #tpu.memory_space<vmem>>
        %dma_start3A_1167 = tpu.memref_squeeze %dma_start3A_1166 : memref<1x128xf32, #tpu.memory_space<vmem>> -> memref<128xf32, #tpu.memory_space<vmem>>
        %dma_start3A_1168 = arith.constant 0 : i32
        %dma_start3A_1169 = tpu.memref_slice %arg15[%run_scoped3A_51, %dma_start3A_1168] : memref<4x128xi32, #tpu.memory_space<vmem>> -> memref<1x128xi32, #tpu.memory_space<vmem>>
        %dma_start3A_1170 = tpu.memref_squeeze %dma_start3A_1169 : memref<1x128xi32, #tpu.memory_space<vmem>> -> memref<128xi32, #tpu.memory_space<vmem>>
        %dma_start3A_1171 = arith.constant 0 : i32
        %dma_start3A_1172 = tpu.memref_slice %arg10[%dma_start3A_1171] : memref<100096xf32, #tpu.memory_space<vmem_shared>> -> memref<100096xf32, #tpu.memory_space<vmem_shared>>
        tpu.enqueue_indirect_dma source(%dma_start3A_1172 : memref<100096xf32, #tpu.memory_space<vmem_shared>>) target(%dma_start3A_1167 : memref<128xf32, #tpu.memory_space<vmem>>) offsets(%dma_start3A_1170 : memref<128xi32, #tpu.memory_space<vmem>>) semaphore(%run_scoped3A_1165 : memref<!tpu.dma_semaphore, #tpu.memory_space<semaphore_mem>>)
        %dma_wait3A = arith.constant 0 : i32
        %dma_wait3A_1173 = tpu.memref_slice %arg19[%run_scoped3A_52, %dma_wait3A] : memref<4x128xf32, #tpu.memory_space<vmem>> -> memref<1x128xf32, #tpu.memory_space<vmem>>
        %dma_wait3A_1174 = tpu.memref_squeeze %dma_wait3A_1173 : memref<1x128xf32, #tpu.memory_space<vmem>> -> memref<128xf32, #tpu.memory_space<vmem>>
        %dma_wait3A_1175 = arith.constant 0 : i32
        %dma_wait3A_1176 = tpu.memref_slice %arg15[%run_scoped3A_51, %dma_wait3A_1175] : memref<4x128xi32, #tpu.memory_space<vmem>> -> memref<1x128xi32, #tpu.memory_space<vmem>>
        %dma_wait3A_1177 = tpu.memref_squeeze %dma_wait3A_1176 : memref<1x128xi32, #tpu.memory_space<vmem>> -> memref<128xi32, #tpu.memory_space<vmem>>
        %dma_wait3A_1178 = arith.constant 0 : i32
        %dma_wait3A_1179 = tpu.memref_slice %arg10[%dma_wait3A_1178] : memref<100096xf32, #tpu.memory_space<vmem_shared>> -> memref<100096xf32, #tpu.memory_space<vmem_shared>>
        tpu.wait_indirect_dma semaphore(%run_scoped3A_1165 : memref<!tpu.dma_semaphore, #tpu.memory_space<semaphore_mem>>) src(%dma_wait3A_1179 : memref<100096xf32, #tpu.memory_space<vmem_shared>>) dst(%dma_wait3A_1174 : memref<128xf32, #tpu.memory_space<vmem>>)
        tpu.yield
      }) : () -> ()
      %run_scoped3A_53 = arith.constant 3 : i32
      %run_scoped3A_54 = arith.constant 3 : i32
      "tpu.region"() ({
        %run_scoped3A_1165 = tpu.sem_alloc : memref<!tpu.dma_semaphore, #tpu.memory_space<semaphore_mem>>
        %dma_start3A = arith.constant 0 : i32
        %dma_start3A_1166 = tpu.memref_slice %arg18[%run_scoped3A_54, %dma_start3A] : memref<4x128xf32, #tpu.memory_space<vmem>> -> memref<1x128xf32, #tpu.memory_space<vmem>>
        %dma_start3A_1167 = tpu.memref_squeeze %dma_start3A_1166 : memref<1x128xf32, #tpu.memory_space<vmem>> -> memref<128xf32, #tpu.memory_space<vmem>>
        %dma_start3A_1168 = arith.constant 0 : i32
        %dma_start3A_1169 = tpu.memref_slice %arg15[%run_scoped3A_53, %dma_start3A_1168] : memref<4x128xi32, #tpu.memory_space<vmem>> -> memref<1x128xi32, #tpu.memory_space<vmem>>
        %dma_start3A_1170 = tpu.memref_squeeze %dma_start3A_1169 : memref<1x128xi32, #tpu.memory_space<vmem>> -> memref<128xi32, #tpu.memory_space<vmem>>
        %dma_start3A_1171 = arith.constant 0 : i32
        %dma_start3A_1172 = tpu.memref_slice %arg9[%dma_start3A_1171] : memref<100096xf32, #tpu.memory_space<vmem_shared>> -> memref<100096xf32, #tpu.memory_space<vmem_shared>>
        tpu.enqueue_indirect_dma source(%dma_start3A_1172 : memref<100096xf32, #tpu.memory_space<vmem_shared>>) target(%dma_start3A_1167 : memref<128xf32, #tpu.memory_space<vmem>>) offsets(%dma_start3A_1170 : memref<128xi32, #tpu.memory_space<vmem>>) semaphore(%run_scoped3A_1165 : memref<!tpu.dma_semaphore, #tpu.memory_space<semaphore_mem>>)
        %dma_wait3A = arith.constant 0 : i32
        %dma_wait3A_1173 = tpu.memref_slice %arg18[%run_scoped3A_54, %dma_wait3A] : memref<4x128xf32, #tpu.memory_space<vmem>> -> memref<1x128xf32, #tpu.memory_space<vmem>>
        %dma_wait3A_1174 = tpu.memref_squeeze %dma_wait3A_1173 : memref<1x128xf32, #tpu.memory_space<vmem>> -> memref<128xf32, #tpu.memory_space<vmem>>
        %dma_wait3A_1175 = arith.constant 0 : i32
        %dma_wait3A_1176 = tpu.memref_slice %arg15[%run_scoped3A_53, %dma_wait3A_1175] : memref<4x128xi32, #tpu.memory_space<vmem>> -> memref<1x128xi32, #tpu.memory_space<vmem>>
        %dma_wait3A_1177 = tpu.memref_squeeze %dma_wait3A_1176 : memref<1x128xi32, #tpu.memory_space<vmem>> -> memref<128xi32, #tpu.memory_space<vmem>>
        %dma_wait3A_1178 = arith.constant 0 : i32
        %dma_wait3A_1179 = tpu.memref_slice %arg9[%dma_wait3A_1178] : memref<100096xf32, #tpu.memory_space<vmem_shared>> -> memref<100096xf32, #tpu.memory_space<vmem_shared>>
        tpu.wait_indirect_dma semaphore(%run_scoped3A_1165 : memref<!tpu.dma_semaphore, #tpu.memory_space<semaphore_mem>>) src(%dma_wait3A_1179 : memref<100096xf32, #tpu.memory_space<vmem_shared>>) dst(%dma_wait3A_1174 : memref<128xf32, #tpu.memory_space<vmem>>)
        tpu.yield
      }) : () -> ()
      %run_scoped3A_55 = arith.constant 3 : i32
      %run_scoped3A_56 = arith.constant 3 : i32
      "tpu.region"() ({
        %run_scoped3A_1165 = tpu.sem_alloc : memref<!tpu.dma_semaphore, #tpu.memory_space<semaphore_mem>>
        %dma_start3A = arith.constant 0 : i32
        %dma_start3A_1166 = tpu.memref_slice %arg19[%run_scoped3A_56, %dma_start3A] : memref<4x128xf32, #tpu.memory_space<vmem>> -> memref<1x128xf32, #tpu.memory_space<vmem>>
        %dma_start3A_1167 = tpu.memref_squeeze %dma_start3A_1166 : memref<1x128xf32, #tpu.memory_space<vmem>> -> memref<128xf32, #tpu.memory_space<vmem>>
        %dma_start3A_1168 = arith.constant 0 : i32
        %dma_start3A_1169 = tpu.memref_slice %arg15[%run_scoped3A_55, %dma_start3A_1168] : memref<4x128xi32, #tpu.memory_space<vmem>> -> memref<1x128xi32, #tpu.memory_space<vmem>>
        %dma_start3A_1170 = tpu.memref_squeeze %dma_start3A_1169 : memref<1x128xi32, #tpu.memory_space<vmem>> -> memref<128xi32, #tpu.memory_space<vmem>>
        %dma_start3A_1171 = arith.constant 0 : i32
        %dma_start3A_1172 = tpu.memref_slice %arg10[%dma_start3A_1171] : memref<100096xf32, #tpu.memory_space<vmem_shared>> -> memref<100096xf32, #tpu.memory_space<vmem_shared>>
        tpu.enqueue_indirect_dma source(%dma_start3A_1172 : memref<100096xf32, #tpu.memory_space<vmem_shared>>) target(%dma_start3A_1167 : memref<128xf32, #tpu.memory_space<vmem>>) offsets(%dma_start3A_1170 : memref<128xi32, #tpu.memory_space<vmem>>) semaphore(%run_scoped3A_1165 : memref<!tpu.dma_semaphore, #tpu.memory_space<semaphore_mem>>)
        %dma_wait3A = arith.constant 0 : i32
        %dma_wait3A_1173 = tpu.memref_slice %arg19[%run_scoped3A_56, %dma_wait3A] : memref<4x128xf32, #tpu.memory_space<vmem>> -> memref<1x128xf32, #tpu.memory_space<vmem>>
        %dma_wait3A_1174 = tpu.memref_squeeze %dma_wait3A_1173 : memref<1x128xf32, #tpu.memory_space<vmem>> -> memref<128xf32, #tpu.memory_space<vmem>>
        %dma_wait3A_1175 = arith.constant 0 : i32
        %dma_wait3A_1176 = tpu.memref_slice %arg15[%run_scoped3A_55, %dma_wait3A_1175] : memref<4x128xi32, #tpu.memory_space<vmem>> -> memref<1x128xi32, #tpu.memory_space<vmem>>
        %dma_wait3A_1177 = tpu.memref_squeeze %dma_wait3A_1176 : memref<1x128xi32, #tpu.memory_space<vmem>> -> memref<128xi32, #tpu.memory_space<vmem>>
        %dma_wait3A_1178 = arith.constant 0 : i32
        %dma_wait3A_1179 = tpu.memref_slice %arg10[%dma_wait3A_1178] : memref<100096xf32, #tpu.memory_space<vmem_shared>> -> memref<100096xf32, #tpu.memory_space<vmem_shared>>
        tpu.wait_indirect_dma semaphore(%run_scoped3A_1165 : memref<!tpu.dma_semaphore, #tpu.memory_space<semaphore_mem>>) src(%dma_wait3A_1179 : memref<100096xf32, #tpu.memory_space<vmem_shared>>) dst(%dma_wait3A_1174 : memref<128xf32, #tpu.memory_space<vmem>>)
        tpu.yield
      }) : () -> ()
      %get3A = arith.constant 0 : i32
      %get3A_57 = arith.index_cast %get3A : i32 to index
      %get3A_58 = arith.constant 0 : index
      %get3A_59 = tpu.vector_load %arg15[%get3A_57, %get3A_58] {strides = array<i32>} : memref<4x128xi32, #tpu.memory_space<vmem>>, vector<16xi32>,
      %get3A_60 = arith.constant 0 : index
      %get3A_61 = tpu.vector_load %arg17[%get3A_60] {strides = array<i32>} : memref<512xf32, #tpu.memory_space<vmem>>, vector<16xf32>,
      %get3A_62 = arith.constant 0 : i32
      %get3A_63 = arith.index_cast %get3A_62 : i32 to index
      %get3A_64 = arith.constant 0 : index
      %get3A_65 = tpu.vector_load %arg18[%get3A_63, %get3A_64] {strides = array<i32>} : memref<4x128xf32, #tpu.memory_space<vmem>>, vector<16xf32>,
      %mul3A_66 = arith.mulf %get3A_61, %get3A_65 : vector<16xf32>
      %swap3A = arith.constant 0 : i32
      %swap3A_67 = arith.index_cast %swap3A : i32 to index
      %swap3A_68 = arith.constant 0 : index
      %swap3A_69 = tpu.vector_load %arg20[%swap3A_67, %swap3A_68] {strides = array<i32>} : memref<4x128xf32, #tpu.memory_space<vmem>>, vector<16xf32>,
      tpu.vector_store %arg20[%swap3A_67, %swap3A_68], %mul3A_66 {strides = array<i32>} : memref<4x128xf32, #tpu.memory_space<vmem>>, vector<16xf32>,
      %get3A_70 = arith.constant 0 : i32
      %get3A_71 = arith.index_cast %get3A_70 : i32 to index
      %get3A_72 = arith.constant 0 : index
      %get3A_73 = tpu.vector_load %arg19[%get3A_71, %get3A_72] {strides = array<i32>} : memref<4x128xf32, #tpu.memory_space<vmem>>, vector<16xf32>,
      %mul3A_74 = arith.mulf %get3A_61, %get3A_73 : vector<16xf32>
      %swap3A_75 = arith.constant 0 : i32
      %swap3A_76 = arith.index_cast %swap3A_75 : i32 to index
      %swap3A_77 = arith.constant 0 : index
      %swap3A_78 = tpu.vector_load %arg21[%swap3A_76, %swap3A_77] {strides = array<i32>} : memref<4x128xf32, #tpu.memory_space<vmem>>, vector<16xf32>,
      tpu.vector_store %arg21[%swap3A_76, %swap3A_77], %mul3A_74 {strides = array<i32>} : memref<4x128xf32, #tpu.memory_space<vmem>>, vector<16xf32>,
      %lt3A = arith.constant 80000 : i32
      %lt3A_79 = vector.broadcast %lt3A : i32 to vector<16xi32>
      %lt3A_80 = arith.cmpi slt, %get3A_59, %lt3A_79 : vector<16xi32>
      %broadcast_in_dim3A = arith.constant 0.000000e+00 : f32
      %broadcast_in_dim3A_81 = vector.broadcast %broadcast_in_dim3A : f32 to vector<16xf32>
      %select_n3A_82 = arith.select %lt3A_80, %get3A_61, %broadcast_in_dim3A_81 : vector<16xi1>, vector<16xf32>
      %swap3A_83 = arith.constant 0 : i32
      %swap3A_84 = arith.index_cast %swap3A_83 : i32 to index
      %swap3A_85 = arith.constant 0 : index
      %swap3A_86 = tpu.vector_load %arg22[%swap3A_84, %swap3A_85] {strides = array<i32>} : memref<4x128xf32, #tpu.memory_space<vmem>>, vector<16xf32>,
      tpu.vector_store %arg22[%swap3A_84, %swap3A_85], %select_n3A_82 {strides = array<i32>} : memref<4x128xf32, #tpu.memory_space<vmem>>, vector<16xf32>,
      %get3A_87 = arith.constant 0 : i32
      %get3A_88 = arith.index_cast %get3A_87 : i32 to index
      %get3A_89 = arith.constant 16 : index
      %get3A_90 = tpu.vector_load %arg15[%get3A_88, %get3A_89] {strides = array<i32>} : memref<4x128xi32, #tpu.memory_space<vmem>>, vector<16xi32>,
      %get3A_91 = arith.constant 16 : index
      %get3A_92 = tpu.vector_load %arg17[%get3A_91] {strides = array<i32>} : memref<512xf32, #tpu.memory_space<vmem>>, vector<16xf32>,
      %get3A_93 = arith.constant 0 : i32
      %get3A_94 = arith.index_cast %get3A_93 : i32 to index
      %get3A_95 = arith.constant 16 : index
      %get3A_96 = tpu.vector_load %arg18[%get3A_94, %get3A_95] {strides = array<i32>} : memref<4x128xf32, #tpu.memory_space<vmem>>, vector<16xf32>,
      %mul3A_97 = arith.mulf %get3A_92, %get3A_96 : vector<16xf32>
      %swap3A_98 = arith.constant 0 : i32
      %swap3A_99 = arith.index_cast %swap3A_98 : i32 to index
      %swap3A_100 = arith.constant 16 : index
      %swap3A_101 = tpu.vector_load %arg20[%swap3A_99, %swap3A_100] {strides = array<i32>} : memref<4x128xf32, #tpu.memory_space<vmem>>, vector<16xf32>,
      tpu.vector_store %arg20[%swap3A_99, %swap3A_100], %mul3A_97 {strides = array<i32>} : memref<4x128xf32, #tpu.memory_space<vmem>>, vector<16xf32>,
      %get3A_102 = arith.constant 0 : i32
      %get3A_103 = arith.index_cast %get3A_102 : i32 to index
      %get3A_104 = arith.constant 16 : index
      %get3A_105 = tpu.vector_load %arg19[%get3A_103, %get3A_104] {strides = array<i32>} : memref<4x128xf32, #tpu.memory_space<vmem>>, vector<16xf32>,
      %mul3A_106 = arith.mulf %get3A_92, %get3A_105 : vector<16xf32>
      %swap3A_107 = arith.constant 0 : i32
      %swap3A_108 = arith.index_cast %swap3A_107 : i32 to index
      %swap3A_109 = arith.constant 16 : index
      %swap3A_110 = tpu.vector_load %arg21[%swap3A_108, %swap3A_109] {strides = array<i32>} : memref<4x128xf32, #tpu.memory_space<vmem>>, vector<16xf32>,
      tpu.vector_store %arg21[%swap3A_108, %swap3A_109], %mul3A_106 {strides = array<i32>} : memref<4x128xf32, #tpu.memory_space<vmem>>, vector<16xf32>,
      %lt3A_111 = arith.constant 80000 : i32
      %lt3A_112 = vector.broadcast %lt3A_111 : i32 to vector<16xi32>
      %lt3A_113 = arith.cmpi slt, %get3A_90, %lt3A_112 : vector<16xi32>
      %broadcast_in_dim3A_114 = arith.constant 0.000000e+00 : f32
      %broadcast_in_dim3A_115 = vector.broadcast %broadcast_in_dim3A_114 : f32 to vector<16xf32>
      %select_n3A_116 = arith.select %lt3A_113, %get3A_92, %broadcast_in_dim3A_115 : vector<16xi1>, vector<16xf32>
      %swap3A_117 = arith.constant 0 : i32
      %swap3A_118 = arith.index_cast %swap3A_117 : i32 to index
      %swap3A_119 = arith.constant 16 : index
      %swap3A_120 = tpu.vector_load %arg22[%swap3A_118, %swap3A_119] {strides = array<i32>} : memref<4x128xf32, #tpu.memory_space<vmem>>, vector<16xf32>,
      tpu.vector_store %arg22[%swap3A_118, %swap3A_119], %select_n3A_116 {strides = array<i32>} : memref<4x128xf32, #tpu.memory_space<vmem>>, vector<16xf32>,
      %get3A_121 = arith.constant 0 : i32
      %get3A_122 = arith.index_cast %get3A_121 : i32 to index
      %get3A_123 = arith.constant 32 : index
      %get3A_124 = tpu.vector_load %arg15[%get3A_122, %get3A_123] {strides = array<i32>} : memref<4x128xi32, #tpu.memory_space<vmem>>, vector<16xi32>,
      %get3A_125 = arith.constant 32 : index
      %get3A_126 = tpu.vector_load %arg17[%get3A_125] {strides = array<i32>} : memref<512xf32, #tpu.memory_space<vmem>>, vector<16xf32>,
      %get3A_127 = arith.constant 0 : i32
      %get3A_128 = arith.index_cast %get3A_127 : i32 to index
      %get3A_129 = arith.constant 32 : index
      %get3A_130 = tpu.vector_load %arg18[%get3A_128, %get3A_129] {strides = array<i32>} : memref<4x128xf32, #tpu.memory_space<vmem>>, vector<16xf32>,
      %mul3A_131 = arith.mulf %get3A_126, %get3A_130 : vector<16xf32>
      %swap3A_132 = arith.constant 0 : i32
      %swap3A_133 = arith.index_cast %swap3A_132 : i32 to index
      %swap3A_134 = arith.constant 32 : index
      %swap3A_135 = tpu.vector_load %arg20[%swap3A_133, %swap3A_134] {strides = array<i32>} : memref<4x128xf32, #tpu.memory_space<vmem>>, vector<16xf32>,
      tpu.vector_store %arg20[%swap3A_133, %swap3A_134], %mul3A_131 {strides = array<i32>} : memref<4x128xf32, #tpu.memory_space<vmem>>, vector<16xf32>,
      %get3A_136 = arith.constant 0 : i32
      %get3A_137 = arith.index_cast %get3A_136 : i32 to index
      %get3A_138 = arith.constant 32 : index
      %get3A_139 = tpu.vector_load %arg19[%get3A_137, %get3A_138] {strides = array<i32>} : memref<4x128xf32, #tpu.memory_space<vmem>>, vector<16xf32>,
      %mul3A_140 = arith.mulf %get3A_126, %get3A_139 : vector<16xf32>
      %swap3A_141 = arith.constant 0 : i32
      %swap3A_142 = arith.index_cast %swap3A_141 : i32 to index
      %swap3A_143 = arith.constant 32 : index
      %swap3A_144 = tpu.vector_load %arg21[%swap3A_142, %swap3A_143] {strides = array<i32>} : memref<4x128xf32, #tpu.memory_space<vmem>>, vector<16xf32>,
      tpu.vector_store %arg21[%swap3A_142, %swap3A_143], %mul3A_140 {strides = array<i32>} : memref<4x128xf32, #tpu.memory_space<vmem>>, vector<16xf32>,
      %lt3A_145 = arith.constant 80000 : i32
      %lt3A_146 = vector.broadcast %lt3A_145 : i32 to vector<16xi32>
      %lt3A_147 = arith.cmpi slt, %get3A_124, %lt3A_146 : vector<16xi32>
      %broadcast_in_dim3A_148 = arith.constant 0.000000e+00 : f32
      %broadcast_in_dim3A_149 = vector.broadcast %broadcast_in_dim3A_148 : f32 to vector<16xf32>
      %select_n3A_150 = arith.select %lt3A_147, %get3A_126, %broadcast_in_dim3A_149 : vector<16xi1>, vector<16xf32>
      %swap3A_151 = arith.constant 0 : i32
      %swap3A_152 = arith.index_cast %swap3A_151 : i32 to index
      %swap3A_153 = arith.constant 32 : index
      %swap3A_154 = tpu.vector_load %arg22[%swap3A_152, %swap3A_153] {strides = array<i32>} : memref<4x128xf32, #tpu.memory_space<vmem>>, vector<16xf32>,
      tpu.vector_store %arg22[%swap3A_152, %swap3A_153], %select_n3A_150 {strides = array<i32>} : memref<4x128xf32, #tpu.memory_space<vmem>>, vector<16xf32>,
      %get3A_155 = arith.constant 0 : i32
      %get3A_156 = arith.index_cast %get3A_155 : i32 to index
      %get3A_157 = arith.constant 48 : index
      %get3A_158 = tpu.vector_load %arg15[%get3A_156, %get3A_157] {strides = array<i32>} : memref<4x128xi32, #tpu.memory_space<vmem>>, vector<16xi32>,
      %get3A_159 = arith.constant 48 : index
      %get3A_160 = tpu.vector_load %arg17[%get3A_159] {strides = array<i32>} : memref<512xf32, #tpu.memory_space<vmem>>, vector<16xf32>,
      %get3A_161 = arith.constant 0 : i32
      %get3A_162 = arith.index_cast %get3A_161 : i32 to index
      %get3A_163 = arith.constant 48 : index
      %get3A_164 = tpu.vector_load %arg18[%get3A_162, %get3A_163] {strides = array<i32>} : memref<4x128xf32, #tpu.memory_space<vmem>>, vector<16xf32>,
      %mul3A_165 = arith.mulf %get3A_160, %get3A_164 : vector<16xf32>
      %swap3A_166 = arith.constant 0 : i32
      %swap3A_167 = arith.index_cast %swap3A_166 : i32 to index
      %swap3A_168 = arith.constant 48 : index
      %swap3A_169 = tpu.vector_load %arg20[%swap3A_167, %swap3A_168] {strides = array<i32>} : memref<4x128xf32, #tpu.memory_space<vmem>>, vector<16xf32>,
      tpu.vector_store %arg20[%swap3A_167, %swap3A_168], %mul3A_165 {strides = array<i32>} : memref<4x128xf32, #tpu.memory_space<vmem>>, vector<16xf32>,
      %get3A_170 = arith.constant 0 : i32
      %get3A_171 = arith.index_cast %get3A_170 : i32 to index
      %get3A_172 = arith.constant 48 : index
      %get3A_173 = tpu.vector_load %arg19[%get3A_171, %get3A_172] {strides = array<i32>} : memref<4x128xf32, #tpu.memory_space<vmem>>, vector<16xf32>,
      %mul3A_174 = arith.mulf %get3A_160, %get3A_173 : vector<16xf32>
      %swap3A_175 = arith.constant 0 : i32
      %swap3A_176 = arith.index_cast %swap3A_175 : i32 to index
      %swap3A_177 = arith.constant 48 : index
      %swap3A_178 = tpu.vector_load %arg21[%swap3A_176, %swap3A_177] {strides = array<i32>} : memref<4x128xf32, #tpu.memory_space<vmem>>, vector<16xf32>,
      tpu.vector_store %arg21[%swap3A_176, %swap3A_177], %mul3A_174 {strides = array<i32>} : memref<4x128xf32, #tpu.memory_space<vmem>>, vector<16xf32>,
      %lt3A_179 = arith.constant 80000 : i32
      %lt3A_180 = vector.broadcast %lt3A_179 : i32 to vector<16xi32>
      %lt3A_181 = arith.cmpi slt, %get3A_158, %lt3A_180 : vector<16xi32>
      %broadcast_in_dim3A_182 = arith.constant 0.000000e+00 : f32
      %broadcast_in_dim3A_183 = vector.broadcast %broadcast_in_dim3A_182 : f32 to vector<16xf32>
      %select_n3A_184 = arith.select %lt3A_181, %get3A_160, %broadcast_in_dim3A_183 : vector<16xi1>, vector<16xf32>
      %swap3A_185 = arith.constant 0 : i32
      %swap3A_186 = arith.index_cast %swap3A_185 : i32 to index
      %swap3A_187 = arith.constant 48 : index
      %swap3A_188 = tpu.vector_load %arg22[%swap3A_186, %swap3A_187] {strides = array<i32>} : memref<4x128xf32, #tpu.memory_space<vmem>>, vector<16xf32>,
      tpu.vector_store %arg22[%swap3A_186, %swap3A_187], %select_n3A_184 {strides = array<i32>} : memref<4x128xf32, #tpu.memory_space<vmem>>, vector<16xf32>,
      %get3A_189 = arith.constant 0 : i32
      %get3A_190 = arith.index_cast %get3A_189 : i32 to index
      %get3A_191 = arith.constant 64 : index
      %get3A_192 = tpu.vector_load %arg15[%get3A_190, %get3A_191] {strides = array<i32>} : memref<4x128xi32, #tpu.memory_space<vmem>>, vector<16xi32>,
      %get3A_193 = arith.constant 64 : index
      %get3A_194 = tpu.vector_load %arg17[%get3A_193] {strides = array<i32>} : memref<512xf32, #tpu.memory_space<vmem>>, vector<16xf32>,
      %get3A_195 = arith.constant 0 : i32
      %get3A_196 = arith.index_cast %get3A_195 : i32 to index
      %get3A_197 = arith.constant 64 : index
      %get3A_198 = tpu.vector_load %arg18[%get3A_196, %get3A_197] {strides = array<i32>} : memref<4x128xf32, #tpu.memory_space<vmem>>, vector<16xf32>,
      %mul3A_199 = arith.mulf %get3A_194, %get3A_198 : vector<16xf32>
      %swap3A_200 = arith.constant 0 : i32
      %swap3A_201 = arith.index_cast %swap3A_200 : i32 to index
      %swap3A_202 = arith.constant 64 : index
      %swap3A_203 = tpu.vector_load %arg20[%swap3A_201, %swap3A_202] {strides = array<i32>} : memref<4x128xf32, #tpu.memory_space<vmem>>, vector<16xf32>,
      tpu.vector_store %arg20[%swap3A_201, %swap3A_202], %mul3A_199 {strides = array<i32>} : memref<4x128xf32, #tpu.memory_space<vmem>>, vector<16xf32>,
      %get3A_204 = arith.constant 0 : i32
      %get3A_205 = arith.index_cast %get3A_204 : i32 to index
      %get3A_206 = arith.constant 64 : index
      %get3A_207 = tpu.vector_load %arg19[%get3A_205, %get3A_206] {strides = array<i32>} : memref<4x128xf32, #tpu.memory_space<vmem>>, vector<16xf32>,
      %mul3A_208 = arith.mulf %get3A_194, %get3A_207 : vector<16xf32>
      %swap3A_209 = arith.constant 0 : i32
      %swap3A_210 = arith.index_cast %swap3A_209 : i32 to index
      %swap3A_211 = arith.constant 64 : index
      %swap3A_212 = tpu.vector_load %arg21[%swap3A_210, %swap3A_211] {strides = array<i32>} : memref<4x128xf32, #tpu.memory_space<vmem>>, vector<16xf32>,
      tpu.vector_store %arg21[%swap3A_210, %swap3A_211], %mul3A_208 {strides = array<i32>} : memref<4x128xf32, #tpu.memory_space<vmem>>, vector<16xf32>,
      %lt3A_213 = arith.constant 80000 : i32
      %lt3A_214 = vector.broadcast %lt3A_213 : i32 to vector<16xi32>
      %lt3A_215 = arith.cmpi slt, %get3A_192, %lt3A_214 : vector<16xi32>
      %broadcast_in_dim3A_216 = arith.constant 0.000000e+00 : f32
      %broadcast_in_dim3A_217 = vector.broadcast %broadcast_in_dim3A_216 : f32 to vector<16xf32>
      %select_n3A_218 = arith.select %lt3A_215, %get3A_194, %broadcast_in_dim3A_217 : vector<16xi1>, vector<16xf32>
      %swap3A_219 = arith.constant 0 : i32
      %swap3A_220 = arith.index_cast %swap3A_219 : i32 to index
      %swap3A_221 = arith.constant 64 : index
      %swap3A_222 = tpu.vector_load %arg22[%swap3A_220, %swap3A_221] {strides = array<i32>} : memref<4x128xf32, #tpu.memory_space<vmem>>, vector<16xf32>,
      tpu.vector_store %arg22[%swap3A_220, %swap3A_221], %select_n3A_218 {strides = array<i32>} : memref<4x128xf32, #tpu.memory_space<vmem>>, vector<16xf32>,
      %get3A_223 = arith.constant 0 : i32
      %get3A_224 = arith.index_cast %get3A_223 : i32 to index
      %get3A_225 = arith.constant 80 : index
      %get3A_226 = tpu.vector_load %arg15[%get3A_224, %get3A_225] {strides = array<i32>} : memref<4x128xi32, #tpu.memory_space<vmem>>, vector<16xi32>,
      %get3A_227 = arith.constant 80 : index
      %get3A_228 = tpu.vector_load %arg17[%get3A_227] {strides = array<i32>} : memref<512xf32, #tpu.memory_space<vmem>>, vector<16xf32>,
      %get3A_229 = arith.constant 0 : i32
      %get3A_230 = arith.index_cast %get3A_229 : i32 to index
      %get3A_231 = arith.constant 80 : index
      %get3A_232 = tpu.vector_load %arg18[%get3A_230, %get3A_231] {strides = array<i32>} : memref<4x128xf32, #tpu.memory_space<vmem>>, vector<16xf32>,
      %mul3A_233 = arith.mulf %get3A_228, %get3A_232 : vector<16xf32>
      %swap3A_234 = arith.constant 0 : i32
      %swap3A_235 = arith.index_cast %swap3A_234 : i32 to index
      %swap3A_236 = arith.constant 80 : index
      %swap3A_237 = tpu.vector_load %arg20[%swap3A_235, %swap3A_236] {strides = array<i32>} : memref<4x128xf32, #tpu.memory_space<vmem>>, vector<16xf32>,
      tpu.vector_store %arg20[%swap3A_235, %swap3A_236], %mul3A_233 {strides = array<i32>} : memref<4x128xf32, #tpu.memory_space<vmem>>, vector<16xf32>,
      %get3A_238 = arith.constant 0 : i32
      %get3A_239 = arith.index_cast %get3A_238 : i32 to index
      %get3A_240 = arith.constant 80 : index
      %get3A_241 = tpu.vector_load %arg19[%get3A_239, %get3A_240] {strides = array<i32>} : memref<4x128xf32, #tpu.memory_space<vmem>>, vector<16xf32>,
      %mul3A_242 = arith.mulf %get3A_228, %get3A_241 : vector<16xf32>
      %swap3A_243 = arith.constant 0 : i32
      %swap3A_244 = arith.index_cast %swap3A_243 : i32 to index
      %swap3A_245 = arith.constant 80 : index
      %swap3A_246 = tpu.vector_load %arg21[%swap3A_244, %swap3A_245] {strides = array<i32>} : memref<4x128xf32, #tpu.memory_space<vmem>>, vector<16xf32>,
      tpu.vector_store %arg21[%swap3A_244, %swap3A_245], %mul3A_242 {strides = array<i32>} : memref<4x128xf32, #tpu.memory_space<vmem>>, vector<16xf32>,
      %lt3A_247 = arith.constant 80000 : i32
      %lt3A_248 = vector.broadcast %lt3A_247 : i32 to vector<16xi32>
      %lt3A_249 = arith.cmpi slt, %get3A_226, %lt3A_248 : vector<16xi32>
      %broadcast_in_dim3A_250 = arith.constant 0.000000e+00 : f32
      %broadcast_in_dim3A_251 = vector.broadcast %broadcast_in_dim3A_250 : f32 to vector<16xf32>
      %select_n3A_252 = arith.select %lt3A_249, %get3A_228, %broadcast_in_dim3A_251 : vector<16xi1>, vector<16xf32>
      %swap3A_253 = arith.constant 0 : i32
      %swap3A_254 = arith.index_cast %swap3A_253 : i32 to index
      %swap3A_255 = arith.constant 80 : index
      %swap3A_256 = tpu.vector_load %arg22[%swap3A_254, %swap3A_255] {strides = array<i32>} : memref<4x128xf32, #tpu.memory_space<vmem>>, vector<16xf32>,
      tpu.vector_store %arg22[%swap3A_254, %swap3A_255], %select_n3A_252 {strides = array<i32>} : memref<4x128xf32, #tpu.memory_space<vmem>>, vector<16xf32>,
      %get3A_257 = arith.constant 0 : i32
      %get3A_258 = arith.index_cast %get3A_257 : i32 to index
      %get3A_259 = arith.constant 96 : index
      %get3A_260 = tpu.vector_load %arg15[%get3A_258, %get3A_259] {strides = array<i32>} : memref<4x128xi32, #tpu.memory_space<vmem>>, vector<16xi32>,
      %get3A_261 = arith.constant 96 : index
      %get3A_262 = tpu.vector_load %arg17[%get3A_261] {strides = array<i32>} : memref<512xf32, #tpu.memory_space<vmem>>, vector<16xf32>,
      %get3A_263 = arith.constant 0 : i32
      %get3A_264 = arith.index_cast %get3A_263 : i32 to index
      %get3A_265 = arith.constant 96 : index
      %get3A_266 = tpu.vector_load %arg18[%get3A_264, %get3A_265] {strides = array<i32>} : memref<4x128xf32, #tpu.memory_space<vmem>>, vector<16xf32>,
      %mul3A_267 = arith.mulf %get3A_262, %get3A_266 : vector<16xf32>
      %swap3A_268 = arith.constant 0 : i32
      %swap3A_269 = arith.index_cast %swap3A_268 : i32 to index
      %swap3A_270 = arith.constant 96 : index
      %swap3A_271 = tpu.vector_load %arg20[%swap3A_269, %swap3A_270] {strides = array<i32>} : memref<4x128xf32, #tpu.memory_space<vmem>>, vector<16xf32>,
      tpu.vector_store %arg20[%swap3A_269, %swap3A_270], %mul3A_267 {strides = array<i32>} : memref<4x128xf32, #tpu.memory_space<vmem>>, vector<16xf32>,
      %get3A_272 = arith.constant 0 : i32
      %get3A_273 = arith.index_cast %get3A_272 : i32 to index
      %get3A_274 = arith.constant 96 : index
      %get3A_275 = tpu.vector_load %arg19[%get3A_273, %get3A_274] {strides = array<i32>} : memref<4x128xf32, #tpu.memory_space<vmem>>, vector<16xf32>,
      %mul3A_276 = arith.mulf %get3A_262, %get3A_275 : vector<16xf32>
      %swap3A_277 = arith.constant 0 : i32
      %swap3A_278 = arith.index_cast %swap3A_277 : i32 to index
      %swap3A_279 = arith.constant 96 : index
      %swap3A_280 = tpu.vector_load %arg21[%swap3A_278, %swap3A_279] {strides = array<i32>} : memref<4x128xf32, #tpu.memory_space<vmem>>, vector<16xf32>,
      tpu.vector_store %arg21[%swap3A_278, %swap3A_279], %mul3A_276 {strides = array<i32>} : memref<4x128xf32, #tpu.memory_space<vmem>>, vector<16xf32>,
      %lt3A_281 = arith.constant 80000 : i32
      %lt3A_282 = vector.broadcast %lt3A_281 : i32 to vector<16xi32>
      %lt3A_283 = arith.cmpi slt, %get3A_260, %lt3A_282 : vector<16xi32>
      %broadcast_in_dim3A_284 = arith.constant 0.000000e+00 : f32
      %broadcast_in_dim3A_285 = vector.broadcast %broadcast_in_dim3A_284 : f32 to vector<16xf32>
      %select_n3A_286 = arith.select %lt3A_283, %get3A_262, %broadcast_in_dim3A_285 : vector<16xi1>, vector<16xf32>
      %swap3A_287 = arith.constant 0 : i32
      %swap3A_288 = arith.index_cast %swap3A_287 : i32 to index
      %swap3A_289 = arith.constant 96 : index
      %swap3A_290 = tpu.vector_load %arg22[%swap3A_288, %swap3A_289] {strides = array<i32>} : memref<4x128xf32, #tpu.memory_space<vmem>>, vector<16xf32>,
      tpu.vector_store %arg22[%swap3A_288, %swap3A_289], %select_n3A_286 {strides = array<i32>} : memref<4x128xf32, #tpu.memory_space<vmem>>, vector<16xf32>,
      %get3A_291 = arith.constant 0 : i32
      %get3A_292 = arith.index_cast %get3A_291 : i32 to index
      %get3A_293 = arith.constant 112 : index
      %get3A_294 = tpu.vector_load %arg15[%get3A_292, %get3A_293] {strides = array<i32>} : memref<4x128xi32, #tpu.memory_space<vmem>>, vector<16xi32>,
      %get3A_295 = arith.constant 112 : index
      %get3A_296 = tpu.vector_load %arg17[%get3A_295] {strides = array<i32>} : memref<512xf32, #tpu.memory_space<vmem>>, vector<16xf32>,
      %get3A_297 = arith.constant 0 : i32
      %get3A_298 = arith.index_cast %get3A_297 : i32 to index
      %get3A_299 = arith.constant 112 : index
      %get3A_300 = tpu.vector_load %arg18[%get3A_298, %get3A_299] {strides = array<i32>} : memref<4x128xf32, #tpu.memory_space<vmem>>, vector<16xf32>,
      %mul3A_301 = arith.mulf %get3A_296, %get3A_300 : vector<16xf32>
      %swap3A_302 = arith.constant 0 : i32
      %swap3A_303 = arith.index_cast %swap3A_302 : i32 to index
      %swap3A_304 = arith.constant 112 : index
      %swap3A_305 = tpu.vector_load %arg20[%swap3A_303, %swap3A_304] {strides = array<i32>} : memref<4x128xf32, #tpu.memory_space<vmem>>, vector<16xf32>,
      tpu.vector_store %arg20[%swap3A_303, %swap3A_304], %mul3A_301 {strides = array<i32>} : memref<4x128xf32, #tpu.memory_space<vmem>>, vector<16xf32>,
      %get3A_306 = arith.constant 0 : i32
      %get3A_307 = arith.index_cast %get3A_306 : i32 to index
      %get3A_308 = arith.constant 112 : index
      %get3A_309 = tpu.vector_load %arg19[%get3A_307, %get3A_308] {strides = array<i32>} : memref<4x128xf32, #tpu.memory_space<vmem>>, vector<16xf32>,
      %mul3A_310 = arith.mulf %get3A_296, %get3A_309 : vector<16xf32>
      %swap3A_311 = arith.constant 0 : i32
      %swap3A_312 = arith.index_cast %swap3A_311 : i32 to index
      %swap3A_313 = arith.constant 112 : index
      %swap3A_314 = tpu.vector_load %arg21[%swap3A_312, %swap3A_313] {strides = array<i32>} : memref<4x128xf32, #tpu.memory_space<vmem>>, vector<16xf32>,
      tpu.vector_store %arg21[%swap3A_312, %swap3A_313], %mul3A_310 {strides = array<i32>} : memref<4x128xf32, #tpu.memory_space<vmem>>, vector<16xf32>,
      %lt3A_315 = arith.constant 80000 : i32
      %lt3A_316 = vector.broadcast %lt3A_315 : i32 to vector<16xi32>
      %lt3A_317 = arith.cmpi slt, %get3A_294, %lt3A_316 : vector<16xi32>
      %broadcast_in_dim3A_318 = arith.constant 0.000000e+00 : f32
      %broadcast_in_dim3A_319 = vector.broadcast %broadcast_in_dim3A_318 : f32 to vector<16xf32>
      %select_n3A_320 = arith.select %lt3A_317, %get3A_296, %broadcast_in_dim3A_319 : vector<16xi1>, vector<16xf32>
      %swap3A_321 = arith.constant 0 : i32
      %swap3A_322 = arith.index_cast %swap3A_321 : i32 to index
      %swap3A_323 = arith.constant 112 : index
      %swap3A_324 = tpu.vector_load %arg22[%swap3A_322, %swap3A_323] {strides = array<i32>} : memref<4x128xf32, #tpu.memory_space<vmem>>, vector<16xf32>,
      tpu.vector_store %arg22[%swap3A_322, %swap3A_323], %select_n3A_320 {strides = array<i32>} : memref<4x128xf32, #tpu.memory_space<vmem>>, vector<16xf32>,
      %get3A_325 = arith.constant 1 : i32
      %get3A_326 = arith.index_cast %get3A_325 : i32 to index
      %get3A_327 = arith.constant 0 : index
      %get3A_328 = tpu.vector_load %arg15[%get3A_326, %get3A_327] {strides = array<i32>} : memref<4x128xi32, #tpu.memory_space<vmem>>, vector<16xi32>,
      %get3A_329 = arith.constant 128 : index
      %get3A_330 = tpu.vector_load %arg17[%get3A_329] {strides = array<i32>} : memref<512xf32, #tpu.memory_space<vmem>>, vector<16xf32>,
      %get3A_331 = arith.constant 1 : i32
      %get3A_332 = arith.index_cast %get3A_331 : i32 to index
      %get3A_333 = arith.constant 0 : index
      %get3A_334 = tpu.vector_load %arg18[%get3A_332, %get3A_333] {strides = array<i32>} : memref<4x128xf32, #tpu.memory_space<vmem>>, vector<16xf32>,
      %mul3A_335 = arith.mulf %get3A_330, %get3A_334 : vector<16xf32>
      %swap3A_336 = arith.constant 1 : i32
      %swap3A_337 = arith.index_cast %swap3A_336 : i32 to index
      %swap3A_338 = arith.constant 0 : index
      %swap3A_339 = tpu.vector_load %arg20[%swap3A_337, %swap3A_338] {strides = array<i32>} : memref<4x128xf32, #tpu.memory_space<vmem>>, vector<16xf32>,
      tpu.vector_store %arg20[%swap3A_337, %swap3A_338], %mul3A_335 {strides = array<i32>} : memref<4x128xf32, #tpu.memory_space<vmem>>, vector<16xf32>,
      %get3A_340 = arith.constant 1 : i32
      %get3A_341 = arith.index_cast %get3A_340 : i32 to index
      %get3A_342 = arith.constant 0 : index
      %get3A_343 = tpu.vector_load %arg19[%get3A_341, %get3A_342] {strides = array<i32>} : memref<4x128xf32, #tpu.memory_space<vmem>>, vector<16xf32>,
      %mul3A_344 = arith.mulf %get3A_330, %get3A_343 : vector<16xf32>
      %swap3A_345 = arith.constant 1 : i32
      %swap3A_346 = arith.index_cast %swap3A_345 : i32 to index
      %swap3A_347 = arith.constant 0 : index
      %swap3A_348 = tpu.vector_load %arg21[%swap3A_346, %swap3A_347] {strides = array<i32>} : memref<4x128xf32, #tpu.memory_space<vmem>>, vector<16xf32>,
      tpu.vector_store %arg21[%swap3A_346, %swap3A_347], %mul3A_344 {strides = array<i32>} : memref<4x128xf32, #tpu.memory_space<vmem>>, vector<16xf32>,
      %lt3A_349 = arith.constant 80000 : i32
      %lt3A_350 = vector.broadcast %lt3A_349 : i32 to vector<16xi32>
      %lt3A_351 = arith.cmpi slt, %get3A_328, %lt3A_350 : vector<16xi32>
      %broadcast_in_dim3A_352 = arith.constant 0.000000e+00 : f32
      %broadcast_in_dim3A_353 = vector.broadcast %broadcast_in_dim3A_352 : f32 to vector<16xf32>
      %select_n3A_354 = arith.select %lt3A_351, %get3A_330, %broadcast_in_dim3A_353 : vector<16xi1>, vector<16xf32>
      %swap3A_355 = arith.constant 1 : i32
      %swap3A_356 = arith.index_cast %swap3A_355 : i32 to index
      %swap3A_357 = arith.constant 0 : index
      %swap3A_358 = tpu.vector_load %arg22[%swap3A_356, %swap3A_357] {strides = array<i32>} : memref<4x128xf32, #tpu.memory_space<vmem>>, vector<16xf32>,
      tpu.vector_store %arg22[%swap3A_356, %swap3A_357], %select_n3A_354 {strides = array<i32>} : memref<4x128xf32, #tpu.memory_space<vmem>>, vector<16xf32>,
      %get3A_359 = arith.constant 1 : i32
      %get3A_360 = arith.index_cast %get3A_359 : i32 to index
      %get3A_361 = arith.constant 16 : index
      %get3A_362 = tpu.vector_load %arg15[%get3A_360, %get3A_361] {strides = array<i32>} : memref<4x128xi32, #tpu.memory_space<vmem>>, vector<16xi32>,
      %get3A_363 = arith.constant 144 : index
      %get3A_364 = tpu.vector_load %arg17[%get3A_363] {strides = array<i32>} : memref<512xf32, #tpu.memory_space<vmem>>, vector<16xf32>,
      %get3A_365 = arith.constant 1 : i32
      %get3A_366 = arith.index_cast %get3A_365 : i32 to index
      %get3A_367 = arith.constant 16 : index
      %get3A_368 = tpu.vector_load %arg18[%get3A_366, %get3A_367] {strides = array<i32>} : memref<4x128xf32, #tpu.memory_space<vmem>>, vector<16xf32>,
      %mul3A_369 = arith.mulf %get3A_364, %get3A_368 : vector<16xf32>
      %swap3A_370 = arith.constant 1 : i32
      %swap3A_371 = arith.index_cast %swap3A_370 : i32 to index
      %swap3A_372 = arith.constant 16 : index
      %swap3A_373 = tpu.vector_load %arg20[%swap3A_371, %swap3A_372] {strides = array<i32>} : memref<4x128xf32, #tpu.memory_space<vmem>>, vector<16xf32>,
      tpu.vector_store %arg20[%swap3A_371, %swap3A_372], %mul3A_369 {strides = array<i32>} : memref<4x128xf32, #tpu.memory_space<vmem>>, vector<16xf32>,
      %get3A_374 = arith.constant 1 : i32
      %get3A_375 = arith.index_cast %get3A_374 : i32 to index
      %get3A_376 = arith.constant 16 : index
      %get3A_377 = tpu.vector_load %arg19[%get3A_375, %get3A_376] {strides = array<i32>} : memref<4x128xf32, #tpu.memory_space<vmem>>, vector<16xf32>,
      %mul3A_378 = arith.mulf %get3A_364, %get3A_377 : vector<16xf32>
      %swap3A_379 = arith.constant 1 : i32
      %swap3A_380 = arith.index_cast %swap3A_379 : i32 to index
      %swap3A_381 = arith.constant 16 : index
      %swap3A_382 = tpu.vector_load %arg21[%swap3A_380, %swap3A_381] {strides = array<i32>} : memref<4x128xf32, #tpu.memory_space<vmem>>, vector<16xf32>,
      tpu.vector_store %arg21[%swap3A_380, %swap3A_381], %mul3A_378 {strides = array<i32>} : memref<4x128xf32, #tpu.memory_space<vmem>>, vector<16xf32>,
      %lt3A_383 = arith.constant 80000 : i32
      %lt3A_384 = vector.broadcast %lt3A_383 : i32 to vector<16xi32>
      %lt3A_385 = arith.cmpi slt, %get3A_362, %lt3A_384 : vector<16xi32>
      %broadcast_in_dim3A_386 = arith.constant 0.000000e+00 : f32
      %broadcast_in_dim3A_387 = vector.broadcast %broadcast_in_dim3A_386 : f32 to vector<16xf32>
      %select_n3A_388 = arith.select %lt3A_385, %get3A_364, %broadcast_in_dim3A_387 : vector<16xi1>, vector<16xf32>
      %swap3A_389 = arith.constant 1 : i32
      %swap3A_390 = arith.index_cast %swap3A_389 : i32 to index
      %swap3A_391 = arith.constant 16 : index
      %swap3A_392 = tpu.vector_load %arg22[%swap3A_390, %swap3A_391] {strides = array<i32>} : memref<4x128xf32, #tpu.memory_space<vmem>>, vector<16xf32>,
      tpu.vector_store %arg22[%swap3A_390, %swap3A_391], %select_n3A_388 {strides = array<i32>} : memref<4x128xf32, #tpu.memory_space<vmem>>, vector<16xf32>,
      %get3A_393 = arith.constant 1 : i32
      %get3A_394 = arith.index_cast %get3A_393 : i32 to index
      %get3A_395 = arith.constant 32 : index
      %get3A_396 = tpu.vector_load %arg15[%get3A_394, %get3A_395] {strides = array<i32>} : memref<4x128xi32, #tpu.memory_space<vmem>>, vector<16xi32>,
      %get3A_397 = arith.constant 160 : index
      %get3A_398 = tpu.vector_load %arg17[%get3A_397] {strides = array<i32>} : memref<512xf32, #tpu.memory_space<vmem>>, vector<16xf32>,
      %get3A_399 = arith.constant 1 : i32
      %get3A_400 = arith.index_cast %get3A_399 : i32 to index
      %get3A_401 = arith.constant 32 : index
      %get3A_402 = tpu.vector_load %arg18[%get3A_400, %get3A_401] {strides = array<i32>} : memref<4x128xf32, #tpu.memory_space<vmem>>, vector<16xf32>,
      %mul3A_403 = arith.mulf %get3A_398, %get3A_402 : vector<16xf32>
      %swap3A_404 = arith.constant 1 : i32
      %swap3A_405 = arith.index_cast %swap3A_404 : i32 to index
      %swap3A_406 = arith.constant 32 : index
      %swap3A_407 = tpu.vector_load %arg20[%swap3A_405, %swap3A_406] {strides = array<i32>} : memref<4x128xf32, #tpu.memory_space<vmem>>, vector<16xf32>,
      tpu.vector_store %arg20[%swap3A_405, %swap3A_406], %mul3A_403 {strides = array<i32>} : memref<4x128xf32, #tpu.memory_space<vmem>>, vector<16xf32>,
      %get3A_408 = arith.constant 1 : i32
      %get3A_409 = arith.index_cast %get3A_408 : i32 to index
      %get3A_410 = arith.constant 32 : index
      %get3A_411 = tpu.vector_load %arg19[%get3A_409, %get3A_410] {strides = array<i32>} : memref<4x128xf32, #tpu.memory_space<vmem>>, vector<16xf32>,
      %mul3A_412 = arith.mulf %get3A_398, %get3A_411 : vector<16xf32>
      %swap3A_413 = arith.constant 1 : i32
      %swap3A_414 = arith.index_cast %swap3A_413 : i32 to index
      %swap3A_415 = arith.constant 32 : index
      %swap3A_416 = tpu.vector_load %arg21[%swap3A_414, %swap3A_415] {strides = array<i32>} : memref<4x128xf32, #tpu.memory_space<vmem>>, vector<16xf32>,
      tpu.vector_store %arg21[%swap3A_414, %swap3A_415], %mul3A_412 {strides = array<i32>} : memref<4x128xf32, #tpu.memory_space<vmem>>, vector<16xf32>,
      %lt3A_417 = arith.constant 80000 : i32
      %lt3A_418 = vector.broadcast %lt3A_417 : i32 to vector<16xi32>
      %lt3A_419 = arith.cmpi slt, %get3A_396, %lt3A_418 : vector<16xi32>
      %broadcast_in_dim3A_420 = arith.constant 0.000000e+00 : f32
      %broadcast_in_dim3A_421 = vector.broadcast %broadcast_in_dim3A_420 : f32 to vector<16xf32>
      %select_n3A_422 = arith.select %lt3A_419, %get3A_398, %broadcast_in_dim3A_421 : vector<16xi1>, vector<16xf32>
      %swap3A_423 = arith.constant 1 : i32
      %swap3A_424 = arith.index_cast %swap3A_423 : i32 to index
      %swap3A_425 = arith.constant 32 : index
      %swap3A_426 = tpu.vector_load %arg22[%swap3A_424, %swap3A_425] {strides = array<i32>} : memref<4x128xf32, #tpu.memory_space<vmem>>, vector<16xf32>,
      tpu.vector_store %arg22[%swap3A_424, %swap3A_425], %select_n3A_422 {strides = array<i32>} : memref<4x128xf32, #tpu.memory_space<vmem>>, vector<16xf32>,
      %get3A_427 = arith.constant 1 : i32
      %get3A_428 = arith.index_cast %get3A_427 : i32 to index
      %get3A_429 = arith.constant 48 : index
      %get3A_430 = tpu.vector_load %arg15[%get3A_428, %get3A_429] {strides = array<i32>} : memref<4x128xi32, #tpu.memory_space<vmem>>, vector<16xi32>,
      %get3A_431 = arith.constant 176 : index
      %get3A_432 = tpu.vector_load %arg17[%get3A_431] {strides = array<i32>} : memref<512xf32, #tpu.memory_space<vmem>>, vector<16xf32>,
      %get3A_433 = arith.constant 1 : i32
      %get3A_434 = arith.index_cast %get3A_433 : i32 to index
      %get3A_435 = arith.constant 48 : index
      %get3A_436 = tpu.vector_load %arg18[%get3A_434, %get3A_435] {strides = array<i32>} : memref<4x128xf32, #tpu.memory_space<vmem>>, vector<16xf32>,
      %mul3A_437 = arith.mulf %get3A_432, %get3A_436 : vector<16xf32>
      %swap3A_438 = arith.constant 1 : i32
      %swap3A_439 = arith.index_cast %swap3A_438 : i32 to index
      %swap3A_440 = arith.constant 48 : index
      %swap3A_441 = tpu.vector_load %arg20[%swap3A_439, %swap3A_440] {strides = array<i32>} : memref<4x128xf32, #tpu.memory_space<vmem>>, vector<16xf32>,
      tpu.vector_store %arg20[%swap3A_439, %swap3A_440], %mul3A_437 {strides = array<i32>} : memref<4x128xf32, #tpu.memory_space<vmem>>, vector<16xf32>,
      %get3A_442 = arith.constant 1 : i32
      %get3A_443 = arith.index_cast %get3A_442 : i32 to index
      %get3A_444 = arith.constant 48 : index
      %get3A_445 = tpu.vector_load %arg19[%get3A_443, %get3A_444] {strides = array<i32>} : memref<4x128xf32, #tpu.memory_space<vmem>>, vector<16xf32>,
      %mul3A_446 = arith.mulf %get3A_432, %get3A_445 : vector<16xf32>
      %swap3A_447 = arith.constant 1 : i32
      %swap3A_448 = arith.index_cast %swap3A_447 : i32 to index
      %swap3A_449 = arith.constant 48 : index
      %swap3A_450 = tpu.vector_load %arg21[%swap3A_448, %swap3A_449] {strides = array<i32>} : memref<4x128xf32, #tpu.memory_space<vmem>>, vector<16xf32>,
      tpu.vector_store %arg21[%swap3A_448, %swap3A_449], %mul3A_446 {strides = array<i32>} : memref<4x128xf32, #tpu.memory_space<vmem>>, vector<16xf32>,
      %lt3A_451 = arith.constant 80000 : i32
      %lt3A_452 = vector.broadcast %lt3A_451 : i32 to vector<16xi32>
      %lt3A_453 = arith.cmpi slt, %get3A_430, %lt3A_452 : vector<16xi32>
      %broadcast_in_dim3A_454 = arith.constant 0.000000e+00 : f32
      %broadcast_in_dim3A_455 = vector.broadcast %broadcast_in_dim3A_454 : f32 to vector<16xf32>
      %select_n3A_456 = arith.select %lt3A_453, %get3A_432, %broadcast_in_dim3A_455 : vector<16xi1>, vector<16xf32>
      %swap3A_457 = arith.constant 1 : i32
      %swap3A_458 = arith.index_cast %swap3A_457 : i32 to index
      %swap3A_459 = arith.constant 48 : index
      %swap3A_460 = tpu.vector_load %arg22[%swap3A_458, %swap3A_459] {strides = array<i32>} : memref<4x128xf32, #tpu.memory_space<vmem>>, vector<16xf32>,
      tpu.vector_store %arg22[%swap3A_458, %swap3A_459], %select_n3A_456 {strides = array<i32>} : memref<4x128xf32, #tpu.memory_space<vmem>>, vector<16xf32>,
      %get3A_461 = arith.constant 1 : i32
      %get3A_462 = arith.index_cast %get3A_461 : i32 to index
      %get3A_463 = arith.constant 64 : index
      %get3A_464 = tpu.vector_load %arg15[%get3A_462, %get3A_463] {strides = array<i32>} : memref<4x128xi32, #tpu.memory_space<vmem>>, vector<16xi32>,
      %get3A_465 = arith.constant 192 : index
      %get3A_466 = tpu.vector_load %arg17[%get3A_465] {strides = array<i32>} : memref<512xf32, #tpu.memory_space<vmem>>, vector<16xf32>,
      %get3A_467 = arith.constant 1 : i32
      %get3A_468 = arith.index_cast %get3A_467 : i32 to index
      %get3A_469 = arith.constant 64 : index
      %get3A_470 = tpu.vector_load %arg18[%get3A_468, %get3A_469] {strides = array<i32>} : memref<4x128xf32, #tpu.memory_space<vmem>>, vector<16xf32>,
      %mul3A_471 = arith.mulf %get3A_466, %get3A_470 : vector<16xf32>
      %swap3A_472 = arith.constant 1 : i32
      %swap3A_473 = arith.index_cast %swap3A_472 : i32 to index
      %swap3A_474 = arith.constant 64 : index
      %swap3A_475 = tpu.vector_load %arg20[%swap3A_473, %swap3A_474] {strides = array<i32>} : memref<4x128xf32, #tpu.memory_space<vmem>>, vector<16xf32>,
      tpu.vector_store %arg20[%swap3A_473, %swap3A_474], %mul3A_471 {strides = array<i32>} : memref<4x128xf32, #tpu.memory_space<vmem>>, vector<16xf32>,
      %get3A_476 = arith.constant 1 : i32
      %get3A_477 = arith.index_cast %get3A_476 : i32 to index
      %get3A_478 = arith.constant 64 : index
      %get3A_479 = tpu.vector_load %arg19[%get3A_477, %get3A_478] {strides = array<i32>} : memref<4x128xf32, #tpu.memory_space<vmem>>, vector<16xf32>,
      %mul3A_480 = arith.mulf %get3A_466, %get3A_479 : vector<16xf32>
      %swap3A_481 = arith.constant 1 : i32
      %swap3A_482 = arith.index_cast %swap3A_481 : i32 to index
      %swap3A_483 = arith.constant 64 : index
      %swap3A_484 = tpu.vector_load %arg21[%swap3A_482, %swap3A_483] {strides = array<i32>} : memref<4x128xf32, #tpu.memory_space<vmem>>, vector<16xf32>,
      tpu.vector_store %arg21[%swap3A_482, %swap3A_483], %mul3A_480 {strides = array<i32>} : memref<4x128xf32, #tpu.memory_space<vmem>>, vector<16xf32>,
      %lt3A_485 = arith.constant 80000 : i32
      %lt3A_486 = vector.broadcast %lt3A_485 : i32 to vector<16xi32>
      %lt3A_487 = arith.cmpi slt, %get3A_464, %lt3A_486 : vector<16xi32>
      %broadcast_in_dim3A_488 = arith.constant 0.000000e+00 : f32
      %broadcast_in_dim3A_489 = vector.broadcast %broadcast_in_dim3A_488 : f32 to vector<16xf32>
      %select_n3A_490 = arith.select %lt3A_487, %get3A_466, %broadcast_in_dim3A_489 : vector<16xi1>, vector<16xf32>
      %swap3A_491 = arith.constant 1 : i32
      %swap3A_492 = arith.index_cast %swap3A_491 : i32 to index
      %swap3A_493 = arith.constant 64 : index
      %swap3A_494 = tpu.vector_load %arg22[%swap3A_492, %swap3A_493] {strides = array<i32>} : memref<4x128xf32, #tpu.memory_space<vmem>>, vector<16xf32>,
      tpu.vector_store %arg22[%swap3A_492, %swap3A_493], %select_n3A_490 {strides = array<i32>} : memref<4x128xf32, #tpu.memory_space<vmem>>, vector<16xf32>,
      %get3A_495 = arith.constant 1 : i32
      %get3A_496 = arith.index_cast %get3A_495 : i32 to index
      %get3A_497 = arith.constant 80 : index
      %get3A_498 = tpu.vector_load %arg15[%get3A_496, %get3A_497] {strides = array<i32>} : memref<4x128xi32, #tpu.memory_space<vmem>>, vector<16xi32>,
      %get3A_499 = arith.constant 208 : index
      %get3A_500 = tpu.vector_load %arg17[%get3A_499] {strides = array<i32>} : memref<512xf32, #tpu.memory_space<vmem>>, vector<16xf32>,
      %get3A_501 = arith.constant 1 : i32
      %get3A_502 = arith.index_cast %get3A_501 : i32 to index
      %get3A_503 = arith.constant 80 : index
      %get3A_504 = tpu.vector_load %arg18[%get3A_502, %get3A_503] {strides = array<i32>} : memref<4x128xf32, #tpu.memory_space<vmem>>, vector<16xf32>,
      %mul3A_505 = arith.mulf %get3A_500, %get3A_504 : vector<16xf32>
      %swap3A_506 = arith.constant 1 : i32
      %swap3A_507 = arith.index_cast %swap3A_506 : i32 to index
      %swap3A_508 = arith.constant 80 : index
      %swap3A_509 = tpu.vector_load %arg20[%swap3A_507, %swap3A_508] {strides = array<i32>} : memref<4x128xf32, #tpu.memory_space<vmem>>, vector<16xf32>,
      tpu.vector_store %arg20[%swap3A_507, %swap3A_508], %mul3A_505 {strides = array<i32>} : memref<4x128xf32, #tpu.memory_space<vmem>>, vector<16xf32>,
      %get3A_510 = arith.constant 1 : i32
      %get3A_511 = arith.index_cast %get3A_510 : i32 to index
      %get3A_512 = arith.constant 80 : index
      %get3A_513 = tpu.vector_load %arg19[%get3A_511, %get3A_512] {strides = array<i32>} : memref<4x128xf32, #tpu.memory_space<vmem>>, vector<16xf32>,
      %mul3A_514 = arith.mulf %get3A_500, %get3A_513 : vector<16xf32>
      %swap3A_515 = arith.constant 1 : i32
      %swap3A_516 = arith.index_cast %swap3A_515 : i32 to index
      %swap3A_517 = arith.constant 80 : index
      %swap3A_518 = tpu.vector_load %arg21[%swap3A_516, %swap3A_517] {strides = array<i32>} : memref<4x128xf32, #tpu.memory_space<vmem>>, vector<16xf32>,
      tpu.vector_store %arg21[%swap3A_516, %swap3A_517], %mul3A_514 {strides = array<i32>} : memref<4x128xf32, #tpu.memory_space<vmem>>, vector<16xf32>,
      %lt3A_519 = arith.constant 80000 : i32
      %lt3A_520 = vector.broadcast %lt3A_519 : i32 to vector<16xi32>
      %lt3A_521 = arith.cmpi slt, %get3A_498, %lt3A_520 : vector<16xi32>
      %broadcast_in_dim3A_522 = arith.constant 0.000000e+00 : f32
      %broadcast_in_dim3A_523 = vector.broadcast %broadcast_in_dim3A_522 : f32 to vector<16xf32>
      %select_n3A_524 = arith.select %lt3A_521, %get3A_500, %broadcast_in_dim3A_523 : vector<16xi1>, vector<16xf32>
      %swap3A_525 = arith.constant 1 : i32
      %swap3A_526 = arith.index_cast %swap3A_525 : i32 to index
      %swap3A_527 = arith.constant 80 : index
      %swap3A_528 = tpu.vector_load %arg22[%swap3A_526, %swap3A_527] {strides = array<i32>} : memref<4x128xf32, #tpu.memory_space<vmem>>, vector<16xf32>,
      tpu.vector_store %arg22[%swap3A_526, %swap3A_527], %select_n3A_524 {strides = array<i32>} : memref<4x128xf32, #tpu.memory_space<vmem>>, vector<16xf32>,
      %get3A_529 = arith.constant 1 : i32
      %get3A_530 = arith.index_cast %get3A_529 : i32 to index
      %get3A_531 = arith.constant 96 : index
      %get3A_532 = tpu.vector_load %arg15[%get3A_530, %get3A_531] {strides = array<i32>} : memref<4x128xi32, #tpu.memory_space<vmem>>, vector<16xi32>,
      %get3A_533 = arith.constant 224 : index
      %get3A_534 = tpu.vector_load %arg17[%get3A_533] {strides = array<i32>} : memref<512xf32, #tpu.memory_space<vmem>>, vector<16xf32>,
      %get3A_535 = arith.constant 1 : i32
      %get3A_536 = arith.index_cast %get3A_535 : i32 to index
      %get3A_537 = arith.constant 96 : index
      %get3A_538 = tpu.vector_load %arg18[%get3A_536, %get3A_537] {strides = array<i32>} : memref<4x128xf32, #tpu.memory_space<vmem>>, vector<16xf32>,
      %mul3A_539 = arith.mulf %get3A_534, %get3A_538 : vector<16xf32>
      %swap3A_540 = arith.constant 1 : i32
      %swap3A_541 = arith.index_cast %swap3A_540 : i32 to index
      %swap3A_542 = arith.constant 96 : index
      %swap3A_543 = tpu.vector_load %arg20[%swap3A_541, %swap3A_542] {strides = array<i32>} : memref<4x128xf32, #tpu.memory_space<vmem>>, vector<16xf32>,
      tpu.vector_store %arg20[%swap3A_541, %swap3A_542], %mul3A_539 {strides = array<i32>} : memref<4x128xf32, #tpu.memory_space<vmem>>, vector<16xf32>,
      %get3A_544 = arith.constant 1 : i32
      %get3A_545 = arith.index_cast %get3A_544 : i32 to index
      %get3A_546 = arith.constant 96 : index
      %get3A_547 = tpu.vector_load %arg19[%get3A_545, %get3A_546] {strides = array<i32>} : memref<4x128xf32, #tpu.memory_space<vmem>>, vector<16xf32>,
      %mul3A_548 = arith.mulf %get3A_534, %get3A_547 : vector<16xf32>
      %swap3A_549 = arith.constant 1 : i32
      %swap3A_550 = arith.index_cast %swap3A_549 : i32 to index
      %swap3A_551 = arith.constant 96 : index
      %swap3A_552 = tpu.vector_load %arg21[%swap3A_550, %swap3A_551] {strides = array<i32>} : memref<4x128xf32, #tpu.memory_space<vmem>>, vector<16xf32>,
      tpu.vector_store %arg21[%swap3A_550, %swap3A_551], %mul3A_548 {strides = array<i32>} : memref<4x128xf32, #tpu.memory_space<vmem>>, vector<16xf32>,
      %lt3A_553 = arith.constant 80000 : i32
      %lt3A_554 = vector.broadcast %lt3A_553 : i32 to vector<16xi32>
      %lt3A_555 = arith.cmpi slt, %get3A_532, %lt3A_554 : vector<16xi32>
      %broadcast_in_dim3A_556 = arith.constant 0.000000e+00 : f32
      %broadcast_in_dim3A_557 = vector.broadcast %broadcast_in_dim3A_556 : f32 to vector<16xf32>
      %select_n3A_558 = arith.select %lt3A_555, %get3A_534, %broadcast_in_dim3A_557 : vector<16xi1>, vector<16xf32>
      %swap3A_559 = arith.constant 1 : i32
      %swap3A_560 = arith.index_cast %swap3A_559 : i32 to index
      %swap3A_561 = arith.constant 96 : index
      %swap3A_562 = tpu.vector_load %arg22[%swap3A_560, %swap3A_561] {strides = array<i32>} : memref<4x128xf32, #tpu.memory_space<vmem>>, vector<16xf32>,
      tpu.vector_store %arg22[%swap3A_560, %swap3A_561], %select_n3A_558 {strides = array<i32>} : memref<4x128xf32, #tpu.memory_space<vmem>>, vector<16xf32>,
      %get3A_563 = arith.constant 1 : i32
      %get3A_564 = arith.index_cast %get3A_563 : i32 to index
      %get3A_565 = arith.constant 112 : index
      %get3A_566 = tpu.vector_load %arg15[%get3A_564, %get3A_565] {strides = array<i32>} : memref<4x128xi32, #tpu.memory_space<vmem>>, vector<16xi32>,
      %get3A_567 = arith.constant 240 : index
      %get3A_568 = tpu.vector_load %arg17[%get3A_567] {strides = array<i32>} : memref<512xf32, #tpu.memory_space<vmem>>, vector<16xf32>,
      %get3A_569 = arith.constant 1 : i32
      %get3A_570 = arith.index_cast %get3A_569 : i32 to index
      %get3A_571 = arith.constant 112 : index
      %get3A_572 = tpu.vector_load %arg18[%get3A_570, %get3A_571] {strides = array<i32>} : memref<4x128xf32, #tpu.memory_space<vmem>>, vector<16xf32>,
      %mul3A_573 = arith.mulf %get3A_568, %get3A_572 : vector<16xf32>
      %swap3A_574 = arith.constant 1 : i32
      %swap3A_575 = arith.index_cast %swap3A_574 : i32 to index
      %swap3A_576 = arith.constant 112 : index
      %swap3A_577 = tpu.vector_load %arg20[%swap3A_575, %swap3A_576] {strides = array<i32>} : memref<4x128xf32, #tpu.memory_space<vmem>>, vector<16xf32>,
      tpu.vector_store %arg20[%swap3A_575, %swap3A_576], %mul3A_573 {strides = array<i32>} : memref<4x128xf32, #tpu.memory_space<vmem>>, vector<16xf32>,
      %get3A_578 = arith.constant 1 : i32
      %get3A_579 = arith.index_cast %get3A_578 : i32 to index
      %get3A_580 = arith.constant 112 : index
      %get3A_581 = tpu.vector_load %arg19[%get3A_579, %get3A_580] {strides = array<i32>} : memref<4x128xf32, #tpu.memory_space<vmem>>, vector<16xf32>,
      %mul3A_582 = arith.mulf %get3A_568, %get3A_581 : vector<16xf32>
      %swap3A_583 = arith.constant 1 : i32
      %swap3A_584 = arith.index_cast %swap3A_583 : i32 to index
      %swap3A_585 = arith.constant 112 : index
      %swap3A_586 = tpu.vector_load %arg21[%swap3A_584, %swap3A_585] {strides = array<i32>} : memref<4x128xf32, #tpu.memory_space<vmem>>, vector<16xf32>,
      tpu.vector_store %arg21[%swap3A_584, %swap3A_585], %mul3A_582 {strides = array<i32>} : memref<4x128xf32, #tpu.memory_space<vmem>>, vector<16xf32>,
      %lt3A_587 = arith.constant 80000 : i32
      %lt3A_588 = vector.broadcast %lt3A_587 : i32 to vector<16xi32>
      %lt3A_589 = arith.cmpi slt, %get3A_566, %lt3A_588 : vector<16xi32>
      %broadcast_in_dim3A_590 = arith.constant 0.000000e+00 : f32
      %broadcast_in_dim3A_591 = vector.broadcast %broadcast_in_dim3A_590 : f32 to vector<16xf32>
      %select_n3A_592 = arith.select %lt3A_589, %get3A_568, %broadcast_in_dim3A_591 : vector<16xi1>, vector<16xf32>
      %swap3A_593 = arith.constant 1 : i32
      %swap3A_594 = arith.index_cast %swap3A_593 : i32 to index
      %swap3A_595 = arith.constant 112 : index
      %swap3A_596 = tpu.vector_load %arg22[%swap3A_594, %swap3A_595] {strides = array<i32>} : memref<4x128xf32, #tpu.memory_space<vmem>>, vector<16xf32>,
      tpu.vector_store %arg22[%swap3A_594, %swap3A_595], %select_n3A_592 {strides = array<i32>} : memref<4x128xf32, #tpu.memory_space<vmem>>, vector<16xf32>,
      %get3A_597 = arith.constant 2 : i32
      %get3A_598 = arith.index_cast %get3A_597 : i32 to index
      %get3A_599 = arith.constant 0 : index
      %get3A_600 = tpu.vector_load %arg15[%get3A_598, %get3A_599] {strides = array<i32>} : memref<4x128xi32, #tpu.memory_space<vmem>>, vector<16xi32>,
      %get3A_601 = arith.constant 256 : index
      %get3A_602 = tpu.vector_load %arg17[%get3A_601] {strides = array<i32>} : memref<512xf32, #tpu.memory_space<vmem>>, vector<16xf32>,
      %get3A_603 = arith.constant 2 : i32
      %get3A_604 = arith.index_cast %get3A_603 : i32 to index
      %get3A_605 = arith.constant 0 : index
      %get3A_606 = tpu.vector_load %arg18[%get3A_604, %get3A_605] {strides = array<i32>} : memref<4x128xf32, #tpu.memory_space<vmem>>, vector<16xf32>,
      %mul3A_607 = arith.mulf %get3A_602, %get3A_606 : vector<16xf32>
      %swap3A_608 = arith.constant 2 : i32
      %swap3A_609 = arith.index_cast %swap3A_608 : i32 to index
      %swap3A_610 = arith.constant 0 : index
      %swap3A_611 = tpu.vector_load %arg20[%swap3A_609, %swap3A_610] {strides = array<i32>} : memref<4x128xf32, #tpu.memory_space<vmem>>, vector<16xf32>,
      tpu.vector_store %arg20[%swap3A_609, %swap3A_610], %mul3A_607 {strides = array<i32>} : memref<4x128xf32, #tpu.memory_space<vmem>>, vector<16xf32>,
      %get3A_612 = arith.constant 2 : i32
      %get3A_613 = arith.index_cast %get3A_612 : i32 to index
      %get3A_614 = arith.constant 0 : index
      %get3A_615 = tpu.vector_load %arg19[%get3A_613, %get3A_614] {strides = array<i32>} : memref<4x128xf32, #tpu.memory_space<vmem>>, vector<16xf32>,
      %mul3A_616 = arith.mulf %get3A_602, %get3A_615 : vector<16xf32>
      %swap3A_617 = arith.constant 2 : i32
      %swap3A_618 = arith.index_cast %swap3A_617 : i32 to index
      %swap3A_619 = arith.constant 0 : index
      %swap3A_620 = tpu.vector_load %arg21[%swap3A_618, %swap3A_619] {strides = array<i32>} : memref<4x128xf32, #tpu.memory_space<vmem>>, vector<16xf32>,
      tpu.vector_store %arg21[%swap3A_618, %swap3A_619], %mul3A_616 {strides = array<i32>} : memref<4x128xf32, #tpu.memory_space<vmem>>, vector<16xf32>,
      %lt3A_621 = arith.constant 80000 : i32
      %lt3A_622 = vector.broadcast %lt3A_621 : i32 to vector<16xi32>
      %lt3A_623 = arith.cmpi slt, %get3A_600, %lt3A_622 : vector<16xi32>
      %broadcast_in_dim3A_624 = arith.constant 0.000000e+00 : f32
      %broadcast_in_dim3A_625 = vector.broadcast %broadcast_in_dim3A_624 : f32 to vector<16xf32>
      %select_n3A_626 = arith.select %lt3A_623, %get3A_602, %broadcast_in_dim3A_625 : vector<16xi1>, vector<16xf32>
      %swap3A_627 = arith.constant 2 : i32
      %swap3A_628 = arith.index_cast %swap3A_627 : i32 to index
      %swap3A_629 = arith.constant 0 : index
      %swap3A_630 = tpu.vector_load %arg22[%swap3A_628, %swap3A_629] {strides = array<i32>} : memref<4x128xf32, #tpu.memory_space<vmem>>, vector<16xf32>,
      tpu.vector_store %arg22[%swap3A_628, %swap3A_629], %select_n3A_626 {strides = array<i32>} : memref<4x128xf32, #tpu.memory_space<vmem>>, vector<16xf32>,
      %get3A_631 = arith.constant 2 : i32
      %get3A_632 = arith.index_cast %get3A_631 : i32 to index
      %get3A_633 = arith.constant 16 : index
      %get3A_634 = tpu.vector_load %arg15[%get3A_632, %get3A_633] {strides = array<i32>} : memref<4x128xi32, #tpu.memory_space<vmem>>, vector<16xi32>,
      %get3A_635 = arith.constant 272 : index
      %get3A_636 = tpu.vector_load %arg17[%get3A_635] {strides = array<i32>} : memref<512xf32, #tpu.memory_space<vmem>>, vector<16xf32>,
      %get3A_637 = arith.constant 2 : i32
      %get3A_638 = arith.index_cast %get3A_637 : i32 to index
      %get3A_639 = arith.constant 16 : index
      %get3A_640 = tpu.vector_load %arg18[%get3A_638, %get3A_639] {strides = array<i32>} : memref<4x128xf32, #tpu.memory_space<vmem>>, vector<16xf32>,
      %mul3A_641 = arith.mulf %get3A_636, %get3A_640 : vector<16xf32>
      %swap3A_642 = arith.constant 2 : i32
      %swap3A_643 = arith.index_cast %swap3A_642 : i32 to index
      %swap3A_644 = arith.constant 16 : index
      %swap3A_645 = tpu.vector_load %arg20[%swap3A_643, %swap3A_644] {strides = array<i32>} : memref<4x128xf32, #tpu.memory_space<vmem>>, vector<16xf32>,
      tpu.vector_store %arg20[%swap3A_643, %swap3A_644], %mul3A_641 {strides = array<i32>} : memref<4x128xf32, #tpu.memory_space<vmem>>, vector<16xf32>,
      %get3A_646 = arith.constant 2 : i32
      %get3A_647 = arith.index_cast %get3A_646 : i32 to index
      %get3A_648 = arith.constant 16 : index
      %get3A_649 = tpu.vector_load %arg19[%get3A_647, %get3A_648] {strides = array<i32>} : memref<4x128xf32, #tpu.memory_space<vmem>>, vector<16xf32>,
      %mul3A_650 = arith.mulf %get3A_636, %get3A_649 : vector<16xf32>
      %swap3A_651 = arith.constant 2 : i32
      %swap3A_652 = arith.index_cast %swap3A_651 : i32 to index
      %swap3A_653 = arith.constant 16 : index
      %swap3A_654 = tpu.vector_load %arg21[%swap3A_652, %swap3A_653] {strides = array<i32>} : memref<4x128xf32, #tpu.memory_space<vmem>>, vector<16xf32>,
      tpu.vector_store %arg21[%swap3A_652, %swap3A_653], %mul3A_650 {strides = array<i32>} : memref<4x128xf32, #tpu.memory_space<vmem>>, vector<16xf32>,
      %lt3A_655 = arith.constant 80000 : i32
      %lt3A_656 = vector.broadcast %lt3A_655 : i32 to vector<16xi32>
      %lt3A_657 = arith.cmpi slt, %get3A_634, %lt3A_656 : vector<16xi32>
      %broadcast_in_dim3A_658 = arith.constant 0.000000e+00 : f32
      %broadcast_in_dim3A_659 = vector.broadcast %broadcast_in_dim3A_658 : f32 to vector<16xf32>
      %select_n3A_660 = arith.select %lt3A_657, %get3A_636, %broadcast_in_dim3A_659 : vector<16xi1>, vector<16xf32>
      %swap3A_661 = arith.constant 2 : i32
      %swap3A_662 = arith.index_cast %swap3A_661 : i32 to index
      %swap3A_663 = arith.constant 16 : index
      %swap3A_664 = tpu.vector_load %arg22[%swap3A_662, %swap3A_663] {strides = array<i32>} : memref<4x128xf32, #tpu.memory_space<vmem>>, vector<16xf32>,
      tpu.vector_store %arg22[%swap3A_662, %swap3A_663], %select_n3A_660 {strides = array<i32>} : memref<4x128xf32, #tpu.memory_space<vmem>>, vector<16xf32>,
      %get3A_665 = arith.constant 2 : i32
      %get3A_666 = arith.index_cast %get3A_665 : i32 to index
      %get3A_667 = arith.constant 32 : index
      %get3A_668 = tpu.vector_load %arg15[%get3A_666, %get3A_667] {strides = array<i32>} : memref<4x128xi32, #tpu.memory_space<vmem>>, vector<16xi32>,
      %get3A_669 = arith.constant 288 : index
      %get3A_670 = tpu.vector_load %arg17[%get3A_669] {strides = array<i32>} : memref<512xf32, #tpu.memory_space<vmem>>, vector<16xf32>,
      %get3A_671 = arith.constant 2 : i32
      %get3A_672 = arith.index_cast %get3A_671 : i32 to index
      %get3A_673 = arith.constant 32 : index
      %get3A_674 = tpu.vector_load %arg18[%get3A_672, %get3A_673] {strides = array<i32>} : memref<4x128xf32, #tpu.memory_space<vmem>>, vector<16xf32>,
      %mul3A_675 = arith.mulf %get3A_670, %get3A_674 : vector<16xf32>
      %swap3A_676 = arith.constant 2 : i32
      %swap3A_677 = arith.index_cast %swap3A_676 : i32 to index
      %swap3A_678 = arith.constant 32 : index
      %swap3A_679 = tpu.vector_load %arg20[%swap3A_677, %swap3A_678] {strides = array<i32>} : memref<4x128xf32, #tpu.memory_space<vmem>>, vector<16xf32>,
      tpu.vector_store %arg20[%swap3A_677, %swap3A_678], %mul3A_675 {strides = array<i32>} : memref<4x128xf32, #tpu.memory_space<vmem>>, vector<16xf32>,
      %get3A_680 = arith.constant 2 : i32
      %get3A_681 = arith.index_cast %get3A_680 : i32 to index
      %get3A_682 = arith.constant 32 : index
      %get3A_683 = tpu.vector_load %arg19[%get3A_681, %get3A_682] {strides = array<i32>} : memref<4x128xf32, #tpu.memory_space<vmem>>, vector<16xf32>,
      %mul3A_684 = arith.mulf %get3A_670, %get3A_683 : vector<16xf32>
      %swap3A_685 = arith.constant 2 : i32
      %swap3A_686 = arith.index_cast %swap3A_685 : i32 to index
      %swap3A_687 = arith.constant 32 : index
      %swap3A_688 = tpu.vector_load %arg21[%swap3A_686, %swap3A_687] {strides = array<i32>} : memref<4x128xf32, #tpu.memory_space<vmem>>, vector<16xf32>,
      tpu.vector_store %arg21[%swap3A_686, %swap3A_687], %mul3A_684 {strides = array<i32>} : memref<4x128xf32, #tpu.memory_space<vmem>>, vector<16xf32>,
      %lt3A_689 = arith.constant 80000 : i32
      %lt3A_690 = vector.broadcast %lt3A_689 : i32 to vector<16xi32>
      %lt3A_691 = arith.cmpi slt, %get3A_668, %lt3A_690 : vector<16xi32>
      %broadcast_in_dim3A_692 = arith.constant 0.000000e+00 : f32
      %broadcast_in_dim3A_693 = vector.broadcast %broadcast_in_dim3A_692 : f32 to vector<16xf32>
      %select_n3A_694 = arith.select %lt3A_691, %get3A_670, %broadcast_in_dim3A_693 : vector<16xi1>, vector<16xf32>
      %swap3A_695 = arith.constant 2 : i32
      %swap3A_696 = arith.index_cast %swap3A_695 : i32 to index
      %swap3A_697 = arith.constant 32 : index
      %swap3A_698 = tpu.vector_load %arg22[%swap3A_696, %swap3A_697] {strides = array<i32>} : memref<4x128xf32, #tpu.memory_space<vmem>>, vector<16xf32>,
      tpu.vector_store %arg22[%swap3A_696, %swap3A_697], %select_n3A_694 {strides = array<i32>} : memref<4x128xf32, #tpu.memory_space<vmem>>, vector<16xf32>,
      %get3A_699 = arith.constant 2 : i32
      %get3A_700 = arith.index_cast %get3A_699 : i32 to index
      %get3A_701 = arith.constant 48 : index
      %get3A_702 = tpu.vector_load %arg15[%get3A_700, %get3A_701] {strides = array<i32>} : memref<4x128xi32, #tpu.memory_space<vmem>>, vector<16xi32>,
      %get3A_703 = arith.constant 304 : index
      %get3A_704 = tpu.vector_load %arg17[%get3A_703] {strides = array<i32>} : memref<512xf32, #tpu.memory_space<vmem>>, vector<16xf32>,
      %get3A_705 = arith.constant 2 : i32
      %get3A_706 = arith.index_cast %get3A_705 : i32 to index
      %get3A_707 = arith.constant 48 : index
      %get3A_708 = tpu.vector_load %arg18[%get3A_706, %get3A_707] {strides = array<i32>} : memref<4x128xf32, #tpu.memory_space<vmem>>, vector<16xf32>,
      %mul3A_709 = arith.mulf %get3A_704, %get3A_708 : vector<16xf32>
      %swap3A_710 = arith.constant 2 : i32
      %swap3A_711 = arith.index_cast %swap3A_710 : i32 to index
      %swap3A_712 = arith.constant 48 : index
      %swap3A_713 = tpu.vector_load %arg20[%swap3A_711, %swap3A_712] {strides = array<i32>} : memref<4x128xf32, #tpu.memory_space<vmem>>, vector<16xf32>,
      tpu.vector_store %arg20[%swap3A_711, %swap3A_712], %mul3A_709 {strides = array<i32>} : memref<4x128xf32, #tpu.memory_space<vmem>>, vector<16xf32>,
      %get3A_714 = arith.constant 2 : i32
      %get3A_715 = arith.index_cast %get3A_714 : i32 to index
      %get3A_716 = arith.constant 48 : index
      %get3A_717 = tpu.vector_load %arg19[%get3A_715, %get3A_716] {strides = array<i32>} : memref<4x128xf32, #tpu.memory_space<vmem>>, vector<16xf32>,
      %mul3A_718 = arith.mulf %get3A_704, %get3A_717 : vector<16xf32>
      %swap3A_719 = arith.constant 2 : i32
      %swap3A_720 = arith.index_cast %swap3A_719 : i32 to index
      %swap3A_721 = arith.constant 48 : index
      %swap3A_722 = tpu.vector_load %arg21[%swap3A_720, %swap3A_721] {strides = array<i32>} : memref<4x128xf32, #tpu.memory_space<vmem>>, vector<16xf32>,
      tpu.vector_store %arg21[%swap3A_720, %swap3A_721], %mul3A_718 {strides = array<i32>} : memref<4x128xf32, #tpu.memory_space<vmem>>, vector<16xf32>,
      %lt3A_723 = arith.constant 80000 : i32
      %lt3A_724 = vector.broadcast %lt3A_723 : i32 to vector<16xi32>
      %lt3A_725 = arith.cmpi slt, %get3A_702, %lt3A_724 : vector<16xi32>
      %broadcast_in_dim3A_726 = arith.constant 0.000000e+00 : f32
      %broadcast_in_dim3A_727 = vector.broadcast %broadcast_in_dim3A_726 : f32 to vector<16xf32>
      %select_n3A_728 = arith.select %lt3A_725, %get3A_704, %broadcast_in_dim3A_727 : vector<16xi1>, vector<16xf32>
      %swap3A_729 = arith.constant 2 : i32
      %swap3A_730 = arith.index_cast %swap3A_729 : i32 to index
      %swap3A_731 = arith.constant 48 : index
      %swap3A_732 = tpu.vector_load %arg22[%swap3A_730, %swap3A_731] {strides = array<i32>} : memref<4x128xf32, #tpu.memory_space<vmem>>, vector<16xf32>,
      tpu.vector_store %arg22[%swap3A_730, %swap3A_731], %select_n3A_728 {strides = array<i32>} : memref<4x128xf32, #tpu.memory_space<vmem>>, vector<16xf32>,
      %get3A_733 = arith.constant 2 : i32
      %get3A_734 = arith.index_cast %get3A_733 : i32 to index
      %get3A_735 = arith.constant 64 : index
      %get3A_736 = tpu.vector_load %arg15[%get3A_734, %get3A_735] {strides = array<i32>} : memref<4x128xi32, #tpu.memory_space<vmem>>, vector<16xi32>,
      %get3A_737 = arith.constant 320 : index
      %get3A_738 = tpu.vector_load %arg17[%get3A_737] {strides = array<i32>} : memref<512xf32, #tpu.memory_space<vmem>>, vector<16xf32>,
      %get3A_739 = arith.constant 2 : i32
      %get3A_740 = arith.index_cast %get3A_739 : i32 to index
      %get3A_741 = arith.constant 64 : index
      %get3A_742 = tpu.vector_load %arg18[%get3A_740, %get3A_741] {strides = array<i32>} : memref<4x128xf32, #tpu.memory_space<vmem>>, vector<16xf32>,
      %mul3A_743 = arith.mulf %get3A_738, %get3A_742 : vector<16xf32>
      %swap3A_744 = arith.constant 2 : i32
      %swap3A_745 = arith.index_cast %swap3A_744 : i32 to index
      %swap3A_746 = arith.constant 64 : index
      %swap3A_747 = tpu.vector_load %arg20[%swap3A_745, %swap3A_746] {strides = array<i32>} : memref<4x128xf32, #tpu.memory_space<vmem>>, vector<16xf32>,
      tpu.vector_store %arg20[%swap3A_745, %swap3A_746], %mul3A_743 {strides = array<i32>} : memref<4x128xf32, #tpu.memory_space<vmem>>, vector<16xf32>,
      %get3A_748 = arith.constant 2 : i32
      %get3A_749 = arith.index_cast %get3A_748 : i32 to index
      %get3A_750 = arith.constant 64 : index
      %get3A_751 = tpu.vector_load %arg19[%get3A_749, %get3A_750] {strides = array<i32>} : memref<4x128xf32, #tpu.memory_space<vmem>>, vector<16xf32>,
      %mul3A_752 = arith.mulf %get3A_738, %get3A_751 : vector<16xf32>
      %swap3A_753 = arith.constant 2 : i32
      %swap3A_754 = arith.index_cast %swap3A_753 : i32 to index
      %swap3A_755 = arith.constant 64 : index
      %swap3A_756 = tpu.vector_load %arg21[%swap3A_754, %swap3A_755] {strides = array<i32>} : memref<4x128xf32, #tpu.memory_space<vmem>>, vector<16xf32>,
      tpu.vector_store %arg21[%swap3A_754, %swap3A_755], %mul3A_752 {strides = array<i32>} : memref<4x128xf32, #tpu.memory_space<vmem>>, vector<16xf32>,
      %lt3A_757 = arith.constant 80000 : i32
      %lt3A_758 = vector.broadcast %lt3A_757 : i32 to vector<16xi32>
      %lt3A_759 = arith.cmpi slt, %get3A_736, %lt3A_758 : vector<16xi32>
      %broadcast_in_dim3A_760 = arith.constant 0.000000e+00 : f32
      %broadcast_in_dim3A_761 = vector.broadcast %broadcast_in_dim3A_760 : f32 to vector<16xf32>
      %select_n3A_762 = arith.select %lt3A_759, %get3A_738, %broadcast_in_dim3A_761 : vector<16xi1>, vector<16xf32>
      %swap3A_763 = arith.constant 2 : i32
      %swap3A_764 = arith.index_cast %swap3A_763 : i32 to index
      %swap3A_765 = arith.constant 64 : index
      %swap3A_766 = tpu.vector_load %arg22[%swap3A_764, %swap3A_765] {strides = array<i32>} : memref<4x128xf32, #tpu.memory_space<vmem>>, vector<16xf32>,
      tpu.vector_store %arg22[%swap3A_764, %swap3A_765], %select_n3A_762 {strides = array<i32>} : memref<4x128xf32, #tpu.memory_space<vmem>>, vector<16xf32>,
      %get3A_767 = arith.constant 2 : i32
      %get3A_768 = arith.index_cast %get3A_767 : i32 to index
      %get3A_769 = arith.constant 80 : index
      %get3A_770 = tpu.vector_load %arg15[%get3A_768, %get3A_769] {strides = array<i32>} : memref<4x128xi32, #tpu.memory_space<vmem>>, vector<16xi32>,
      %get3A_771 = arith.constant 336 : index
      %get3A_772 = tpu.vector_load %arg17[%get3A_771] {strides = array<i32>} : memref<512xf32, #tpu.memory_space<vmem>>, vector<16xf32>,
      %get3A_773 = arith.constant 2 : i32
      %get3A_774 = arith.index_cast %get3A_773 : i32 to index
      %get3A_775 = arith.constant 80 : index
      %get3A_776 = tpu.vector_load %arg18[%get3A_774, %get3A_775] {strides = array<i32>} : memref<4x128xf32, #tpu.memory_space<vmem>>, vector<16xf32>,
      %mul3A_777 = arith.mulf %get3A_772, %get3A_776 : vector<16xf32>
      %swap3A_778 = arith.constant 2 : i32
      %swap3A_779 = arith.index_cast %swap3A_778 : i32 to index
      %swap3A_780 = arith.constant 80 : index
      %swap3A_781 = tpu.vector_load %arg20[%swap3A_779, %swap3A_780] {strides = array<i32>} : memref<4x128xf32, #tpu.memory_space<vmem>>, vector<16xf32>,
      tpu.vector_store %arg20[%swap3A_779, %swap3A_780], %mul3A_777 {strides = array<i32>} : memref<4x128xf32, #tpu.memory_space<vmem>>, vector<16xf32>,
      %get3A_782 = arith.constant 2 : i32
      %get3A_783 = arith.index_cast %get3A_782 : i32 to index
      %get3A_784 = arith.constant 80 : index
      %get3A_785 = tpu.vector_load %arg19[%get3A_783, %get3A_784] {strides = array<i32>} : memref<4x128xf32, #tpu.memory_space<vmem>>, vector<16xf32>,
      %mul3A_786 = arith.mulf %get3A_772, %get3A_785 : vector<16xf32>
      %swap3A_787 = arith.constant 2 : i32
      %swap3A_788 = arith.index_cast %swap3A_787 : i32 to index
      %swap3A_789 = arith.constant 80 : index
      %swap3A_790 = tpu.vector_load %arg21[%swap3A_788, %swap3A_789] {strides = array<i32>} : memref<4x128xf32, #tpu.memory_space<vmem>>, vector<16xf32>,
      tpu.vector_store %arg21[%swap3A_788, %swap3A_789], %mul3A_786 {strides = array<i32>} : memref<4x128xf32, #tpu.memory_space<vmem>>, vector<16xf32>,
      %lt3A_791 = arith.constant 80000 : i32
      %lt3A_792 = vector.broadcast %lt3A_791 : i32 to vector<16xi32>
      %lt3A_793 = arith.cmpi slt, %get3A_770, %lt3A_792 : vector<16xi32>
      %broadcast_in_dim3A_794 = arith.constant 0.000000e+00 : f32
      %broadcast_in_dim3A_795 = vector.broadcast %broadcast_in_dim3A_794 : f32 to vector<16xf32>
      %select_n3A_796 = arith.select %lt3A_793, %get3A_772, %broadcast_in_dim3A_795 : vector<16xi1>, vector<16xf32>
      %swap3A_797 = arith.constant 2 : i32
      %swap3A_798 = arith.index_cast %swap3A_797 : i32 to index
      %swap3A_799 = arith.constant 80 : index
      %swap3A_800 = tpu.vector_load %arg22[%swap3A_798, %swap3A_799] {strides = array<i32>} : memref<4x128xf32, #tpu.memory_space<vmem>>, vector<16xf32>,
      tpu.vector_store %arg22[%swap3A_798, %swap3A_799], %select_n3A_796 {strides = array<i32>} : memref<4x128xf32, #tpu.memory_space<vmem>>, vector<16xf32>,
      %get3A_801 = arith.constant 2 : i32
      %get3A_802 = arith.index_cast %get3A_801 : i32 to index
      %get3A_803 = arith.constant 96 : index
      %get3A_804 = tpu.vector_load %arg15[%get3A_802, %get3A_803] {strides = array<i32>} : memref<4x128xi32, #tpu.memory_space<vmem>>, vector<16xi32>,
      %get3A_805 = arith.constant 352 : index
      %get3A_806 = tpu.vector_load %arg17[%get3A_805] {strides = array<i32>} : memref<512xf32, #tpu.memory_space<vmem>>, vector<16xf32>,
      %get3A_807 = arith.constant 2 : i32
      %get3A_808 = arith.index_cast %get3A_807 : i32 to index
      %get3A_809 = arith.constant 96 : index
      %get3A_810 = tpu.vector_load %arg18[%get3A_808, %get3A_809] {strides = array<i32>} : memref<4x128xf32, #tpu.memory_space<vmem>>, vector<16xf32>,
      %mul3A_811 = arith.mulf %get3A_806, %get3A_810 : vector<16xf32>
      %swap3A_812 = arith.constant 2 : i32
      %swap3A_813 = arith.index_cast %swap3A_812 : i32 to index
      %swap3A_814 = arith.constant 96 : index
      %swap3A_815 = tpu.vector_load %arg20[%swap3A_813, %swap3A_814] {strides = array<i32>} : memref<4x128xf32, #tpu.memory_space<vmem>>, vector<16xf32>,
      tpu.vector_store %arg20[%swap3A_813, %swap3A_814], %mul3A_811 {strides = array<i32>} : memref<4x128xf32, #tpu.memory_space<vmem>>, vector<16xf32>,
      %get3A_816 = arith.constant 2 : i32
      %get3A_817 = arith.index_cast %get3A_816 : i32 to index
      %get3A_818 = arith.constant 96 : index
      %get3A_819 = tpu.vector_load %arg19[%get3A_817, %get3A_818] {strides = array<i32>} : memref<4x128xf32, #tpu.memory_space<vmem>>, vector<16xf32>,
      %mul3A_820 = arith.mulf %get3A_806, %get3A_819 : vector<16xf32>
      %swap3A_821 = arith.constant 2 : i32
      %swap3A_822 = arith.index_cast %swap3A_821 : i32 to index
      %swap3A_823 = arith.constant 96 : index
      %swap3A_824 = tpu.vector_load %arg21[%swap3A_822, %swap3A_823] {strides = array<i32>} : memref<4x128xf32, #tpu.memory_space<vmem>>, vector<16xf32>,
      tpu.vector_store %arg21[%swap3A_822, %swap3A_823], %mul3A_820 {strides = array<i32>} : memref<4x128xf32, #tpu.memory_space<vmem>>, vector<16xf32>,
      %lt3A_825 = arith.constant 80000 : i32
      %lt3A_826 = vector.broadcast %lt3A_825 : i32 to vector<16xi32>
      %lt3A_827 = arith.cmpi slt, %get3A_804, %lt3A_826 : vector<16xi32>
      %broadcast_in_dim3A_828 = arith.constant 0.000000e+00 : f32
      %broadcast_in_dim3A_829 = vector.broadcast %broadcast_in_dim3A_828 : f32 to vector<16xf32>
      %select_n3A_830 = arith.select %lt3A_827, %get3A_806, %broadcast_in_dim3A_829 : vector<16xi1>, vector<16xf32>
      %swap3A_831 = arith.constant 2 : i32
      %swap3A_832 = arith.index_cast %swap3A_831 : i32 to index
      %swap3A_833 = arith.constant 96 : index
      %swap3A_834 = tpu.vector_load %arg22[%swap3A_832, %swap3A_833] {strides = array<i32>} : memref<4x128xf32, #tpu.memory_space<vmem>>, vector<16xf32>,
      tpu.vector_store %arg22[%swap3A_832, %swap3A_833], %select_n3A_830 {strides = array<i32>} : memref<4x128xf32, #tpu.memory_space<vmem>>, vector<16xf32>,
      %get3A_835 = arith.constant 2 : i32
      %get3A_836 = arith.index_cast %get3A_835 : i32 to index
      %get3A_837 = arith.constant 112 : index
      %get3A_838 = tpu.vector_load %arg15[%get3A_836, %get3A_837] {strides = array<i32>} : memref<4x128xi32, #tpu.memory_space<vmem>>, vector<16xi32>,
      %get3A_839 = arith.constant 368 : index
      %get3A_840 = tpu.vector_load %arg17[%get3A_839] {strides = array<i32>} : memref<512xf32, #tpu.memory_space<vmem>>, vector<16xf32>,
      %get3A_841 = arith.constant 2 : i32
      %get3A_842 = arith.index_cast %get3A_841 : i32 to index
      %get3A_843 = arith.constant 112 : index
      %get3A_844 = tpu.vector_load %arg18[%get3A_842, %get3A_843] {strides = array<i32>} : memref<4x128xf32, #tpu.memory_space<vmem>>, vector<16xf32>,
      %mul3A_845 = arith.mulf %get3A_840, %get3A_844 : vector<16xf32>
      %swap3A_846 = arith.constant 2 : i32
      %swap3A_847 = arith.index_cast %swap3A_846 : i32 to index
      %swap3A_848 = arith.constant 112 : index
      %swap3A_849 = tpu.vector_load %arg20[%swap3A_847, %swap3A_848] {strides = array<i32>} : memref<4x128xf32, #tpu.memory_space<vmem>>, vector<16xf32>,
      tpu.vector_store %arg20[%swap3A_847, %swap3A_848], %mul3A_845 {strides = array<i32>} : memref<4x128xf32, #tpu.memory_space<vmem>>, vector<16xf32>,
      %get3A_850 = arith.constant 2 : i32
      %get3A_851 = arith.index_cast %get3A_850 : i32 to index
      %get3A_852 = arith.constant 112 : index
      %get3A_853 = tpu.vector_load %arg19[%get3A_851, %get3A_852] {strides = array<i32>} : memref<4x128xf32, #tpu.memory_space<vmem>>, vector<16xf32>,
      %mul3A_854 = arith.mulf %get3A_840, %get3A_853 : vector<16xf32>
      %swap3A_855 = arith.constant 2 : i32
      %swap3A_856 = arith.index_cast %swap3A_855 : i32 to index
      %swap3A_857 = arith.constant 112 : index
      %swap3A_858 = tpu.vector_load %arg21[%swap3A_856, %swap3A_857] {strides = array<i32>} : memref<4x128xf32, #tpu.memory_space<vmem>>, vector<16xf32>,
      tpu.vector_store %arg21[%swap3A_856, %swap3A_857], %mul3A_854 {strides = array<i32>} : memref<4x128xf32, #tpu.memory_space<vmem>>, vector<16xf32>,
      %lt3A_859 = arith.constant 80000 : i32
      %lt3A_860 = vector.broadcast %lt3A_859 : i32 to vector<16xi32>
      %lt3A_861 = arith.cmpi slt, %get3A_838, %lt3A_860 : vector<16xi32>
      %broadcast_in_dim3A_862 = arith.constant 0.000000e+00 : f32
      %broadcast_in_dim3A_863 = vector.broadcast %broadcast_in_dim3A_862 : f32 to vector<16xf32>
      %select_n3A_864 = arith.select %lt3A_861, %get3A_840, %broadcast_in_dim3A_863 : vector<16xi1>, vector<16xf32>
      %swap3A_865 = arith.constant 2 : i32
      %swap3A_866 = arith.index_cast %swap3A_865 : i32 to index
      %swap3A_867 = arith.constant 112 : index
      %swap3A_868 = tpu.vector_load %arg22[%swap3A_866, %swap3A_867] {strides = array<i32>} : memref<4x128xf32, #tpu.memory_space<vmem>>, vector<16xf32>,
      tpu.vector_store %arg22[%swap3A_866, %swap3A_867], %select_n3A_864 {strides = array<i32>} : memref<4x128xf32, #tpu.memory_space<vmem>>, vector<16xf32>,
      %get3A_869 = arith.constant 3 : i32
      %get3A_870 = arith.index_cast %get3A_869 : i32 to index
      %get3A_871 = arith.constant 0 : index
      %get3A_872 = tpu.vector_load %arg15[%get3A_870, %get3A_871] {strides = array<i32>} : memref<4x128xi32, #tpu.memory_space<vmem>>, vector<16xi32>,
      %get3A_873 = arith.constant 384 : index
      %get3A_874 = tpu.vector_load %arg17[%get3A_873] {strides = array<i32>} : memref<512xf32, #tpu.memory_space<vmem>>, vector<16xf32>,
      %get3A_875 = arith.constant 3 : i32
      %get3A_876 = arith.index_cast %get3A_875 : i32 to index
      %get3A_877 = arith.constant 0 : index
      %get3A_878 = tpu.vector_load %arg18[%get3A_876, %get3A_877] {strides = array<i32>} : memref<4x128xf32, #tpu.memory_space<vmem>>, vector<16xf32>,
      %mul3A_879 = arith.mulf %get3A_874, %get3A_878 : vector<16xf32>
      %swap3A_880 = arith.constant 3 : i32
      %swap3A_881 = arith.index_cast %swap3A_880 : i32 to index
      %swap3A_882 = arith.constant 0 : index
      %swap3A_883 = tpu.vector_load %arg20[%swap3A_881, %swap3A_882] {strides = array<i32>} : memref<4x128xf32, #tpu.memory_space<vmem>>, vector<16xf32>,
      tpu.vector_store %arg20[%swap3A_881, %swap3A_882], %mul3A_879 {strides = array<i32>} : memref<4x128xf32, #tpu.memory_space<vmem>>, vector<16xf32>,
      %get3A_884 = arith.constant 3 : i32
      %get3A_885 = arith.index_cast %get3A_884 : i32 to index
      %get3A_886 = arith.constant 0 : index
      %get3A_887 = tpu.vector_load %arg19[%get3A_885, %get3A_886] {strides = array<i32>} : memref<4x128xf32, #tpu.memory_space<vmem>>, vector<16xf32>,
      %mul3A_888 = arith.mulf %get3A_874, %get3A_887 : vector<16xf32>
      %swap3A_889 = arith.constant 3 : i32
      %swap3A_890 = arith.index_cast %swap3A_889 : i32 to index
      %swap3A_891 = arith.constant 0 : index
      %swap3A_892 = tpu.vector_load %arg21[%swap3A_890, %swap3A_891] {strides = array<i32>} : memref<4x128xf32, #tpu.memory_space<vmem>>, vector<16xf32>,
      tpu.vector_store %arg21[%swap3A_890, %swap3A_891], %mul3A_888 {strides = array<i32>} : memref<4x128xf32, #tpu.memory_space<vmem>>, vector<16xf32>,
      %lt3A_893 = arith.constant 80000 : i32
      %lt3A_894 = vector.broadcast %lt3A_893 : i32 to vector<16xi32>
      %lt3A_895 = arith.cmpi slt, %get3A_872, %lt3A_894 : vector<16xi32>
      %broadcast_in_dim3A_896 = arith.constant 0.000000e+00 : f32
      %broadcast_in_dim3A_897 = vector.broadcast %broadcast_in_dim3A_896 : f32 to vector<16xf32>
      %select_n3A_898 = arith.select %lt3A_895, %get3A_874, %broadcast_in_dim3A_897 : vector<16xi1>, vector<16xf32>
      %swap3A_899 = arith.constant 3 : i32
      %swap3A_900 = arith.index_cast %swap3A_899 : i32 to index
      %swap3A_901 = arith.constant 0 : index
      %swap3A_902 = tpu.vector_load %arg22[%swap3A_900, %swap3A_901] {strides = array<i32>} : memref<4x128xf32, #tpu.memory_space<vmem>>, vector<16xf32>,
      tpu.vector_store %arg22[%swap3A_900, %swap3A_901], %select_n3A_898 {strides = array<i32>} : memref<4x128xf32, #tpu.memory_space<vmem>>, vector<16xf32>,
      %get3A_903 = arith.constant 3 : i32
      %get3A_904 = arith.index_cast %get3A_903 : i32 to index
      %get3A_905 = arith.constant 16 : index
      %get3A_906 = tpu.vector_load %arg15[%get3A_904, %get3A_905] {strides = array<i32>} : memref<4x128xi32, #tpu.memory_space<vmem>>, vector<16xi32>,
      %get3A_907 = arith.constant 400 : index
      %get3A_908 = tpu.vector_load %arg17[%get3A_907] {strides = array<i32>} : memref<512xf32, #tpu.memory_space<vmem>>, vector<16xf32>,
      %get3A_909 = arith.constant 3 : i32
      %get3A_910 = arith.index_cast %get3A_909 : i32 to index
      %get3A_911 = arith.constant 16 : index
      %get3A_912 = tpu.vector_load %arg18[%get3A_910, %get3A_911] {strides = array<i32>} : memref<4x128xf32, #tpu.memory_space<vmem>>, vector<16xf32>,
      %mul3A_913 = arith.mulf %get3A_908, %get3A_912 : vector<16xf32>
      %swap3A_914 = arith.constant 3 : i32
      %swap3A_915 = arith.index_cast %swap3A_914 : i32 to index
      %swap3A_916 = arith.constant 16 : index
      %swap3A_917 = tpu.vector_load %arg20[%swap3A_915, %swap3A_916] {strides = array<i32>} : memref<4x128xf32, #tpu.memory_space<vmem>>, vector<16xf32>,
      tpu.vector_store %arg20[%swap3A_915, %swap3A_916], %mul3A_913 {strides = array<i32>} : memref<4x128xf32, #tpu.memory_space<vmem>>, vector<16xf32>,
      %get3A_918 = arith.constant 3 : i32
      %get3A_919 = arith.index_cast %get3A_918 : i32 to index
      %get3A_920 = arith.constant 16 : index
      %get3A_921 = tpu.vector_load %arg19[%get3A_919, %get3A_920] {strides = array<i32>} : memref<4x128xf32, #tpu.memory_space<vmem>>, vector<16xf32>,
      %mul3A_922 = arith.mulf %get3A_908, %get3A_921 : vector<16xf32>
      %swap3A_923 = arith.constant 3 : i32
      %swap3A_924 = arith.index_cast %swap3A_923 : i32 to index
      %swap3A_925 = arith.constant 16 : index
      %swap3A_926 = tpu.vector_load %arg21[%swap3A_924, %swap3A_925] {strides = array<i32>} : memref<4x128xf32, #tpu.memory_space<vmem>>, vector<16xf32>,
      tpu.vector_store %arg21[%swap3A_924, %swap3A_925], %mul3A_922 {strides = array<i32>} : memref<4x128xf32, #tpu.memory_space<vmem>>, vector<16xf32>,
      %lt3A_927 = arith.constant 80000 : i32
      %lt3A_928 = vector.broadcast %lt3A_927 : i32 to vector<16xi32>
      %lt3A_929 = arith.cmpi slt, %get3A_906, %lt3A_928 : vector<16xi32>
      %broadcast_in_dim3A_930 = arith.constant 0.000000e+00 : f32
      %broadcast_in_dim3A_931 = vector.broadcast %broadcast_in_dim3A_930 : f32 to vector<16xf32>
      %select_n3A_932 = arith.select %lt3A_929, %get3A_908, %broadcast_in_dim3A_931 : vector<16xi1>, vector<16xf32>
      %swap3A_933 = arith.constant 3 : i32
      %swap3A_934 = arith.index_cast %swap3A_933 : i32 to index
      %swap3A_935 = arith.constant 16 : index
      %swap3A_936 = tpu.vector_load %arg22[%swap3A_934, %swap3A_935] {strides = array<i32>} : memref<4x128xf32, #tpu.memory_space<vmem>>, vector<16xf32>,
      tpu.vector_store %arg22[%swap3A_934, %swap3A_935], %select_n3A_932 {strides = array<i32>} : memref<4x128xf32, #tpu.memory_space<vmem>>, vector<16xf32>,
      %get3A_937 = arith.constant 3 : i32
      %get3A_938 = arith.index_cast %get3A_937 : i32 to index
      %get3A_939 = arith.constant 32 : index
      %get3A_940 = tpu.vector_load %arg15[%get3A_938, %get3A_939] {strides = array<i32>} : memref<4x128xi32, #tpu.memory_space<vmem>>, vector<16xi32>,
      %get3A_941 = arith.constant 416 : index
      %get3A_942 = tpu.vector_load %arg17[%get3A_941] {strides = array<i32>} : memref<512xf32, #tpu.memory_space<vmem>>, vector<16xf32>,
      %get3A_943 = arith.constant 3 : i32
      %get3A_944 = arith.index_cast %get3A_943 : i32 to index
      %get3A_945 = arith.constant 32 : index
      %get3A_946 = tpu.vector_load %arg18[%get3A_944, %get3A_945] {strides = array<i32>} : memref<4x128xf32, #tpu.memory_space<vmem>>, vector<16xf32>,
      %mul3A_947 = arith.mulf %get3A_942, %get3A_946 : vector<16xf32>
      %swap3A_948 = arith.constant 3 : i32
      %swap3A_949 = arith.index_cast %swap3A_948 : i32 to index
      %swap3A_950 = arith.constant 32 : index
      %swap3A_951 = tpu.vector_load %arg20[%swap3A_949, %swap3A_950] {strides = array<i32>} : memref<4x128xf32, #tpu.memory_space<vmem>>, vector<16xf32>,
      tpu.vector_store %arg20[%swap3A_949, %swap3A_950], %mul3A_947 {strides = array<i32>} : memref<4x128xf32, #tpu.memory_space<vmem>>, vector<16xf32>,
      %get3A_952 = arith.constant 3 : i32
      %get3A_953 = arith.index_cast %get3A_952 : i32 to index
      %get3A_954 = arith.constant 32 : index
      %get3A_955 = tpu.vector_load %arg19[%get3A_953, %get3A_954] {strides = array<i32>} : memref<4x128xf32, #tpu.memory_space<vmem>>, vector<16xf32>,
      %mul3A_956 = arith.mulf %get3A_942, %get3A_955 : vector<16xf32>
      %swap3A_957 = arith.constant 3 : i32
      %swap3A_958 = arith.index_cast %swap3A_957 : i32 to index
      %swap3A_959 = arith.constant 32 : index
      %swap3A_960 = tpu.vector_load %arg21[%swap3A_958, %swap3A_959] {strides = array<i32>} : memref<4x128xf32, #tpu.memory_space<vmem>>, vector<16xf32>,
      tpu.vector_store %arg21[%swap3A_958, %swap3A_959], %mul3A_956 {strides = array<i32>} : memref<4x128xf32, #tpu.memory_space<vmem>>, vector<16xf32>,
      %lt3A_961 = arith.constant 80000 : i32
      %lt3A_962 = vector.broadcast %lt3A_961 : i32 to vector<16xi32>
      %lt3A_963 = arith.cmpi slt, %get3A_940, %lt3A_962 : vector<16xi32>
      %broadcast_in_dim3A_964 = arith.constant 0.000000e+00 : f32
      %broadcast_in_dim3A_965 = vector.broadcast %broadcast_in_dim3A_964 : f32 to vector<16xf32>
      %select_n3A_966 = arith.select %lt3A_963, %get3A_942, %broadcast_in_dim3A_965 : vector<16xi1>, vector<16xf32>
      %swap3A_967 = arith.constant 3 : i32
      %swap3A_968 = arith.index_cast %swap3A_967 : i32 to index
      %swap3A_969 = arith.constant 32 : index
      %swap3A_970 = tpu.vector_load %arg22[%swap3A_968, %swap3A_969] {strides = array<i32>} : memref<4x128xf32, #tpu.memory_space<vmem>>, vector<16xf32>,
      tpu.vector_store %arg22[%swap3A_968, %swap3A_969], %select_n3A_966 {strides = array<i32>} : memref<4x128xf32, #tpu.memory_space<vmem>>, vector<16xf32>,
      %get3A_971 = arith.constant 3 : i32
      %get3A_972 = arith.index_cast %get3A_971 : i32 to index
      %get3A_973 = arith.constant 48 : index
      %get3A_974 = tpu.vector_load %arg15[%get3A_972, %get3A_973] {strides = array<i32>} : memref<4x128xi32, #tpu.memory_space<vmem>>, vector<16xi32>,
      %get3A_975 = arith.constant 432 : index
      %get3A_976 = tpu.vector_load %arg17[%get3A_975] {strides = array<i32>} : memref<512xf32, #tpu.memory_space<vmem>>, vector<16xf32>,
      %get3A_977 = arith.constant 3 : i32
      %get3A_978 = arith.index_cast %get3A_977 : i32 to index
      %get3A_979 = arith.constant 48 : index
      %get3A_980 = tpu.vector_load %arg18[%get3A_978, %get3A_979] {strides = array<i32>} : memref<4x128xf32, #tpu.memory_space<vmem>>, vector<16xf32>,
      %mul3A_981 = arith.mulf %get3A_976, %get3A_980 : vector<16xf32>
      %swap3A_982 = arith.constant 3 : i32
      %swap3A_983 = arith.index_cast %swap3A_982 : i32 to index
      %swap3A_984 = arith.constant 48 : index
      %swap3A_985 = tpu.vector_load %arg20[%swap3A_983, %swap3A_984] {strides = array<i32>} : memref<4x128xf32, #tpu.memory_space<vmem>>, vector<16xf32>,
      tpu.vector_store %arg20[%swap3A_983, %swap3A_984], %mul3A_981 {strides = array<i32>} : memref<4x128xf32, #tpu.memory_space<vmem>>, vector<16xf32>,
      %get3A_986 = arith.constant 3 : i32
      %get3A_987 = arith.index_cast %get3A_986 : i32 to index
      %get3A_988 = arith.constant 48 : index
      %get3A_989 = tpu.vector_load %arg19[%get3A_987, %get3A_988] {strides = array<i32>} : memref<4x128xf32, #tpu.memory_space<vmem>>, vector<16xf32>,
      %mul3A_990 = arith.mulf %get3A_976, %get3A_989 : vector<16xf32>
      %swap3A_991 = arith.constant 3 : i32
      %swap3A_992 = arith.index_cast %swap3A_991 : i32 to index
      %swap3A_993 = arith.constant 48 : index
      %swap3A_994 = tpu.vector_load %arg21[%swap3A_992, %swap3A_993] {strides = array<i32>} : memref<4x128xf32, #tpu.memory_space<vmem>>, vector<16xf32>,
      tpu.vector_store %arg21[%swap3A_992, %swap3A_993], %mul3A_990 {strides = array<i32>} : memref<4x128xf32, #tpu.memory_space<vmem>>, vector<16xf32>,
      %lt3A_995 = arith.constant 80000 : i32
      %lt3A_996 = vector.broadcast %lt3A_995 : i32 to vector<16xi32>
      %lt3A_997 = arith.cmpi slt, %get3A_974, %lt3A_996 : vector<16xi32>
      %broadcast_in_dim3A_998 = arith.constant 0.000000e+00 : f32
      %broadcast_in_dim3A_999 = vector.broadcast %broadcast_in_dim3A_998 : f32 to vector<16xf32>
      %select_n3A_1000 = arith.select %lt3A_997, %get3A_976, %broadcast_in_dim3A_999 : vector<16xi1>, vector<16xf32>
      %swap3A_1001 = arith.constant 3 : i32
      %swap3A_1002 = arith.index_cast %swap3A_1001 : i32 to index
      %swap3A_1003 = arith.constant 48 : index
      %swap3A_1004 = tpu.vector_load %arg22[%swap3A_1002, %swap3A_1003] {strides = array<i32>} : memref<4x128xf32, #tpu.memory_space<vmem>>, vector<16xf32>,
      tpu.vector_store %arg22[%swap3A_1002, %swap3A_1003], %select_n3A_1000 {strides = array<i32>} : memref<4x128xf32, #tpu.memory_space<vmem>>, vector<16xf32>,
      %get3A_1005 = arith.constant 3 : i32
      %get3A_1006 = arith.index_cast %get3A_1005 : i32 to index
      %get3A_1007 = arith.constant 64 : index
      %get3A_1008 = tpu.vector_load %arg15[%get3A_1006, %get3A_1007] {strides = array<i32>} : memref<4x128xi32, #tpu.memory_space<vmem>>, vector<16xi32>,
      %get3A_1009 = arith.constant 448 : index
      %get3A_1010 = tpu.vector_load %arg17[%get3A_1009] {strides = array<i32>} : memref<512xf32, #tpu.memory_space<vmem>>, vector<16xf32>,
      %get3A_1011 = arith.constant 3 : i32
      %get3A_1012 = arith.index_cast %get3A_1011 : i32 to index
      %get3A_1013 = arith.constant 64 : index
      %get3A_1014 = tpu.vector_load %arg18[%get3A_1012, %get3A_1013] {strides = array<i32>} : memref<4x128xf32, #tpu.memory_space<vmem>>, vector<16xf32>,
      %mul3A_1015 = arith.mulf %get3A_1010, %get3A_1014 : vector<16xf32>
      %swap3A_1016 = arith.constant 3 : i32
      %swap3A_1017 = arith.index_cast %swap3A_1016 : i32 to index
      %swap3A_1018 = arith.constant 64 : index
      %swap3A_1019 = tpu.vector_load %arg20[%swap3A_1017, %swap3A_1018] {strides = array<i32>} : memref<4x128xf32, #tpu.memory_space<vmem>>, vector<16xf32>,
      tpu.vector_store %arg20[%swap3A_1017, %swap3A_1018], %mul3A_1015 {strides = array<i32>} : memref<4x128xf32, #tpu.memory_space<vmem>>, vector<16xf32>,
      %get3A_1020 = arith.constant 3 : i32
      %get3A_1021 = arith.index_cast %get3A_1020 : i32 to index
      %get3A_1022 = arith.constant 64 : index
      %get3A_1023 = tpu.vector_load %arg19[%get3A_1021, %get3A_1022] {strides = array<i32>} : memref<4x128xf32, #tpu.memory_space<vmem>>, vector<16xf32>,
      %mul3A_1024 = arith.mulf %get3A_1010, %get3A_1023 : vector<16xf32>
      %swap3A_1025 = arith.constant 3 : i32
      %swap3A_1026 = arith.index_cast %swap3A_1025 : i32 to index
      %swap3A_1027 = arith.constant 64 : index
      %swap3A_1028 = tpu.vector_load %arg21[%swap3A_1026, %swap3A_1027] {strides = array<i32>} : memref<4x128xf32, #tpu.memory_space<vmem>>, vector<16xf32>,
      tpu.vector_store %arg21[%swap3A_1026, %swap3A_1027], %mul3A_1024 {strides = array<i32>} : memref<4x128xf32, #tpu.memory_space<vmem>>, vector<16xf32>,
      %lt3A_1029 = arith.constant 80000 : i32
      %lt3A_1030 = vector.broadcast %lt3A_1029 : i32 to vector<16xi32>
      %lt3A_1031 = arith.cmpi slt, %get3A_1008, %lt3A_1030 : vector<16xi32>
      %broadcast_in_dim3A_1032 = arith.constant 0.000000e+00 : f32
      %broadcast_in_dim3A_1033 = vector.broadcast %broadcast_in_dim3A_1032 : f32 to vector<16xf32>
      %select_n3A_1034 = arith.select %lt3A_1031, %get3A_1010, %broadcast_in_dim3A_1033 : vector<16xi1>, vector<16xf32>
      %swap3A_1035 = arith.constant 3 : i32
      %swap3A_1036 = arith.index_cast %swap3A_1035 : i32 to index
      %swap3A_1037 = arith.constant 64 : index
      %swap3A_1038 = tpu.vector_load %arg22[%swap3A_1036, %swap3A_1037] {strides = array<i32>} : memref<4x128xf32, #tpu.memory_space<vmem>>, vector<16xf32>,
      tpu.vector_store %arg22[%swap3A_1036, %swap3A_1037], %select_n3A_1034 {strides = array<i32>} : memref<4x128xf32, #tpu.memory_space<vmem>>, vector<16xf32>,
      %get3A_1039 = arith.constant 3 : i32
      %get3A_1040 = arith.index_cast %get3A_1039 : i32 to index
      %get3A_1041 = arith.constant 80 : index
      %get3A_1042 = tpu.vector_load %arg15[%get3A_1040, %get3A_1041] {strides = array<i32>} : memref<4x128xi32, #tpu.memory_space<vmem>>, vector<16xi32>,
      %get3A_1043 = arith.constant 464 : index
      %get3A_1044 = tpu.vector_load %arg17[%get3A_1043] {strides = array<i32>} : memref<512xf32, #tpu.memory_space<vmem>>, vector<16xf32>,
      %get3A_1045 = arith.constant 3 : i32
      %get3A_1046 = arith.index_cast %get3A_1045 : i32 to index
      %get3A_1047 = arith.constant 80 : index
      %get3A_1048 = tpu.vector_load %arg18[%get3A_1046, %get3A_1047] {strides = array<i32>} : memref<4x128xf32, #tpu.memory_space<vmem>>, vector<16xf32>,
      %mul3A_1049 = arith.mulf %get3A_1044, %get3A_1048 : vector<16xf32>
      %swap3A_1050 = arith.constant 3 : i32
      %swap3A_1051 = arith.index_cast %swap3A_1050 : i32 to index
      %swap3A_1052 = arith.constant 80 : index
      %swap3A_1053 = tpu.vector_load %arg20[%swap3A_1051, %swap3A_1052] {strides = array<i32>} : memref<4x128xf32, #tpu.memory_space<vmem>>, vector<16xf32>,
      tpu.vector_store %arg20[%swap3A_1051, %swap3A_1052], %mul3A_1049 {strides = array<i32>} : memref<4x128xf32, #tpu.memory_space<vmem>>, vector<16xf32>,
      %get3A_1054 = arith.constant 3 : i32
      %get3A_1055 = arith.index_cast %get3A_1054 : i32 to index
      %get3A_1056 = arith.constant 80 : index
      %get3A_1057 = tpu.vector_load %arg19[%get3A_1055, %get3A_1056] {strides = array<i32>} : memref<4x128xf32, #tpu.memory_space<vmem>>, vector<16xf32>,
      %mul3A_1058 = arith.mulf %get3A_1044, %get3A_1057 : vector<16xf32>
      %swap3A_1059 = arith.constant 3 : i32
      %swap3A_1060 = arith.index_cast %swap3A_1059 : i32 to index
      %swap3A_1061 = arith.constant 80 : index
      %swap3A_1062 = tpu.vector_load %arg21[%swap3A_1060, %swap3A_1061] {strides = array<i32>} : memref<4x128xf32, #tpu.memory_space<vmem>>, vector<16xf32>,
      tpu.vector_store %arg21[%swap3A_1060, %swap3A_1061], %mul3A_1058 {strides = array<i32>} : memref<4x128xf32, #tpu.memory_space<vmem>>, vector<16xf32>,
      %lt3A_1063 = arith.constant 80000 : i32
      %lt3A_1064 = vector.broadcast %lt3A_1063 : i32 to vector<16xi32>
      %lt3A_1065 = arith.cmpi slt, %get3A_1042, %lt3A_1064 : vector<16xi32>
      %broadcast_in_dim3A_1066 = arith.constant 0.000000e+00 : f32
      %broadcast_in_dim3A_1067 = vector.broadcast %broadcast_in_dim3A_1066 : f32 to vector<16xf32>
      %select_n3A_1068 = arith.select %lt3A_1065, %get3A_1044, %broadcast_in_dim3A_1067 : vector<16xi1>, vector<16xf32>
      %swap3A_1069 = arith.constant 3 : i32
      %swap3A_1070 = arith.index_cast %swap3A_1069 : i32 to index
      %swap3A_1071 = arith.constant 80 : index
      %swap3A_1072 = tpu.vector_load %arg22[%swap3A_1070, %swap3A_1071] {strides = array<i32>} : memref<4x128xf32, #tpu.memory_space<vmem>>, vector<16xf32>,
      tpu.vector_store %arg22[%swap3A_1070, %swap3A_1071], %select_n3A_1068 {strides = array<i32>} : memref<4x128xf32, #tpu.memory_space<vmem>>, vector<16xf32>,
      %get3A_1073 = arith.constant 3 : i32
      %get3A_1074 = arith.index_cast %get3A_1073 : i32 to index
      %get3A_1075 = arith.constant 96 : index
      %get3A_1076 = tpu.vector_load %arg15[%get3A_1074, %get3A_1075] {strides = array<i32>} : memref<4x128xi32, #tpu.memory_space<vmem>>, vector<16xi32>,
      %get3A_1077 = arith.constant 480 : index
      %get3A_1078 = tpu.vector_load %arg17[%get3A_1077] {strides = array<i32>} : memref<512xf32, #tpu.memory_space<vmem>>, vector<16xf32>,
      %get3A_1079 = arith.constant 3 : i32
      %get3A_1080 = arith.index_cast %get3A_1079 : i32 to index
      %get3A_1081 = arith.constant 96 : index
      %get3A_1082 = tpu.vector_load %arg18[%get3A_1080, %get3A_1081] {strides = array<i32>} : memref<4x128xf32, #tpu.memory_space<vmem>>, vector<16xf32>,
      %mul3A_1083 = arith.mulf %get3A_1078, %get3A_1082 : vector<16xf32>
      %swap3A_1084 = arith.constant 3 : i32
      %swap3A_1085 = arith.index_cast %swap3A_1084 : i32 to index
      %swap3A_1086 = arith.constant 96 : index
      %swap3A_1087 = tpu.vector_load %arg20[%swap3A_1085, %swap3A_1086] {strides = array<i32>} : memref<4x128xf32, #tpu.memory_space<vmem>>, vector<16xf32>,
      tpu.vector_store %arg20[%swap3A_1085, %swap3A_1086], %mul3A_1083 {strides = array<i32>} : memref<4x128xf32, #tpu.memory_space<vmem>>, vector<16xf32>,
      %get3A_1088 = arith.constant 3 : i32
      %get3A_1089 = arith.index_cast %get3A_1088 : i32 to index
      %get3A_1090 = arith.constant 96 : index
      %get3A_1091 = tpu.vector_load %arg19[%get3A_1089, %get3A_1090] {strides = array<i32>} : memref<4x128xf32, #tpu.memory_space<vmem>>, vector<16xf32>,
      %mul3A_1092 = arith.mulf %get3A_1078, %get3A_1091 : vector<16xf32>
      %swap3A_1093 = arith.constant 3 : i32
      %swap3A_1094 = arith.index_cast %swap3A_1093 : i32 to index
      %swap3A_1095 = arith.constant 96 : index
      %swap3A_1096 = tpu.vector_load %arg21[%swap3A_1094, %swap3A_1095] {strides = array<i32>} : memref<4x128xf32, #tpu.memory_space<vmem>>, vector<16xf32>,
      tpu.vector_store %arg21[%swap3A_1094, %swap3A_1095], %mul3A_1092 {strides = array<i32>} : memref<4x128xf32, #tpu.memory_space<vmem>>, vector<16xf32>,
      %lt3A_1097 = arith.constant 80000 : i32
      %lt3A_1098 = vector.broadcast %lt3A_1097 : i32 to vector<16xi32>
      %lt3A_1099 = arith.cmpi slt, %get3A_1076, %lt3A_1098 : vector<16xi32>
      %broadcast_in_dim3A_1100 = arith.constant 0.000000e+00 : f32
      %broadcast_in_dim3A_1101 = vector.broadcast %broadcast_in_dim3A_1100 : f32 to vector<16xf32>
      %select_n3A_1102 = arith.select %lt3A_1099, %get3A_1078, %broadcast_in_dim3A_1101 : vector<16xi1>, vector<16xf32>
      %swap3A_1103 = arith.constant 3 : i32
      %swap3A_1104 = arith.index_cast %swap3A_1103 : i32 to index
      %swap3A_1105 = arith.constant 96 : index
      %swap3A_1106 = tpu.vector_load %arg22[%swap3A_1104, %swap3A_1105] {strides = array<i32>} : memref<4x128xf32, #tpu.memory_space<vmem>>, vector<16xf32>,
      tpu.vector_store %arg22[%swap3A_1104, %swap3A_1105], %select_n3A_1102 {strides = array<i32>} : memref<4x128xf32, #tpu.memory_space<vmem>>, vector<16xf32>,
      %get3A_1107 = arith.constant 3 : i32
      %get3A_1108 = arith.index_cast %get3A_1107 : i32 to index
      %get3A_1109 = arith.constant 112 : index
      %get3A_1110 = tpu.vector_load %arg15[%get3A_1108, %get3A_1109] {strides = array<i32>} : memref<4x128xi32, #tpu.memory_space<vmem>>, vector<16xi32>,
      %get3A_1111 = arith.constant 496 : index
      %get3A_1112 = tpu.vector_load %arg17[%get3A_1111] {strides = array<i32>} : memref<512xf32, #tpu.memory_space<vmem>>, vector<16xf32>,
      %get3A_1113 = arith.constant 3 : i32
      %get3A_1114 = arith.index_cast %get3A_1113 : i32 to index
      %get3A_1115 = arith.constant 112 : index
      %get3A_1116 = tpu.vector_load %arg18[%get3A_1114, %get3A_1115] {strides = array<i32>} : memref<4x128xf32, #tpu.memory_space<vmem>>, vector<16xf32>,
      %mul3A_1117 = arith.mulf %get3A_1112, %get3A_1116 : vector<16xf32>
      %swap3A_1118 = arith.constant 3 : i32
      %swap3A_1119 = arith.index_cast %swap3A_1118 : i32 to index
      %swap3A_1120 = arith.constant 112 : index
      %swap3A_1121 = tpu.vector_load %arg20[%swap3A_1119, %swap3A_1120] {strides = array<i32>} : memref<4x128xf32, #tpu.memory_space<vmem>>, vector<16xf32>,
      tpu.vector_store %arg20[%swap3A_1119, %swap3A_1120], %mul3A_1117 {strides = array<i32>} : memref<4x128xf32, #tpu.memory_space<vmem>>, vector<16xf32>,
      %get3A_1122 = arith.constant 3 : i32
      %get3A_1123 = arith.index_cast %get3A_1122 : i32 to index
      %get3A_1124 = arith.constant 112 : index
      %get3A_1125 = tpu.vector_load %arg19[%get3A_1123, %get3A_1124] {strides = array<i32>} : memref<4x128xf32, #tpu.memory_space<vmem>>, vector<16xf32>,
      %mul3A_1126 = arith.mulf %get3A_1112, %get3A_1125 : vector<16xf32>
      %swap3A_1127 = arith.constant 3 : i32
      %swap3A_1128 = arith.index_cast %swap3A_1127 : i32 to index
      %swap3A_1129 = arith.constant 112 : index
      %swap3A_1130 = tpu.vector_load %arg21[%swap3A_1128, %swap3A_1129] {strides = array<i32>} : memref<4x128xf32, #tpu.memory_space<vmem>>, vector<16xf32>,
      tpu.vector_store %arg21[%swap3A_1128, %swap3A_1129], %mul3A_1126 {strides = array<i32>} : memref<4x128xf32, #tpu.memory_space<vmem>>, vector<16xf32>,
      %lt3A_1131 = arith.constant 80000 : i32
      %lt3A_1132 = vector.broadcast %lt3A_1131 : i32 to vector<16xi32>
      %lt3A_1133 = arith.cmpi slt, %get3A_1110, %lt3A_1132 : vector<16xi32>
      %broadcast_in_dim3A_1134 = arith.constant 0.000000e+00 : f32
      %broadcast_in_dim3A_1135 = vector.broadcast %broadcast_in_dim3A_1134 : f32 to vector<16xf32>
      %select_n3A_1136 = arith.select %lt3A_1133, %get3A_1112, %broadcast_in_dim3A_1135 : vector<16xi1>, vector<16xf32>
      %swap3A_1137 = arith.constant 3 : i32
      %swap3A_1138 = arith.index_cast %swap3A_1137 : i32 to index
      %swap3A_1139 = arith.constant 112 : index
      %swap3A_1140 = tpu.vector_load %arg22[%swap3A_1138, %swap3A_1139] {strides = array<i32>} : memref<4x128xf32, #tpu.memory_space<vmem>>, vector<16xf32>,
      tpu.vector_store %arg22[%swap3A_1138, %swap3A_1139], %select_n3A_1136 {strides = array<i32>} : memref<4x128xf32, #tpu.memory_space<vmem>>, vector<16xf32>,
      %run_scoped3A_1141 = arith.constant 0 : i32
      %run_scoped3A_1142 = arith.constant 0 : i32
      "tpu.region"() ({
        %run_scoped3A_1165 = tpu.sem_alloc : memref<!tpu.dma_semaphore, #tpu.memory_space<semaphore_mem>>
        %dma_start3A = arith.constant 0 : i32
        %dma_start3A_1166 = tpu.memref_slice %arg20[%run_scoped3A_1141, %dma_start3A] : memref<4x128xf32, #tpu.memory_space<vmem>> -> memref<1x128xf32, #tpu.memory_space<vmem>>
        %dma_start3A_1167 = tpu.memref_squeeze %dma_start3A_1166 : memref<1x128xf32, #tpu.memory_space<vmem>> -> memref<128xf32, #tpu.memory_space<vmem>>
        %dma_start3A_1168 = arith.constant 0 : i32
        %dma_start3A_1169 = tpu.memref_slice %arg16[%run_scoped3A_1142, %dma_start3A_1168] : memref<4x128xi32, #tpu.memory_space<vmem>> -> memref<1x128xi32, #tpu.memory_space<vmem>>
        %dma_start3A_1170 = tpu.memref_squeeze %dma_start3A_1169 : memref<1x128xi32, #tpu.memory_space<vmem>> -> memref<128xi32, #tpu.memory_space<vmem>>
        %dma_start3A_1171 = arith.constant 0 : i32
        %dma_start3A_1172 = tpu.memref_slice %arg11[%dma_start3A_1171] : memref<100096xf32, #tpu.memory_space<vmem_shared>> -> memref<100096xf32, #tpu.memory_space<vmem_shared>>
        tpu.enqueue_indirect_dma source(%dma_start3A_1167 : memref<128xf32, #tpu.memory_space<vmem>>) target(%dma_start3A_1172 : memref<100096xf32, #tpu.memory_space<vmem_shared>>) offsets(%dma_start3A_1170 : memref<128xi32, #tpu.memory_space<vmem>>) semaphore(%run_scoped3A_1165 : memref<!tpu.dma_semaphore, #tpu.memory_space<semaphore_mem>>) {add = true}
        %dma_wait3A = arith.constant 0 : i32
        %dma_wait3A_1173 = tpu.memref_slice %arg20[%run_scoped3A_1141, %dma_wait3A] : memref<4x128xf32, #tpu.memory_space<vmem>> -> memref<1x128xf32, #tpu.memory_space<vmem>>
        %dma_wait3A_1174 = tpu.memref_squeeze %dma_wait3A_1173 : memref<1x128xf32, #tpu.memory_space<vmem>> -> memref<128xf32, #tpu.memory_space<vmem>>
        %dma_wait3A_1175 = arith.constant 0 : i32
        %dma_wait3A_1176 = tpu.memref_slice %arg16[%run_scoped3A_1142, %dma_wait3A_1175] : memref<4x128xi32, #tpu.memory_space<vmem>> -> memref<1x128xi32, #tpu.memory_space<vmem>>
        %dma_wait3A_1177 = tpu.memref_squeeze %dma_wait3A_1176 : memref<1x128xi32, #tpu.memory_space<vmem>> -> memref<128xi32, #tpu.memory_space<vmem>>
        %dma_wait3A_1178 = arith.constant 0 : i32
        %dma_wait3A_1179 = tpu.memref_slice %arg11[%dma_wait3A_1178] : memref<100096xf32, #tpu.memory_space<vmem_shared>> -> memref<100096xf32, #tpu.memory_space<vmem_shared>>
        tpu.wait_indirect_dma semaphore(%run_scoped3A_1165 : memref<!tpu.dma_semaphore, #tpu.memory_space<semaphore_mem>>) src(%dma_wait3A_1174 : memref<128xf32, #tpu.memory_space<vmem>>) dst(%dma_wait3A_1179 : memref<100096xf32, #tpu.memory_space<vmem_shared>>)
        tpu.yield
      }) : () -> ()
      %run_scoped3A_1143 = arith.constant 0 : i32
      %run_scoped3A_1144 = arith.constant 0 : i32
      "tpu.region"() ({
        %run_scoped3A_1165 = tpu.sem_alloc : memref<!tpu.dma_semaphore, #tpu.memory_space<semaphore_mem>>
        %dma_start3A = arith.constant 0 : i32
        %dma_start3A_1166 = tpu.memref_slice %arg21[%run_scoped3A_1143, %dma_start3A] : memref<4x128xf32, #tpu.memory_space<vmem>> -> memref<1x128xf32, #tpu.memory_space<vmem>>
        %dma_start3A_1167 = tpu.memref_squeeze %dma_start3A_1166 : memref<1x128xf32, #tpu.memory_space<vmem>> -> memref<128xf32, #tpu.memory_space<vmem>>
        %dma_start3A_1168 = arith.constant 0 : i32
        %dma_start3A_1169 = tpu.memref_slice %arg16[%run_scoped3A_1144, %dma_start3A_1168] : memref<4x128xi32, #tpu.memory_space<vmem>> -> memref<1x128xi32, #tpu.memory_space<vmem>>
        %dma_start3A_1170 = tpu.memref_squeeze %dma_start3A_1169 : memref<1x128xi32, #tpu.memory_space<vmem>> -> memref<128xi32, #tpu.memory_space<vmem>>
        %dma_start3A_1171 = arith.constant 0 : i32
        %dma_start3A_1172 = tpu.memref_slice %arg12[%dma_start3A_1171] : memref<100096xf32, #tpu.memory_space<vmem_shared>> -> memref<100096xf32, #tpu.memory_space<vmem_shared>>
        tpu.enqueue_indirect_dma source(%dma_start3A_1167 : memref<128xf32, #tpu.memory_space<vmem>>) target(%dma_start3A_1172 : memref<100096xf32, #tpu.memory_space<vmem_shared>>) offsets(%dma_start3A_1170 : memref<128xi32, #tpu.memory_space<vmem>>) semaphore(%run_scoped3A_1165 : memref<!tpu.dma_semaphore, #tpu.memory_space<semaphore_mem>>) {add = true}
        %dma_wait3A = arith.constant 0 : i32
        %dma_wait3A_1173 = tpu.memref_slice %arg21[%run_scoped3A_1143, %dma_wait3A] : memref<4x128xf32, #tpu.memory_space<vmem>> -> memref<1x128xf32, #tpu.memory_space<vmem>>
        %dma_wait3A_1174 = tpu.memref_squeeze %dma_wait3A_1173 : memref<1x128xf32, #tpu.memory_space<vmem>> -> memref<128xf32, #tpu.memory_space<vmem>>
        %dma_wait3A_1175 = arith.constant 0 : i32
        %dma_wait3A_1176 = tpu.memref_slice %arg16[%run_scoped3A_1144, %dma_wait3A_1175] : memref<4x128xi32, #tpu.memory_space<vmem>> -> memref<1x128xi32, #tpu.memory_space<vmem>>
        %dma_wait3A_1177 = tpu.memref_squeeze %dma_wait3A_1176 : memref<1x128xi32, #tpu.memory_space<vmem>> -> memref<128xi32, #tpu.memory_space<vmem>>
        %dma_wait3A_1178 = arith.constant 0 : i32
        %dma_wait3A_1179 = tpu.memref_slice %arg12[%dma_wait3A_1178] : memref<100096xf32, #tpu.memory_space<vmem_shared>> -> memref<100096xf32, #tpu.memory_space<vmem_shared>>
        tpu.wait_indirect_dma semaphore(%run_scoped3A_1165 : memref<!tpu.dma_semaphore, #tpu.memory_space<semaphore_mem>>) src(%dma_wait3A_1174 : memref<128xf32, #tpu.memory_space<vmem>>) dst(%dma_wait3A_1179 : memref<100096xf32, #tpu.memory_space<vmem_shared>>)
        tpu.yield
      }) : () -> ()
      %run_scoped3A_1145 = arith.constant 0 : i32
      %run_scoped3A_1146 = arith.constant 0 : i32
      "tpu.region"() ({
        %run_scoped3A_1165 = tpu.sem_alloc : memref<!tpu.dma_semaphore, #tpu.memory_space<semaphore_mem>>
        %dma_start3A = arith.constant 0 : i32
        %dma_start3A_1166 = tpu.memref_slice %arg22[%run_scoped3A_1145, %dma_start3A] : memref<4x128xf32, #tpu.memory_space<vmem>> -> memref<1x128xf32, #tpu.memory_space<vmem>>
        %dma_start3A_1167 = tpu.memref_squeeze %dma_start3A_1166 : memref<1x128xf32, #tpu.memory_space<vmem>> -> memref<128xf32, #tpu.memory_space<vmem>>
        %dma_start3A_1168 = arith.constant 0 : i32
        %dma_start3A_1169 = tpu.memref_slice %arg16[%run_scoped3A_1146, %dma_start3A_1168] : memref<4x128xi32, #tpu.memory_space<vmem>> -> memref<1x128xi32, #tpu.memory_space<vmem>>
        %dma_start3A_1170 = tpu.memref_squeeze %dma_start3A_1169 : memref<1x128xi32, #tpu.memory_space<vmem>> -> memref<128xi32, #tpu.memory_space<vmem>>
        %dma_start3A_1171 = arith.constant 0 : i32
        %dma_start3A_1172 = tpu.memref_slice %arg13[%dma_start3A_1171] : memref<100096xf32, #tpu.memory_space<vmem_shared>> -> memref<100096xf32, #tpu.memory_space<vmem_shared>>
        tpu.enqueue_indirect_dma source(%dma_start3A_1167 : memref<128xf32, #tpu.memory_space<vmem>>) target(%dma_start3A_1172 : memref<100096xf32, #tpu.memory_space<vmem_shared>>) offsets(%dma_start3A_1170 : memref<128xi32, #tpu.memory_space<vmem>>) semaphore(%run_scoped3A_1165 : memref<!tpu.dma_semaphore, #tpu.memory_space<semaphore_mem>>) {add = true}
        %dma_wait3A = arith.constant 0 : i32
        %dma_wait3A_1173 = tpu.memref_slice %arg22[%run_scoped3A_1145, %dma_wait3A] : memref<4x128xf32, #tpu.memory_space<vmem>> -> memref<1x128xf32, #tpu.memory_space<vmem>>
        %dma_wait3A_1174 = tpu.memref_squeeze %dma_wait3A_1173 : memref<1x128xf32, #tpu.memory_space<vmem>> -> memref<128xf32, #tpu.memory_space<vmem>>
        %dma_wait3A_1175 = arith.constant 0 : i32
        %dma_wait3A_1176 = tpu.memref_slice %arg16[%run_scoped3A_1146, %dma_wait3A_1175] : memref<4x128xi32, #tpu.memory_space<vmem>> -> memref<1x128xi32, #tpu.memory_space<vmem>>
        %dma_wait3A_1177 = tpu.memref_squeeze %dma_wait3A_1176 : memref<1x128xi32, #tpu.memory_space<vmem>> -> memref<128xi32, #tpu.memory_space<vmem>>
        %dma_wait3A_1178 = arith.constant 0 : i32
        %dma_wait3A_1179 = tpu.memref_slice %arg13[%dma_wait3A_1178] : memref<100096xf32, #tpu.memory_space<vmem_shared>> -> memref<100096xf32, #tpu.memory_space<vmem_shared>>
        tpu.wait_indirect_dma semaphore(%run_scoped3A_1165 : memref<!tpu.dma_semaphore, #tpu.memory_space<semaphore_mem>>) src(%dma_wait3A_1174 : memref<128xf32, #tpu.memory_space<vmem>>) dst(%dma_wait3A_1179 : memref<100096xf32, #tpu.memory_space<vmem_shared>>)
        tpu.yield
      }) : () -> ()
      %run_scoped3A_1147 = arith.constant 1 : i32
      %run_scoped3A_1148 = arith.constant 1 : i32
      "tpu.region"() ({
        %run_scoped3A_1165 = tpu.sem_alloc : memref<!tpu.dma_semaphore, #tpu.memory_space<semaphore_mem>>
        %dma_start3A = arith.constant 0 : i32
        %dma_start3A_1166 = tpu.memref_slice %arg20[%run_scoped3A_1147, %dma_start3A] : memref<4x128xf32, #tpu.memory_space<vmem>> -> memref<1x128xf32, #tpu.memory_space<vmem>>
        %dma_start3A_1167 = tpu.memref_squeeze %dma_start3A_1166 : memref<1x128xf32, #tpu.memory_space<vmem>> -> memref<128xf32, #tpu.memory_space<vmem>>
        %dma_start3A_1168 = arith.constant 0 : i32
        %dma_start3A_1169 = tpu.memref_slice %arg16[%run_scoped3A_1148, %dma_start3A_1168] : memref<4x128xi32, #tpu.memory_space<vmem>> -> memref<1x128xi32, #tpu.memory_space<vmem>>
        %dma_start3A_1170 = tpu.memref_squeeze %dma_start3A_1169 : memref<1x128xi32, #tpu.memory_space<vmem>> -> memref<128xi32, #tpu.memory_space<vmem>>
        %dma_start3A_1171 = arith.constant 0 : i32
        %dma_start3A_1172 = tpu.memref_slice %arg11[%dma_start3A_1171] : memref<100096xf32, #tpu.memory_space<vmem_shared>> -> memref<100096xf32, #tpu.memory_space<vmem_shared>>
        tpu.enqueue_indirect_dma source(%dma_start3A_1167 : memref<128xf32, #tpu.memory_space<vmem>>) target(%dma_start3A_1172 : memref<100096xf32, #tpu.memory_space<vmem_shared>>) offsets(%dma_start3A_1170 : memref<128xi32, #tpu.memory_space<vmem>>) semaphore(%run_scoped3A_1165 : memref<!tpu.dma_semaphore, #tpu.memory_space<semaphore_mem>>) {add = true}
        %dma_wait3A = arith.constant 0 : i32
        %dma_wait3A_1173 = tpu.memref_slice %arg20[%run_scoped3A_1147, %dma_wait3A] : memref<4x128xf32, #tpu.memory_space<vmem>> -> memref<1x128xf32, #tpu.memory_space<vmem>>
        %dma_wait3A_1174 = tpu.memref_squeeze %dma_wait3A_1173 : memref<1x128xf32, #tpu.memory_space<vmem>> -> memref<128xf32, #tpu.memory_space<vmem>>
        %dma_wait3A_1175 = arith.constant 0 : i32
        %dma_wait3A_1176 = tpu.memref_slice %arg16[%run_scoped3A_1148, %dma_wait3A_1175] : memref<4x128xi32, #tpu.memory_space<vmem>> -> memref<1x128xi32, #tpu.memory_space<vmem>>
        %dma_wait3A_1177 = tpu.memref_squeeze %dma_wait3A_1176 : memref<1x128xi32, #tpu.memory_space<vmem>> -> memref<128xi32, #tpu.memory_space<vmem>>
        %dma_wait3A_1178 = arith.constant 0 : i32
        %dma_wait3A_1179 = tpu.memref_slice %arg11[%dma_wait3A_1178] : memref<100096xf32, #tpu.memory_space<vmem_shared>> -> memref<100096xf32, #tpu.memory_space<vmem_shared>>
        tpu.wait_indirect_dma semaphore(%run_scoped3A_1165 : memref<!tpu.dma_semaphore, #tpu.memory_space<semaphore_mem>>) src(%dma_wait3A_1174 : memref<128xf32, #tpu.memory_space<vmem>>) dst(%dma_wait3A_1179 : memref<100096xf32, #tpu.memory_space<vmem_shared>>)
        tpu.yield
      }) : () -> ()
      %run_scoped3A_1149 = arith.constant 1 : i32
      %run_scoped3A_1150 = arith.constant 1 : i32
      "tpu.region"() ({
        %run_scoped3A_1165 = tpu.sem_alloc : memref<!tpu.dma_semaphore, #tpu.memory_space<semaphore_mem>>
        %dma_start3A = arith.constant 0 : i32
        %dma_start3A_1166 = tpu.memref_slice %arg21[%run_scoped3A_1149, %dma_start3A] : memref<4x128xf32, #tpu.memory_space<vmem>> -> memref<1x128xf32, #tpu.memory_space<vmem>>
        %dma_start3A_1167 = tpu.memref_squeeze %dma_start3A_1166 : memref<1x128xf32, #tpu.memory_space<vmem>> -> memref<128xf32, #tpu.memory_space<vmem>>
        %dma_start3A_1168 = arith.constant 0 : i32
        %dma_start3A_1169 = tpu.memref_slice %arg16[%run_scoped3A_1150, %dma_start3A_1168] : memref<4x128xi32, #tpu.memory_space<vmem>> -> memref<1x128xi32, #tpu.memory_space<vmem>>
        %dma_start3A_1170 = tpu.memref_squeeze %dma_start3A_1169 : memref<1x128xi32, #tpu.memory_space<vmem>> -> memref<128xi32, #tpu.memory_space<vmem>>
        %dma_start3A_1171 = arith.constant 0 : i32
        %dma_start3A_1172 = tpu.memref_slice %arg12[%dma_start3A_1171] : memref<100096xf32, #tpu.memory_space<vmem_shared>> -> memref<100096xf32, #tpu.memory_space<vmem_shared>>
        tpu.enqueue_indirect_dma source(%dma_start3A_1167 : memref<128xf32, #tpu.memory_space<vmem>>) target(%dma_start3A_1172 : memref<100096xf32, #tpu.memory_space<vmem_shared>>) offsets(%dma_start3A_1170 : memref<128xi32, #tpu.memory_space<vmem>>) semaphore(%run_scoped3A_1165 : memref<!tpu.dma_semaphore, #tpu.memory_space<semaphore_mem>>) {add = true}
        %dma_wait3A = arith.constant 0 : i32
        %dma_wait3A_1173 = tpu.memref_slice %arg21[%run_scoped3A_1149, %dma_wait3A] : memref<4x128xf32, #tpu.memory_space<vmem>> -> memref<1x128xf32, #tpu.memory_space<vmem>>
        %dma_wait3A_1174 = tpu.memref_squeeze %dma_wait3A_1173 : memref<1x128xf32, #tpu.memory_space<vmem>> -> memref<128xf32, #tpu.memory_space<vmem>>
        %dma_wait3A_1175 = arith.constant 0 : i32
        %dma_wait3A_1176 = tpu.memref_slice %arg16[%run_scoped3A_1150, %dma_wait3A_1175] : memref<4x128xi32, #tpu.memory_space<vmem>> -> memref<1x128xi32, #tpu.memory_space<vmem>>
        %dma_wait3A_1177 = tpu.memref_squeeze %dma_wait3A_1176 : memref<1x128xi32, #tpu.memory_space<vmem>> -> memref<128xi32, #tpu.memory_space<vmem>>
        %dma_wait3A_1178 = arith.constant 0 : i32
        %dma_wait3A_1179 = tpu.memref_slice %arg12[%dma_wait3A_1178] : memref<100096xf32, #tpu.memory_space<vmem_shared>> -> memref<100096xf32, #tpu.memory_space<vmem_shared>>
        tpu.wait_indirect_dma semaphore(%run_scoped3A_1165 : memref<!tpu.dma_semaphore, #tpu.memory_space<semaphore_mem>>) src(%dma_wait3A_1174 : memref<128xf32, #tpu.memory_space<vmem>>) dst(%dma_wait3A_1179 : memref<100096xf32, #tpu.memory_space<vmem_shared>>)
        tpu.yield
      }) : () -> ()
      %run_scoped3A_1151 = arith.constant 1 : i32
      %run_scoped3A_1152 = arith.constant 1 : i32
      "tpu.region"() ({
        %run_scoped3A_1165 = tpu.sem_alloc : memref<!tpu.dma_semaphore, #tpu.memory_space<semaphore_mem>>
        %dma_start3A = arith.constant 0 : i32
        %dma_start3A_1166 = tpu.memref_slice %arg22[%run_scoped3A_1151, %dma_start3A] : memref<4x128xf32, #tpu.memory_space<vmem>> -> memref<1x128xf32, #tpu.memory_space<vmem>>
        %dma_start3A_1167 = tpu.memref_squeeze %dma_start3A_1166 : memref<1x128xf32, #tpu.memory_space<vmem>> -> memref<128xf32, #tpu.memory_space<vmem>>
        %dma_start3A_1168 = arith.constant 0 : i32
        %dma_start3A_1169 = tpu.memref_slice %arg16[%run_scoped3A_1152, %dma_start3A_1168] : memref<4x128xi32, #tpu.memory_space<vmem>> -> memref<1x128xi32, #tpu.memory_space<vmem>>
        %dma_start3A_1170 = tpu.memref_squeeze %dma_start3A_1169 : memref<1x128xi32, #tpu.memory_space<vmem>> -> memref<128xi32, #tpu.memory_space<vmem>>
        %dma_start3A_1171 = arith.constant 0 : i32
        %dma_start3A_1172 = tpu.memref_slice %arg13[%dma_start3A_1171] : memref<100096xf32, #tpu.memory_space<vmem_shared>> -> memref<100096xf32, #tpu.memory_space<vmem_shared>>
        tpu.enqueue_indirect_dma source(%dma_start3A_1167 : memref<128xf32, #tpu.memory_space<vmem>>) target(%dma_start3A_1172 : memref<100096xf32, #tpu.memory_space<vmem_shared>>) offsets(%dma_start3A_1170 : memref<128xi32, #tpu.memory_space<vmem>>) semaphore(%run_scoped3A_1165 : memref<!tpu.dma_semaphore, #tpu.memory_space<semaphore_mem>>) {add = true}
        %dma_wait3A = arith.constant 0 : i32
        %dma_wait3A_1173 = tpu.memref_slice %arg22[%run_scoped3A_1151, %dma_wait3A] : memref<4x128xf32, #tpu.memory_space<vmem>> -> memref<1x128xf32, #tpu.memory_space<vmem>>
        %dma_wait3A_1174 = tpu.memref_squeeze %dma_wait3A_1173 : memref<1x128xf32, #tpu.memory_space<vmem>> -> memref<128xf32, #tpu.memory_space<vmem>>
        %dma_wait3A_1175 = arith.constant 0 : i32
        %dma_wait3A_1176 = tpu.memref_slice %arg16[%run_scoped3A_1152, %dma_wait3A_1175] : memref<4x128xi32, #tpu.memory_space<vmem>> -> memref<1x128xi32, #tpu.memory_space<vmem>>
        %dma_wait3A_1177 = tpu.memref_squeeze %dma_wait3A_1176 : memref<1x128xi32, #tpu.memory_space<vmem>> -> memref<128xi32, #tpu.memory_space<vmem>>
        %dma_wait3A_1178 = arith.constant 0 : i32
        %dma_wait3A_1179 = tpu.memref_slice %arg13[%dma_wait3A_1178] : memref<100096xf32, #tpu.memory_space<vmem_shared>> -> memref<100096xf32, #tpu.memory_space<vmem_shared>>
        tpu.wait_indirect_dma semaphore(%run_scoped3A_1165 : memref<!tpu.dma_semaphore, #tpu.memory_space<semaphore_mem>>) src(%dma_wait3A_1174 : memref<128xf32, #tpu.memory_space<vmem>>) dst(%dma_wait3A_1179 : memref<100096xf32, #tpu.memory_space<vmem_shared>>)
        tpu.yield
      }) : () -> ()
      %run_scoped3A_1153 = arith.constant 2 : i32
      %run_scoped3A_1154 = arith.constant 2 : i32
      "tpu.region"() ({
        %run_scoped3A_1165 = tpu.sem_alloc : memref<!tpu.dma_semaphore, #tpu.memory_space<semaphore_mem>>
        %dma_start3A = arith.constant 0 : i32
        %dma_start3A_1166 = tpu.memref_slice %arg20[%run_scoped3A_1153, %dma_start3A] : memref<4x128xf32, #tpu.memory_space<vmem>> -> memref<1x128xf32, #tpu.memory_space<vmem>>
        %dma_start3A_1167 = tpu.memref_squeeze %dma_start3A_1166 : memref<1x128xf32, #tpu.memory_space<vmem>> -> memref<128xf32, #tpu.memory_space<vmem>>
        %dma_start3A_1168 = arith.constant 0 : i32
        %dma_start3A_1169 = tpu.memref_slice %arg16[%run_scoped3A_1154, %dma_start3A_1168] : memref<4x128xi32, #tpu.memory_space<vmem>> -> memref<1x128xi32, #tpu.memory_space<vmem>>
        %dma_start3A_1170 = tpu.memref_squeeze %dma_start3A_1169 : memref<1x128xi32, #tpu.memory_space<vmem>> -> memref<128xi32, #tpu.memory_space<vmem>>
        %dma_start3A_1171 = arith.constant 0 : i32
        %dma_start3A_1172 = tpu.memref_slice %arg11[%dma_start3A_1171] : memref<100096xf32, #tpu.memory_space<vmem_shared>> -> memref<100096xf32, #tpu.memory_space<vmem_shared>>
        tpu.enqueue_indirect_dma source(%dma_start3A_1167 : memref<128xf32, #tpu.memory_space<vmem>>) target(%dma_start3A_1172 : memref<100096xf32, #tpu.memory_space<vmem_shared>>) offsets(%dma_start3A_1170 : memref<128xi32, #tpu.memory_space<vmem>>) semaphore(%run_scoped3A_1165 : memref<!tpu.dma_semaphore, #tpu.memory_space<semaphore_mem>>) {add = true}
        %dma_wait3A = arith.constant 0 : i32
        %dma_wait3A_1173 = tpu.memref_slice %arg20[%run_scoped3A_1153, %dma_wait3A] : memref<4x128xf32, #tpu.memory_space<vmem>> -> memref<1x128xf32, #tpu.memory_space<vmem>>
        %dma_wait3A_1174 = tpu.memref_squeeze %dma_wait3A_1173 : memref<1x128xf32, #tpu.memory_space<vmem>> -> memref<128xf32, #tpu.memory_space<vmem>>
        %dma_wait3A_1175 = arith.constant 0 : i32
        %dma_wait3A_1176 = tpu.memref_slice %arg16[%run_scoped3A_1154, %dma_wait3A_1175] : memref<4x128xi32, #tpu.memory_space<vmem>> -> memref<1x128xi32, #tpu.memory_space<vmem>>
        %dma_wait3A_1177 = tpu.memref_squeeze %dma_wait3A_1176 : memref<1x128xi32, #tpu.memory_space<vmem>> -> memref<128xi32, #tpu.memory_space<vmem>>
        %dma_wait3A_1178 = arith.constant 0 : i32
        %dma_wait3A_1179 = tpu.memref_slice %arg11[%dma_wait3A_1178] : memref<100096xf32, #tpu.memory_space<vmem_shared>> -> memref<100096xf32, #tpu.memory_space<vmem_shared>>
        tpu.wait_indirect_dma semaphore(%run_scoped3A_1165 : memref<!tpu.dma_semaphore, #tpu.memory_space<semaphore_mem>>) src(%dma_wait3A_1174 : memref<128xf32, #tpu.memory_space<vmem>>) dst(%dma_wait3A_1179 : memref<100096xf32, #tpu.memory_space<vmem_shared>>)
        tpu.yield
      }) : () -> ()
      %run_scoped3A_1155 = arith.constant 2 : i32
      %run_scoped3A_1156 = arith.constant 2 : i32
      "tpu.region"() ({
        %run_scoped3A_1165 = tpu.sem_alloc : memref<!tpu.dma_semaphore, #tpu.memory_space<semaphore_mem>>
        %dma_start3A = arith.constant 0 : i32
        %dma_start3A_1166 = tpu.memref_slice %arg21[%run_scoped3A_1155, %dma_start3A] : memref<4x128xf32, #tpu.memory_space<vmem>> -> memref<1x128xf32, #tpu.memory_space<vmem>>
        %dma_start3A_1167 = tpu.memref_squeeze %dma_start3A_1166 : memref<1x128xf32, #tpu.memory_space<vmem>> -> memref<128xf32, #tpu.memory_space<vmem>>
        %dma_start3A_1168 = arith.constant 0 : i32
        %dma_start3A_1169 = tpu.memref_slice %arg16[%run_scoped3A_1156, %dma_start3A_1168] : memref<4x128xi32, #tpu.memory_space<vmem>> -> memref<1x128xi32, #tpu.memory_space<vmem>>
        %dma_start3A_1170 = tpu.memref_squeeze %dma_start3A_1169 : memref<1x128xi32, #tpu.memory_space<vmem>> -> memref<128xi32, #tpu.memory_space<vmem>>
        %dma_start3A_1171 = arith.constant 0 : i32
        %dma_start3A_1172 = tpu.memref_slice %arg12[%dma_start3A_1171] : memref<100096xf32, #tpu.memory_space<vmem_shared>> -> memref<100096xf32, #tpu.memory_space<vmem_shared>>
        tpu.enqueue_indirect_dma source(%dma_start3A_1167 : memref<128xf32, #tpu.memory_space<vmem>>) target(%dma_start3A_1172 : memref<100096xf32, #tpu.memory_space<vmem_shared>>) offsets(%dma_start3A_1170 : memref<128xi32, #tpu.memory_space<vmem>>) semaphore(%run_scoped3A_1165 : memref<!tpu.dma_semaphore, #tpu.memory_space<semaphore_mem>>) {add = true}
        %dma_wait3A = arith.constant 0 : i32
        %dma_wait3A_1173 = tpu.memref_slice %arg21[%run_scoped3A_1155, %dma_wait3A] : memref<4x128xf32, #tpu.memory_space<vmem>> -> memref<1x128xf32, #tpu.memory_space<vmem>>
        %dma_wait3A_1174 = tpu.memref_squeeze %dma_wait3A_1173 : memref<1x128xf32, #tpu.memory_space<vmem>> -> memref<128xf32, #tpu.memory_space<vmem>>
        %dma_wait3A_1175 = arith.constant 0 : i32
        %dma_wait3A_1176 = tpu.memref_slice %arg16[%run_scoped3A_1156, %dma_wait3A_1175] : memref<4x128xi32, #tpu.memory_space<vmem>> -> memref<1x128xi32, #tpu.memory_space<vmem>>
        %dma_wait3A_1177 = tpu.memref_squeeze %dma_wait3A_1176 : memref<1x128xi32, #tpu.memory_space<vmem>> -> memref<128xi32, #tpu.memory_space<vmem>>
        %dma_wait3A_1178 = arith.constant 0 : i32
        %dma_wait3A_1179 = tpu.memref_slice %arg12[%dma_wait3A_1178] : memref<100096xf32, #tpu.memory_space<vmem_shared>> -> memref<100096xf32, #tpu.memory_space<vmem_shared>>
        tpu.wait_indirect_dma semaphore(%run_scoped3A_1165 : memref<!tpu.dma_semaphore, #tpu.memory_space<semaphore_mem>>) src(%dma_wait3A_1174 : memref<128xf32, #tpu.memory_space<vmem>>) dst(%dma_wait3A_1179 : memref<100096xf32, #tpu.memory_space<vmem_shared>>)
        tpu.yield
      }) : () -> ()
      %run_scoped3A_1157 = arith.constant 2 : i32
      %run_scoped3A_1158 = arith.constant 2 : i32
      "tpu.region"() ({
        %run_scoped3A_1165 = tpu.sem_alloc : memref<!tpu.dma_semaphore, #tpu.memory_space<semaphore_mem>>
        %dma_start3A = arith.constant 0 : i32
        %dma_start3A_1166 = tpu.memref_slice %arg22[%run_scoped3A_1157, %dma_start3A] : memref<4x128xf32, #tpu.memory_space<vmem>> -> memref<1x128xf32, #tpu.memory_space<vmem>>
        %dma_start3A_1167 = tpu.memref_squeeze %dma_start3A_1166 : memref<1x128xf32, #tpu.memory_space<vmem>> -> memref<128xf32, #tpu.memory_space<vmem>>
        %dma_start3A_1168 = arith.constant 0 : i32
        %dma_start3A_1169 = tpu.memref_slice %arg16[%run_scoped3A_1158, %dma_start3A_1168] : memref<4x128xi32, #tpu.memory_space<vmem>> -> memref<1x128xi32, #tpu.memory_space<vmem>>
        %dma_start3A_1170 = tpu.memref_squeeze %dma_start3A_1169 : memref<1x128xi32, #tpu.memory_space<vmem>> -> memref<128xi32, #tpu.memory_space<vmem>>
        %dma_start3A_1171 = arith.constant 0 : i32
        %dma_start3A_1172 = tpu.memref_slice %arg13[%dma_start3A_1171] : memref<100096xf32, #tpu.memory_space<vmem_shared>> -> memref<100096xf32, #tpu.memory_space<vmem_shared>>
        tpu.enqueue_indirect_dma source(%dma_start3A_1167 : memref<128xf32, #tpu.memory_space<vmem>>) target(%dma_start3A_1172 : memref<100096xf32, #tpu.memory_space<vmem_shared>>) offsets(%dma_start3A_1170 : memref<128xi32, #tpu.memory_space<vmem>>) semaphore(%run_scoped3A_1165 : memref<!tpu.dma_semaphore, #tpu.memory_space<semaphore_mem>>) {add = true}
        %dma_wait3A = arith.constant 0 : i32
        %dma_wait3A_1173 = tpu.memref_slice %arg22[%run_scoped3A_1157, %dma_wait3A] : memref<4x128xf32, #tpu.memory_space<vmem>> -> memref<1x128xf32, #tpu.memory_space<vmem>>
        %dma_wait3A_1174 = tpu.memref_squeeze %dma_wait3A_1173 : memref<1x128xf32, #tpu.memory_space<vmem>> -> memref<128xf32, #tpu.memory_space<vmem>>
        %dma_wait3A_1175 = arith.constant 0 : i32
        %dma_wait3A_1176 = tpu.memref_slice %arg16[%run_scoped3A_1158, %dma_wait3A_1175] : memref<4x128xi32, #tpu.memory_space<vmem>> -> memref<1x128xi32, #tpu.memory_space<vmem>>
        %dma_wait3A_1177 = tpu.memref_squeeze %dma_wait3A_1176 : memref<1x128xi32, #tpu.memory_space<vmem>> -> memref<128xi32, #tpu.memory_space<vmem>>
        %dma_wait3A_1178 = arith.constant 0 : i32
        %dma_wait3A_1179 = tpu.memref_slice %arg13[%dma_wait3A_1178] : memref<100096xf32, #tpu.memory_space<vmem_shared>> -> memref<100096xf32, #tpu.memory_space<vmem_shared>>
        tpu.wait_indirect_dma semaphore(%run_scoped3A_1165 : memref<!tpu.dma_semaphore, #tpu.memory_space<semaphore_mem>>) src(%dma_wait3A_1174 : memref<128xf32, #tpu.memory_space<vmem>>) dst(%dma_wait3A_1179 : memref<100096xf32, #tpu.memory_space<vmem_shared>>)
        tpu.yield
      }) : () -> ()
      %run_scoped3A_1159 = arith.constant 3 : i32
      %run_scoped3A_1160 = arith.constant 3 : i32
      "tpu.region"() ({
        %run_scoped3A_1165 = tpu.sem_alloc : memref<!tpu.dma_semaphore, #tpu.memory_space<semaphore_mem>>
        %dma_start3A = arith.constant 0 : i32
        %dma_start3A_1166 = tpu.memref_slice %arg20[%run_scoped3A_1159, %dma_start3A] : memref<4x128xf32, #tpu.memory_space<vmem>> -> memref<1x128xf32, #tpu.memory_space<vmem>>
        %dma_start3A_1167 = tpu.memref_squeeze %dma_start3A_1166 : memref<1x128xf32, #tpu.memory_space<vmem>> -> memref<128xf32, #tpu.memory_space<vmem>>
        %dma_start3A_1168 = arith.constant 0 : i32
        %dma_start3A_1169 = tpu.memref_slice %arg16[%run_scoped3A_1160, %dma_start3A_1168] : memref<4x128xi32, #tpu.memory_space<vmem>> -> memref<1x128xi32, #tpu.memory_space<vmem>>
        %dma_start3A_1170 = tpu.memref_squeeze %dma_start3A_1169 : memref<1x128xi32, #tpu.memory_space<vmem>> -> memref<128xi32, #tpu.memory_space<vmem>>
        %dma_start3A_1171 = arith.constant 0 : i32
        %dma_start3A_1172 = tpu.memref_slice %arg11[%dma_start3A_1171] : memref<100096xf32, #tpu.memory_space<vmem_shared>> -> memref<100096xf32, #tpu.memory_space<vmem_shared>>
        tpu.enqueue_indirect_dma source(%dma_start3A_1167 : memref<128xf32, #tpu.memory_space<vmem>>) target(%dma_start3A_1172 : memref<100096xf32, #tpu.memory_space<vmem_shared>>) offsets(%dma_start3A_1170 : memref<128xi32, #tpu.memory_space<vmem>>) semaphore(%run_scoped3A_1165 : memref<!tpu.dma_semaphore, #tpu.memory_space<semaphore_mem>>) {add = true}
        %dma_wait3A = arith.constant 0 : i32
        %dma_wait3A_1173 = tpu.memref_slice %arg20[%run_scoped3A_1159, %dma_wait3A] : memref<4x128xf32, #tpu.memory_space<vmem>> -> memref<1x128xf32, #tpu.memory_space<vmem>>
        %dma_wait3A_1174 = tpu.memref_squeeze %dma_wait3A_1173 : memref<1x128xf32, #tpu.memory_space<vmem>> -> memref<128xf32, #tpu.memory_space<vmem>>
        %dma_wait3A_1175 = arith.constant 0 : i32
        %dma_wait3A_1176 = tpu.memref_slice %arg16[%run_scoped3A_1160, %dma_wait3A_1175] : memref<4x128xi32, #tpu.memory_space<vmem>> -> memref<1x128xi32, #tpu.memory_space<vmem>>
        %dma_wait3A_1177 = tpu.memref_squeeze %dma_wait3A_1176 : memref<1x128xi32, #tpu.memory_space<vmem>> -> memref<128xi32, #tpu.memory_space<vmem>>
        %dma_wait3A_1178 = arith.constant 0 : i32
        %dma_wait3A_1179 = tpu.memref_slice %arg11[%dma_wait3A_1178] : memref<100096xf32, #tpu.memory_space<vmem_shared>> -> memref<100096xf32, #tpu.memory_space<vmem_shared>>
        tpu.wait_indirect_dma semaphore(%run_scoped3A_1165 : memref<!tpu.dma_semaphore, #tpu.memory_space<semaphore_mem>>) src(%dma_wait3A_1174 : memref<128xf32, #tpu.memory_space<vmem>>) dst(%dma_wait3A_1179 : memref<100096xf32, #tpu.memory_space<vmem_shared>>)
        tpu.yield
      }) : () -> ()
      %run_scoped3A_1161 = arith.constant 3 : i32
      %run_scoped3A_1162 = arith.constant 3 : i32
      "tpu.region"() ({
        %run_scoped3A_1165 = tpu.sem_alloc : memref<!tpu.dma_semaphore, #tpu.memory_space<semaphore_mem>>
        %dma_start3A = arith.constant 0 : i32
        %dma_start3A_1166 = tpu.memref_slice %arg21[%run_scoped3A_1161, %dma_start3A] : memref<4x128xf32, #tpu.memory_space<vmem>> -> memref<1x128xf32, #tpu.memory_space<vmem>>
        %dma_start3A_1167 = tpu.memref_squeeze %dma_start3A_1166 : memref<1x128xf32, #tpu.memory_space<vmem>> -> memref<128xf32, #tpu.memory_space<vmem>>
        %dma_start3A_1168 = arith.constant 0 : i32
        %dma_start3A_1169 = tpu.memref_slice %arg16[%run_scoped3A_1162, %dma_start3A_1168] : memref<4x128xi32, #tpu.memory_space<vmem>> -> memref<1x128xi32, #tpu.memory_space<vmem>>
        %dma_start3A_1170 = tpu.memref_squeeze %dma_start3A_1169 : memref<1x128xi32, #tpu.memory_space<vmem>> -> memref<128xi32, #tpu.memory_space<vmem>>
        %dma_start3A_1171 = arith.constant 0 : i32
        %dma_start3A_1172 = tpu.memref_slice %arg12[%dma_start3A_1171] : memref<100096xf32, #tpu.memory_space<vmem_shared>> -> memref<100096xf32, #tpu.memory_space<vmem_shared>>
        tpu.enqueue_indirect_dma source(%dma_start3A_1167 : memref<128xf32, #tpu.memory_space<vmem>>) target(%dma_start3A_1172 : memref<100096xf32, #tpu.memory_space<vmem_shared>>) offsets(%dma_start3A_1170 : memref<128xi32, #tpu.memory_space<vmem>>) semaphore(%run_scoped3A_1165 : memref<!tpu.dma_semaphore, #tpu.memory_space<semaphore_mem>>) {add = true}
        %dma_wait3A = arith.constant 0 : i32
        %dma_wait3A_1173 = tpu.memref_slice %arg21[%run_scoped3A_1161, %dma_wait3A] : memref<4x128xf32, #tpu.memory_space<vmem>> -> memref<1x128xf32, #tpu.memory_space<vmem>>
        %dma_wait3A_1174 = tpu.memref_squeeze %dma_wait3A_1173 : memref<1x128xf32, #tpu.memory_space<vmem>> -> memref<128xf32, #tpu.memory_space<vmem>>
        %dma_wait3A_1175 = arith.constant 0 : i32
        %dma_wait3A_1176 = tpu.memref_slice %arg16[%run_scoped3A_1162, %dma_wait3A_1175] : memref<4x128xi32, #tpu.memory_space<vmem>> -> memref<1x128xi32, #tpu.memory_space<vmem>>
        %dma_wait3A_1177 = tpu.memref_squeeze %dma_wait3A_1176 : memref<1x128xi32, #tpu.memory_space<vmem>> -> memref<128xi32, #tpu.memory_space<vmem>>
        %dma_wait3A_1178 = arith.constant 0 : i32
        %dma_wait3A_1179 = tpu.memref_slice %arg12[%dma_wait3A_1178] : memref<100096xf32, #tpu.memory_space<vmem_shared>> -> memref<100096xf32, #tpu.memory_space<vmem_shared>>
        tpu.wait_indirect_dma semaphore(%run_scoped3A_1165 : memref<!tpu.dma_semaphore, #tpu.memory_space<semaphore_mem>>) src(%dma_wait3A_1174 : memref<128xf32, #tpu.memory_space<vmem>>) dst(%dma_wait3A_1179 : memref<100096xf32, #tpu.memory_space<vmem_shared>>)
        tpu.yield
      }) : () -> ()
      %run_scoped3A_1163 = arith.constant 3 : i32
      %run_scoped3A_1164 = arith.constant 3 : i32
      "tpu.region"() ({
        %run_scoped3A_1165 = tpu.sem_alloc : memref<!tpu.dma_semaphore, #tpu.memory_space<semaphore_mem>>
        %dma_start3A = arith.constant 0 : i32
        %dma_start3A_1166 = tpu.memref_slice %arg22[%run_scoped3A_1163, %dma_start3A] : memref<4x128xf32, #tpu.memory_space<vmem>> -> memref<1x128xf32, #tpu.memory_space<vmem>>
        %dma_start3A_1167 = tpu.memref_squeeze %dma_start3A_1166 : memref<1x128xf32, #tpu.memory_space<vmem>> -> memref<128xf32, #tpu.memory_space<vmem>>
        %dma_start3A_1168 = arith.constant 0 : i32
        %dma_start3A_1169 = tpu.memref_slice %arg16[%run_scoped3A_1164, %dma_start3A_1168] : memref<4x128xi32, #tpu.memory_space<vmem>> -> memref<1x128xi32, #tpu.memory_space<vmem>>
        %dma_start3A_1170 = tpu.memref_squeeze %dma_start3A_1169 : memref<1x128xi32, #tpu.memory_space<vmem>> -> memref<128xi32, #tpu.memory_space<vmem>>
        %dma_start3A_1171 = arith.constant 0 : i32
        %dma_start3A_1172 = tpu.memref_slice %arg13[%dma_start3A_1171] : memref<100096xf32, #tpu.memory_space<vmem_shared>> -> memref<100096xf32, #tpu.memory_space<vmem_shared>>
        tpu.enqueue_indirect_dma source(%dma_start3A_1167 : memref<128xf32, #tpu.memory_space<vmem>>) target(%dma_start3A_1172 : memref<100096xf32, #tpu.memory_space<vmem_shared>>) offsets(%dma_start3A_1170 : memref<128xi32, #tpu.memory_space<vmem>>) semaphore(%run_scoped3A_1165 : memref<!tpu.dma_semaphore, #tpu.memory_space<semaphore_mem>>) {add = true}
        %dma_wait3A = arith.constant 0 : i32
        %dma_wait3A_1173 = tpu.memref_slice %arg22[%run_scoped3A_1163, %dma_wait3A] : memref<4x128xf32, #tpu.memory_space<vmem>> -> memref<1x128xf32, #tpu.memory_space<vmem>>
        %dma_wait3A_1174 = tpu.memref_squeeze %dma_wait3A_1173 : memref<1x128xf32, #tpu.memory_space<vmem>> -> memref<128xf32, #tpu.memory_space<vmem>>
        %dma_wait3A_1175 = arith.constant 0 : i32
        %dma_wait3A_1176 = tpu.memref_slice %arg16[%run_scoped3A_1164, %dma_wait3A_1175] : memref<4x128xi32, #tpu.memory_space<vmem>> -> memref<1x128xi32, #tpu.memory_space<vmem>>
        %dma_wait3A_1177 = tpu.memref_squeeze %dma_wait3A_1176 : memref<1x128xi32, #tpu.memory_space<vmem>> -> memref<128xi32, #tpu.memory_space<vmem>>
        %dma_wait3A_1178 = arith.constant 0 : i32
        %dma_wait3A_1179 = tpu.memref_slice %arg13[%dma_wait3A_1178] : memref<100096xf32, #tpu.memory_space<vmem_shared>> -> memref<100096xf32, #tpu.memory_space<vmem_shared>>
        tpu.wait_indirect_dma semaphore(%run_scoped3A_1165 : memref<!tpu.dma_semaphore, #tpu.memory_space<semaphore_mem>>) src(%dma_wait3A_1174 : memref<128xf32, #tpu.memory_space<vmem>>) dst(%dma_wait3A_1179 : memref<100096xf32, #tpu.memory_space<vmem_shared>>)
        tpu.yield
      }) : () -> ()
    }
    %scan3A_9 = arith.constant 100 : i32
    %barrier3A_10 = arith.constant 0 : index
    tpu.barrier barrier_id(%barrier3A_10)
    %mul3A_11 = arith.constant 3 : i32
    %mul3A_12 = arith.muli %arg0, %mul3A_11 : i32
    %mul3A_13 = arith.constant 100096 : i32
    %mul3A_14 = arith.muli %mul3A_12, %mul3A_13 : i32
    %mul3A_15 = arith.constant 6256 : i32
    %mul3A_16 = arith.muli %arg1, %mul3A_15 : i32
    %add3A_17 = arith.addi %mul3A_14, %mul3A_16 : i32
    "tpu.region"() ({
      %run_scoped3A = tpu.sem_alloc : memref<!tpu.dma_semaphore, #tpu.memory_space<semaphore_mem>>
      %dma_start3A = tpu.memref_slice %arg11[%mul3A_2] : memref<100096xf32, #tpu.memory_space<vmem_shared>> -> memref<6256xf32, #tpu.memory_space<vmem_shared>>
      %dma_start3A_22 = tpu.memref_slice %arg11[%mul3A_2] : memref<100096xf32, #tpu.memory_space<vmem_shared>> -> memref<6256xf32, #tpu.memory_space<vmem_shared>>
      tpu.enqueue_dma source(%dma_start3A_22 : memref<6256xf32, #tpu.memory_space<vmem_shared>>) target(%arg14 : memref<6256xf32, #tpu.memory_space<vmem>>) target_semaphore(%run_scoped3A : memref<!tpu.dma_semaphore, #tpu.memory_space<semaphore_mem>>)
      %dma_wait3A = tpu.memref_slice %arg11[%mul3A_2] : memref<100096xf32, #tpu.memory_space<vmem_shared>> -> memref<6256xf32, #tpu.memory_space<vmem_shared>>
      %dma_wait3A_23 = tpu.memref_slice %arg11[%mul3A_2] : memref<100096xf32, #tpu.memory_space<vmem_shared>> -> memref<6256xf32, #tpu.memory_space<vmem_shared>>
      tpu.wait_dma2 semaphore(%run_scoped3A : memref<!tpu.dma_semaphore, #tpu.memory_space<semaphore_mem>>) src(%dma_wait3A_23 : memref<6256xf32, #tpu.memory_space<vmem_shared>>) dst(%arg14 : memref<6256xf32, #tpu.memory_space<vmem>>)
      tpu.yield
    }) : () -> ()
    "tpu.region"() ({
      %run_scoped3A = tpu.sem_alloc : memref<!tpu.dma_semaphore, #tpu.memory_space<semaphore_mem>>
      %dma_start3A = tpu.memref_slice %arg8[%add3A_17] : memref<600576xf32, #tpu.memory_space<hbm>> -> memref<6256xf32, #tpu.memory_space<hbm>>
      %dma_start3A_22 = tpu.memref_slice %arg8[%add3A_17] : memref<600576xf32, #tpu.memory_space<hbm>> -> memref<6256xf32, #tpu.memory_space<hbm>>
      tpu.enqueue_dma source(%arg14 : memref<6256xf32, #tpu.memory_space<vmem>>) target(%dma_start3A_22 : memref<6256xf32, #tpu.memory_space<hbm>>) target_semaphore(%run_scoped3A : memref<!tpu.dma_semaphore, #tpu.memory_space<semaphore_mem>>)
      %dma_wait3A = tpu.memref_slice %arg8[%add3A_17] : memref<600576xf32, #tpu.memory_space<hbm>> -> memref<6256xf32, #tpu.memory_space<hbm>>
      %dma_wait3A_23 = tpu.memref_slice %arg8[%add3A_17] : memref<600576xf32, #tpu.memory_space<hbm>> -> memref<6256xf32, #tpu.memory_space<hbm>>
      tpu.wait_dma2 semaphore(%run_scoped3A : memref<!tpu.dma_semaphore, #tpu.memory_space<semaphore_mem>>) src(%arg14 : memref<6256xf32, #tpu.memory_space<vmem>>) dst(%dma_wait3A_23 : memref<6256xf32, #tpu.memory_space<hbm>>)
      tpu.yield
    }) : () -> ()
    "tpu.region"() ({
      %run_scoped3A = tpu.sem_alloc : memref<!tpu.dma_semaphore, #tpu.memory_space<semaphore_mem>>
      %dma_start3A = tpu.memref_slice %arg12[%mul3A_2] : memref<100096xf32, #tpu.memory_space<vmem_shared>> -> memref<6256xf32, #tpu.memory_space<vmem_shared>>
      %dma_start3A_22 = tpu.memref_slice %arg12[%mul3A_2] : memref<100096xf32, #tpu.memory_space<vmem_shared>> -> memref<6256xf32, #tpu.memory_space<vmem_shared>>
      tpu.enqueue_dma source(%dma_start3A_22 : memref<6256xf32, #tpu.memory_space<vmem_shared>>) target(%arg14 : memref<6256xf32, #tpu.memory_space<vmem>>) target_semaphore(%run_scoped3A : memref<!tpu.dma_semaphore, #tpu.memory_space<semaphore_mem>>)
      %dma_wait3A = tpu.memref_slice %arg12[%mul3A_2] : memref<100096xf32, #tpu.memory_space<vmem_shared>> -> memref<6256xf32, #tpu.memory_space<vmem_shared>>
      %dma_wait3A_23 = tpu.memref_slice %arg12[%mul3A_2] : memref<100096xf32, #tpu.memory_space<vmem_shared>> -> memref<6256xf32, #tpu.memory_space<vmem_shared>>
      tpu.wait_dma2 semaphore(%run_scoped3A : memref<!tpu.dma_semaphore, #tpu.memory_space<semaphore_mem>>) src(%dma_wait3A_23 : memref<6256xf32, #tpu.memory_space<vmem_shared>>) dst(%arg14 : memref<6256xf32, #tpu.memory_space<vmem>>)
      tpu.yield
    }) : () -> ()
    %add3A_18 = arith.constant 100096 : i32
    %add3A_19 = arith.addi %add3A_17, %add3A_18 : i32
    "tpu.region"() ({
      %run_scoped3A = tpu.sem_alloc : memref<!tpu.dma_semaphore, #tpu.memory_space<semaphore_mem>>
      %dma_start3A = tpu.memref_slice %arg8[%add3A_19] : memref<600576xf32, #tpu.memory_space<hbm>> -> memref<6256xf32, #tpu.memory_space<hbm>>
      %dma_start3A_22 = tpu.memref_slice %arg8[%add3A_19] : memref<600576xf32, #tpu.memory_space<hbm>> -> memref<6256xf32, #tpu.memory_space<hbm>>
      tpu.enqueue_dma source(%arg14 : memref<6256xf32, #tpu.memory_space<vmem>>) target(%dma_start3A_22 : memref<6256xf32, #tpu.memory_space<hbm>>) target_semaphore(%run_scoped3A : memref<!tpu.dma_semaphore, #tpu.memory_space<semaphore_mem>>)
      %dma_wait3A = tpu.memref_slice %arg8[%add3A_19] : memref<600576xf32, #tpu.memory_space<hbm>> -> memref<6256xf32, #tpu.memory_space<hbm>>
      %dma_wait3A_23 = tpu.memref_slice %arg8[%add3A_19] : memref<600576xf32, #tpu.memory_space<hbm>> -> memref<6256xf32, #tpu.memory_space<hbm>>
      tpu.wait_dma2 semaphore(%run_scoped3A : memref<!tpu.dma_semaphore, #tpu.memory_space<semaphore_mem>>) src(%arg14 : memref<6256xf32, #tpu.memory_space<vmem>>) dst(%dma_wait3A_23 : memref<6256xf32, #tpu.memory_space<hbm>>)
      tpu.yield
    }) : () -> ()
    "tpu.region"() ({
      %run_scoped3A = tpu.sem_alloc : memref<!tpu.dma_semaphore, #tpu.memory_space<semaphore_mem>>
      %dma_start3A = tpu.memref_slice %arg13[%mul3A_2] : memref<100096xf32, #tpu.memory_space<vmem_shared>> -> memref<6256xf32, #tpu.memory_space<vmem_shared>>
      %dma_start3A_22 = tpu.memref_slice %arg13[%mul3A_2] : memref<100096xf32, #tpu.memory_space<vmem_shared>> -> memref<6256xf32, #tpu.memory_space<vmem_shared>>
      tpu.enqueue_dma source(%dma_start3A_22 : memref<6256xf32, #tpu.memory_space<vmem_shared>>) target(%arg14 : memref<6256xf32, #tpu.memory_space<vmem>>) target_semaphore(%run_scoped3A : memref<!tpu.dma_semaphore, #tpu.memory_space<semaphore_mem>>)
      %dma_wait3A = tpu.memref_slice %arg13[%mul3A_2] : memref<100096xf32, #tpu.memory_space<vmem_shared>> -> memref<6256xf32, #tpu.memory_space<vmem_shared>>
      %dma_wait3A_23 = tpu.memref_slice %arg13[%mul3A_2] : memref<100096xf32, #tpu.memory_space<vmem_shared>> -> memref<6256xf32, #tpu.memory_space<vmem_shared>>
      tpu.wait_dma2 semaphore(%run_scoped3A : memref<!tpu.dma_semaphore, #tpu.memory_space<semaphore_mem>>) src(%dma_wait3A_23 : memref<6256xf32, #tpu.memory_space<vmem_shared>>) dst(%arg14 : memref<6256xf32, #tpu.memory_space<vmem>>)
      tpu.yield
    }) : () -> ()
    %add3A_20 = arith.constant 200192 : i32
    %add3A_21 = arith.addi %add3A_17, %add3A_20 : i32
    "tpu.region"() ({
      %run_scoped3A = tpu.sem_alloc : memref<!tpu.dma_semaphore, #tpu.memory_space<semaphore_mem>>
      %dma_start3A = tpu.memref_slice %arg8[%add3A_21] : memref<600576xf32, #tpu.memory_space<hbm>> -> memref<6256xf32, #tpu.memory_space<hbm>>
      %dma_start3A_22 = tpu.memref_slice %arg8[%add3A_21] : memref<600576xf32, #tpu.memory_space<hbm>> -> memref<6256xf32, #tpu.memory_space<hbm>>
      tpu.enqueue_dma source(%arg14 : memref<6256xf32, #tpu.memory_space<vmem>>) target(%dma_start3A_22 : memref<6256xf32, #tpu.memory_space<hbm>>) target_semaphore(%run_scoped3A : memref<!tpu.dma_semaphore, #tpu.memory_space<semaphore_mem>>)
      %dma_wait3A = tpu.memref_slice %arg8[%add3A_21] : memref<600576xf32, #tpu.memory_space<hbm>> -> memref<6256xf32, #tpu.memory_space<hbm>>
      %dma_wait3A_23 = tpu.memref_slice %arg8[%add3A_21] : memref<600576xf32, #tpu.memory_space<hbm>> -> memref<6256xf32, #tpu.memory_space<hbm>>
      tpu.wait_dma2 semaphore(%run_scoped3A : memref<!tpu.dma_semaphore, #tpu.memory_space<semaphore_mem>>) src(%arg14 : memref<6256xf32, #tpu.memory_space<vmem>>) dst(%dma_wait3A_23 : memref<6256xf32, #tpu.memory_space<hbm>>)
      tpu.yield
    }) : () -> ()
    return
  }
}

module attributes {stable_mosaic.version = 14 : i64} {
  func.func @_tc_dense_body(%arg0: i32, %arg1: memref<2x800x3xf32, #tpu.memory_space<vmem>>, %arg2: memref<800x1xf32, #tpu.memory_space<vmem>>, %arg3: memref<800x1xf32, #tpu.memory_space<vmem>>, %arg4: memref<3x32xf32, #tpu.memory_space<vmem>>, %arg5: memref<3x32xf32, #tpu.memory_space<vmem>>, %arg6: memref<1x32xf32, #tpu.memory_space<vmem>>, %arg7: memref<32x32xf32, #tpu.memory_space<vmem>>, %arg8: memref<32x32xf32, #tpu.memory_space<vmem>>, %arg9: memref<1x32xf32, #tpu.memory_space<vmem>>, %arg10: memref<800x32xf32, #tpu.memory_space<vmem>>, %arg11: memref<800x32xf32, #tpu.memory_space<vmem>>) attributes {dimension_semantics = [#tpu.dimension_semantics<arbitrary>], iteration_bounds = array<i64: 125>, scalar_prefetch = 0 : i64, scratch_operands = 0 : i64, tpu.core_type = #tpu.core_type<tc>, window_params = [{transform_indices = @transform_0, window_bounds = array<i64: 2, 800, 3>}, {transform_indices = @transform_1, window_bounds = array<i64: 800, 1>}, {transform_indices = @transform_2, window_bounds = array<i64: 800, 1>}, {pipeline_mode = #tpu.pipeline_mode<synchronous>, transform_indices = @transform_3, window_bounds = array<i64: 3, 32>}, {pipeline_mode = #tpu.pipeline_mode<synchronous>, transform_indices = @transform_4, window_bounds = array<i64: 3, 32>}, {pipeline_mode = #tpu.pipeline_mode<synchronous>, transform_indices = @transform_5, window_bounds = array<i64: 1, 32>}, {pipeline_mode = #tpu.pipeline_mode<synchronous>, transform_indices = @transform_6, window_bounds = array<i64: 32, 32>}, {pipeline_mode = #tpu.pipeline_mode<synchronous>, transform_indices = @transform_7, window_bounds = array<i64: 32, 32>}, {pipeline_mode = #tpu.pipeline_mode<synchronous>, transform_indices = @transform_8, window_bounds = array<i64: 1, 32>}, {transform_indices = @transform_9, window_bounds = array<i64: 800, 32>}, {transform_indices = @transform_10, window_bounds = array<i64: 800, 32>}]} {
    %get3A = arith.constant 0 : index
    %get3A_0 = arith.constant 0 : index
    %get3A_1 = arith.constant 0 : index
    %get3A_2 = vector.load %arg1[%get3A, %get3A_0, %get3A_1] : memref<2x800x3xf32, #tpu.memory_space<vmem>>, vector<1x800x3xf32>
    %get3A_3 = vector.shape_cast %get3A_2 : vector<1x800x3xf32> to vector<800x3xf32>
    %get3A_4 = arith.constant 1 : index
    %get3A_5 = arith.constant 0 : index
    %get3A_6 = arith.constant 0 : index
    %get3A_7 = vector.load %arg1[%get3A_4, %get3A_5, %get3A_6] : memref<2x800x3xf32, #tpu.memory_space<vmem>>, vector<1x800x3xf32>
    %get3A_8 = vector.shape_cast %get3A_7 : vector<1x800x3xf32> to vector<800x3xf32>
    %add3A = arith.addf %get3A_3, %get3A_8 : vector<800x3xf32>
    %mul3A = arith.constant 800 : i32
    %mul3A_9 = arith.muli %arg0, %mul3A : i32
    %iota3A = tpu.iota {dimensions = array<i32: 0>} : vector<800x1xi32>
    %add3A_10 = vector.broadcast %mul3A_9 : i32 to vector<800x1xi32>
    %add3A_11 = arith.addi %add3A_10, %iota3A : vector<800x1xi32>
    %lt3A = arith.constant 80000 : i32
    %lt3A_12 = vector.broadcast %lt3A : i32 to vector<800x1xi32>
    %lt3A_13 = arith.cmpi slt, %add3A_11, %lt3A_12 : vector<800x1xi32>
    %jit3A = arith.constant 1.000000e+00 : f32
    %jit3A_14 = arith.constant 0.000000e+00 : f32
    %broadcast_in_dim3A = vector.broadcast %jit3A : f32 to vector<800x1xf32>
    %broadcast_in_dim3A_15 = vector.broadcast %jit3A_14 : f32 to vector<800x1xf32>
    %select_n3A = arith.select %lt3A_13, %broadcast_in_dim3A, %broadcast_in_dim3A_15 : vector<800x1xi1>, vector<800x1xf32>
    %get3A_16 = arith.constant 0 : index
    %get3A_17 = arith.constant 0 : index
    %get3A_18 = vector.load %arg2[%get3A_16, %get3A_17] : memref<800x1xf32, #tpu.memory_space<vmem>>, vector<800x1xf32>
    %get3A_19 = arith.constant 0 : index
    %get3A_20 = arith.constant 0 : index
    %get3A_21 = vector.load %arg3[%get3A_19, %get3A_20] : memref<800x1xf32, #tpu.memory_space<vmem>>, vector<800x1xf32>
    %concatenate3A = tpu.concatenate %get3A_18, %get3A_21, %select_n3A in 1 : vector<800x1xf32>, vector<800x1xf32>, vector<800x1xf32> -> vector<800x3xf32>
    %get3A_22 = arith.constant 0 : index
    %get3A_23 = arith.constant 0 : index
    %get3A_24 = vector.load %arg4[%get3A_22, %get3A_23] : memref<3x32xf32, #tpu.memory_space<vmem>>, vector<3x32xf32>
    %dot_general3A = arith.constant dense<0.000000e+00> : vector<800x32xf32>
    %dot_general3A_25 = tpu.matmul %concatenate3A, %get3A_24, %dot_general3A {dimension_numbers = #tpu.dot_dimension_numbers<[1], [0], [0], [1], [0, 0, 1, 1], [], []>, transpose_lhs_hint = false} : vector<800x3xf32>, vector<3x32xf32>, vector<800x32xf32> -> vector<800x32xf32>
    %get3A_26 = arith.constant 0 : index
    %get3A_27 = arith.constant 0 : index
    %get3A_28 = vector.load %arg5[%get3A_26, %get3A_27] : memref<3x32xf32, #tpu.memory_space<vmem>>, vector<3x32xf32>
    %dot_general3A_29 = arith.constant dense<0.000000e+00> : vector<800x32xf32>
    %dot_general3A_30 = tpu.matmul %add3A, %get3A_28, %dot_general3A_29 {dimension_numbers = #tpu.dot_dimension_numbers<[1], [0], [0], [1], [0, 0, 1, 1], [], []>, transpose_lhs_hint = false} : vector<800x3xf32>, vector<3x32xf32>, vector<800x32xf32> -> vector<800x32xf32>
    %add3A_31 = arith.addf %dot_general3A_25, %dot_general3A_30 : vector<800x32xf32>
    %get3A_32 = arith.constant 0 : index
    %get3A_33 = arith.constant 0 : index
    %get3A_34 = vector.load %arg6[%get3A_32, %get3A_33] : memref<1x32xf32, #tpu.memory_space<vmem>>, vector<1x32xf32>
    %add3A_35 = vector.broadcast %get3A_34 : vector<1x32xf32> to vector<800x32xf32>
    %add3A_36 = arith.addf %add3A_31, %add3A_35 : vector<800x32xf32>
    %max3A = arith.constant 0.000000e+00 : f32
    %max3A_37 = vector.broadcast %max3A : f32 to vector<800x32xf32>
    %max3A_38 = arith.maximumf %add3A_36, %max3A_37 : vector<800x32xf32>
    %get3A_39 = arith.constant 0 : index
    %get3A_40 = arith.constant 0 : index
    %get3A_41 = vector.load %arg8[%get3A_39, %get3A_40] : memref<32x32xf32, #tpu.memory_space<vmem>>, vector<32x32xf32>
    %dot_general3A_42 = arith.constant dense<0.000000e+00> : vector<800x32xf32>
    %dot_general3A_43 = tpu.matmul %max3A_38, %get3A_41, %dot_general3A_42 {dimension_numbers = #tpu.dot_dimension_numbers<[1], [0], [0], [1], [0, 0, 1, 1], [], []>, transpose_lhs_hint = false} : vector<800x32xf32>, vector<32x32xf32>, vector<800x32xf32> -> vector<800x32xf32>
    %swap3A = arith.constant 0 : index
    %swap3A_44 = arith.constant 0 : index
    %swap3A_45 = vector.load %arg10[%swap3A, %swap3A_44] : memref<800x32xf32, #tpu.memory_space<vmem>>, vector<800x32xf32>
    tpu.vector_store %arg10[%swap3A, %swap3A_44], %dot_general3A_43 {strides = array<i32>} : memref<800x32xf32, #tpu.memory_space<vmem>>, vector<800x32xf32>,
    %get3A_46 = arith.constant 0 : index
    %get3A_47 = arith.constant 0 : index
    %get3A_48 = vector.load %arg7[%get3A_46, %get3A_47] : memref<32x32xf32, #tpu.memory_space<vmem>>, vector<32x32xf32>
    %dot_general3A_49 = arith.constant dense<0.000000e+00> : vector<800x32xf32>
    %dot_general3A_50 = tpu.matmul %max3A_38, %get3A_48, %dot_general3A_49 {dimension_numbers = #tpu.dot_dimension_numbers<[1], [0], [0], [1], [0, 0, 1, 1], [], []>, transpose_lhs_hint = false} : vector<800x32xf32>, vector<32x32xf32>, vector<800x32xf32> -> vector<800x32xf32>
    %get3A_51 = arith.constant 0 : index
    %get3A_52 = arith.constant 0 : index
    %get3A_53 = vector.load %arg9[%get3A_51, %get3A_52] : memref<1x32xf32, #tpu.memory_space<vmem>>, vector<1x32xf32>
    %add3A_54 = vector.broadcast %get3A_53 : vector<1x32xf32> to vector<800x32xf32>
    %add3A_55 = arith.addf %dot_general3A_50, %add3A_54 : vector<800x32xf32>
    %swap3A_56 = arith.constant 0 : index
    %swap3A_57 = arith.constant 0 : index
    %swap3A_58 = vector.load %arg11[%swap3A_56, %swap3A_57] : memref<800x32xf32, #tpu.memory_space<vmem>>, vector<800x32xf32>
    tpu.vector_store %arg11[%swap3A_56, %swap3A_57], %add3A_55 {strides = array<i32>} : memref<800x32xf32, #tpu.memory_space<vmem>>, vector<800x32xf32>,
    return
  }
  func.func @transform_0(%arg0: i32) -> (i32, i32, i32) {
    %c0_i32 = arith.constant 0 : i32
    %c0_i32_0 = arith.constant 0 : i32
    %c0_i32_1 = arith.constant 0 : i32
    return %c0_i32, %arg0, %c0_i32_0 : i32, i32, i32
  }
  func.func @transform_1(%arg0: i32) -> (i32, i32) {
    %c0_i32 = arith.constant 0 : i32
    %c0_i32_0 = arith.constant 0 : i32
    return %arg0, %c0_i32 : i32, i32
  }
  func.func @transform_2(%arg0: i32) -> (i32, i32) {
    %c0_i32 = arith.constant 0 : i32
    %c0_i32_0 = arith.constant 0 : i32
    return %arg0, %c0_i32 : i32, i32
  }
  func.func @transform_3(%arg0: i32) -> (i32, i32) {
    %c0_i32 = arith.constant 0 : i32
    %c0_i32_0 = arith.constant 0 : i32
    %c0_i32_1 = arith.constant 0 : i32
    return %c0_i32, %c0_i32_0 : i32, i32
  }
  func.func @transform_4(%arg0: i32) -> (i32, i32) {
    %c0_i32 = arith.constant 0 : i32
    %c0_i32_0 = arith.constant 0 : i32
    %c0_i32_1 = arith.constant 0 : i32
    return %c0_i32, %c0_i32_0 : i32, i32
  }
  func.func @transform_5(%arg0: i32) -> (i32, i32) {
    %c0_i32 = arith.constant 0 : i32
    %c0_i32_0 = arith.constant 0 : i32
    %c0_i32_1 = arith.constant 0 : i32
    return %c0_i32, %c0_i32_0 : i32, i32
  }
  func.func @transform_6(%arg0: i32) -> (i32, i32) {
    %c0_i32 = arith.constant 0 : i32
    %c0_i32_0 = arith.constant 0 : i32
    %c0_i32_1 = arith.constant 0 : i32
    return %c0_i32, %c0_i32_0 : i32, i32
  }
  func.func @transform_7(%arg0: i32) -> (i32, i32) {
    %c0_i32 = arith.constant 0 : i32
    %c0_i32_0 = arith.constant 0 : i32
    %c0_i32_1 = arith.constant 0 : i32
    return %c0_i32, %c0_i32_0 : i32, i32
  }
  func.func @transform_8(%arg0: i32) -> (i32, i32) {
    %c0_i32 = arith.constant 0 : i32
    %c0_i32_0 = arith.constant 0 : i32
    %c0_i32_1 = arith.constant 0 : i32
    return %c0_i32, %c0_i32_0 : i32, i32
  }
  func.func @transform_9(%arg0: i32) -> (i32, i32) {
    %c0_i32 = arith.constant 0 : i32
    %c0_i32_0 = arith.constant 0 : i32
    return %arg0, %c0_i32 : i32, i32
  }
  func.func @transform_10(%arg0: i32) -> (i32, i32) {
    %c0_i32 = arith.constant 0 : i32
    %c0_i32_0 = arith.constant 0 : i32
    return %arg0, %c0_i32 : i32, i32
  }
}

module attributes {stable_mosaic.version = 14 : i64} {
  func.func @_tc_out_body(%arg0: i32, %arg1: memref<800x32xf32, #tpu.memory_space<vmem>>, %arg2: memref<1x800x32xf32, #tpu.memory_space<vmem>>, %arg3: memref<32x1xf32, #tpu.memory_space<vmem>>, %arg4: memref<1x1xf32, #tpu.memory_space<vmem>>, %arg5: memref<800x1xf32, #tpu.memory_space<vmem>>) attributes {dimension_semantics = [#tpu.dimension_semantics<arbitrary>], iteration_bounds = array<i64: 100>, scalar_prefetch = 0 : i64, scratch_operands = 0 : i64, tpu.core_type = #tpu.core_type<tc>, window_params = [{transform_indices = @transform_0, window_bounds = array<i64: 800, 32>}, {transform_indices = @transform_1, window_bounds = array<i64: 1, 800, 32>}, {pipeline_mode = #tpu.pipeline_mode<synchronous>, transform_indices = @transform_2, window_bounds = array<i64: 32, 1>}, {pipeline_mode = #tpu.pipeline_mode<synchronous>, transform_indices = @transform_3, window_bounds = array<i64: 1, 1>}, {transform_indices = @transform_4, window_bounds = array<i64: 800, 1>}]} {
    %get3A = arith.constant 0 : index
    %get3A_0 = arith.constant 0 : index
    %get3A_1 = vector.load %arg1[%get3A, %get3A_0] : memref<800x32xf32, #tpu.memory_space<vmem>>, vector<800x32xf32>
    %get3A_2 = arith.constant 0 : index
    %get3A_3 = arith.constant 0 : index
    %get3A_4 = arith.constant 0 : index
    %get3A_5 = vector.load %arg2[%get3A_2, %get3A_3, %get3A_4] : memref<1x800x32xf32, #tpu.memory_space<vmem>>, vector<1x800x32xf32>
    %get3A_6 = vector.shape_cast %get3A_5 : vector<1x800x32xf32> to vector<800x32xf32>
    %add3A = arith.addf %get3A_1, %get3A_6 : vector<800x32xf32>
    %max3A = arith.constant 0.000000e+00 : f32
    %max3A_7 = vector.broadcast %max3A : f32 to vector<800x32xf32>
    %max3A_8 = arith.maximumf %add3A, %max3A_7 : vector<800x32xf32>
    %get3A_9 = arith.constant 0 : index
    %get3A_10 = arith.constant 0 : index
    %get3A_11 = vector.load %arg3[%get3A_9, %get3A_10] : memref<32x1xf32, #tpu.memory_space<vmem>>, vector<32x1xf32>
    %dot_general3A = arith.constant dense<0.000000e+00> : vector<800x1xf32>
    %dot_general3A_12 = tpu.matmul %max3A_8, %get3A_11, %dot_general3A {dimension_numbers = #tpu.dot_dimension_numbers<[1], [0], [0], [1], [0, 0, 1, 1], [], []>, transpose_lhs_hint = false} : vector<800x32xf32>, vector<32x1xf32>, vector<800x1xf32> -> vector<800x1xf32>
    %get3A_13 = arith.constant 0 : index
    %get3A_14 = arith.constant 0 : index
    %get3A_15 = vector.load %arg4[%get3A_13, %get3A_14] : memref<1x1xf32, #tpu.memory_space<vmem>>, vector<1x1xf32>
    %add3A_16 = vector.broadcast %get3A_15 : vector<1x1xf32> to vector<800x1xf32>
    %add3A_17 = arith.addf %dot_general3A_12, %add3A_16 : vector<800x1xf32>
    %swap3A = arith.constant 0 : index
    %swap3A_18 = arith.constant 0 : index
    %swap3A_19 = vector.load %arg5[%swap3A, %swap3A_18] : memref<800x1xf32, #tpu.memory_space<vmem>>, vector<800x1xf32>
    tpu.vector_store %arg5[%swap3A, %swap3A_18], %add3A_17 {strides = array<i32>} : memref<800x1xf32, #tpu.memory_space<vmem>>, vector<800x1xf32>,
    return
  }
  func.func @transform_0(%arg0: i32) -> (i32, i32) {
    %c0_i32 = arith.constant 0 : i32
    %c0_i32_0 = arith.constant 0 : i32
    return %arg0, %c0_i32 : i32, i32
  }
  func.func @transform_1(%arg0: i32) -> (i32, i32, i32) {
    %jit3A = arith.constant 50 : i32
    %div3A = arith.divsi %arg0, %jit3A : i32
    %sign3A = arith.constant 0 : i32
    %sign3A_0 = arith.cmpi sgt, %arg0, %sign3A : i32
    %sign3A_1 = arith.extui %sign3A_0 : i1 to i32
    %sign3A_2 = arith.constant 0 : i32
    %sign3A_3 = arith.cmpi slt, %arg0, %sign3A_2 : i32
    %sign3A_4 = arith.extui %sign3A_3 : i1 to i32
    %sign3A_5 = arith.subi %sign3A_1, %sign3A_4 : i32
    %sign3A_6 = arith.constant 0 : i32
    %sign3A_7 = arith.cmpi sgt, %jit3A, %sign3A_6 : i32
    %sign3A_8 = arith.extui %sign3A_7 : i1 to i32
    %sign3A_9 = arith.constant 0 : i32
    %sign3A_10 = arith.cmpi slt, %jit3A, %sign3A_9 : i32
    %sign3A_11 = arith.extui %sign3A_10 : i1 to i32
    %sign3A_12 = arith.subi %sign3A_8, %sign3A_11 : i32
    %ne3A = arith.cmpi ne, %sign3A_5, %sign3A_12 : i32
    %rem3A = arith.remsi %arg0, %jit3A : i32
    %ne3A_13 = arith.constant 0 : i32
    %ne3A_14 = arith.cmpi ne, %rem3A, %ne3A_13 : i32
    %and3A = arith.andi %ne3A, %ne3A_14 : i1
    %sub3A = arith.constant 1 : i32
    %sub3A_15 = arith.subi %div3A, %sub3A : i32
    %select_n3A = arith.select %and3A, %sub3A_15, %div3A : i32
    %jit3A_16 = arith.constant 50 : i32
    %eq3A = arith.constant 0 : i32
    %eq3A_17 = arith.cmpi eq, %jit3A_16, %eq3A : i32
    %jit3A_18 = arith.constant 1 : i32
    %select_n3A_19 = arith.select %eq3A_17, %jit3A_18, %jit3A_16 : i32
    %rem3A_20 = arith.remsi %arg0, %select_n3A_19 : i32
    %ne3A_21 = arith.constant 0 : i32
    %ne3A_22 = arith.cmpi ne, %rem3A_20, %ne3A_21 : i32
    %lt3A = arith.constant 0 : i32
    %lt3A_23 = arith.cmpi slt, %rem3A_20, %lt3A : i32
    %lt3A_24 = arith.constant 0 : i32
    %lt3A_25 = arith.cmpi slt, %select_n3A_19, %lt3A_24 : i32
    %ne3A_26 = arith.xori %lt3A_23, %lt3A_25 : i1
    %and3A_27 = arith.andi %ne3A_26, %ne3A_22 : i1
    %add3A = arith.addi %rem3A_20, %select_n3A_19 : i32
    %select_n3A_28 = arith.select %and3A_27, %add3A, %rem3A_20 : i32
    %c0_i32 = arith.constant 0 : i32
    %c0_i32_29 = arith.constant 0 : i32
    return %select_n3A, %select_n3A_28, %c0_i32 : i32, i32, i32
  }
  func.func @transform_2(%arg0: i32) -> (i32, i32) {
    %c0_i32 = arith.constant 0 : i32
    %c0_i32_0 = arith.constant 0 : i32
    %c0_i32_1 = arith.constant 0 : i32
    return %c0_i32, %c0_i32_0 : i32, i32
  }
  func.func @transform_3(%arg0: i32) -> (i32, i32) {
    %c0_i32 = arith.constant 0 : i32
    %c0_i32_0 = arith.constant 0 : i32
    %c0_i32_1 = arith.constant 0 : i32
    return %c0_i32, %c0_i32_0 : i32, i32
  }
  func.func @transform_4(%arg0: i32) -> (i32, i32) {
    %c0_i32 = arith.constant 0 : i32
    %c0_i32_0 = arith.constant 0 : i32
    return %arg0, %c0_i32 : i32, i32
  }
}

</mosaic_0001>

<sc_bundles>
// kernel: kernel.6.cloned.1.call-start
scs
__scs_entry_jumppad:
0x0: {  	(pc) =	sbr.rel $0x88, $3  }
0x1: {  	(tag) =	ssettag $0x0;
	lr =	simm.s32 $0x1  }
0x2: {  	[smem:$0x3F95] =	sst lr;
	_ =	strace $0xD0000000  }
0x3: {  	_ = 	snop  }
0x4: {  	_ = 	snop  }
0x5: {  	_ = 	snop  }
0x6: {  	_ = 	snop  }
0x7: {  	_ = 	snop  }
__scs_overlays_trampoline_lowered:
0x8: {  	[smem:$0x3FA4] =	sst s0  }
0x9: {  	[smem:$0x3FA5] =	sst s1  }
0xa: {  	[smem:$0x3FA6] =	sst s2  }
0xb: {  	[smem:$0x3FA7] =	sst s3  }
0xc: {  	[smem:$0x3FA8] =	sst s4  }
0xd: {  	[smem:$0x3FA9] =	sst s5  }
0xe: {  	[smem:$0x3FAA] =	sst s6  }
0xf: {  	[smem:$0x3FAB] =	sst s7  }
0x10: {  	[smem:$0x3FAC] =	sst s8  }
0x11: {  	[smem:$0x3FAD] =	sst s9;
	s0 =	simm.s32 @!p0 $0x0  }
0x12: {  	s1 =	sld [smem:$0x3F93];
	s0 =	simm.s32 @p0 $0x1  }
0x13: {  	[smem:$0x3FAE] =	sst s0;
	s0 =	simm.s32 @!p1 $0x0  }
0x14: {  	s2 =	sld [smem:$0x3F92];
	s0 =	simm.s32 @p1 $0x1  }
0x15: {  	[smem:$0x3FAF] =	sst s0;
	s0 =	simm.s32 @!p2 $0x0  }
0x16: {  	s3 =	sld [smem:$0x3FDB];
	s0 =	simm.s32 @p2 $0x1  }
0x17: {  	s4 =	simm.s32 $0x1BF5;
	[smem:$0x3FB1] =	sst s0  }
0x18: {  	s0 =	sld [smem:$0x3F94];
	_ =	swait.ge [sflag:s4], $0x0  }
0x19: {  	s7 =	sld [smem:$0x3F95]  }
0x1a: {  	s8 =	sadd.s32 $0xFFFFE003, lr  }
0x1b: {  	s9 =	sadd.s32 $0xFFFFFEF7, lr;
	s5 =	simm.s32 $0xFFFFFFFF;
	p2 =	slt.u32 s8, $0xFFFFF086  }
0x1c: {  	p1 =	slt.u32 s9, $0xF7A;
	s5 =	simm.s32 @!p2 $0x0  }
0x1d: {  	s5 =	simm.s32 @p1 $0x1;
	p0 =	seq.s32 s7, s2  }
0x1e: {  	s7 =	smul.u32 @!p0 $0xF7A, s2;
	p2 =	seq.s32 @!p0 s5, $0x0  }
0x1f: {  	s9 =	smul.u32 $0xF7A, s1;
	s8 =	simm.s32 @!p0 $0x1BF5;
	p2 =	por !p2, p0  }
0x20: {  	[sflag:s8] =	ssyncset.s32 @!p0 $0xFFFFF086;
	s6 =	sadd.s32 @!p0 s3, s7;
	s7 =	simm.s32 @!p0 $0x108  }
0x21: {  	s3 =	sadd.s32 s3, s9;
	s6 =	sadd.s32 @!p0 $0x88, s6;
	s7 =	simm.s32 @p2 $0x1082  }
0x22: {  	[simem:s7], [sflag:s8] =	dma.local @!p0 [hbm:s6], $0xF7A  }
0x23: {  	s9 =	sor.u32 $0xD0000000, s2;
	s6 =	simm.s32 $0x108;
	_ =	swait.ge @!p0 [sflag:s8], $0x0  }
0x24: {  	s3 =	sadd.s32 $0x88, s3;
	s6 =	simm.s32 @!p1 $0x1082;
	[sflag:s4] =	ssyncset.s32 $0xFFFFF086  }
0x25: {  	[simem:s6], [sflag:s4] =	dma.local [hbm:s3], $0xF7A  }
0x26: {  	[smem:$0x3F95] =	sst s1;
	(tag) =	ssettag s2;
	_ =	strace s9  }
0x27: {  	s1 =	sld [smem:$0x3FA5]  }
0x28: {  	s2 =	sld [smem:$0x3FA6]  }
0x29: {  	s4 =	sld [smem:$0x3FA8]  }
0x2a: {  	p0 =	seq.s32 s5, $0x0;
	s5 =	sld [smem:$0x3FA9]  }
0x2b: {  	s6 =	sld [smem:$0x3FAA]  }
0x2c: {  	s7 =	sld [smem:$0x3FAB]  }
0x2d: {  	s3 =	simm.s32 $0x108;
	s8 =	sld [smem:$0x3FAC]  }
0x2e: {  	s3 =	simm.s32 @!p0 $0x1082;
	s9 =	sld [smem:$0x3FAD]  }
0x2f: {  	lr =	sadd.s32 s0, s3;
	s0 =	sld [smem:$0x3FA4]  }
0x30: {  	s3 =	sld [smem:$0x3FA7]  }
0x31: {  	[smem:$0x3FB0] =	sst s10  }
0x32: {  	s10 =	sld [smem:$0x3FAE];
	_ =	sdelay $0x3  }
0x33: {  	p0 =	seq.s32 s10, $0x1;
	s10 =	sld [smem:$0x3FB0];
	_ =	sdelay $0x3  }
0x34: {  	[smem:$0x3FB0] =	sst s10  }
0x35: {  	s10 =	sld [smem:$0x3FAF];
	_ =	sdelay $0x3  }
0x36: {  	p1 =	seq.s32 s10, $0x1;
	s10 =	sld [smem:$0x3FB0];
	_ =	sdelay $0x3  }
0x37: {  	[smem:$0x3FB0] =	sst s10  }
0x38: {  	s10 =	sld [smem:$0x3FB1]  }
0x39: {  	_ = 	snop;
	(pc) =	sbr.ind lr, $3  }
0x3a: {  	_ = 	snop  }
0x3b: {  	_ = 	snop  }
0x3c: {  	p2 =	seq.s32 s10, $0x1;
	s10 =	sld [smem:$0x3FB0]  }
0x3d: {  	_ =	shalt  }
0x3e: {  	_ =	shalt  }
0x3f: {  	_ =	shalt  }
0x40: {  	_ =	shalt  }
0x41: {  	_ =	shalt  }
0x42: {  	_ =	shalt  }
0x43: {  	_ =	shalt  }
0x44: {  	_ =	shalt  }
0x45: {  	_ =	shalt  }
0x46: {  	_ =	shalt  }
0x47: {  	_ =	shalt  }
0x48: {  	_ =	shalt  }
0x49: {  	_ =	shalt  }
0x4a: {  	_ =	shalt  }
0x4b: {  	_ =	shalt  }
0x4c: {  	_ =	shalt  }
0x4d: {  	_ =	shalt  }
0x4e: {  	_ =	shalt  }
0x4f: {  	_ =	shalt  }
0x50: {  	_ =	shalt  }
0x51: {  	_ =	shalt  }
0x52: {  	_ =	shalt  }
0x53: {  	_ =	shalt  }
0x54: {  	_ =	shalt  }
0x55: {  	_ =	shalt  }
0x56: {  	_ =	shalt  }
0x57: {  	_ =	shalt  }
0x58: {  	_ =	shalt  }
0x59: {  	_ =	shalt  }
0x5a: {  	_ =	shalt  }
0x5b: {  	_ =	shalt  }
0x5c: {  	_ =	shalt  }
0x5d: {  	_ =	shalt  }
0x5e: {  	_ =	shalt  }
0x5f: {  	_ =	shalt  }
0x60: {  	_ =	shalt  }
0x61: {  	_ =	shalt  }
0x62: {  	_ =	shalt  }
0x63: {  	_ =	shalt  }
0x64: {  	_ =	shalt  }
0x65: {  	_ =	shalt  }
0x66: {  	_ =	shalt  }
0x67: {  	_ =	shalt  }
0x68: {  	_ =	shalt  }
0x69: {  	_ =	shalt  }
0x6a: {  	_ =	shalt  }
0x6b: {  	_ =	shalt  }
0x6c: {  	_ =	shalt  }
0x6d: {  	_ =	shalt  }
0x6e: {  	_ =	shalt  }
0x6f: {  	_ =	shalt  }
0x70: {  	_ =	shalt  }
0x71: {  	_ =	shalt  }
0x72: {  	_ =	shalt  }
0x73: {  	_ =	shalt  }
0x74: {  	_ =	shalt  }
0x75: {  	_ =	shalt  }
0x76: {  	_ =	shalt  }
0x77: {  	_ =	shalt  }
0x78: {  	_ =	shalt  }
0x79: {  	_ =	shalt  }
0x7a: {  	_ =	shalt  }
0x7b: {  	_ =	shalt  }
0x7c: {  	_ =	shalt  }
0x7d: {  	_ =	shalt  }
0x7e: {  	_ =	shalt  }
0x7f: {  	_ =	shalt  }
0x80: {  	_ =	shalt  }
0x81: {  	_ =	shalt  }
0x82: {  	_ =	shalt  }
0x83: {  	_ =	shalt  }
0x84: {  	_ =	shalt  }
0x85: {  	_ =	shalt  }
0x86: {  	_ =	shalt  }
0x87: {  	_ =	shalt  }
.Lfunc_end0:
.L_simem_size_0:
called_computation_lowered:
.L_overlay_start_0:
0x88: {  	s2 =	sld [smem:$0x3FD9]  }
0x89: {  	s3 =	sld [smem:$0x3FFE];
	_ =	sdelay $0x1  }
0x8a: {  	s1 =	srdreg.scid  }
0x8b: {  	s0 =	sand.u32 $0x1, s1  }
0x8c: {  	s17 =	sshll.u32 s0, $0xA;
	s2 =	sadd.s32 s3, s2  }
0x8d: {  	s2 =	sadd.s32 s2, s17  }
0x8e: {  	[smem:$0x3FBC] =	sst s2  }
0x8f: {  	_ = 	snop  }
0x90: {  	s2 =	sld [smem:$0x3FD0];
	(tm) =	ssettm $0x1  }
0x91: {  	s18 =	sld [smem:$0x3FFB];
	_ =	sdelay $0x3  }
0x92: {  	_ =	strace s18  }
0x93: {  	s3 =	sld [smem:$0x3FFC];
	_ =	sdelay $0x3  }
0x94: {  	_ =	strace s3  }
0x95: {  	s3 =	sld [smem:$0x3FFD];
	_ =	sdelay $0x3  }
0x96: {  	_ =	strace s3  }
0x97: {  	_ =	strace $0x8FFFFFFF  }
0x98: {  	s19 =	sld [smem:$0x3FDB];
	_ =	sdelay $0x1  }
0x99: {  	s4 =	simm.s32 $_scs_section_size  }
0x9a: {  	s5 =	simm.s32 $_size__tile_overlayer_lowered;
	s6 =	simm.s32 $_tile_overlayer_lowered  }
0x9b: {  	s22 =	simm.s32 $0x1BFF;
	s21 =	sshll.u32 s6, $0x1;
	s3 =	sadd.s32 s4, s19  }
0x9c: {  	s7 =	simm.s32 $0x0;
	s20 =	sshll.u32 s5, $0x1;
	s5 =	sadd.s32 s21, s3  }
0x9d: {  	[timem:s7], [sflag:s22] =	dma.local [hbm:s5], s20  }
0x9e: {  	_ =	swait.ge [sflag:s22], s20  }
0x9f: {  	s4 =	ssub.s32 $0x0, s20;
	[sflag:s22] =	ssyncset.done $0x0  }
0xa0: {  	[sflag:s22] =	ssyncadd.s32 s4;
	_ =	sdelay $0x1  }
0xa1: {  	s23 =	simm.s32 $0x1B8B  }
0xa2: {  	_ =	swait.ge [sflag:s23], $0x1  }
0xa3: {  	[sflag:s23] =	ssyncset.done $0x0  }
0xa4: {  	s25 =	simm.s32 $0x1B8E;
	s24 =	sld [smem:$0x3FFE];
	[sflag:s23] =	ssyncadd.s32 $0xFFFFFFFF  }
0xa5: {  	s26 =	simm.s32 $execute0_lowered;
	[smem:$0x3FD2] =	sst s25  }
0xa6: {  	s5 =	sshll.u32 s26, $0x1;
	_ =	strace $0x80000046;
	[dreg:$0x1] =	wrdreg $0xFFFFFFFF  }
0xa7: {  	s28 =	simm.s32 $_size_execute0_lowered;
	s3 =	sadd.s32 s3, s5;
	[dreg:$0x0] =	wrdreg $0x0  }
0xa8: {  	s5 =	sshll.u32 s28, $0x1;
	[dreg:$0x2] =	wrdreg s3  }
0xa9: {  	[dreg:$0x3] =	wrdreg s5  }
0xaa: {  	[dreg:$0x4] =	wrdreg $0xC0  }
0xab: {  	_ =	task [dreg:s7], $0x5FFFF  }
0xac: {  	[dreg:$0x1] =	wrdreg $0xFFFFFFFF  }
0xad: {  	[dreg:$0x0] =	wrdreg $0x60  }
0xae: {  	[dreg:$0x2] =	wrdreg s24  }
0xaf: {  	[dreg:$0x3] =	wrdreg s2  }
0xb0: {  	[dreg:$0x4] =	wrdreg $0x0  }
0xb1: {  	[dreg:$0x5] =	wrdreg $0x18700  }
0xb2: {  	[dreg:$0x6] =	wrdreg $0x30E00  }
0xb3: {  	[dreg:$0x7] =	wrdreg $0x49500  }
0xb4: {  	[dreg:$0x8] =	wrdreg $0x61C00  }
0xb5: {  	[dreg:$0x9] =	wrdreg $0x9  }
0xb6: {  	_ =	task.clear_ibuf [dreg:s7], $0xAFFFF;
	_ =	strace $0x90000046  }
0xb7: {  	s29 =	simm.s32 $0x9;
	_ =	strace $0x80000048  }
0xb8: {  	_ =	swait.ge [sflag:s29], $0x1  }
0xb9: {  	[sflag:s29] =	ssyncadd.s32 $0xFFFFFFFF  }
0xba: {  	_ =	strace $0x90000048  }
0xbb: {  	_ =	sfence  }
0xbc: {  	s30 =	sld [smem:$0x0];
	_ =	sdelay $0x2  }
0xbd: {  	s31 =	sshll.u32 s1, $0xD;
	s1 =	sshrl.u32 s1, $0x2  }
0xbe: {  	s3 =	sand.u32 $0x4000, s31;
	s1 =	sadd.s32 s1, s30  }
0xbf: {  	s0 =	sor.u32 s3, s0;
	s1 =	sshll.u32 s1, $0x11  }
0xc0: {  	s0 =	sor.u32 s1, s0  }
0xc1: {  	s0 =	sadd.s32 $0x8F2B, s0  }
0xc2: {  	[sflag:s0] =	ssyncadd.remote.s32 $0x1  }
0xc3: {  	_ =	sfence.sel $0xFFFF  }
0xc4: {  	[dreg:$0x0] =	wrdreg $0xFFFFFFFF;
	(pc) =	sbr.abs _section_cstart, $3  }
0xc5: {  	[dreg:$0x1] =	wrdreg $0xFFFFFFFF  }
0xc6: {  	_ =	task.clear_ibuf [dreg:s7], $0x2FFFF;
	_ =	strace $0x9FFFFFFF  }
0xc7: {  	(tm) =	ssettm $0x7FFFFFFF  }
tec
execute0_lowered:
.L_overlay_start_1:
0x0: {  	(tag) =	ssettag $0x1  }
0x1: {  	s0 =	rddreg [dreg:$0x0]  }
0x2: {  	s1 =	rddreg [dreg:$0x2]  }
0x3: {  	s2 =	rddreg [dreg:$0x3]  }
0x4: {  	s4 =	rddreg [dreg:$0x4];
	s3 =	srdreg.scid  }
0x5: {  	s6 =	rddreg [dreg:$0x5];
	s10 =	stileid.u32  }
0x6: {  	s7 =	rddreg [dreg:$0x6];
	s8 =	simm.s32 $0x0;
	s17 =	simm.s32 $0x9AA0  }
0x7: {  	s28 =	simm.s32 $0x9420;
	s29 =	simm.s32 $0xA0A0;
	s9 =	smul.u32 $0xC800, s10  }
0x8: {  	s30 =	simm.s32 $0x9520;
	s3 =	sand.u32 $0x1, s3;
	s19 =	smul.u32 $0x1870, s10  }
0x9: {  	s31 =	simm.s32 $0x9D20;
	[smem:$0x7FF] =	sst s8;
	s5 =	smul.u32 $0xC8000, s3  }
0xa: {  	_ =	strace $0x80000047;
	[dreg:$0xd] =	wrdreg s17;
	s22 =	sadd.s32 s19, s1  }
0xb: {  	s20 =	smul.u32 $0x49500, s3;
	s25 =	sadd.s32 s19, s2;
	[dreg:$0x17] =	wrdreg s22  }
0xc: {  	s3 =	ssub.s32 $0x2, s3;
	s14 =	sadd.s32 s19, s4;
	[dreg:$0x19] =	wrdreg s25  }
0xd: {  	s11 =	sshrl.u32 s19, $0x3;
	s15 =	sadd.s32 s19, s6;
	[dreg:$0x1a] =	wrdreg s14  }
0xe: {  	s12 =	sshrl.u32 s3, $0x1;
	s13 =	sadd.s32 s19, s7;
	[dreg:$0x1b] =	wrdreg s15  }
0xf: {  	s3 =	ssub.s32 s3, s12;
	s12 =	simm.s32 $0x98A0;
	[dreg:$0x1c] =	wrdreg s13  }
0x10: {  	s10 =	sadd.s32 s19, s20;
	s19 =	simm.s32 $0x9920;
	[dreg:$0xc] =	wrdreg s12  }
0x11: {  	s17 =	simm.s32 $0xA020;
	s20 =	simm.s32 $0x9B20;
	[dreg:$0xe] =	wrdreg s19  }
0x12: {  	s5 =	sadd.s32 s9, s5;
	s22 =	simm.s32 $0x9BA0;
	[dreg:$0xf] =	wrdreg s20  }
0x13: {  	s11 =	sadd.s32 s11, s0;
	s25 =	simm.s32 $0x9CA0;
	[dreg:$0x11] =	wrdreg s22  }
0x14: {  	s9 =	simm.s32 $0x9DA0;
	s21 =	sadd.s32 $0x35E00, s11;
	[dreg:$0x14] =	wrdreg s25  }
0x15: {  	s5 =	sshrl.u32 s5, $0x3;
	s23 =	sadd.s32 $0x32C00, s11;
	[dreg:$0x16] =	wrdreg s21  }
0x16: {  	s10 =	sshrl.u32 s10, $0x3;
	s11 =	simm.s32 $0x96A0;
	[dreg:$0x18] =	wrdreg s23  }
0x17: {  	s3 =	smax.u32 s3, $0x1;
	s19 =	simm.s32 $0x7A30;
	[dreg:$0xb] =	wrdreg s11  }
0x18: {  	s22 =	simm.s32 $0x92A0;
	s20 =	simm.s32 $0x0;
	[smem:$0x7FC] =	sst s3  }
0x19: {  	s25 =	simm.s32 $0x9320;
	s21 =	simm.s32 $0x99A0;
	[smem:$0x7FD] =	sst s20  }
0x1a: {  	s5 =	sadd.s32 s5, s0;
	s23 =	simm.s32 $0x9A20;
	[dreg:$0x10] =	wrdreg s21  }
0x1b: {  	s12 =	simm.s32 $0x9620;
	s24 =	sadd.s32 $0xC00, s5;
	[dreg:$0x12] =	wrdreg s23  }
0x1c: {  	s0 =	sadd.s32 s10, s0;
	s26 =	sadd.s32 $0x39000, s5;
	[dreg:$0x8] =	wrdreg s24  }
0x1d: {  	s3 =	simm.s32 $0xA120;
	s5 =	sadd.s32 $0x6B000, s5;
	[dreg:$0x9] =	wrdreg s26  }
0x1e: {  	s10 =	simm.s32 $0x9FA0;
	s16 =	sadd.s32 $0x9D000, s0;
	[dreg:$0xa] =	wrdreg s5  }
0x1f: {  	s11 =	simm.s32 $0xA1A0;
	s18 =	sadd.s32 $0xA00E0, s0;
	[dreg:$0x1d] =	wrdreg s16  }
0x20: {  	s0 =	sadd.s32 $0xA31C0, s0;
	s21 =	simm.s32 $0x1;
	[dreg:$0x1e] =	wrdreg s18  }
0x21: {  	s23 =	simm.s32 $0x94A0;
	[dreg:$0x1f] =	wrdreg s0;
	s24 =	simm.s32 $0x9C20  }
0x22: {  	s26 =	simm.s32 $0x9EA0;
	s5 =	simm.s32 $0x9F20;
	s0 =	simm.s32 $0x95A0  }
0x23: {  	s16 =	simm.s32 $0x9E20;
	s18 =	simm.s32 $0xA220;
	[dreg:$0x13] =	wrdreg s24  }
0x24: {  	s24 =	simm.s32 $0x80;
	[dreg:$0x15] =	wrdreg s26;
	s26 =	simm.s32 $0x93A0  }
.LBB2_1:
0x25: {  	s20 =	smov.u32 s13;
	s13 =	rddreg [dreg:$0x16]  }
0x26: {  	[tilespmem:s19], [sflag:$0x1] =	stream.linear.gather [hbm4b:s13+s8], $0x1870, $0x38;
	[tilespmem:$0xA2A0] =	vst v63  }
0x27: {  	_ =	swait.ge [sflag:s21], $0x1870  }
0x28: {  	[sflag:s21] =	ssyncset.done $0x0  }
0x29: {  	s13 =	rddreg [dreg:$0x17];
	[sflag:s21] =	ssyncadd.s32 $0xFFFFE790  }
0x2a: {  	[spmem:s13] =	stream.linear.scatter [tilespmem:s19], [sflag:$0x1], $0x1870, $0x38;
	[tilespmem:$0xA2A0] =	vst v63  }
0x2b: {  	_ =	swait.ge [sflag:s21], $0x1870  }
0x2c: {  	[sflag:s21] =	ssyncset.done $0x0  }
0x2d: {  	s13 =	rddreg [dreg:$0x18];
	[sflag:s21] =	ssyncadd.s32 $0xFFFFE790  }
0x2e: {  	[tilespmem:s19], [sflag:$0x1] =	stream.linear.gather [hbm4b:s13+s8], $0x1870, $0x38;
	[tilespmem:$0xA2A0] =	vst v63  }
0x2f: {  	_ =	swait.ge [sflag:s21], $0x1870  }
0x30: {  	[sflag:s21] =	ssyncset.done $0x0  }
0x31: {  	s13 =	rddreg [dreg:$0x19];
	[sflag:s21] =	ssyncadd.s32 $0xFFFFE790  }
0x32: {  	[spmem:s13] =	stream.linear.scatter [tilespmem:s19], [sflag:$0x1], $0x1870, $0x38;
	[tilespmem:$0xA2A0] =	vst v63  }
0x33: {  	_ =	swait.ge [sflag:s21], $0x1870  }
0x34: {  	[sflag:s21] =	ssyncset.done $0x0  }
0x35: {  	[sflag:s21] =	ssyncadd.s32 $0xFFFFE790  }
0x36: {  	s13 =	rddreg [dreg:$0x1]  }
0x37: {  	[tilespmem:s19], [sflag:$0x1] =	stream.linear.gather [hbm4b:s13+s8], $0x1870, $0x38;
	[tilespmem:$0xA2A0] =	vst v63  }
0x38: {  	_ =	swait.ge [sflag:s21], $0x1870  }
0x39: {  	[sflag:s21] =	ssyncset.done $0x0  }
0x3a: {  	[sflag:s21] =	ssyncadd.s32 $0xFFFFE790  }
0x3b: {  	[spmem:s14] =	stream.linear.scatter [tilespmem:s19], [sflag:$0x1], $0x1870, $0x38;
	[tilespmem:$0xA2A0] =	vst v63  }
0x3c: {  	_ =	swait.ge [sflag:s21], $0x1870  }
0x3d: {  	[sflag:s21] =	ssyncset.done $0x0  }
0x3e: {  	[sflag:s21] =	ssyncadd.s32 $0xFFFFE790  }
0x3f: {  	[spmem:s15] =	stream.linear.scatter [tilespmem:s19], [sflag:$0x1], $0x1870, $0x38;
	[tilespmem:$0xA2A0] =	vst v63  }
0x40: {  	_ =	swait.ge [sflag:s21], $0x1870  }
0x41: {  	[sflag:s21] =	ssyncset.done $0x0  }
0x42: {  	[sflag:s21] =	ssyncadd.s32 $0xFFFFE790  }
0x43: {  	[spmem:s20] =	stream.linear.scatter [tilespmem:s19], [sflag:$0x1], $0x1870, $0x38;
	[tilespmem:$0xA2A0] =	vst v63  }
0x44: {  	_ =	swait.ge [sflag:s21], $0x1870  }
0x45: {  	[sflag:s21] =	ssyncset.done $0x0  }
0x46: {  	[sflag:s21] =	ssyncadd.s32 $0xFFFFE790  }
0x47: {  	s13 =	simm.s32 $0x0;
	s20 =	simm.s32 $0x7A30;
	[bflag:$0x0] =	sbarrier.arrive $0xFFFF  }
.LBB2_2:
0x48: {  	s14 =	rddreg [dreg:$0xa]  }
0x49: {  	s14 =	sadd.s32 s13, s14  }
0x4a: {  	[tilespmem:s22], [sflag:$0x1] =	stream.linear.gather [hbm4b:s14+s8], $0x200, $0x38;
	[tilespmem:$0xA2A0] =	vst v63  }
0x4b: {  	_ =	swait.ge [sflag:s21], $0x200  }
0x4c: {  	s15 =	rddreg [dreg:$0x9];
	[sflag:s21] =	ssyncset.done $0x0  }
0x4d: {  	[sflag:s21] =	ssyncadd.s32 $0xFFFFFE00;
	s14 =	sadd.s32 s13, s15  }
0x4e: {  	[tilespmem:s23], [sflag:$0x1] =	stream.linear.gather [hbm4b:s14+s8], $0x200, $0x38;
	[tilespmem:$0xA2A0] =	vst v63  }
0x4f: {  	_ =	swait.ge [sflag:s21], $0x200  }
0x50: {  	s19 =	rddreg [dreg:$0x8];
	[sflag:s21] =	ssyncset.done $0x0  }
0x51: {  	s15 =	rddreg [dreg:$0xb];
	[sflag:s21] =	ssyncadd.s32 $0xFFFFFE00;
	s14 =	sadd.s32 s13, s19  }
0x52: {  	[tilespmem:s15], [sflag:$0x1] =	stream.linear.gather [hbm4b:s14+s8], $0x200, $0x38;
	[tilespmem:$0xA2A0] =	vst v63  }
0x53: {  	_ =	swait.ge [sflag:s21], $0x200  }
0x54: {  	[sflag:s21] =	ssyncset.done $0x0  }
0x55: {  	s15 =	rddreg [dreg:$0xc];
	[sflag:s21] =	ssyncadd.s32 $0xFFFFFE00  }
0x56: {  	[tilespmem:s15], [sflag:$0x1] =	stream.indirect.gather [spmem:s1], $0x1, s22, s24, $0xb8;
	[tilespmem:$0xA2A0] =	vst v63  }
0x57: {  	_ =	swait.ge [sflag:s21], $0x80  }
0x58: {  	[sflag:s21] =	ssyncset.done $0x0  }
0x59: {  	s19 =	rddreg [dreg:$0xd];
	[sflag:s21] =	ssyncadd.s32 $0xFFFFFF80  }
0x5a: {  	[tilespmem:s19], [sflag:$0x1] =	stream.indirect.gather [spmem:s2], $0x1, s22, s24, $0xb8;
	[tilespmem:$0xA2A0] =	vst v63  }
0x5b: {  	_ =	swait.ge [sflag:s21], $0x80  }
0x5c: {  	[sflag:s21] =	ssyncset.done $0x0  }
0x5d: {  	s15 =	rddreg [dreg:$0xe];
	[sflag:s21] =	ssyncadd.s32 $0xFFFFFF80  }
0x5e: {  	[tilespmem:s15], [sflag:$0x1] =	stream.indirect.gather [spmem:s1], $0x1, s25, s24, $0xb8;
	[tilespmem:$0xA2A0] =	vst v63  }
0x5f: {  	_ =	swait.ge [sflag:s21], $0x80  }
0x60: {  	[sflag:s21] =	ssyncset.done $0x0  }
0x61: {  	s19 =	rddreg [dreg:$0xf];
	[sflag:s21] =	ssyncadd.s32 $0xFFFFFF80  }
0x62: {  	[tilespmem:s19], [sflag:$0x1] =	stream.indirect.gather [spmem:s2], $0x1, s25, s24, $0xb8;
	[tilespmem:$0xA2A0] =	vst v63  }
0x63: {  	_ =	swait.ge [sflag:s21], $0x80  }
0x64: {  	[sflag:s21] =	ssyncset.done $0x0  }
0x65: {  	s15 =	rddreg [dreg:$0x10];
	[sflag:s21] =	ssyncadd.s32 $0xFFFFFF80  }
0x66: {  	[tilespmem:s15], [sflag:$0x1] =	stream.indirect.gather [spmem:s1], $0x1, s26, s24, $0xb8;
	[tilespmem:$0xA2A0] =	vst v63  }
0x67: {  	_ =	swait.ge [sflag:s21], $0x80  }
0x68: {  	[sflag:s21] =	ssyncset.done $0x0  }
0x69: {  	s19 =	rddreg [dreg:$0x11];
	[sflag:s21] =	ssyncadd.s32 $0xFFFFFF80  }
0x6a: {  	[tilespmem:s19], [sflag:$0x1] =	stream.indirect.gather [spmem:s2], $0x1, s26, s24, $0xb8;
	[tilespmem:$0xA2A0] =	vst v63  }
0x6b: {  	_ =	swait.ge [sflag:s21], $0x80  }
0x6c: {  	[sflag:s21] =	ssyncset.done $0x0  }
0x6d: {  	s15 =	rddreg [dreg:$0x12];
	[sflag:s21] =	ssyncadd.s32 $0xFFFFFF80  }
0x6e: {  	[tilespmem:s15], [sflag:$0x1] =	stream.indirect.gather [spmem:s1], $0x1, s28, s24, $0xb8;
	[tilespmem:$0xA2A0] =	vst v63  }
0x6f: {  	_ =	swait.ge [sflag:s21], $0x80  }
0x70: {  	[sflag:s21] =	ssyncset.done $0x0  }
0x71: {  	s19 =	rddreg [dreg:$0x13];
	[sflag:s21] =	ssyncadd.s32 $0xFFFFFF80  }
0x72: {  	[tilespmem:s19], [sflag:$0x1] =	stream.indirect.gather [spmem:s2], $0x1, s28, s24, $0xb8;
	[tilespmem:$0xA2A0] =	vst v63  }
0x73: {  	_ =	swait.ge [sflag:s21], $0x80  }
0x74: {  	[sflag:s21] =	ssyncset.done $0x0  }
0x75: {  	[sflag:s21] =	ssyncadd.s32 $0xFFFFFF80  }
0x76: {  	v0 =	vld [tilespmem:$0x92A0]  }
0x77: {  	v1 =	vld [tilespmem:$0x96A0]  }
0x78: {  	v2 =	vld [tilespmem:$0x98A0]  }
0x79: {  	v3 =	vld [tilespmem:$0x9AA0]  }
0x7a: {  	v4 =	vld [tilespmem:$0x92B0]  }
0x7b: {  	v5 =	vld [tilespmem:$0x96B0]  }
0x7c: {  	v6 =	vld [tilespmem:$0x98B0]  }
0x7d: {  	v7 =	vld [tilespmem:$0x9AB0]  }
0x7e: {  	v8 =	vld [tilespmem:$0x92C0]  }
0x7f: {  	v9 =	vld [tilespmem:$0x96C0]  }
0x80: {  	v10 =	vld [tilespmem:$0x98C0]  }
0x81: {  	v11 =	vld [tilespmem:$0x9AC0]  }
0x82: {  	v12 =	vld [tilespmem:$0x92D0]  }
0x83: {  	v13 =	vld [tilespmem:$0x96D0]  }
0x84: {  	v14 =	vld [tilespmem:$0x98D0]  }
0x85: {  	v15 =	vld [tilespmem:$0x9AD0]  }
0x86: {  	v16 =	vld [tilespmem:$0x92E0]  }
0x87: {  	v17 =	vld [tilespmem:$0x96E0]  }
0x88: {  	v18 =	vld [tilespmem:$0x98E0]  }
0x89: {  	v19 =	vld [tilespmem:$0x9AE0]  }
0x8a: {  	v20 =	vld [tilespmem:$0x92F0]  }
0x8b: {  	v21 =	vld [tilespmem:$0x96F0]  }
0x8c: {  	v22 =	vld [tilespmem:$0x98F0]  }
0x8d: {  	v23 =	vld [tilespmem:$0x9AF0]  }
0x8e: {  	v24 =	vld [tilespmem:$0x9300]  }
0x8f: {  	v25 =	vld [tilespmem:$0x9700]  }
0x90: {  	v26 =	vld [tilespmem:$0x9900]  }
0x91: {  	v27 =	vld [tilespmem:$0x9B00]  }
0x92: {  	v28 =	vld [tilespmem:$0x9310]  }
0x93: {  	v29 =	vld [tilespmem:$0x9710]  }
0x94: {  	v30 =	vld [tilespmem:$0x9910]  }
0x95: {  	v31 =	vld [tilespmem:$0x9B10]  }
0x96: {  	v32 =	vld [tilespmem:$0x9320]  }
0x97: {  	v33 =	vld [tilespmem:$0x9720]  }
0x98: {  	v34 =	vld [tilespmem:$0x9920]  }
0x99: {  	v35 =	vld [tilespmem:$0x9B20]  }
0x9a: {  	v36 =	vld [tilespmem:$0x9330]  }
0x9b: {  	v37 =	vld [tilespmem:$0x9730];
	v2 =	vmul.f32 v2, v1  }
0x9c: {  	v38 =	vld [tilespmem:$0x9930];
	v3 =	vmul.f32 v3, v1  }
0x9d: {  	v41 =	vld [tilespmem:$0x9960];
	vm0 =	vlt.s32 v0, $0x13880;
	[tilespmem:$0x9CA0] =	vst v2  }
0x9e: {  	v42 =	vld [tilespmem:$0x9B60];
	v55 =	vmul.f32 v6, v5;
	v1 =	vnsel vm0, $0x0, v1;
	[tilespmem:$0x9EA0] =	vst v3  }
0x9f: {  	v46 =	vld [tilespmem:$0x9970];
	v56 =	vmul.f32 v7, v5;
	[tilespmem:$0xA0A0] =	vst v1  }
0xa0: {  	v49 =	vld [tilespmem:$0x9B70];
	vm9 =	vlt.s32 v4, $0x13880;
	[tilespmem:$0x9CB0] =	vst v55  }
0xa1: {  	v53 =	vld [tilespmem:$0x9980];
	v58 =	vmul.f32 v10, v9;
	v57 =	vnsel vm9, $0x0, v5;
	[tilespmem:$0x9EB0] =	vst v56  }
0xa2: {  	v0 =	vld [tilespmem:$0x9B30];
	v59 =	vmul.f32 v11, v9;
	[tilespmem:$0xA0B0] =	vst v57  }
0xa3: {  	v6 =	vld [tilespmem:$0x9740];
	vm10 =	vlt.s32 v8, $0x13880;
	[tilespmem:$0x9CC0] =	vst v58  }
0xa4: {  	v7 =	vld [tilespmem:$0x9350];
	v61 =	vmul.f32 v14, v13;
	v60 =	vnsel vm10, $0x0, v9;
	[tilespmem:$0x9EC0] =	vst v59  }
0xa5: {  	v4 =	vld [tilespmem:$0x9750];
	v62 =	vmul.f32 v15, v13;
	[tilespmem:$0xA0C0] =	vst v60  }
0xa6: {  	v10 =	vld [tilespmem:$0x9B50];
	vm11 =	vlt.s32 v12, $0x13880;
	[tilespmem:$0x9CD0] =	vst v61  }
0xa7: {  	v8 =	vld [tilespmem:$0x9360];
	v39 =	vmul.f32 v18, v17;
	v63 =	vnsel vm11, $0x0, v13;
	[tilespmem:$0x9ED0] =	vst v62  }
0xa8: {  	v12 =	vld [tilespmem:$0x9760];
	v40 =	vmul.f32 v19, v17;
	[tilespmem:$0xA0D0] =	vst v63  }
0xa9: {  	vm12 =	vlt.s32 v16, $0x13880;
	v15 =	vld [tilespmem:$0x9370];
	[tilespmem:$0x9CE0] =	vst v39  }
0xaa: {  	v44 =	vmul.f32 v22, v21;
	v16 =	vld [tilespmem:$0x9770];
	v43 =	vnsel vm12, $0x0, v17;
	[tilespmem:$0x9EE0] =	vst v40  }
0xab: {  	v45 =	vmul.f32 v23, v21;
	v19 =	vld [tilespmem:$0x9380];
	[tilespmem:$0xA0E0] =	vst v43  }
0xac: {  	vm13 =	vlt.s32 v20, $0x13880;
	v20 =	vld [tilespmem:$0x9390];
	[tilespmem:$0x9CF0] =	vst v44  }
0xad: {  	v48 =	vmul.f32 v26, v25;
	vm14 =	vlt.s32 v24, $0x13880;
	v24 =	vld [tilespmem:$0x9790];
	v47 =	vnsel vm13, $0x0, v21;
	[tilespmem:$0x9EF0] =	vst v45  }
0xae: {  	v50 =	vmul.f32 v27, v25;
	v27 =	vld [tilespmem:$0x93A0];
	[tilespmem:$0xA0F0] =	vst v47  }
0xaf: {  	v26 =	vld [tilespmem:$0x99A0];
	[tilespmem:$0x9D00] =	vst v48  }
0xb0: {  	v52 =	vmul.f32 v30, v29;
	vm4 =	vlt.s32 v32, $0x13880;
	v32 =	vld [tilespmem:$0x9BA0];
	v51 =	vnsel vm14, $0x0, v25;
	[tilespmem:$0x9F00] =	vst v50  }
0xb1: {  	v54 =	vmul.f32 v31, v29;
	vm5 =	vlt.s32 v36, $0x13880;
	v36 =	vld [tilespmem:$0x99B0];
	[tilespmem:$0xA100] =	vst v51  }
0xb2: {  	vm15 =	vlt.s32 v28, $0x13880;
	v28 =	vld [tilespmem:$0x9BF0];
	[tilespmem:$0x9D10] =	vst v52  }
0xb3: {  	v31 =	vld [tilespmem:$0x9400];
	[tilespmem:$0x9F10] =	vst v54;
	v56 =	vnsel vm15, $0x0, v29  }
0xb4: {  	v22 =	vld [tilespmem:$0x9450];
	v61 =	vnsel vm4, $0x0, v33;
	[tilespmem:$0xA110] =	vst v56  }
0xb5: {  	v5 =	vld [tilespmem:$0x9B40];
	v57 =	vmul.f32 v34, v33;
	v63 =	vnsel vm5, $0x0, v37;
	[tilespmem:$0xA120] =	vst v61  }
0xb6: {  	v9 =	vld [tilespmem:$0x9950];
	v58 =	vmul.f32 v35, v33;
	[tilespmem:$0xA130] =	vst v63  }
0xb7: {  	v17 =	vld [tilespmem:$0x9780];
	v62 =	vmul.f32 v38, v37;
	[tilespmem:$0x9D20] =	vst v57  }
0xb8: {  	v21 =	vld [tilespmem:$0x9C40];
	[tilespmem:$0x9F20] =	vst v58;
	v0 =	vmul.f32 v0, v37  }
0xb9: {  	v3 =	vld [tilespmem:$0x9340];
	[tilespmem:$0x9D30] =	vst v62;
	v37 =	vmul.f32 v10, v4  }
0xba: {  	v2 =	vld [tilespmem:$0x9940];
	vm7 =	vlt.s32 v7, $0x13880;
	[tilespmem:$0x9F30] =	vst v0  }
0xbb: {  	v55 =	vld [tilespmem:$0x9B80];
	v40 =	vmul.f32 v41, v12;
	v39 =	vnsel vm7, $0x0, v4;
	[tilespmem:$0x9F50] =	vst v37  }
0xbc: {  	v59 =	vld [tilespmem:$0x9990];
	v41 =	vmul.f32 v42, v12;
	[tilespmem:$0xA150] =	vst v39  }
0xbd: {  	v60 =	vld [tilespmem:$0x9B90];
	vm8 =	vlt.s32 v8, $0x13880;
	[tilespmem:$0x9D60] =	vst v40  }
0xbe: {  	v1 =	vld [tilespmem:$0x97A0];
	v45 =	vmul.f32 v46, v16;
	v44 =	vnsel vm8, $0x0, v12;
	[tilespmem:$0x9F60] =	vst v41  }
0xbf: {  	v38 =	vld [tilespmem:$0x9BB0];
	v47 =	vmul.f32 v49, v16;
	[tilespmem:$0xA160] =	vst v44  }
0xc0: {  	v43 =	vld [tilespmem:$0x9BC0];
	vm9 =	vlt.s32 v15, $0x13880;
	[tilespmem:$0x9D70] =	vst v45  }
0xc1: {  	v48 =	vld [tilespmem:$0x97D0];
	vm10 =	vlt.s32 v19, $0x13880;
	v50 =	vnsel vm9, $0x0, v16;
	[tilespmem:$0x9F70] =	vst v47  }
0xc2: {  	v52 =	vld [tilespmem:$0x9BD0];
	vm11 =	vlt.s32 v20, $0x13880;
	v56 =	vnsel vm10, $0x0, v17;
	[tilespmem:$0xA170] =	vst v50  }
0xc3: {  	v54 =	vld [tilespmem:$0x93E0];
	v33 =	vmul.f32 v5, v6;
	v62 =	vnsel vm11, $0x0, v24;
	[tilespmem:$0xA180] =	vst v56  }
0xc4: {  	v61 =	vld [tilespmem:$0x93F0];
	v35 =	vmul.f32 v9, v4;
	[tilespmem:$0xA190] =	vst v62  }
0xc5: {  	v58 =	vld [tilespmem:$0x99E0];
	v51 =	vmul.f32 v53, v17;
	[tilespmem:$0x9F40] =	vst v33  }
0xc6: {  	v7 =	vld [tilespmem:$0x97C0];
	vm12 =	vlt.s32 v27, $0x13880;
	[tilespmem:$0x9D50] =	vst v35  }
0xc7: {  	v42 =	vld [tilespmem:$0x99C0];
	v2 =	vmul.f32 v2, v6;
	v29 =	vnsel vm12, $0x0, v1;
	[tilespmem:$0x9D80] =	vst v51  }
0xc8: {  	v46 =	vld [tilespmem:$0x93D0];
	vm6 =	vlt.s32 v3, $0x13880;
	[tilespmem:$0xA1A0] =	vst v29  }
0xc9: {  	v49 =	vld [tilespmem:$0x99D0];
	v53 =	vmul.f32 v55, v17;
	v34 =	vnsel vm6, $0x0, v6;
	[tilespmem:$0x9D40] =	vst v2  }
0xca: {  	v5 =	vld [tilespmem:$0x93B0];
	v57 =	vmul.f32 v59, v24;
	[tilespmem:$0xA140] =	vst v34  }
0xcb: {  	v3 =	vld [tilespmem:$0x93C0];
	v59 =	vmul.f32 v60, v24;
	[tilespmem:$0x9F80] =	vst v53  }
0xcc: {  	v55 =	vld [tilespmem:$0x97E0];
	v63 =	vmul.f32 v26, v1;
	[tilespmem:$0x9D90] =	vst v57  }
0xcd: {  	v24 =	vld [tilespmem:$0x97F0];
	v25 =	vmul.f32 v32, v1;
	[tilespmem:$0x9F90] =	vst v59  }
0xce: {  	v60 =	vld [tilespmem:$0x9BE0];
	v44 =	vmul.f32 v52, v48;
	[tilespmem:$0x9DA0] =	vst v63  }
0xcf: {  	v26 =	vld [tilespmem:$0x99F0];
	[tilespmem:$0x9FA0] =	vst v25;
	vm15 =	vlt.s32 v46, $0x13880  }
0xd0: {  	v40 =	vld [tilespmem:$0x9810];
	vm4 =	vlt.s32 v54, $0x13880;
	[tilespmem:$0x9FD0] =	vst v44;
	v47 =	vnsel vm15, $0x0, v48  }
0xd1: {  	v45 =	vld [tilespmem:$0x9C10];
	vm5 =	vlt.s32 v61, $0x13880;
	[tilespmem:$0xA1D0] =	vst v47;
	v53 =	vnsel vm4, $0x0, v55  }
0xd2: {  	v33 =	vld [tilespmem:$0x9800];
	vm14 =	vlt.s32 v3, $0x13880;
	v59 =	vnsel vm5, $0x0, v24;
	[tilespmem:$0xA1E0] =	vst v53  }
0xd3: {  	v39 =	vld [tilespmem:$0x9410];
	v50 =	vmul.f32 v60, v55;
	v41 =	vnsel vm14, $0x0, v7;
	[tilespmem:$0xA1F0] =	vst v59  }
0xd4: {  	v37 =	vld [tilespmem:$0x9C00];
	v54 =	vmul.f32 v26, v24;
	[tilespmem:$0xA1C0] =	vst v41  }
0xd5: {  	v2 =	vld [tilespmem:$0x97B0];
	v56 =	vmul.f32 v28, v24;
	[tilespmem:$0x9FE0] =	vst v50  }
0xd6: {  	v19 =	vld [tilespmem:$0x9A40];
	vm6 =	vlt.s32 v31, $0x13880;
	[tilespmem:$0x9DF0] =	vst v54  }
0xd7: {  	v27 =	vld [tilespmem:$0x9A50];
	v20 =	vmul.f32 v45, v40;
	v17 =	vnsel vm6, $0x0, v33;
	[tilespmem:$0x9FF0] =	vst v56  }
0xd8: {  	v62 =	vld [tilespmem:$0x9440];
	vm7 =	vlt.s32 v39, $0x13880;
	[tilespmem:$0xA200] =	vst v17  }
0xd9: {  	v51 =	vld [tilespmem:$0x9A20];
	vm13 =	vlt.s32 v5, $0x13880;
	v23 =	vnsel vm7, $0x0, v40;
	[tilespmem:$0xA010] =	vst v20  }
0xda: {  	v31 =	vld [tilespmem:$0x9460];
	v61 =	vmul.f32 v37, v33;
	v35 =	vnsel vm13, $0x0, v2;
	[tilespmem:$0xA210] =	vst v23  }
0xdb: {  	v34 =	vld [tilespmem:$0x9A00];
	v30 =	vmul.f32 v36, v2;
	[tilespmem:$0xA1B0] =	vst v35  }
0xdc: {  	v57 =	vld [tilespmem:$0x9830];
	v32 =	vmul.f32 v38, v2;
	[tilespmem:$0xA000] =	vst v61  }
0xdd: {  	v63 =	vld [tilespmem:$0x9840];
	v36 =	vmul.f32 v42, v7;
	[tilespmem:$0x9DB0] =	vst v30  }
0xde: {  	v25 =	vld [tilespmem:$0x9850];
	v38 =	vmul.f32 v43, v7;
	[tilespmem:$0x9FB0] =	vst v32  }
0xdf: {  	v44 =	vld [tilespmem:$0x9C70];
	v42 =	vmul.f32 v49, v48;
	[tilespmem:$0x9DC0] =	vst v36  }
0xe0: {  	v46 =	vld [tilespmem:$0x9420];
	v48 =	vmul.f32 v58, v55;
	[tilespmem:$0x9FC0] =	vst v38  }
0xe1: {  	v60 =	vld [tilespmem:$0x9C30];
	v1 =	vmul.f32 v34, v33;
	[tilespmem:$0x9DD0] =	vst v42  }
0xe2: {  	v39 =	vld [tilespmem:$0x9870];
	v7 =	vmul.f32 v19, v63;
	[tilespmem:$0x9DE0] =	vst v48  }
0xe3: {  	v45 =	vld [tilespmem:$0x9480];
	v37 =	vmul.f32 v21, v63;
	[tilespmem:$0x9E00] =	vst v1  }
0xe4: {  	v47 =	vld [tilespmem:$0x9880];
	v41 =	vmul.f32 v27, v25;
	[tilespmem:$0x9E40] =	vst v7  }
0xe5: {  	vm11 =	vlt.s32 v22, $0x13880;
	v49 =	vld [tilespmem:$0x9820];
	[tilespmem:$0xA040] =	vst v37  }
0xe6: {  	v43 =	vld [tilespmem:$0x9A10];
	vm8 =	vlt.s32 v46, $0x13880;
	v46 =	vnsel vm11, $0x0, v25;
	[tilespmem:$0x9E50] =	vst v41;
	v32 =	vmul.f32 v60, v57  }
0xe7: {  	v33 =	vld [tilespmem:$0x9860];
	[tilespmem:$0xA250] =	vst v46;
	v53 =	vmul.f32 v44, v39  }
0xe8: {  	v52 =	vld [tilespmem:$0x9C20];
	vm14 =	vlt.s32 v45, $0x13880;
	[tilespmem:$0xA030] =	vst v32  }
0xe9: {  	v28 =	vld [tilespmem:$0x9C50];
	v60 =	vnsel vm14, $0x0, v47;
	[tilespmem:$0xA070] =	vst v53  }
0xea: {  	vm10 =	vlt.s32 v62, $0x13880;
	v58 =	vld [tilespmem:$0x9A30];
	v29 =	vnsel vm8, $0x0, v49;
	[tilespmem:$0xA280] =	vst v60  }
0xeb: {  	vm12 =	vlt.s32 v31, $0x13880;
	v55 =	vld [tilespmem:$0x9430];
	v18 =	vmul.f32 v43, v40;
	v40 =	vnsel vm10, $0x0, v63;
	[tilespmem:$0xA220] =	vst v29  }
0xec: {  	v34 =	vld [tilespmem:$0x9A60];
	v24 =	vmul.f32 v51, v49;
	v51 =	vnsel vm12, $0x0, v33;
	[tilespmem:$0xA240] =	vst v40  }
0xed: {  	v50 =	vld [tilespmem:$0x9C80];
	[tilespmem:$0xA260] =	vst v51  }
0xee: {  	v54 =	vld [tilespmem:$0x9A90];
	v26 =	vmul.f32 v52, v49;
	[tilespmem:$0x9E10] =	vst v18  }
0xef: {  	v36 =	vld [tilespmem:$0x9C60];
	v30 =	vmul.f32 v58, v57;
	[tilespmem:$0x9E20] =	vst v24  }
0xf0: {  	v42 =	vld [tilespmem:$0x9A70];
	vm9 =	vlt.s32 v55, $0x13880;
	[tilespmem:$0xA020] =	vst v26  }
0xf1: {  	v38 =	vld [tilespmem:$0x9470];
	v43 =	vmul.f32 v28, v25;
	v35 =	vnsel vm9, $0x0, v57;
	[tilespmem:$0x9E30] =	vst v30  }
0xf2: {  	v3 =	vmul.f32 v34, v33;
	v49 =	vld [tilespmem:$0x9A80];
	[tilespmem:$0xA230] =	vst v35  }
0xf3: {  	v52 =	vld [tilespmem:$0x9890];
	v59 =	vmul.f32 v50, v47;
	[tilespmem:$0xA050] =	vst v43  }
0xf4: {  	v55 =	vld [tilespmem:$0x9C90];
	v48 =	vmul.f32 v36, v33;
	[tilespmem:$0x9E60] =	vst v3  }
0xf5: {  	v58 =	vld [tilespmem:$0x9490];
	v7 =	vmul.f32 v42, v39;
	[tilespmem:$0xA080] =	vst v59  }
0xf6: {  	vm13 =	vlt.s32 v38, $0x13880;
	[tilespmem:$0xA060] =	vst v48  }
0xf7: {  	v56 =	vnsel vm13, $0x0, v39;
	[tilespmem:$0x9E70] =	vst v7;
	v57 =	vmul.f32 v49, v47  }
0xf8: {  	[tilespmem:$0xA270] =	vst v56;
	v61 =	vmul.f32 v54, v52  }
0xf9: {  	v62 =	vmul.f32 v55, v52;
	[tilespmem:$0x9E80] =	vst v57  }
0xfa: {  	vm15 =	vlt.s32 v58, $0x13880;
	[tilespmem:$0x9E90] =	vst v61  }
0xfb: {  	v63 =	vnsel vm15, $0x0, v52;
	[tilespmem:$0xA090] =	vst v62  }
0xfc: {  	s15 =	rddreg [dreg:$0x14];
	[tilespmem:$0xA290] =	vst v63  }
0xfd: {  	[spmem:s4] =	stream.indirect.scatter.add.f32 [tilespmem:s15], [sflag:$0x1], $0x1, s23, s24, $0xb8;
	[tilespmem:$0xA2A0] =	vst v63  }
0xfe: {  	_ =	swait.ge [sflag:s21], $0x80  }
0xff: {  	[sflag:s21] =	ssyncset.done $0x0  }
0x100: {  	s19 =	rddreg [dreg:$0x15];
	[sflag:s21] =	ssyncadd.s32 $0xFFFFFF80  }
0x101: {  	[spmem:s6] =	stream.indirect.scatter.add.f32 [tilespmem:s19], [sflag:$0x1], $0x1, s23, s24, $0xb8;
	[tilespmem:$0xA2A0] =	vst v63  }
0x102: {  	_ =	swait.ge [sflag:s21], $0x80  }
0x103: {  	[sflag:s21] =	ssyncset.done $0x0  }
0x104: {  	[sflag:s21] =	ssyncadd.s32 $0xFFFFFF80  }
0x105: {  	[spmem:s7] =	stream.indirect.scatter.add.f32 [tilespmem:s29], [sflag:$0x1], $0x1, s23, s24, $0xb8;
	[tilespmem:$0xA2A0] =	vst v63  }
0x106: {  	_ =	swait.ge [sflag:s21], $0x80  }
0x107: {  	[sflag:s21] =	ssyncset.done $0x0  }
0x108: {  	[sflag:s21] =	ssyncadd.s32 $0xFFFFFF80  }
0x109: {  	[spmem:s4] =	stream.indirect.scatter.add.f32 [tilespmem:s31], [sflag:$0x1], $0x1, s30, s24, $0xb8;
	[tilespmem:$0xA2A0] =	vst v63  }
0x10a: {  	_ =	swait.ge [sflag:s21], $0x80  }
0x10b: {  	[sflag:s21] =	ssyncset.done $0x0  }
0x10c: {  	[sflag:s21] =	ssyncadd.s32 $0xFFFFFF80  }
0x10d: {  	[spmem:s6] =	stream.indirect.scatter.add.f32 [tilespmem:s5], [sflag:$0x1], $0x1, s30, s24, $0xb8;
	[tilespmem:$0xA2A0] =	vst v63  }
0x10e: {  	_ =	swait.ge [sflag:s21], $0x80  }
0x10f: {  	[sflag:s21] =	ssyncset.done $0x0  }
0x110: {  	[sflag:s21] =	ssyncadd.s32 $0xFFFFFF80  }
0x111: {  	[spmem:s7] =	stream.indirect.scatter.add.f32 [tilespmem:s3], [sflag:$0x1], $0x1, s30, s24, $0xb8;
	[tilespmem:$0xA2A0] =	vst v63  }
0x112: {  	_ =	swait.ge [sflag:s21], $0x80  }
0x113: {  	[sflag:s21] =	ssyncset.done $0x0  }
0x114: {  	[sflag:s21] =	ssyncadd.s32 $0xFFFFFF80  }
0x115: {  	[spmem:s4] =	stream.indirect.scatter.add.f32 [tilespmem:s9], [sflag:$0x1], $0x1, s0, s24, $0xb8;
	[tilespmem:$0xA2A0] =	vst v63  }
0x116: {  	_ =	swait.ge [sflag:s21], $0x80  }
0x117: {  	[sflag:s21] =	ssyncset.done $0x0  }
0x118: {  	[sflag:s21] =	ssyncadd.s32 $0xFFFFFF80  }
0x119: {  	[spmem:s6] =	stream.indirect.scatter.add.f32 [tilespmem:s10], [sflag:$0x1], $0x1, s0, s24, $0xb8;
	[tilespmem:$0xA2A0] =	vst v63  }
0x11a: {  	_ =	swait.ge [sflag:s21], $0x80  }
0x11b: {  	[sflag:s21] =	ssyncset.done $0x0  }
0x11c: {  	[sflag:s21] =	ssyncadd.s32 $0xFFFFFF80  }
0x11d: {  	[spmem:s7] =	stream.indirect.scatter.add.f32 [tilespmem:s11], [sflag:$0x1], $0x1, s0, s24, $0xb8;
	[tilespmem:$0xA2A0] =	vst v63  }
0x11e: {  	_ =	swait.ge [sflag:s21], $0x80  }
0x11f: {  	[sflag:s21] =	ssyncset.done $0x0  }
0x120: {  	[sflag:s21] =	ssyncadd.s32 $0xFFFFFF80  }
0x121: {  	[spmem:s4] =	stream.indirect.scatter.add.f32 [tilespmem:s16], [sflag:$0x1], $0x1, s12, s24, $0xb8;
	[tilespmem:$0xA2A0] =	vst v63  }
0x122: {  	_ =	swait.ge [sflag:s21], $0x80  }
0x123: {  	[sflag:s21] =	ssyncset.done $0x0  }
0x124: {  	[sflag:s21] =	ssyncadd.s32 $0xFFFFFF80  }
0x125: {  	[spmem:s6] =	stream.indirect.scatter.add.f32 [tilespmem:s17], [sflag:$0x1], $0x1, s12, s24, $0xb8;
	[tilespmem:$0xA2A0] =	vst v63  }
0x126: {  	_ =	swait.ge [sflag:s21], $0x80  }
0x127: {  	p0 =	sne.s32 s13, $0x18C0;
	[sflag:s21] =	ssyncset.done $0x0  }
.Ltmp0:
0x128: {  	[sflag:s21] =	ssyncadd.s32 $0xFFFFFF80;
	(pc) =	sbr.rel @p0 .LBB2_2-.Ltmp0, $4  }
0x129: {  	[spmem:s7] =	stream.indirect.scatter.add.f32 [tilespmem:s18], [sflag:$0x1], $0x1, s12, s24, $0xb8;
	[tilespmem:$0xA2A0] =	vst v63  }
0x12a: {  	_ =	swait.ge [sflag:s21], $0x80  }
0x12b: {  	[sflag:s21] =	ssyncset.done $0x0  }
0x12c: {  	s13 =	sadd.s32 $0x40, s13;
	[sflag:s21] =	ssyncadd.s32 $0xFFFFFF80  }
0x12d: {  	[bflag:$0x0] =	sbarrier.arrive $0xFFFF  }
0x12e: {  	s14 =	rddreg [dreg:$0x1a]  }
0x12f: {  	[tilespmem:s20], [sflag:$0x1] =	stream.linear.gather [spmem:s14], $0x1870, $0x38;
	[tilespmem:$0xA2A0] =	vst v63  }
0x130: {  	_ =	swait.ge [sflag:s21], $0x1870  }
0x131: {  	[sflag:s21] =	ssyncset.done $0x0  }
0x132: {  	s13 =	rddreg [dreg:$0x1d];
	[sflag:s21] =	ssyncadd.s32 $0xFFFFE790  }
0x133: {  	[hbm4b:s13+s8] =	stream.linear.scatter [tilespmem:s20], [sflag:$0x1], $0x1870, $0x38;
	[tilespmem:$0xA2A0] =	vst v63  }
0x134: {  	_ =	swait.ge [sflag:s21], $0x1870  }
0x135: {  	[sflag:s21] =	ssyncset.done $0x0  }
0x136: {  	s15 =	rddreg [dreg:$0x1b];
	[sflag:s21] =	ssyncadd.s32 $0xFFFFE790  }
0x137: {  	[tilespmem:s20], [sflag:$0x1] =	stream.linear.gather [spmem:s15], $0x1870, $0x38;
	[tilespmem:$0xA2A0] =	vst v63  }
0x138: {  	_ =	swait.ge [sflag:s21], $0x1870  }
0x139: {  	[sflag:s21] =	ssyncset.done $0x0  }
0x13a: {  	s19 =	rddreg [dreg:$0x1e];
	[sflag:s21] =	ssyncadd.s32 $0xFFFFE790  }
0x13b: {  	[hbm4b:s19+s8] =	stream.linear.scatter [tilespmem:s20], [sflag:$0x1], $0x1870, $0x38;
	[tilespmem:$0xA2A0] =	vst v63  }
0x13c: {  	_ =	swait.ge [sflag:s21], $0x1870  }
0x13d: {  	[sflag:s21] =	ssyncset.done $0x0  }
0x13e: {  	s13 =	rddreg [dreg:$0x1c];
	[sflag:s21] =	ssyncadd.s32 $0xFFFFE790  }
0x13f: {  	[tilespmem:s20], [sflag:$0x1] =	stream.linear.gather [spmem:s13], $0x1870, $0x38;
	[tilespmem:$0xA2A0] =	vst v63  }
0x140: {  	_ =	swait.ge [sflag:s21], $0x1870  }
0x141: {  	[sflag:s21] =	ssyncset.done $0x0  }
0x142: {  	s19 =	simm.s32 $0x7A30;
	s20 =	rddreg [dreg:$0x1f];
	[sflag:s21] =	ssyncadd.s32 $0xFFFFE790  }
0x143: {  	[hbm4b:s20+s8] =	stream.linear.scatter [tilespmem:s19], [sflag:$0x1], $0x1870, $0x38;
	[tilespmem:$0xA2A0] =	vst v63  }
0x144: {  	_ =	swait.ge [sflag:s21], $0x1870  }
0x145: {  	s29 =	sld [smem:$0x7FD]  }
0x146: {  	s20 =	sld [smem:$0x7FC];
	_ =	sdelay $0x1  }
0x147: {  	s29 =	sadd.s32 $0x1, s29  }
0x148: {  	p0 =	sne.s32 s29, s20  }
.Ltmp1:
0x149: {  	_ = 	snop;
	(pc) =	sbr.rel @p0 .LBB2_1-.Ltmp1, $3  }
0x14a: {  	_ =	sdelay $0x1  }
0x14b: {  	[sflag:s21] =	ssyncset.done $0x0  }
0x14c: {  	[sflag:s21] =	ssyncadd.s32 $0xFFFFE790;
	[smem:$0x7FD] =	sst s29;
	s29 =	simm.s32 $0xA0A0  }
0x14d: {  	_ =	sfence.sel $0x180000  }
0x14e: {  	[bflag:$0x0] =	sbarrier.arrive $0xFFFF  }
0x14f: {  	_ =	strace $0x90000047  }
0x150: {  	s0 =	stileid.u32;
	[bflag:$0x2] =	sbarrier.arrive $0xFFFF  }
0x151: {  	p0 =	sne.s32 s0, $0x0;
	s0 =	rddreg [dreg:$0x7]  }
0x152: {  	s0 =	sadd.s32 @!p0 $0x100000, s0  }
0x153: {  	[sflag:s0] =	ssyncadd.tile.s32 @!p0 $0x1;
	_ =	shalt  }
.Lfunc_end2:
_tile_overlayer_lowered:
.L_overlay_start_2:
0x154: {  	(tag) =	ssettag $0x2  }
0x155: {  	s0 =	rddreg [dreg:$0x0];
	s2 =	stileid.u32  }
0x156: {  	s1 =	rddreg [dreg:$0x1];
	p0 =	sne.s32 s2, $0x0  }
0x157: {  	s3 =	rddreg [dreg:$0x2];
	[bflag:$0x3] =	sbarrier.arrive $0xFFFF;
	s2 =	simm.s32 @!p0 $0x1C01  }
0x158: {  	[timem:s3], [sflag:s2] =	dma.local @!p0 [hbm:s0], s1  }
0x159: {  	s0 =	simm.s32 @!p0 $0x1  }
0x15a: {  	_ =	swait.ge @!p0 [sflag:s0], s1  }
0x15b: {  	s1 =	ssub.s32 @!p0 $0x0, s1;
	[sflag:s0] =	ssyncset.done @!p0 $0x0  }
0x15c: {  	[sflag:s0] =	ssyncadd.s32 @!p0 s1  }
0x15d: {  	[bflag:$0x3] =	sbarrier.arrive $0xFFFF  }
0x15e: {  	_ =	shalt  }

// kernel: kernel.9.cloned.1.call-start
scs
__scs_entry_jumppad:
0x0: {  	(pc) =	sbr.rel $0x88, $3  }
0x1: {  	(tag) =	ssettag $0x0;
	lr =	simm.s32 $0x1  }
0x2: {  	[smem:$0x3F95] =	sst lr;
	_ =	strace $0xD0000000  }
0x3: {  	_ = 	snop  }
0x4: {  	_ = 	snop  }
0x5: {  	_ = 	snop  }
0x6: {  	_ = 	snop  }
0x7: {  	_ = 	snop  }
__scs_overlays_trampoline_lowered:
0x8: {  	[smem:$0x3FA4] =	sst s0  }
0x9: {  	[smem:$0x3FA5] =	sst s1  }
0xa: {  	[smem:$0x3FA6] =	sst s2  }
0xb: {  	[smem:$0x3FA7] =	sst s3  }
0xc: {  	[smem:$0x3FA8] =	sst s4  }
0xd: {  	[smem:$0x3FA9] =	sst s5  }
0xe: {  	[smem:$0x3FAA] =	sst s6  }
0xf: {  	[smem:$0x3FAB] =	sst s7  }
0x10: {  	[smem:$0x3FAC] =	sst s8  }
0x11: {  	[smem:$0x3FAD] =	sst s9;
	s0 =	simm.s32 @!p0 $0x0  }
0x12: {  	s1 =	sld [smem:$0x3F93];
	s0 =	simm.s32 @p0 $0x1  }
0x13: {  	[smem:$0x3FAE] =	sst s0;
	s0 =	simm.s32 @!p1 $0x0  }
0x14: {  	s2 =	sld [smem:$0x3F92];
	s0 =	simm.s32 @p1 $0x1  }
0x15: {  	[smem:$0x3FAF] =	sst s0;
	s0 =	simm.s32 @!p2 $0x0  }
0x16: {  	s3 =	sld [smem:$0x3FDB];
	s0 =	simm.s32 @p2 $0x1  }
0x17: {  	s4 =	simm.s32 $0x1BF5;
	[smem:$0x3FB1] =	sst s0  }
0x18: {  	s0 =	sld [smem:$0x3F94];
	_ =	swait.ge [sflag:s4], $0x0  }
0x19: {  	s7 =	sld [smem:$0x3F95]  }
0x1a: {  	s8 =	sadd.s32 $0xFFFFE003, lr  }
0x1b: {  	s9 =	sadd.s32 $0xFFFFFEF7, lr;
	s5 =	simm.s32 $0xFFFFFFFF;
	p2 =	slt.u32 s8, $0xFFFFF086  }
0x1c: {  	p1 =	slt.u32 s9, $0xF7A;
	s5 =	simm.s32 @!p2 $0x0  }
0x1d: {  	s5 =	simm.s32 @p1 $0x1;
	p0 =	seq.s32 s7, s2  }
0x1e: {  	s7 =	smul.u32 @!p0 $0xF7A, s2;
	p2 =	seq.s32 @!p0 s5, $0x0  }
0x1f: {  	s9 =	smul.u32 $0xF7A, s1;
	s8 =	simm.s32 @!p0 $0x1BF5;
	p2 =	por !p2, p0  }
0x20: {  	[sflag:s8] =	ssyncset.s32 @!p0 $0xFFFFF086;
	s6 =	sadd.s32 @!p0 s3, s7;
	s7 =	simm.s32 @!p0 $0x108  }
0x21: {  	s3 =	sadd.s32 s3, s9;
	s6 =	sadd.s32 @!p0 $0x88, s6;
	s7 =	simm.s32 @p2 $0x1082  }
0x22: {  	[simem:s7], [sflag:s8] =	dma.local @!p0 [hbm:s6], $0xF7A  }
0x23: {  	s9 =	sor.u32 $0xD0000000, s2;
	s6 =	simm.s32 $0x108;
	_ =	swait.ge @!p0 [sflag:s8], $0x0  }
0x24: {  	s3 =	sadd.s32 $0x88, s3;
	s6 =	simm.s32 @!p1 $0x1082;
	[sflag:s4] =	ssyncset.s32 $0xFFFFF086  }
0x25: {  	[simem:s6], [sflag:s4] =	dma.local [hbm:s3], $0xF7A  }
0x26: {  	[smem:$0x3F95] =	sst s1;
	(tag) =	ssettag s2;
	_ =	strace s9  }
0x27: {  	s1 =	sld [smem:$0x3FA5]  }
0x28: {  	s2 =	sld [smem:$0x3FA6]  }
0x29: {  	s4 =	sld [smem:$0x3FA8]  }
0x2a: {  	p0 =	seq.s32 s5, $0x0;
	s5 =	sld [smem:$0x3FA9]  }
0x2b: {  	s6 =	sld [smem:$0x3FAA]  }
0x2c: {  	s7 =	sld [smem:$0x3FAB]  }
0x2d: {  	s3 =	simm.s32 $0x108;
	s8 =	sld [smem:$0x3FAC]  }
0x2e: {  	s3 =	simm.s32 @!p0 $0x1082;
	s9 =	sld [smem:$0x3FAD]  }
0x2f: {  	lr =	sadd.s32 s0, s3;
	s0 =	sld [smem:$0x3FA4]  }
0x30: {  	s3 =	sld [smem:$0x3FA7]  }
0x31: {  	[smem:$0x3FB0] =	sst s10  }
0x32: {  	s10 =	sld [smem:$0x3FAE];
	_ =	sdelay $0x3  }
0x33: {  	p0 =	seq.s32 s10, $0x1;
	s10 =	sld [smem:$0x3FB0];
	_ =	sdelay $0x3  }
0x34: {  	[smem:$0x3FB0] =	sst s10  }
0x35: {  	s10 =	sld [smem:$0x3FAF];
	_ =	sdelay $0x3  }
0x36: {  	p1 =	seq.s32 s10, $0x1;
	s10 =	sld [smem:$0x3FB0];
	_ =	sdelay $0x3  }
0x37: {  	[smem:$0x3FB0] =	sst s10  }
0x38: {  	s10 =	sld [smem:$0x3FB1]  }
0x39: {  	_ = 	snop;
	(pc) =	sbr.ind lr, $3  }
0x3a: {  	_ = 	snop  }
0x3b: {  	_ = 	snop  }
0x3c: {  	p2 =	seq.s32 s10, $0x1;
	s10 =	sld [smem:$0x3FB0]  }
0x3d: {  	_ =	shalt  }
0x3e: {  	_ =	shalt  }
0x3f: {  	_ =	shalt  }
0x40: {  	_ =	shalt  }
0x41: {  	_ =	shalt  }
0x42: {  	_ =	shalt  }
0x43: {  	_ =	shalt  }
0x44: {  	_ =	shalt  }
0x45: {  	_ =	shalt  }
0x46: {  	_ =	shalt  }
0x47: {  	_ =	shalt  }
0x48: {  	_ =	shalt  }
0x49: {  	_ =	shalt  }
0x4a: {  	_ =	shalt  }
0x4b: {  	_ =	shalt  }
0x4c: {  	_ =	shalt  }
0x4d: {  	_ =	shalt  }
0x4e: {  	_ =	shalt  }
0x4f: {  	_ =	shalt  }
0x50: {  	_ =	shalt  }
0x51: {  	_ =	shalt  }
0x52: {  	_ =	shalt  }
0x53: {  	_ =	shalt  }
0x54: {  	_ =	shalt  }
0x55: {  	_ =	shalt  }
0x56: {  	_ =	shalt  }
0x57: {  	_ =	shalt  }
0x58: {  	_ =	shalt  }
0x59: {  	_ =	shalt  }
0x5a: {  	_ =	shalt  }
0x5b: {  	_ =	shalt  }
0x5c: {  	_ =	shalt  }
0x5d: {  	_ =	shalt  }
0x5e: {  	_ =	shalt  }
0x5f: {  	_ =	shalt  }
0x60: {  	_ =	shalt  }
0x61: {  	_ =	shalt  }
0x62: {  	_ =	shalt  }
0x63: {  	_ =	shalt  }
0x64: {  	_ =	shalt  }
0x65: {  	_ =	shalt  }
0x66: {  	_ =	shalt  }
0x67: {  	_ =	shalt  }
0x68: {  	_ =	shalt  }
0x69: {  	_ =	shalt  }
0x6a: {  	_ =	shalt  }
0x6b: {  	_ =	shalt  }
0x6c: {  	_ =	shalt  }
0x6d: {  	_ =	shalt  }
0x6e: {  	_ =	shalt  }
0x6f: {  	_ =	shalt  }
0x70: {  	_ =	shalt  }
0x71: {  	_ =	shalt  }
0x72: {  	_ =	shalt  }
0x73: {  	_ =	shalt  }
0x74: {  	_ =	shalt  }
0x75: {  	_ =	shalt  }
0x76: {  	_ =	shalt  }
0x77: {  	_ =	shalt  }
0x78: {  	_ =	shalt  }
0x79: {  	_ =	shalt  }
0x7a: {  	_ =	shalt  }
0x7b: {  	_ =	shalt  }
0x7c: {  	_ =	shalt  }
0x7d: {  	_ =	shalt  }
0x7e: {  	_ =	shalt  }
0x7f: {  	_ =	shalt  }
0x80: {  	_ =	shalt  }
0x81: {  	_ =	shalt  }
0x82: {  	_ =	shalt  }
0x83: {  	_ =	shalt  }
0x84: {  	_ =	shalt  }
0x85: {  	_ =	shalt  }
0x86: {  	_ =	shalt  }
0x87: {  	_ =	shalt  }
.Lfunc_end0:
.L_simem_size_0:
called_computation.1_lowered:
.L_overlay_start_0:
0x88: {  	s2 =	sld [smem:$0x3FD9]  }
0x89: {  	s3 =	sld [smem:$0x3FFE];
	_ =	sdelay $0x1  }
0x8a: {  	s1 =	srdreg.scid  }
0x8b: {  	s0 =	sand.u32 $0x1, s1  }
0x8c: {  	s17 =	sshll.u32 s0, $0xA;
	s2 =	sadd.s32 s3, s2  }
0x8d: {  	s2 =	sadd.s32 s2, s17  }
0x8e: {  	[smem:$0x3FBC] =	sst s2  }
0x8f: {  	_ = 	snop  }
0x90: {  	s2 =	sld [smem:$0x3FD0];
	(tm) =	ssettm $0x1  }
0x91: {  	s18 =	sld [smem:$0x3FFB];
	_ =	sdelay $0x3  }
0x92: {  	_ =	strace s18  }
0x93: {  	s3 =	sld [smem:$0x3FFC];
	_ =	sdelay $0x3  }
0x94: {  	_ =	strace s3  }
0x95: {  	s3 =	sld [smem:$0x3FFD];
	_ =	sdelay $0x3  }
0x96: {  	_ =	strace s3  }
0x97: {  	_ =	strace $0x8FFFFFFF  }
0x98: {  	s19 =	sld [smem:$0x3FDB];
	_ =	sdelay $0x1  }
0x99: {  	s4 =	simm.s32 $_scs_section_size  }
0x9a: {  	s5 =	simm.s32 $_size__tile_overlayer_lowered;
	s6 =	simm.s32 $_tile_overlayer_lowered  }
0x9b: {  	s22 =	simm.s32 $0x1BFF;
	s21 =	sshll.u32 s6, $0x1;
	s3 =	sadd.s32 s4, s19  }
0x9c: {  	s7 =	simm.s32 $0x0;
	s20 =	sshll.u32 s5, $0x1;
	s5 =	sadd.s32 s21, s3  }
0x9d: {  	[timem:s7], [sflag:s22] =	dma.local [hbm:s5], s20  }
0x9e: {  	_ =	swait.ge [sflag:s22], s20  }
0x9f: {  	s4 =	ssub.s32 $0x0, s20;
	[sflag:s22] =	ssyncset.done $0x0  }
0xa0: {  	[sflag:s22] =	ssyncadd.s32 s4;
	_ =	sdelay $0x1  }
0xa1: {  	s23 =	simm.s32 $0x1B8B  }
0xa2: {  	_ =	swait.ge [sflag:s23], $0x1  }
0xa3: {  	[sflag:s23] =	ssyncset.done $0x0  }
0xa4: {  	s25 =	simm.s32 $0x1B8E;
	s24 =	sld [smem:$0x3FFE];
	[sflag:s23] =	ssyncadd.s32 $0xFFFFFFFF  }
0xa5: {  	s26 =	simm.s32 $execute0_lowered;
	[smem:$0x3FD2] =	sst s25  }
0xa6: {  	s5 =	sshll.u32 s26, $0x1;
	_ =	strace $0x80000049;
	[dreg:$0x1] =	wrdreg $0xFFFFFFFF  }
0xa7: {  	s28 =	simm.s32 $_size_execute0_lowered;
	s3 =	sadd.s32 s3, s5;
	[dreg:$0x0] =	wrdreg $0x0  }
0xa8: {  	s5 =	sshll.u32 s28, $0x1;
	[dreg:$0x2] =	wrdreg s3  }
0xa9: {  	[dreg:$0x3] =	wrdreg s5  }
0xaa: {  	[dreg:$0x4] =	wrdreg $0xC0  }
0xab: {  	_ =	task [dreg:s7], $0x5FFFF  }
0xac: {  	[dreg:$0x1] =	wrdreg $0xFFFFFFFF  }
0xad: {  	[dreg:$0x0] =	wrdreg $0x60  }
0xae: {  	[dreg:$0x2] =	wrdreg s24  }
0xaf: {  	[dreg:$0x3] =	wrdreg s2  }
0xb0: {  	[dreg:$0x4] =	wrdreg $0x0  }
0xb1: {  	[dreg:$0x5] =	wrdreg $0x9  }
0xb2: {  	_ =	task.clear_ibuf [dreg:s7], $0x6FFFF;
	_ =	strace $0x90000049  }
0xb3: {  	s29 =	simm.s32 $0x9;
	_ =	strace $0x8000004B  }
0xb4: {  	_ =	swait.ge [sflag:s29], $0x1  }
0xb5: {  	[sflag:s29] =	ssyncadd.s32 $0xFFFFFFFF  }
0xb6: {  	_ =	strace $0x9000004B  }
0xb7: {  	_ =	sfence  }
0xb8: {  	s30 =	sld [smem:$0x0];
	_ =	sdelay $0x2  }
0xb9: {  	s31 =	sshll.u32 s1, $0xD;
	s1 =	sshrl.u32 s1, $0x2  }
0xba: {  	s3 =	sand.u32 $0x4000, s31;
	s1 =	sadd.s32 s1, s30  }
0xbb: {  	s0 =	sor.u32 s3, s0;
	s1 =	sshll.u32 s1, $0x11  }
0xbc: {  	s0 =	sor.u32 s1, s0  }
0xbd: {  	s0 =	sadd.s32 $0x8F2B, s0  }
0xbe: {  	[sflag:s0] =	ssyncadd.remote.s32 $0x1  }
0xbf: {  	_ =	sfence.sel $0xFFFF  }
0xc0: {  	[dreg:$0x0] =	wrdreg $0xFFFFFFFF;
	(pc) =	sbr.abs _section_cstart, $3  }
0xc1: {  	[dreg:$0x1] =	wrdreg $0xFFFFFFFF  }
0xc2: {  	_ =	task.clear_ibuf [dreg:s7], $0x2FFFF;
	_ =	strace $0x9FFFFFFF  }
0xc3: {  	(tm) =	ssettm $0x7FFFFFFF  }
tec
execute0_lowered:
.L_overlay_start_1:
0x0: {  	(tag) =	ssettag $0x1  }
0x1: {  	s0 =	rddreg [dreg:$0x0]  }
0x2: {  	s2 =	rddreg [dreg:$0x2];
	s26 =	simm.s32 $0x0  }
0x3: {  	s1 =	srdreg.scid;
	s17 =	stileid.u32;
	s29 =	simm.s32 $0x80  }
0x4: {  	s30 =	simm.s32 $0x16800;
	[smem:$0x7FF] =	sst s26;
	s5 =	sadd.s32 $0x6B000, s0  }
0x5: {  	s6 =	sadd.s32 $0x39000, s0;
	s7 =	sadd.s32 $0xC00, s0;
	s4 =	smul.u32 $0x57800, s17  }
0x6: {  	s1 =	sand.u32 $0x1, s1;
	s8 =	sadd.s32 $0x9D000, s0;
	s10 =	smul.u32 $0xAF0, s17  }
0x7: {  	s20 =	sadd.s32 $0xFEC00, s0;
	s3 =	ssub.s32 $0x2, s1;
	s11 =	smul.u32 $0x9C40, s1  }
0x8: {  	_ =	strace $0x8000004A;
	s1 =	smul.u32 $0xAF00, s1;
	s9 =	sshrl.u32 s3, $0x1  }
0x9: {  	s4 =	sshrl.u32 s4, $0x2;
	s21 =	sadd.s32 $0x400, s10;
	s14 =	sadd.s32 $0x600, s10  }
0xa: {  	s24 =	sadd.s32 $0x800, s10;
	s25 =	sadd.s32 $0xA00, s10;
	s3 =	ssub.s32 s3, s9  }
0xb: {  	s18 =	sadd.s32 s4, s2;
	s9 =	sadd.s32 $0x200, s10;
	s13 =	sshll.u32 s21, $0x5  }
0xc: {  	s23 =	sshll.u32 s14, $0x5;
	s15 =	sshll.u32 s24, $0x5;
	s16 =	sshll.u32 s25, $0x5  }
0xd: {  	s10 =	sadd.s32 s10, s1;
	s14 =	sadd.s32 s1, s14;
	s12 =	sshll.u32 s9, $0x5  }
0xe: {  	s19 =	sadd.s32 s13, s2;
	s28 =	sadd.s32 s23, s2;
	s31 =	sadd.s32 s15, s2  }
0xf: {  	s0 =	sadd.s32 s16, s2;
	s15 =	smul.u32 $0x19000, s17;
	s4 =	sadd.s32 s1, s9  }
0x10: {  	s9 =	sadd.s32 s1, s21;
	s13 =	sadd.s32 $0x9C40, s11;
	s10 =	sshll.u32 s10, $0x2  }
0x11: {  	s16 =	simm.s32 $0x15F80;
	s17 =	simm.s32 $0x19800;
	[dreg:$0x7] =	wrdreg s28  }
0x12: {  	v0 =	vmov s11;
	s11 =	simm.s32 $0x1D800;
	s22 =	sadd.s32 s12, s2;
	[dreg:$0x8] =	wrdreg s31  }
0x13: {  	s12 =	sadd.s32 s1, s24;
	s1 =	sadd.s32 s1, s25;
	[dreg:$0x9] =	wrdreg s0  }
0x14: {  	s4 =	sshll.u32 s4, $0x2;
	s10 =	sadd.s32 s20, s10;
	[dreg:$0x5] =	wrdreg s22  }
0x15: {  	s21 =	sshll.u32 s9, $0x2;
	s25 =	smax.u32 s3, $0x1;
	[dreg:$0xa] =	wrdreg s10  }
0x16: {  	s9 =	simm.s32 $0x1C800;
	s3 =	simm.s32 $0x0;
	[dreg:$0x10] =	wrdreg s25  }
0x17: {  	s4 =	sadd.s32 s20, s4;
	s22 =	sshll.u32 s14, $0x2;
	[dreg:$0x11] =	wrdreg s3  }
0x18: {  	s14 =	smov.u32 s19;
	s23 =	sshll.u32 s12, $0x2;
	[dreg:$0xb] =	wrdreg s4  }
0x19: {  	v1 =	vmov s13;
	s12 =	smov.u32 s18;
	s1 =	sshll.u32 s1, $0x2;
	s13 =	rddreg [dreg:$0x5]  }
0x1a: {  	s25 =	simm.s32 $0x15E00;
	s18 =	simm.s32 $0x1;
	[dreg:$0x4] =	wrdreg s12  }
0x1b: {  	s19 =	simm.s32 $0x16400;
	s4 =	sadd.s32 s20, s21;
	[dreg:$0x6] =	wrdreg s14  }
0x1c: {  	s10 =	simm.s32 $0x16580;
	s24 =	sadd.s32 s20, s23;
	[dreg:$0xc] =	wrdreg s4  }
0x1d: {  	s1 =	sadd.s32 s20, s1;
	s23 =	simm.s32 $0x1A800;
	[dreg:$0xe] =	wrdreg s24  }
0x1e: {  	s21 =	simm.s32 $0x1B800;
	s4 =	sadd.s32 s20, s22;
	[dreg:$0xf] =	wrdreg s1  }
0x1f: {  	s24 =	simm.s32 $0x2;
	s1 =	simm.s32 $0x18800;
	s20 =	simm.s32 $0x16480  }
0x20: {  	v2 =	vlaneseq.u32;
	s22 =	simm.s32 $0x16500;
	[dreg:$0xd] =	wrdreg s4;
	s4 =	simm.s32 $0x15F00  }
.LBB2_1:
0x21: {  	s3 =	rddreg [dreg:$0x1]  }
0x22: {  	[tilespmem:s23], [sflag:$0x2] =	stream.linear.gather [hbm4b:s3+s26], $0x4000, $0x38;
	[tilespmem:$0x1E800] =	vst v63  }
0x23: {  	_ =	swait.ge [sflag:s24], $0x4000  }
0x24: {  	[sflag:s24] =	ssyncset.done $0x0  }
0x25: {  	[sflag:s24] =	ssyncadd.s32 $0xFFFFC000  }
0x26: {  	[spmem:s12] =	stream.linear.scatter [tilespmem:s23], [sflag:$0x2], $0x4000, $0x38;
	[tilespmem:$0x1E800] =	vst v63  }
0x27: {  	_ =	swait.ge [sflag:s24], $0x4000  }
0x28: {  	[sflag:s24] =	ssyncset.done $0x0  }
0x29: {  	[sflag:s24] =	ssyncadd.s32 $0xFFFFC000  }
0x2a: {  	[spmem:s13] =	stream.linear.scatter [tilespmem:s23], [sflag:$0x2], $0x4000, $0x38;
	[tilespmem:$0x1E800] =	vst v63  }
0x2b: {  	_ =	swait.ge [sflag:s24], $0x4000  }
0x2c: {  	[sflag:s24] =	ssyncset.done $0x0  }
0x2d: {  	[sflag:s24] =	ssyncadd.s32 $0xFFFFC000  }
0x2e: {  	[spmem:s14] =	stream.linear.scatter [tilespmem:s23], [sflag:$0x2], $0x4000, $0x38;
	[tilespmem:$0x1E800] =	vst v63  }
0x2f: {  	_ =	swait.ge [sflag:s24], $0x4000  }
0x30: {  	[sflag:s24] =	ssyncset.done $0x0  }
0x31: {  	[sflag:s24] =	ssyncadd.s32 $0xFFFFC000  }
0x32: {  	[spmem:s28] =	stream.linear.scatter [tilespmem:s23], [sflag:$0x2], $0x4000, $0x38;
	[tilespmem:$0x1E800] =	vst v63  }
0x33: {  	_ =	swait.ge [sflag:s24], $0x4000  }
0x34: {  	[sflag:s24] =	ssyncset.done $0x0  }
0x35: {  	[sflag:s24] =	ssyncadd.s32 $0xFFFFC000  }
0x36: {  	[spmem:s31] =	stream.linear.scatter [tilespmem:s23], [sflag:$0x2], $0x4000, $0x38;
	[tilespmem:$0x1E800] =	vst v63  }
0x37: {  	_ =	swait.ge [sflag:s24], $0x4000  }
0x38: {  	[sflag:s24] =	ssyncset.done $0x0  }
0x39: {  	[sflag:s24] =	ssyncadd.s32 $0xFFFFC000  }
0x3a: {  	[spmem:s0] =	stream.linear.scatter [tilespmem:s23], [sflag:$0x2], $0x1E00, $0x38;
	[tilespmem:$0x1E800] =	vst v63  }
0x3b: {  	_ =	swait.ge [sflag:s24], $0x1E00  }
0x3c: {  	[sflag:s24] =	ssyncset.done $0x0  }
0x3d: {  	s13 =	simm.s32 $0x0;
	s28 =	simm.s32 $0x16200;
	[sflag:s24] =	ssyncadd.s32 $0xFFFFE200  }
0x3e: {  	s31 =	simm.s32 $0x15E80;
	s0 =	simm.s32 $0x16000;
	[bflag:$0x0] =	sbarrier.arrive $0xFFFF  }
.LBB2_2:
0x3f: {  	s3 =	sshll.u32 s13, $0x9  }
0x40: {  	s12 =	sadd.s32 s15, s3  }
0x41: {  	s12 =	sshrl.u32 s12, $0x3  }
0x42: {  	s14 =	simm.s32 $0x0;
	s26 =	sadd.s32 s5, s12  }
0x43: {  	[tilespmem:s25], [sflag:$0x2] =	stream.linear.gather [hbm4b:s26+s14], $0x200, $0x38;
	[tilespmem:$0x1E800] =	vst v63  }
0x44: {  	_ =	swait.ge [sflag:s24], $0x200  }
0x45: {  	[sflag:s24] =	ssyncset.done $0x0  }
0x46: {  	v4 =	vor.u32 s3, v2;
	s26 =	sadd.s32 s6, s12;
	[sflag:s24] =	ssyncadd.s32 $0xFFFFFE00  }
0x47: {  	v5 =	vmulhi.u32 $0x5D9F7391, v4;
	[tilespmem:s0], [sflag:$0x2] =	stream.linear.gather [hbm4b:s26+s14], $0x200, $0x38;
	[tilespmem:$0x1E800] =	vst v63  }
0x48: {  	s26 =	sor.u32 $0x10, s3;
	_ =	swait.ge [sflag:s24], $0x200  }
0x49: {  	v5 =	vshrl.u32 v5, $0xE;
	v8 =	vor.u32 s26, v2;
	s26 =	sor.u32 $0x20, s3;
	[sflag:s24] =	ssyncset.done $0x0  }
0x4a: {  	s12 =	sadd.s32 s7, s12;
	v5 =	vmul.u32 $0xAF00, v5;
	v10 =	vor.u32 s26, v2;
	s26 =	sor.u32 $0x30, s3;
	[sflag:s24] =	ssyncadd.s32 $0xFFFFFE00  }
0x4b: {  	v9 =	vmulhi.u32 $0x5D9F7391, v8;
	[tilespmem:s28], [sflag:$0x2] =	stream.linear.gather [hbm4b:s12+s14], $0x200, $0x38;
	[tilespmem:$0x1E800] =	vst v63  }
0x4c: {  	v4 =	vsub.s32 v4, v5;
	v13 =	vor.u32 s26, v2;
	s26 =	sor.u32 $0x40, s3;
	_ =	swait.ge [sflag:s24], $0x200  }
0x4d: {  	v11 =	vmulhi.u32 $0x5D9F7391, v10;
	v5 =	vshrl.u32 v9, $0xE;
	v15 =	vor.u32 s26, v2;
	s26 =	sor.u32 $0x50, s3;
	[sflag:s24] =	ssyncset.done $0x0  }
0x4e: {  	v14 =	vmulhi.u32 $0x5D9F7391, v13;
	v5 =	vmul.u32 $0xAF00, v5;
	v16 =	vor.u32 s26, v2;
	s26 =	sor.u32 $0x60, s3;
	[sflag:s24] =	ssyncadd.s32 $0xFFFFFE00  }
0x4f: {  	v18 =	vmulhi.u32 $0x5D9F7391, v16;
	v48 =	vor.u32 s26, v2;
	s26 =	sor.u32 $0x70, s3;
	v3 =	vld [tilespmem:$0x16000]  }
0x50: {  	v5 =	vsub.s32 v8, v5;
	v19 =	vmulhi.u32 $0x5D9F7391, v48;
	v50 =	vor.u32 s26, v2;
	s26 =	sor.u32 $0x80, s3;
	v6 =	vld [tilespmem:$0x16010]  }
0x51: {  	v8 =	vshrl.u32 v11, $0xE;
	v9 =	vld [tilespmem:$0x16020];
	v21 =	vmulhi.u32 $0x5D9F7391, v50;
	v22 =	vor.u32 s26, v2;
	s26 =	sor.u32 $0x90, s3  }
0x52: {  	v11 =	vld [tilespmem:$0x16030];
	v46 =	vshrl.u32 v18, $0xE;
	v23 =	vmulhi.u32 $0x5D9F7391, v22;
	v26 =	vor.u32 s26, v2  }
0x53: {  	v47 =	vld [tilespmem:$0x16060];
	v49 =	vshrl.u32 v19, $0xE;
	s26 =	sor.u32 $0xA0, s3;
	v51 =	vshrl.u32 v21, $0xE;
	v27 =	vmulhi.u32 $0x5D9F7391, v26  }
0x54: {  	v20 =	vld [tilespmem:$0x16070];
	v60 =	vor.u32 s26, v2;
	s26 =	sor.u32 $0xB0, s3;
	v18 =	vmul.u32 $0xAF00, v51;
	v54 =	vshrl.u32 v23, $0xE  }
0x55: {  	v52 =	vld [tilespmem:$0x16080];
	v61 =	vmulhi.u32 $0x5D9F7391, v60;
	v63 =	vor.u32 s26, v2;
	s26 =	sor.u32 $0xC0, s3;
	v55 =	vmul.u32 $0xAF00, v54  }
0x56: {  	v56 =	vld [tilespmem:$0x16090];
	v58 =	vshrl.u32 v27, $0xE;
	v30 =	vmulhi.u32 $0x5D9F7391, v63;
	v42 =	vor.u32 s26, v2  }
0x57: {  	v28 =	vld [tilespmem:$0x160A0];
	vm0 =	vge.s32 v3, v0;
	vm1 =	vlt.s32 v3, v1;
	v3 =	vsub.s32 v3, v0  }
0x58: {  	v62 =	vld [tilespmem:$0x160B0];
	vm5 =	vge.s32 v6, v0;
	vm2 =	vlt.s32 v6, v1;
	v6 =	vsub.s32 v6, v0  }
0x59: {  	v33 =	vld [tilespmem:$0x160D0];
	vm7 =	vge.s32 v9, v0;
	vm8 =	vlt.s32 v9, v1;
	v9 =	vsub.s32 v9, v0  }
0x5a: {  	vm9 =	vge.s32 v11, v0;
	vm10 =	vlt.s32 v11, v1;
	v11 =	vsub.s32 v11, v0  }
0x5b: {  	vm4 =	vge.s32 v47, v0;
	v53 =	vsub.s32 v20, v0;
	v18 =	vsub.s32 v50, v18  }
0x5c: {  	v7 =	vld [tilespmem:$0x16200];
	v57 =	vsub.s32 v52, v0;
	v21 =	vmul.u32 $0xAF00, v58;
	v23 =	vsub.s32 v56, v0  }
0x5d: {  	s26 =	sor.u32 $0xD0, s3;
	v37 =	vsub.s32 v28, v0;
	v31 =	vmulhi.u32 $0x5D9F7391, v42;
	v32 =	vsub.s32 v62, v0  }
0x5e: {  	v45 =	vor.u32 s26, v2;
	v50 =	vsub.s32 v33, v0;
	vm0 =	vmand vm0, vm1  }
0x5f: {  	s26 =	sor.u32 $0xE0, s3;
	vm6 =	vmand vm5, vm2;
	vm1 =	vmand vm7, vm8;
	vm5 =	vlt.s32 v47, v1  }
0x60: {  	v54 =	vld [tilespmem:$0x160F0];
	vm7 =	vlt.s32 v20, v1;
	v39 =	vshrl.u32 v30, $0xE;
	v34 =	vor.u32 s26, v2  }
0x61: {  	v4 =	vsel vm0, v3, v4;
	v3 =	vnsel vm0, $0x0, v7;
	v7 =	vld [tilespmem:$0x16210];
	v5 =	vsel vm6, v6, v5  }
0x62: {  	v12 =	vld [tilespmem:$0x16220];
	v6 =	vmul.u32 $0xAF00, v8;
	vm0 =	vmand vm9, vm10;
	vm9 =	vge.s32 v52, v0  }
0x63: {  	v41 =	vld [tilespmem:$0x160C0];
	vm10 =	vlt.s32 v52, v1;
	v43 =	vshrl.u32 v31, $0xE;
	v35 =	vmulhi.u32 $0x5D9F7391, v34  }
0x64: {  	v21 =	vsub.s32 v26, v21;
	v27 =	vmul.u32 $0xAF00, v43;
	v6 =	vsub.s32 v10, v6;
	v10 =	vld [tilespmem:$0x16040]  }
0x65: {  	v40 =	vmul.u32 $0xAF00, v39;
	[tilespmem:$0x16410] =	vst v5;
	v52 =	vshrl.u32 v35, $0xE;
	v5 =	vsub.s32 v54, v0  }
0x66: {  	v24 =	vld [tilespmem:$0x16270];
	v27 =	vsub.s32 v42, v27;
	v8 =	vnsel vm6, $0x0, v7;
	v7 =	vsel vm1, v9, v6  }
0x67: {  	v9 =	vshrl.u32 v14, $0xE;
	v6 =	vnsel vm1, $0x0, v12;
	vm6 =	vge.s32 v20, v0  }
0x68: {  	v14 =	vld [tilespmem:$0x16230];
	v12 =	vmulhi.u32 $0x5D9F7391, v15;
	v9 =	vmul.u32 $0xAF00, v9;
	vm8 =	vmand vm6, vm7  }
0x69: {  	vm6 =	vge.s32 v41, v0;
	vm7 =	vlt.s32 v41, v1;
	vm11 =	vge.s32 v10, v0  }
0x6a: {  	v12 =	vshrl.u32 v12, $0xE;
	vm12 =	vlt.s32 v10, v1;
	v10 =	vsub.s32 v10, v0  }
0x6b: {  	v20 =	vnsel vm8, $0x0, v24;
	v9 =	vsub.s32 v13, v9;
	v13 =	vld [tilespmem:$0x16050];
	v17 =	vmul.u32 $0xAF00, v12  }
0x6c: {  	vm13 =	vmand vm11, vm12;
	vm11 =	vge.s32 v56, v0;
	vm12 =	vlt.s32 v56, v1  }
0x6d: {  	v12 =	vsel vm0, v11, v9;
	v11 =	vld [tilespmem:$0x16240];
	v9 =	vnsel vm0, $0x0, v14;
	v14 =	vsub.s32 v15, v17  }
0x6e: {  	vm0 =	vmand vm4, vm5;
	v17 =	vsub.s32 v47, v0;
	vm4 =	vge.s32 v62, v0  }
0x6f: {  	v15 =	vld [tilespmem:$0x16250];
	v10 =	vsel vm13, v10, v14;
	v14 =	vmul.u32 $0xAF00, v46;
	v46 =	vmulhi.u32 $0x5D9F7391, v45  }
0x70: {  	vm5 =	vlt.s32 v62, v1;
	vm14 =	vge.s32 v13, v0;
	vm15 =	vlt.s32 v13, v1  }
0x71: {  	v36 =	vld [tilespmem:$0x162A0];
	v13 =	vsub.s32 v13, v0;
	v16 =	vsub.s32 v16, v14;
	v47 =	vshrl.u32 v46, $0xE  }
0x72: {  	vm1 =	vmand vm14, vm15;
	v14 =	vnsel vm13, $0x0, v11;
	vm13 =	vge.s32 v28, v0  }
0x73: {  	vm14 =	vlt.s32 v28, v1;
	v30 =	vmul.u32 $0xAF00, v47;
	v13 =	vsel vm1, v13, v16  }
0x74: {  	v25 =	vld [tilespmem:$0x16280];
	v11 =	vnsel vm1, $0x0, v15;
	v16 =	vmul.u32 $0xAF00, v49;
	vm1 =	vmand vm9, vm10  }
0x75: {  	v42 =	vld [tilespmem:$0x16160];
	vm15 =	vmand vm13, vm14;
	vm9 =	vlt.s32 v33, v1;
	vm13 =	vge.s32 v54, v0  }
0x76: {  	[tilespmem:$0x16630] =	vst v9;
	v9 =	vld [tilespmem:$0x16120];
	vm14 =	vlt.s32 v54, v1;
	v26 =	vnsel vm15, $0x0, v36;
	v16 =	vsub.s32 v48, v16  }
0x77: {  	v15 =	vld [tilespmem:$0x16260];
	v30 =	vsub.s32 v45, v30;
	v16 =	vsel vm0, v17, v16;
	v17 =	vsel vm8, v53, v18  }
0x78: {  	v38 =	vld [tilespmem:$0x162B0];
	v18 =	vsub.s32 v22, v55;
	v22 =	vshrl.u32 v61, $0xE;
	vm8 =	vge.s32 v33, v0  }
0x79: {  	v59 =	vld [tilespmem:$0x16290];
	v53 =	vmul.u32 $0xAF00, v52;
	v19 =	vsel vm1, v57, v18;
	v18 =	vnsel vm1, $0x0, v25  }
0x7a: {  	[tilespmem:$0x16610] =	vst v8;
	v36 =	vld [tilespmem:$0x162D0];
	v29 =	vmul.u32 $0xAF00, v22;
	vm1 =	vmand vm4, vm5;
	vm10 =	vmand vm8, vm9  }
0x7b: {  	v8 =	vld [tilespmem:$0x16110];
	[tilespmem:$0x16640] =	vst v14;
	vm8 =	vge.s32 v9, v0;
	vm9 =	vlt.s32 v9, v1;
	v9 =	vsub.s32 v9, v0  }
0x7c: {  	v14 =	vld [tilespmem:$0x16130];
	[tilespmem:$0x16460] =	vst v16;
	v16 =	vsub.s32 v42, v0;
	v15 =	vnsel vm0, $0x0, v15;
	vm0 =	vmand vm11, vm12  }
0x7d: {  	v44 =	vld [tilespmem:$0x162C0];
	v24 =	vnsel vm1, $0x0, v38;
	v28 =	vsel vm10, v50, v30;
	v30 =	vsub.s32 v34, v53  }
0x7e: {  	v48 =	vld [tilespmem:$0x160E0];
	v22 =	vsel vm0, v23, v21;
	v21 =	vnsel vm0, $0x0, v59;
	v25 =	vsub.s32 v60, v29  }
0x7f: {  	vm0 =	vmand vm6, vm7;
	v29 =	vsub.s32 v41, v0;
	v56 =	vnsel vm10, $0x0, v36  }
0x80: {  	v55 =	vld [tilespmem:$0x16100];
	vm6 =	vge.s32 v8, v0;
	vm7 =	vlt.s32 v8, v1;
	v8 =	vsub.s32 v8, v0  }
0x81: {  	v58 =	vld [tilespmem:$0x162F0];
	s26 =	sor.u32 $0xF0, s3;
	vm10 =	vge.s32 v14, v0;
	v23 =	vsel vm15, v37, v25;
	v25 =	vsub.s32 v63, v40  }
0x82: {  	v29 =	vsel vm0, v29, v27;
	v49 =	vnsel vm0, $0x0, v44;
	v37 =	vor.u32 s26, v2  }
0x83: {  	v51 =	vld [tilespmem:$0x162E0];
	vm11 =	vge.s32 v48, v0;
	vm12 =	vlt.s32 v48, v1;
	vm0 =	vmand vm13, vm14  }
0x84: {  	v39 =	vld [tilespmem:$0x16150];
	[tilespmem:$0x16400] =	vst v4;
	s26 =	sor.u32 $0x100, s3;
	v25 =	vsel vm1, v32, v25;
	v38 =	vmulhi.u32 $0x5D9F7391, v37;
	vm1 =	vmand vm11, vm12  }
0x85: {  	[tilespmem:$0x16620] =	vst v6;
	v47 =	vld [tilespmem:$0x16170];
	v32 =	vsub.s32 v48, v0;
	v59 =	vor.u32 s26, v2;
	vm15 =	vge.s32 v55, v0  }
0x86: {  	[tilespmem:$0x16430] =	vst v12;
	v54 =	vld [tilespmem:$0x16180];
	vm4 =	vlt.s32 v55, v1;
	v6 =	vnsel vm0, $0x0, v58;
	v12 =	vsub.s32 v55, v0  }
0x87: {  	[tilespmem:$0x16600] =	vst v3;
	v61 =	vld [tilespmem:$0x16300];
	s26 =	sor.u32 $0x110, s3;
	vm11 =	vlt.s32 v14, v1;
	v14 =	vsub.s32 v14, v0;
	v30 =	vsel vm1, v32, v30  }
0x88: {  	[tilespmem:$0x16660] =	vst v15;
	v15 =	vld [tilespmem:$0x16140];
	v4 =	vnsel vm1, $0x0, v51;
	v3 =	vmulhi.u32 $0x5D9F7391, v59;
	v60 =	vor.u32 s26, v2  }
0x89: {  	vm5 =	vmand vm15, vm4;
	vm1 =	vmand vm6, vm7;
	vm12 =	vmand vm10, vm11  }
0x8a: {  	[tilespmem:$0x16420] =	vst v7;
	vm15 =	vge.s32 v39, v0;
	vm4 =	vlt.s32 v39, v1;
	vm6 =	vlt.s32 v42, v1  }
0x8b: {  	[tilespmem:$0x166F0] =	vst v6;
	v6 =	vsub.s32 v47, v0;
	vm10 =	vge.s32 v54, v0;
	vm11 =	vlt.s32 v54, v1  }
0x8c: {  	[tilespmem:$0x16450] =	vst v13;
	v57 =	vshrl.u32 v38, $0xE;
	v7 =	vmulhi.u32 $0x5D9F7391, v60;
	v13 =	vnsel vm5, $0x0, v61  }
0x8d: {  	v32 =	vmul.u32 $0xAF00, v57;
	v3 =	vshrl.u32 v3, $0xE;
	vm13 =	vge.s32 v15, v0  }
0x8e: {  	vm14 =	vlt.s32 v15, v1;
	v3 =	vmul.u32 $0xAF00, v3;
	v7 =	vshrl.u32 v7, $0xE  }
0x8f: {  	[tilespmem:$0x16670] =	vst v20;
	v62 =	vld [tilespmem:$0x16310];
	v15 =	vsub.s32 v15, v0;
	v32 =	vsub.s32 v37, v32;
	v7 =	vmul.u32 $0xAF00, v7  }
0x90: {  	[tilespmem:$0x16440] =	vst v10;
	v51 =	vld [tilespmem:$0x16360];
	v5 =	vsel vm0, v5, v32;
	v3 =	vsub.s32 v59, v3;
	vm0 =	vmand vm8, vm9  }
0x91: {  	[tilespmem:$0x16650] =	vst v11;
	s26 =	sor.u32 $0x120, s3;
	vm8 =	vge.s32 v47, v0;
	vm9 =	vlt.s32 v47, v1;
	v3 =	vsel vm5, v12, v3  }
0x92: {  	[tilespmem:$0x166D0] =	vst v56;
	v56 =	vld [tilespmem:$0x16190];
	v12 =	vor.u32 s26, v2;
	v7 =	vsub.s32 v60, v7;
	s26 =	sor.u32 $0x130, s3;
	vm5 =	vge.s32 v42, v0  }
0x93: {  	[tilespmem:$0x166A0] =	vst v26;
	v38 =	vld [tilespmem:$0x16340];
	v10 =	vmulhi.u32 $0x5D9F7391, v12;
	v7 =	vsel vm1, v8, v7;
	v63 =	vor.u32 s26, v2;
	s26 =	sor.u32 $0x140, s3  }
0x94: {  	[tilespmem:$0x16470] =	vst v17;
	vm7 =	vmand vm5, vm6;
	v35 =	vmulhi.u32 $0x5D9F7391, v63;
	v36 =	vor.u32 s26, v2  }
0x95: {  	[tilespmem:$0x16500] =	vst v3;
	s26 =	sor.u32 $0x150, s3;
	v3 =	vnsel vm7, $0x0, v51;
	v8 =	vshrl.u32 v10, $0xE;
	v10 =	vnsel vm1, $0x0, v62  }
0x96: {  	[tilespmem:$0x16480] =	vst v19;
	v37 =	vmulhi.u32 $0x5D9F7391, v36;
	v40 =	vor.u32 s26, v2;
	vm1 =	vmand vm13, vm14  }
0x97: {  	v11 =	vld [tilespmem:$0x16320];
	[tilespmem:$0x16680] =	vst v18;
	s26 =	sor.u32 $0x160, s3;
	vm13 =	vlt.s32 v56, v1;
	v8 =	vmul.u32 $0xAF00, v8;
	v41 =	vmulhi.u32 $0x5D9F7391, v40  }
0x98: {  	v18 =	vnsel vm1, $0x0, v38;
	v44 =	vor.u32 s26, v2;
	s26 =	sor.u32 $0x170, s3;
	[tilespmem:$0x16710] =	vst v10;
	v10 =	vsub.s32 v54, v0  }
0x99: {  	v43 =	vld [tilespmem:$0x16350];
	[tilespmem:$0x166B0] =	vst v24;
	v17 =	vshrl.u32 v37, $0xE;
	v45 =	vmulhi.u32 $0x5D9F7391, v44;
	v48 =	vor.u32 s26, v2  }
0x9a: {  	[tilespmem:$0x166C0] =	vst v49;
	s26 =	sor.u32 $0x180, s3;
	v8 =	vsub.s32 v12, v8;
	v12 =	vshrl.u32 v35, $0xE;
	v49 =	vmulhi.u32 $0x5D9F7391, v48  }
0x9b: {  	[tilespmem:$0x164D0] =	vst v28;
	v55 =	vor.u32 s26, v2;
	v12 =	vmul.u32 $0xAF00, v12;
	v8 =	vsel vm0, v9, v8  }
0x9c: {  	[tilespmem:$0x16490] =	vst v22;
	s26 =	sor.u32 $0x190, s3;
	v9 =	vnsel vm0, $0x0, v11;
	vm0 =	vmand vm15, vm4;
	v46 =	vshrl.u32 v45, $0xE  }
0x9d: {  	[tilespmem:$0x164F0] =	vst v5;
	v5 =	vmulhi.u32 $0x5D9F7391, v55;
	v58 =	vor.u32 s26, v2;
	v19 =	vmul.u32 $0xAF00, v46  }
0x9e: {  	[tilespmem:$0x16510] =	vst v7;
	s26 =	sor.u32 $0x1A0, s3;
	v50 =	vnsel vm0, $0x0, v43;
	v24 =	vshrl.u32 v49, $0xE;
	v7 =	vmulhi.u32 $0x5D9F7391, v58  }
0x9f: {  	[tilespmem:$0x16690] =	vst v21;
	v11 =	vld [tilespmem:$0x16330];
	v59 =	vor.u32 s26, v2;
	v12 =	vsub.s32 v63, v12;
	v53 =	vmul.u32 $0xAF00, v24  }
0xa0: {  	[tilespmem:$0x16720] =	vst v9;
	v5 =	vshrl.u32 v5, $0xE;
	v9 =	vmulhi.u32 $0x5D9F7391, v59;
	v12 =	vsel vm12, v14, v12  }
0xa1: {  	[tilespmem:$0x166E0] =	vst v4;
	v14 =	vmul.u32 $0xAF00, v17;
	v17 =	vsub.s32 v39, v0;
	v19 =	vsub.s32 v44, v19  }
0xa2: {  	[tilespmem:$0x16520] =	vst v8;
	v8 =	vld [tilespmem:$0x161A0];
	v5 =	vmul.u32 $0xAF00, v5;
	v7 =	vshrl.u32 v7, $0xE;
	v4 =	vsel vm7, v16, v19  }
0xa3: {  	[tilespmem:$0x164A0] =	vst v23;
	v16 =	vsub.s32 v48, v53;
	v7 =	vmul.u32 $0xAF00, v7;
	v9 =	vshrl.u32 v9, $0xE  }
0xa4: {  	v52 =	vld [tilespmem:$0x16370];
	[tilespmem:$0x164C0] =	vst v29;
	v14 =	vsub.s32 v36, v14;
	v11 =	vnsel vm12, $0x0, v11;
	v5 =	vsub.s32 v55, v5  }
0xa5: {  	[tilespmem:$0x164B0] =	vst v25;
	vm12 =	vge.s32 v56, v0;
	v9 =	vmul.u32 $0xAF00, v9;
	v14 =	vsel vm1, v15, v14  }
0xa6: {  	v60 =	vld [tilespmem:$0x163A0];
	[tilespmem:$0x16530] =	vst v12;
	v15 =	vshrl.u32 v41, $0xE;
	vm1 =	vmand vm8, vm9;
	vm14 =	vmand vm12, vm13  }
0xa7: {  	v12 =	vld [tilespmem:$0x16390];
	[tilespmem:$0x16730] =	vst v11;
	v11 =	vsub.s32 v56, v0;
	v7 =	vsub.s32 v58, v7;
	vm15 =	vge.s32 v8, v0  }
0xa8: {  	[tilespmem:$0x164E0] =	vst v30;
	vm4 =	vlt.s32 v8, v1;
	v8 =	vsub.s32 v8, v0;
	v15 =	vmul.u32 $0xAF00, v15  }
0xa9: {  	[tilespmem:$0x16700] =	vst v13;
	s26 =	sor.u32 $0x1B0, s3;
	v6 =	vsel vm1, v6, v16;
	v13 =	vnsel vm1, $0x0, v52;
	v7 =	vsel vm14, v11, v7  }
0xaa: {  	v57 =	vld [tilespmem:$0x16380];
	[tilespmem:$0x16540] =	vst v14;
	v14 =	vor.u32 s26, v2;
	vm1 =	vmand vm15, vm4;
	v9 =	vsub.s32 v59, v9  }
0xab: {  	[tilespmem:$0x16560] =	vst v4;
	v11 =	vld [tilespmem:$0x161B0];
	s26 =	sor.u32 $0x1C0, s3;
	v61 =	vmulhi.u32 $0x5D9F7391, v14;
	v8 =	vsel vm1, v8, v9;
	v4 =	vnsel vm1, $0x0, v60  }
0xac: {  	[tilespmem:$0x16760] =	vst v3;
	v63 =	vor.u32 s26, v2;
	v15 =	vsub.s32 v40, v15;
	v12 =	vnsel vm14, $0x0, v12  }
0xad: {  	v62 =	vld [tilespmem:$0x163B0];
	s26 =	sor.u32 $0x1D0, s3;
	[tilespmem:$0x16770] =	vst v13;
	v3 =	vmulhi.u32 $0x5D9F7391, v63;
	v15 =	vsel vm0, v17, v15;
	vm0 =	vmand vm10, vm11  }
0xae: {  	v13 =	vor.u32 s26, v2;
	v9 =	vshrl.u32 v61, $0xE;
	v5 =	vsel vm0, v10, v5;
	[tilespmem:$0x16550] =	vst v15;
	v15 =	vld [tilespmem:$0x161C0]  }
0xaf: {  	[tilespmem:$0x16740] =	vst v18;
	v10 =	vnsel vm0, $0x0, v57;
	v9 =	vmul.u32 $0xAF00, v9;
	v3 =	vshrl.u32 v3, $0xE  }
0xb0: {  	[tilespmem:$0x16570] =	vst v6;
	vm5 =	vge.s32 v11, v0;
	vm6 =	vlt.s32 v11, v1;
	v6 =	vsub.s32 v11, v0  }
0xb1: {  	v11 =	vld [tilespmem:$0x161D0];
	[tilespmem:$0x16580] =	vst v5;
	v3 =	vmul.u32 $0xAF00, v3;
	vm0 =	vmand vm5, vm6;
	v9 =	vsub.s32 v14, v9  }
0xb2: {  	v5 =	vmulhi.u32 $0x5D9F7391, v13;
	[tilespmem:$0x16780] =	vst v10;
	v10 =	vld [tilespmem:$0x161E0];
	v6 =	vsel vm0, v6, v9;
	v9 =	vnsel vm0, $0x0, v62  }
0xb3: {  	[tilespmem:$0x16750] =	vst v50;
	v3 =	vsub.s32 v63, v3;
	vm7 =	vge.s32 v15, v0;
	vm8 =	vlt.s32 v15, v1  }
0xb4: {  	[tilespmem:$0x16590] =	vst v7;
	s26 =	sor.u32 $0x1E0, s3;
	v5 =	vshrl.u32 v5, $0xE;
	v7 =	vsub.s32 v15, v0;
	vm9 =	vmand vm7, vm8  }
0xb5: {  	[tilespmem:$0x16790] =	vst v12;
	v12 =	vld [tilespmem:$0x163C0];
	v5 =	vmul.u32 $0xAF00, v5;
	v3 =	vsel vm9, v7, v3;
	v7 =	vor.u32 s26, v2  }
0xb6: {  	[tilespmem:$0x165A0] =	vst v8;
	v8 =	vld [tilespmem:$0x163D0];
	vm10 =	vge.s32 v11, v0;
	vm11 =	vlt.s32 v11, v1;
	v14 =	vmulhi.u32 $0x5D9F7391, v7  }
0xb7: {  	[tilespmem:$0x167A0] =	vst v4;
	s3 =	sor.u32 $0x1F0, s3;
	v4 =	vsub.s32 v11, v0;
	v5 =	vsub.s32 v13, v5;
	v11 =	vld [tilespmem:$0x163E0];
	vm12 =	vge.s32 v10, v0  }
0xb8: {  	[tilespmem:$0x165B0] =	vst v6;
	v13 =	vld [tilespmem:$0x161F0];
	vm3 =	vlt.s32 v10, v1;
	v6 =	vshrl.u32 v14, $0xE;
	v14 =	vor.u32 s3, v2  }
0xb9: {  	[tilespmem:$0x167B0] =	vst v9;
	vm1 =	vmand vm10, vm11;
	v6 =	vmul.u32 $0xAF00, v6;
	v9 =	vmulhi.u32 $0x5D9F7391, v14  }
0xba: {  	v12 =	vnsel vm9, $0x0, v12;
	vm13 =	vmand vm12, vm3;
	[tilespmem:$0x165C0] =	vst v3;
	v3 =	vsel vm1, v4, v5  }
0xbb: {  	[tilespmem:$0x167C0] =	vst v12;
	v4 =	vsub.s32 v10, v0;
	v5 =	vsub.s32 v7, v6;
	v6 =	vld [tilespmem:$0x163F0];
	v7 =	vshrl.u32 v9, $0xE  }
0xbc: {  	[tilespmem:$0x165D0] =	vst v3;
	v3 =	vnsel vm1, $0x0, v8;
	v4 =	vsel vm13, v4, v5;
	v5 =	vmul.u32 $0xAF00, v7  }
0xbd: {  	[tilespmem:$0x167D0] =	vst v3;
	v3 =	vnsel vm13, $0x0, v11;
	vm14 =	vge.s32 v13, v0;
	vm15 =	vlt.s32 v13, v1  }
0xbe: {  	vm0 =	vmand vm14, vm15;
	[tilespmem:$0x165E0] =	vst v4;
	v4 =	vsub.s32 v13, v0;
	v5 =	vsub.s32 v14, v5  }
0xbf: {  	[tilespmem:$0x167E0] =	vst v3;
	v3 =	vsel vm0, v4, v5  }
0xc0: {  	[tilespmem:$0x165F0] =	vst v3;
	v3 =	vnsel vm0, $0x0, v6  }
0xc1: {  	[tilespmem:$0x167F0] =	vst v3  }
0xc2: {  	[tilespmem:s30], [sflag:$0x1] =	stream.indirect.gather [hbm4b:s8+s29], $0x20, s25, s29, $0xb8;
	[tilespmem:$0x1E800] =	vst v63  }
0xc3: {  	s12 =	simm.s32 $0x17800  }
0xc4: {  	[tilespmem:s12], [sflag:$0x1] =	stream.indirect.gather [hbm4b:s8+s29], $0x20, s31, s29, $0xb8;
	[tilespmem:$0x1E800] =	vst v63  }
0xc5: {  	_ = 	snop  }
0xc6: {  	[tilespmem:s1], [sflag:$0x1] =	stream.indirect.gather [hbm4b:s8+s29], $0x20, s4, s29, $0xb8;
	[tilespmem:$0x1E800] =	vst v63  }
0xc7: {  	_ = 	snop  }
0xc8: {  	[tilespmem:s17], [sflag:$0x1] =	stream.indirect.gather [hbm4b:s8+s29], $0x20, s16, s29, $0xb8;
	[tilespmem:$0x1E800] =	vst v63  }
0xc9: {  	_ =	swait.ge [sflag:s18], $0x1000  }
0xca: {  	[sflag:s18] =	ssyncset.done $0x0  }
0xcb: {  	[sflag:s18] =	ssyncadd.s32 $0xFFFFF000  }
0xcc: {  	_ =	swait.ge [sflag:s18], $0x1000  }
0xcd: {  	[sflag:s18] =	ssyncset.done $0x0  }
0xce: {  	v4 =	vmov s14;
	v3 =	vmul.u32 $0x20, v2;
	[sflag:s18] =	ssyncadd.s32 $0xFFFFF000  }
0xcf: {  	v4 =	vshll.u32 v4, $0x5;
	_ =	swait.ge [sflag:s18], $0x1000  }
0xd0: {  	v4 =	vor.u32 v3, v4;
	[sflag:s18] =	ssyncset.done $0x0  }
0xd1: {  	[sflag:s18] =	ssyncadd.s32 $0xFFFFF000  }
0xd2: {  	_ =	swait.ge [sflag:s18], $0x1000  }
0xd3: {  	[sflag:s18] =	ssyncset.done $0x0  }
0xd4: {  	[sflag:s18] =	ssyncadd.s32 $0xFFFFF000  }
0xd5: {  	s14 =	simm.s32 $0x16600;
	v6 =	vld.idx.msk [tilespmem:v4+s30+$0x0], $0xffff  }
0xd6: {  	v5 =	vld [tilespmem:s14+$0x0];
	_ =	sdelay $0x2  }
0xd7: {  	v7 =	vor.u32 $0x1, v4;
	_ =	sdelay $0x1  }
0xd8: {  	v6 =	vmul.f32 v6, v5;
	_ =	sdelay $0x1  }
0xd9: {  	[tilespmem:v4+s23+$0x0] =	vst.idx.msk $0xffff, v6  }
0xda: {  	v6 =	vld.idx.msk [tilespmem:v7+s30+$0x0], $0xffff;
	_ =	sdelay $0x2  }
0xdb: {  	v8 =	vor.u32 $0x2, v4;
	_ =	sdelay $0x1  }
0xdc: {  	v6 =	vmul.f32 v6, v5;
	_ =	sdelay $0x1  }
0xdd: {  	[tilespmem:v7+s23+$0x0] =	vst.idx.msk $0xffff, v6  }
0xde: {  	v6 =	vld.idx.msk [tilespmem:v8+s30+$0x0], $0xffff;
	_ =	sdelay $0x2  }
0xdf: {  	v7 =	vor.u32 $0x3, v4;
	_ =	sdelay $0x1  }
0xe0: {  	v6 =	vmul.f32 v6, v5;
	_ =	sdelay $0x1  }
0xe1: {  	[tilespmem:v8+s23+$0x0] =	vst.idx.msk $0xffff, v6  }
0xe2: {  	v6 =	vld.idx.msk [tilespmem:v7+s30+$0x0], $0xffff;
	_ =	sdelay $0x2  }
0xe3: {  	v8 =	vor.u32 $0x4, v4;
	_ =	sdelay $0x1  }
0xe4: {  	v6 =	vmul.f32 v6, v5;
	_ =	sdelay $0x1  }
0xe5: {  	[tilespmem:v7+s23+$0x0] =	vst.idx.msk $0xffff, v6  }
0xe6: {  	v6 =	vld.idx.msk [tilespmem:v8+s30+$0x0], $0xffff;
	_ =	sdelay $0x2  }
0xe7: {  	v7 =	vor.u32 $0x5, v4;
	_ =	sdelay $0x1  }
0xe8: {  	v6 =	vmul.f32 v6, v5;
	_ =	sdelay $0x1  }
0xe9: {  	[tilespmem:v8+s23+$0x0] =	vst.idx.msk $0xffff, v6  }
0xea: {  	v6 =	vld.idx.msk [tilespmem:v7+s30+$0x0], $0xffff;
	_ =	sdelay $0x2  }
0xeb: {  	v8 =	vor.u32 $0x6, v4;
	_ =	sdelay $0x1  }
0xec: {  	v6 =	vmul.f32 v6, v5;
	_ =	sdelay $0x1  }
0xed: {  	[tilespmem:v7+s23+$0x0] =	vst.idx.msk $0xffff, v6  }
0xee: {  	v6 =	vld.idx.msk [tilespmem:v8+s30+$0x0], $0xffff;
	_ =	sdelay $0x2  }
0xef: {  	v7 =	vor.u32 $0x7, v4;
	_ =	sdelay $0x1  }
0xf0: {  	v6 =	vmul.f32 v6, v5;
	_ =	sdelay $0x1  }
0xf1: {  	[tilespmem:v8+s23+$0x0] =	vst.idx.msk $0xffff, v6  }
0xf2: {  	v6 =	vld.idx.msk [tilespmem:v7+s30+$0x0], $0xffff;
	_ =	sdelay $0x2  }
0xf3: {  	v8 =	vor.u32 $0x8, v4;
	_ =	sdelay $0x1  }
0xf4: {  	v6 =	vmul.f32 v6, v5;
	_ =	sdelay $0x1  }
0xf5: {  	[tilespmem:v7+s23+$0x0] =	vst.idx.msk $0xffff, v6  }
0xf6: {  	v6 =	vld.idx.msk [tilespmem:v8+s30+$0x0], $0xffff;
	_ =	sdelay $0x2  }
0xf7: {  	v7 =	vor.u32 $0x9, v4;
	_ =	sdelay $0x1  }
0xf8: {  	v6 =	vmul.f32 v6, v5;
	_ =	sdelay $0x1  }
0xf9: {  	[tilespmem:v8+s23+$0x0] =	vst.idx.msk $0xffff, v6  }
0xfa: {  	v6 =	vld.idx.msk [tilespmem:v7+s30+$0x0], $0xffff;
	_ =	sdelay $0x2  }
0xfb: {  	v8 =	vor.u32 $0xA, v4;
	_ =	sdelay $0x1  }
0xfc: {  	v6 =	vmul.f32 v6, v5;
	_ =	sdelay $0x1  }
0xfd: {  	[tilespmem:v7+s23+$0x0] =	vst.idx.msk $0xffff, v6  }
0xfe: {  	v6 =	vld.idx.msk [tilespmem:v8+s30+$0x0], $0xffff;
	_ =	sdelay $0x2  }
0xff: {  	v7 =	vor.u32 $0xB, v4;
	_ =	sdelay $0x1  }
0x100: {  	v6 =	vmul.f32 v6, v5;
	_ =	sdelay $0x1  }
0x101: {  	[tilespmem:v8+s23+$0x0] =	vst.idx.msk $0xffff, v6  }
0x102: {  	v6 =	vld.idx.msk [tilespmem:v7+s30+$0x0], $0xffff;
	_ =	sdelay $0x2  }
0x103: {  	v8 =	vor.u32 $0xC, v4;
	_ =	sdelay $0x1  }
0x104: {  	v6 =	vmul.f32 v6, v5;
	_ =	sdelay $0x1  }
0x105: {  	[tilespmem:v7+s23+$0x0] =	vst.idx.msk $0xffff, v6  }
0x106: {  	v6 =	vld.idx.msk [tilespmem:v8+s30+$0x0], $0xffff;
	_ =	sdelay $0x2  }
0x107: {  	v7 =	vor.u32 $0xD, v4;
	_ =	sdelay $0x1  }
0x108: {  	v6 =	vmul.f32 v6, v5;
	_ =	sdelay $0x1  }
0x109: {  	[tilespmem:v8+s23+$0x0] =	vst.idx.msk $0xffff, v6  }
0x10a: {  	v6 =	vld.idx.msk [tilespmem:v7+s30+$0x0], $0xffff;
	_ =	sdelay $0x2  }
0x10b: {  	v8 =	vor.u32 $0xE, v4;
	_ =	sdelay $0x1  }
0x10c: {  	v6 =	vmul.f32 v6, v5;
	_ =	sdelay $0x1  }
0x10d: {  	[tilespmem:v7+s23+$0x0] =	vst.idx.msk $0xffff, v6  }
0x10e: {  	v6 =	vld.idx.msk [tilespmem:v8+s30+$0x0], $0xffff;
	_ =	sdelay $0x2  }
0x10f: {  	v7 =	vor.u32 $0xF, v4;
	_ =	sdelay $0x1  }
0x110: {  	v6 =	vmul.f32 v6, v5;
	_ =	sdelay $0x1  }
0x111: {  	[tilespmem:v8+s23+$0x0] =	vst.idx.msk $0xffff, v6  }
0x112: {  	v6 =	vld.idx.msk [tilespmem:v7+s30+$0x0], $0xffff;
	_ =	sdelay $0x2  }
0x113: {  	v8 =	vor.u32 $0x10, v4;
	_ =	sdelay $0x1  }
0x114: {  	v6 =	vmul.f32 v6, v5;
	_ =	sdelay $0x1  }
0x115: {  	[tilespmem:v7+s23+$0x0] =	vst.idx.msk $0xffff, v6  }
0x116: {  	v6 =	vld.idx.msk [tilespmem:v8+s30+$0x0], $0xffff;
	_ =	sdelay $0x2  }
0x117: {  	v7 =	vor.u32 $0x11, v4;
	_ =	sdelay $0x1  }
0x118: {  	v6 =	vmul.f32 v6, v5;
	_ =	sdelay $0x1  }
0x119: {  	[tilespmem:v8+s23+$0x0] =	vst.idx.msk $0xffff, v6  }
0x11a: {  	v6 =	vld.idx.msk [tilespmem:v7+s30+$0x0], $0xffff;
	_ =	sdelay $0x2  }
0x11b: {  	v8 =	vor.u32 $0x12, v4;
	_ =	sdelay $0x1  }
0x11c: {  	v6 =	vmul.f32 v6, v5;
	_ =	sdelay $0x1  }
0x11d: {  	[tilespmem:v7+s23+$0x0] =	vst.idx.msk $0xffff, v6  }
0x11e: {  	v6 =	vld.idx.msk [tilespmem:v8+s30+$0x0], $0xffff;
	_ =	sdelay $0x2  }
0x11f: {  	v7 =	vor.u32 $0x13, v4;
	_ =	sdelay $0x1  }
0x120: {  	v6 =	vmul.f32 v6, v5;
	_ =	sdelay $0x1  }
0x121: {  	[tilespmem:v8+s23+$0x0] =	vst.idx.msk $0xffff, v6  }
0x122: {  	v6 =	vld.idx.msk [tilespmem:v7+s30+$0x0], $0xffff;
	_ =	sdelay $0x2  }
0x123: {  	v8 =	vor.u32 $0x14, v4;
	_ =	sdelay $0x1  }
0x124: {  	v6 =	vmul.f32 v6, v5;
	_ =	sdelay $0x1  }
0x125: {  	[tilespmem:v7+s23+$0x0] =	vst.idx.msk $0xffff, v6  }
0x126: {  	v6 =	vld.idx.msk [tilespmem:v8+s30+$0x0], $0xffff;
	_ =	sdelay $0x2  }
0x127: {  	v7 =	vor.u32 $0x15, v4;
	_ =	sdelay $0x1  }
0x128: {  	v6 =	vmul.f32 v6, v5;
	_ =	sdelay $0x1  }
0x129: {  	[tilespmem:v8+s23+$0x0] =	vst.idx.msk $0xffff, v6  }
0x12a: {  	v6 =	vld.idx.msk [tilespmem:v7+s30+$0x0], $0xffff;
	_ =	sdelay $0x2  }
0x12b: {  	v8 =	vor.u32 $0x16, v4;
	_ =	sdelay $0x1  }
0x12c: {  	v6 =	vmul.f32 v6, v5;
	_ =	sdelay $0x1  }
0x12d: {  	[tilespmem:v7+s23+$0x0] =	vst.idx.msk $0xffff, v6  }
0x12e: {  	v6 =	vld.idx.msk [tilespmem:v8+s30+$0x0], $0xffff;
	_ =	sdelay $0x2  }
0x12f: {  	v7 =	vor.u32 $0x17, v4;
	_ =	sdelay $0x1  }
0x130: {  	v6 =	vmul.f32 v6, v5;
	_ =	sdelay $0x1  }
0x131: {  	[tilespmem:v8+s23+$0x0] =	vst.idx.msk $0xffff, v6  }
0x132: {  	v6 =	vld.idx.msk [tilespmem:v7+s30+$0x0], $0xffff;
	_ =	sdelay $0x2  }
0x133: {  	v8 =	vor.u32 $0x18, v4;
	_ =	sdelay $0x1  }
0x134: {  	v6 =	vmul.f32 v6, v5;
	_ =	sdelay $0x1  }
0x135: {  	[tilespmem:v7+s23+$0x0] =	vst.idx.msk $0xffff, v6  }
0x136: {  	v6 =	vld.idx.msk [tilespmem:v8+s30+$0x0], $0xffff;
	_ =	sdelay $0x2  }
0x137: {  	v7 =	vor.u32 $0x19, v4;
	_ =	sdelay $0x1  }
0x138: {  	v6 =	vmul.f32 v6, v5;
	_ =	sdelay $0x1  }
0x139: {  	[tilespmem:v8+s23+$0x0] =	vst.idx.msk $0xffff, v6  }
0x13a: {  	v6 =	vld.idx.msk [tilespmem:v7+s30+$0x0], $0xffff;
	_ =	sdelay $0x2  }
0x13b: {  	v8 =	vor.u32 $0x1A, v4;
	_ =	sdelay $0x1  }
0x13c: {  	v6 =	vmul.f32 v6, v5;
	_ =	sdelay $0x1  }
0x13d: {  	[tilespmem:v7+s23+$0x0] =	vst.idx.msk $0xffff, v6  }
0x13e: {  	v6 =	vld.idx.msk [tilespmem:v8+s30+$0x0], $0xffff;
	_ =	sdelay $0x2  }
0x13f: {  	v7 =	vor.u32 $0x1B, v4;
	_ =	sdelay $0x1  }
0x140: {  	v6 =	vmul.f32 v6, v5;
	_ =	sdelay $0x1  }
0x141: {  	[tilespmem:v8+s23+$0x0] =	vst.idx.msk $0xffff, v6  }
0x142: {  	v6 =	vld.idx.msk [tilespmem:v7+s30+$0x0], $0xffff;
	_ =	sdelay $0x2  }
0x143: {  	v8 =	vor.u32 $0x1C, v4;
	_ =	sdelay $0x1  }
0x144: {  	v6 =	vmul.f32 v6, v5;
	_ =	sdelay $0x1  }
0x145: {  	[tilespmem:v7+s23+$0x0] =	vst.idx.msk $0xffff, v6  }
0x146: {  	v6 =	vld.idx.msk [tilespmem:v8+s30+$0x0], $0xffff;
	_ =	sdelay $0x2  }
0x147: {  	v7 =	vor.u32 $0x1D, v4;
	_ =	sdelay $0x1  }
0x148: {  	v6 =	vmul.f32 v6, v5;
	_ =	sdelay $0x1  }
0x149: {  	[tilespmem:v8+s23+$0x0] =	vst.idx.msk $0xffff, v6  }
0x14a: {  	v6 =	vld.idx.msk [tilespmem:v7+s30+$0x0], $0xffff;
	_ =	sdelay $0x2  }
0x14b: {  	v8 =	vor.u32 $0x1E, v4;
	_ =	sdelay $0x1  }
0x14c: {  	v6 =	vmul.f32 v6, v5;
	_ =	sdelay $0x1  }
0x14d: {  	[tilespmem:v7+s23+$0x0] =	vst.idx.msk $0xffff, v6  }
0x14e: {  	v6 =	vld.idx.msk [tilespmem:v8+s30+$0x0], $0xffff;
	_ =	sdelay $0x2  }
0x14f: {  	v12 =	vor.u32 $0x1F, v4;
	_ =	sdelay $0x1  }
0x150: {  	v4 =	vmul.f32 v6, v5;
	_ =	sdelay $0x1  }
0x151: {  	s26 =	simm.s32 $0x10;
	[tilespmem:v8+s23+$0x0] =	vst.idx.msk $0xffff, v4  }
0x152: {  	v4 =	vmov s26;
	v6 =	vld.idx.msk [tilespmem:v12+s30+$0x0], $0xffff  }
0x153: {  	v4 =	vshll.u32 v4, $0x5  }
0x154: {  	v4 =	vor.u32 v3, v4  }
0x155: {  	v11 =	vor.u32 $0x3, v4  }
0x156: {  	v10 =	vor.u32 $0x7, v4;
	v9 =	vor.u32 $0x8, v4;
	v8 =	vor.u32 $0x9, v4  }
0x157: {  	s3 =	simm.s32 $0x20;
	v7 =	vor.u32 $0xF, v4;
	v5 =	vmul.f32 v6, v5;
	v6 =	vor.u32 $0x13, v4  }
.LBB2_3:
0x158: {  	p0 =	sne.s32 s3, $0x1F0  }
0x159: {  	[tilespmem:v12+s23+$0x0] =	vst.idx.msk $0xffff, v5;
	s14 =	sadd.s32 $0x10, s14;
	s12 =	smov.u32 s3;
	s3 =	sadd.s32 $0x10, s3  }
0x15a: {  	v12 =	vld.idx.msk [tilespmem:v4+s30+$0x0], $0xffff  }
0x15b: {  	v5 =	vld [tilespmem:s14+$0x0];
	_ =	sdelay $0x2  }
0x15c: {  	v13 =	vor.u32 $0x1, v4;
	_ =	sdelay $0x1  }
0x15d: {  	v12 =	vmul.f32 v12, v5;
	_ =	sdelay $0x1  }
0x15e: {  	[tilespmem:v4+s23+$0x0] =	vst.idx.msk $0xffff, v12  }
0x15f: {  	v12 =	vld.idx.msk [tilespmem:v13+s30+$0x0], $0xffff;
	_ =	sdelay $0x3  }
0x160: {  	v14 =	vor.u32 $0x2, v4;
	_ =	sdelay $0x1  }
0x161: {  	v12 =	vmul.f32 v12, v5;
	_ =	sdelay $0x1  }
0x162: {  	[tilespmem:v13+s23+$0x0] =	vst.idx.msk $0xffff, v12  }
0x163: {  	v12 =	vld.idx.msk [tilespmem:v14+s30+$0x0], $0xffff;
	_ =	sdelay $0x5  }
0x164: {  	v12 =	vmul.f32 v12, v5;
	_ =	sdelay $0x1  }
0x165: {  	[tilespmem:v14+s23+$0x0] =	vst.idx.msk $0xffff, v12  }
0x166: {  	v12 =	vld.idx.msk [tilespmem:v11+s30+$0x0], $0xffff;
	_ =	sdelay $0x3  }
0x167: {  	v13 =	vor.u32 $0x4, v4;
	_ =	sdelay $0x1  }
0x168: {  	v12 =	vmul.f32 v12, v5;
	_ =	sdelay $0x1  }
0x169: {  	[tilespmem:v11+s23+$0x0] =	vst.idx.msk $0xffff, v12  }
0x16a: {  	v11 =	vld.idx.msk [tilespmem:v13+s30+$0x0], $0xffff;
	_ =	sdelay $0x3  }
0x16b: {  	v12 =	vor.u32 $0x5, v4;
	_ =	sdelay $0x1  }
0x16c: {  	v11 =	vmul.f32 v11, v5;
	_ =	sdelay $0x1  }
0x16d: {  	[tilespmem:v13+s23+$0x0] =	vst.idx.msk $0xffff, v11  }
0x16e: {  	v11 =	vld.idx.msk [tilespmem:v12+s30+$0x0], $0xffff;
	_ =	sdelay $0x3  }
0x16f: {  	v13 =	vor.u32 $0x6, v4;
	_ =	sdelay $0x1  }
0x170: {  	v11 =	vmul.f32 v11, v5;
	_ =	sdelay $0x1  }
0x171: {  	[tilespmem:v12+s23+$0x0] =	vst.idx.msk $0xffff, v11  }
0x172: {  	v11 =	vld.idx.msk [tilespmem:v13+s30+$0x0], $0xffff;
	_ =	sdelay $0x5  }
0x173: {  	v11 =	vmul.f32 v11, v5;
	_ =	sdelay $0x1  }
0x174: {  	[tilespmem:v13+s23+$0x0] =	vst.idx.msk $0xffff, v11  }
0x175: {  	v11 =	vld.idx.msk [tilespmem:v10+s30+$0x0], $0xffff;
	_ =	sdelay $0x5  }
0x176: {  	v11 =	vmul.f32 v11, v5;
	_ =	sdelay $0x1  }
0x177: {  	[tilespmem:v10+s23+$0x0] =	vst.idx.msk $0xffff, v11  }
0x178: {  	v10 =	vld.idx.msk [tilespmem:v9+s30+$0x0], $0xffff;
	_ =	sdelay $0x5  }
0x179: {  	v10 =	vmul.f32 v10, v5;
	_ =	sdelay $0x1  }
0x17a: {  	[tilespmem:v9+s23+$0x0] =	vst.idx.msk $0xffff, v10  }
0x17b: {  	v9 =	vld.idx.msk [tilespmem:v8+s30+$0x0], $0xffff;
	_ =	sdelay $0x3  }
0x17c: {  	v10 =	vor.u32 $0xA, v4;
	_ =	sdelay $0x1  }
0x17d: {  	v9 =	vmul.f32 v9, v5;
	_ =	sdelay $0x1  }
0x17e: {  	[tilespmem:v8+s23+$0x0] =	vst.idx.msk $0xffff, v9  }
0x17f: {  	v8 =	vld.idx.msk [tilespmem:v10+s30+$0x0], $0xffff;
	_ =	sdelay $0x3  }
0x180: {  	v9 =	vor.u32 $0xB, v4;
	_ =	sdelay $0x1  }
0x181: {  	v8 =	vmul.f32 v8, v5;
	_ =	sdelay $0x1  }
0x182: {  	[tilespmem:v10+s23+$0x0] =	vst.idx.msk $0xffff, v8  }
0x183: {  	v8 =	vld.idx.msk [tilespmem:v9+s30+$0x0], $0xffff;
	_ =	sdelay $0x3  }
0x184: {  	v10 =	vor.u32 $0xC, v4;
	_ =	sdelay $0x1  }
0x185: {  	v8 =	vmul.f32 v8, v5;
	_ =	sdelay $0x1  }
0x186: {  	[tilespmem:v9+s23+$0x0] =	vst.idx.msk $0xffff, v8  }
0x187: {  	v8 =	vld.idx.msk [tilespmem:v10+s30+$0x0], $0xffff;
	_ =	sdelay $0x3  }
0x188: {  	v9 =	vor.u32 $0xD, v4;
	_ =	sdelay $0x1  }
0x189: {  	v8 =	vmul.f32 v8, v5;
	_ =	sdelay $0x1  }
0x18a: {  	[tilespmem:v10+s23+$0x0] =	vst.idx.msk $0xffff, v8  }
0x18b: {  	v8 =	vld.idx.msk [tilespmem:v9+s30+$0x0], $0xffff;
	_ =	sdelay $0x3  }
0x18c: {  	v10 =	vor.u32 $0xE, v4;
	_ =	sdelay $0x1  }
0x18d: {  	v8 =	vmul.f32 v8, v5;
	_ =	sdelay $0x1  }
0x18e: {  	[tilespmem:v9+s23+$0x0] =	vst.idx.msk $0xffff, v8  }
0x18f: {  	v8 =	vld.idx.msk [tilespmem:v10+s30+$0x0], $0xffff;
	_ =	sdelay $0x5  }
0x190: {  	v8 =	vmul.f32 v8, v5;
	_ =	sdelay $0x1  }
0x191: {  	[tilespmem:v10+s23+$0x0] =	vst.idx.msk $0xffff, v8  }
0x192: {  	v8 =	vld.idx.msk [tilespmem:v7+s30+$0x0], $0xffff;
	_ =	sdelay $0x3  }
0x193: {  	v9 =	vor.u32 $0x10, v4;
	_ =	sdelay $0x1  }
0x194: {  	v8 =	vmul.f32 v8, v5;
	_ =	sdelay $0x1  }
0x195: {  	[tilespmem:v7+s23+$0x0] =	vst.idx.msk $0xffff, v8  }
0x196: {  	v7 =	vld.idx.msk [tilespmem:v9+s30+$0x0], $0xffff;
	_ =	sdelay $0x3  }
0x197: {  	v8 =	vor.u32 $0x11, v4;
	_ =	sdelay $0x1  }
0x198: {  	v7 =	vmul.f32 v7, v5;
	_ =	sdelay $0x1  }
0x199: {  	[tilespmem:v9+s23+$0x0] =	vst.idx.msk $0xffff, v7  }
0x19a: {  	v7 =	vld.idx.msk [tilespmem:v8+s30+$0x0], $0xffff;
	_ =	sdelay $0x3  }
0x19b: {  	v9 =	vor.u32 $0x12, v4;
	_ =	sdelay $0x1  }
0x19c: {  	v7 =	vmul.f32 v7, v5;
	_ =	sdelay $0x1  }
0x19d: {  	[tilespmem:v8+s23+$0x0] =	vst.idx.msk $0xffff, v7  }
0x19e: {  	v7 =	vld.idx.msk [tilespmem:v9+s30+$0x0], $0xffff;
	_ =	sdelay $0x5  }
0x19f: {  	v7 =	vmul.f32 v7, v5;
	_ =	sdelay $0x1  }
0x1a0: {  	[tilespmem:v9+s23+$0x0] =	vst.idx.msk $0xffff, v7  }
0x1a1: {  	v7 =	vld.idx.msk [tilespmem:v6+s30+$0x0], $0xffff;
	_ =	sdelay $0x3  }
0x1a2: {  	v8 =	vor.u32 $0x14, v4;
	_ =	sdelay $0x1  }
0x1a3: {  	v7 =	vmul.f32 v7, v5;
	_ =	sdelay $0x1  }
0x1a4: {  	[tilespmem:v6+s23+$0x0] =	vst.idx.msk $0xffff, v7  }
0x1a5: {  	v6 =	vld.idx.msk [tilespmem:v8+s30+$0x0], $0xffff;
	_ =	sdelay $0x3  }
0x1a6: {  	v7 =	vor.u32 $0x15, v4;
	_ =	sdelay $0x1  }
0x1a7: {  	v6 =	vmul.f32 v6, v5;
	_ =	sdelay $0x1  }
0x1a8: {  	[tilespmem:v8+s23+$0x0] =	vst.idx.msk $0xffff, v6  }
0x1a9: {  	v6 =	vld.idx.msk [tilespmem:v7+s30+$0x0], $0xffff;
	_ =	sdelay $0x3  }
0x1aa: {  	v8 =	vor.u32 $0x16, v4;
	_ =	sdelay $0x1  }
0x1ab: {  	v6 =	vmul.f32 v6, v5;
	_ =	sdelay $0x1  }
0x1ac: {  	[tilespmem:v7+s23+$0x0] =	vst.idx.msk $0xffff, v6  }
0x1ad: {  	v6 =	vld.idx.msk [tilespmem:v8+s30+$0x0], $0xffff;
	_ =	sdelay $0x3  }
0x1ae: {  	v7 =	vor.u32 $0x17, v4;
	_ =	sdelay $0x1  }
0x1af: {  	v6 =	vmul.f32 v6, v5;
	_ =	sdelay $0x1  }
0x1b0: {  	[tilespmem:v8+s23+$0x0] =	vst.idx.msk $0xffff, v6  }
0x1b1: {  	v6 =	vld.idx.msk [tilespmem:v7+s30+$0x0], $0xffff;
	_ =	sdelay $0x3  }
0x1b2: {  	v8 =	vor.u32 $0x18, v4;
	_ =	sdelay $0x1  }
0x1b3: {  	v6 =	vmul.f32 v6, v5;
	_ =	sdelay $0x1  }
0x1b4: {  	[tilespmem:v7+s23+$0x0] =	vst.idx.msk $0xffff, v6  }
0x1b5: {  	v6 =	vld.idx.msk [tilespmem:v8+s30+$0x0], $0xffff;
	_ =	sdelay $0x3  }
0x1b6: {  	v7 =	vor.u32 $0x19, v4;
	_ =	sdelay $0x1  }
0x1b7: {  	v6 =	vmul.f32 v6, v5;
	_ =	sdelay $0x1  }
0x1b8: {  	[tilespmem:v8+s23+$0x0] =	vst.idx.msk $0xffff, v6  }
0x1b9: {  	v6 =	vld.idx.msk [tilespmem:v7+s30+$0x0], $0xffff;
	_ =	sdelay $0x3  }
0x1ba: {  	v8 =	vor.u32 $0x1A, v4;
	_ =	sdelay $0x1  }
0x1bb: {  	v6 =	vmul.f32 v6, v5;
	_ =	sdelay $0x1  }
0x1bc: {  	[tilespmem:v7+s23+$0x0] =	vst.idx.msk $0xffff, v6  }
0x1bd: {  	v6 =	vld.idx.msk [tilespmem:v8+s30+$0x0], $0xffff;
	_ =	sdelay $0x3  }
0x1be: {  	v7 =	vor.u32 $0x1B, v4;
	_ =	sdelay $0x1  }
0x1bf: {  	v6 =	vmul.f32 v6, v5;
	_ =	sdelay $0x1  }
0x1c0: {  	[tilespmem:v8+s23+$0x0] =	vst.idx.msk $0xffff, v6  }
0x1c1: {  	v6 =	vld.idx.msk [tilespmem:v7+s30+$0x0], $0xffff;
	_ =	sdelay $0x3  }
0x1c2: {  	v8 =	vor.u32 $0x1C, v4;
	_ =	sdelay $0x1  }
0x1c3: {  	v6 =	vmul.f32 v6, v5;
	_ =	sdelay $0x1  }
0x1c4: {  	[tilespmem:v7+s23+$0x0] =	vst.idx.msk $0xffff, v6  }
0x1c5: {  	v6 =	vld.idx.msk [tilespmem:v8+s30+$0x0], $0xffff;
	_ =	sdelay $0x3  }
0x1c6: {  	v7 =	vor.u32 $0x1D, v4;
	_ =	sdelay $0x1  }
0x1c7: {  	v6 =	vmul.f32 v6, v5;
	_ =	sdelay $0x1  }
0x1c8: {  	[tilespmem:v8+s23+$0x0] =	vst.idx.msk $0xffff, v6  }
0x1c9: {  	v6 =	vld.idx.msk [tilespmem:v7+s30+$0x0], $0xffff;
	_ =	sdelay $0x3  }
0x1ca: {  	v8 =	vor.u32 $0x1E, v4;
	_ =	sdelay $0x1  }
0x1cb: {  	v6 =	vmul.f32 v6, v5;
	_ =	sdelay $0x1  }
0x1cc: {  	[tilespmem:v7+s23+$0x0] =	vst.idx.msk $0xffff, v6  }
0x1cd: {  	v6 =	vld.idx.msk [tilespmem:v8+s30+$0x0], $0xffff;
	_ =	sdelay $0x3  }
0x1ce: {  	v12 =	vor.u32 $0x1F, v4;
	_ =	sdelay $0x1  }
0x1cf: {  	v4 =	vmul.f32 v6, v5;
	_ =	sdelay $0x1  }
0x1d0: {  	[tilespmem:v8+s23+$0x0] =	vst.idx.msk $0xffff, v4  }
0x1d1: {  	v6 =	vld.idx.msk [tilespmem:v12+s30+$0x0], $0xffff;
	_ =	sdelay $0x1  }
0x1d2: {  	v4 =	vmov s12  }
.Ltmp0:
0x1d3: {  	v4 =	vshll.u32 v4, $0x5;
	(pc) =	sbr.rel @p0 .LBB2_3-.Ltmp0, $4  }
0x1d4: {  	v4 =	vor.u32 v3, v4  }
0x1d5: {  	v11 =	vor.u32 $0x3, v4;
	v10 =	vor.u32 $0x7, v4;
	v9 =	vor.u32 $0x8, v4  }
0x1d6: {  	v8 =	vor.u32 $0x9, v4;
	v7 =	vor.u32 $0xF, v4;
	v5 =	vmul.f32 v6, v5  }
0x1d7: {  	v6 =	vor.u32 $0x13, v4  }
0x1d8: {  	_ =	sdelay $0x3  }
0x1d9: {  	[tilespmem:v12+s23+$0x0] =	vst.idx.msk $0xffff, v5  }
0x1da: {  	s3 =	sadd.s32 $0x10, s14;
	v3 =	vld.idx.msk [tilespmem:v4+s30+$0x0], $0xffff  }
0x1db: {  	v5 =	vld [tilespmem:s3+$0x0];
	_ =	sdelay $0x2  }
0x1dc: {  	v40 =	vor.u32 $0x1, v4;
	_ =	sdelay $0x1  }
0x1dd: {  	v3 =	vmul.f32 v3, v5;
	_ =	sdelay $0x1  }
0x1de: {  	[tilespmem:v4+s23+$0x0] =	vst.idx.msk $0xffff, v3  }
0x1df: {  	v3 =	vld.idx.msk [tilespmem:v40+s30+$0x0], $0xffff;
	_ =	sdelay $0x2  }
0x1e0: {  	v13 =	vor.u32 $0x2, v4;
	_ =	sdelay $0x1  }
0x1e1: {  	v3 =	vmul.f32 v3, v5;
	_ =	sdelay $0x1  }
0x1e2: {  	[tilespmem:v40+s23+$0x0] =	vst.idx.msk $0xffff, v3  }
0x1e3: {  	v3 =	vld.idx.msk [tilespmem:v13+s30+$0x0], $0xffff;
	_ =	sdelay $0x4  }
0x1e4: {  	v3 =	vmul.f32 v3, v5;
	_ =	sdelay $0x1  }
0x1e5: {  	[tilespmem:v13+s23+$0x0] =	vst.idx.msk $0xffff, v3  }
0x1e6: {  	v3 =	vld.idx.msk [tilespmem:v11+s30+$0x0], $0xffff;
	_ =	sdelay $0x2  }
0x1e7: {  	v41 =	vor.u32 $0x4, v4;
	_ =	sdelay $0x1  }
0x1e8: {  	v3 =	vmul.f32 v3, v5;
	_ =	sdelay $0x1  }
0x1e9: {  	[tilespmem:v11+s23+$0x0] =	vst.idx.msk $0xffff, v3  }
0x1ea: {  	v3 =	vld.idx.msk [tilespmem:v41+s30+$0x0], $0xffff;
	_ =	sdelay $0x2  }
0x1eb: {  	v42 =	vor.u32 $0x5, v4;
	_ =	sdelay $0x1  }
0x1ec: {  	v3 =	vmul.f32 v3, v5;
	_ =	sdelay $0x1  }
0x1ed: {  	[tilespmem:v41+s23+$0x0] =	vst.idx.msk $0xffff, v3  }
0x1ee: {  	v3 =	vld.idx.msk [tilespmem:v42+s30+$0x0], $0xffff;
	_ =	sdelay $0x2  }
0x1ef: {  	v43 =	vor.u32 $0x6, v4;
	_ =	sdelay $0x1  }
0x1f0: {  	v3 =	vmul.f32 v3, v5;
	_ =	sdelay $0x1  }
0x1f1: {  	[tilespmem:v42+s23+$0x0] =	vst.idx.msk $0xffff, v3  }
0x1f2: {  	v3 =	vld.idx.msk [tilespmem:v43+s30+$0x0], $0xffff;
	_ =	sdelay $0x4  }
0x1f3: {  	v3 =	vmul.f32 v3, v5;
	_ =	sdelay $0x1  }
0x1f4: {  	[tilespmem:v43+s23+$0x0] =	vst.idx.msk $0xffff, v3  }
0x1f5: {  	v3 =	vld.idx.msk [tilespmem:v10+s30+$0x0], $0xffff;
	_ =	sdelay $0x4  }
0x1f6: {  	v3 =	vmul.f32 v3, v5;
	_ =	sdelay $0x1  }
0x1f7: {  	[tilespmem:v10+s23+$0x0] =	vst.idx.msk $0xffff, v3  }
0x1f8: {  	v3 =	vld.idx.msk [tilespmem:v9+s30+$0x0], $0xffff;
	_ =	sdelay $0x4  }
0x1f9: {  	v3 =	vmul.f32 v3, v5;
	_ =	sdelay $0x1  }
0x1fa: {  	[tilespmem:v9+s23+$0x0] =	vst.idx.msk $0xffff, v3  }
0x1fb: {  	v3 =	vld.idx.msk [tilespmem:v8+s30+$0x0], $0xffff;
	_ =	sdelay $0x2  }
0x1fc: {  	v44 =	vor.u32 $0xA, v4;
	_ =	sdelay $0x1  }
0x1fd: {  	v3 =	vmul.f32 v3, v5;
	_ =	sdelay $0x1  }
0x1fe: {  	[tilespmem:v8+s23+$0x0] =	vst.idx.msk $0xffff, v3  }
0x1ff: {  	v3 =	vld.idx.msk [tilespmem:v44+s30+$0x0], $0xffff;
	_ =	sdelay $0x2  }
0x200: {  	v45 =	vor.u32 $0xB, v4;
	_ =	sdelay $0x1  }
0x201: {  	v3 =	vmul.f32 v3, v5;
	_ =	sdelay $0x1  }
0x202: {  	[tilespmem:v44+s23+$0x0] =	vst.idx.msk $0xffff, v3  }
0x203: {  	v3 =	vld.idx.msk [tilespmem:v45+s30+$0x0], $0xffff;
	_ =	sdelay $0x2  }
0x204: {  	v46 =	vor.u32 $0xC, v4;
	_ =	sdelay $0x1  }
0x205: {  	v3 =	vmul.f32 v3, v5;
	_ =	sdelay $0x1  }
0x206: {  	[tilespmem:v45+s23+$0x0] =	vst.idx.msk $0xffff, v3  }
0x207: {  	v3 =	vld.idx.msk [tilespmem:v46+s30+$0x0], $0xffff;
	_ =	sdelay $0x2  }
0x208: {  	v47 =	vor.u32 $0xD, v4;
	_ =	sdelay $0x1  }
0x209: {  	v3 =	vmul.f32 v3, v5;
	_ =	sdelay $0x1  }
0x20a: {  	[tilespmem:v46+s23+$0x0] =	vst.idx.msk $0xffff, v3  }
0x20b: {  	v3 =	vld.idx.msk [tilespmem:v47+s30+$0x0], $0xffff;
	_ =	sdelay $0x2  }
0x20c: {  	v48 =	vor.u32 $0xE, v4;
	_ =	sdelay $0x1  }
0x20d: {  	v3 =	vmul.f32 v3, v5;
	_ =	sdelay $0x1  }
0x20e: {  	[tilespmem:v47+s23+$0x0] =	vst.idx.msk $0xffff, v3  }
0x20f: {  	v3 =	vld.idx.msk [tilespmem:v48+s30+$0x0], $0xffff;
	_ =	sdelay $0x4  }
0x210: {  	v3 =	vmul.f32 v3, v5;
	_ =	sdelay $0x1  }
0x211: {  	[tilespmem:v48+s23+$0x0] =	vst.idx.msk $0xffff, v3  }
0x212: {  	v3 =	vld.idx.msk [tilespmem:v7+s30+$0x0], $0xffff;
	_ =	sdelay $0x2  }
0x213: {  	v49 =	vor.u32 $0x10, v4;
	_ =	sdelay $0x1  }
0x214: {  	v3 =	vmul.f32 v3, v5;
	_ =	sdelay $0x1  }
0x215: {  	[tilespmem:v7+s23+$0x0] =	vst.idx.msk $0xffff, v3  }
0x216: {  	v3 =	vld.idx.msk [tilespmem:v49+s30+$0x0], $0xffff;
	_ =	sdelay $0x2  }
0x217: {  	v50 =	vor.u32 $0x11, v4;
	_ =	sdelay $0x1  }
0x218: {  	v3 =	vmul.f32 v3, v5;
	_ =	sdelay $0x1  }
0x219: {  	[tilespmem:v49+s23+$0x0] =	vst.idx.msk $0xffff, v3  }
0x21a: {  	v3 =	vld.idx.msk [tilespmem:v50+s30+$0x0], $0xffff;
	_ =	sdelay $0x2  }
0x21b: {  	v51 =	vor.u32 $0x12, v4;
	_ =	sdelay $0x1  }
0x21c: {  	v3 =	vmul.f32 v3, v5;
	_ =	sdelay $0x1  }
0x21d: {  	[tilespmem:v50+s23+$0x0] =	vst.idx.msk $0xffff, v3  }
0x21e: {  	v3 =	vld.idx.msk [tilespmem:v51+s30+$0x0], $0xffff;
	_ =	sdelay $0x4  }
0x21f: {  	v3 =	vmul.f32 v3, v5;
	_ =	sdelay $0x1  }
0x220: {  	[tilespmem:v51+s23+$0x0] =	vst.idx.msk $0xffff, v3  }
0x221: {  	v3 =	vld.idx.msk [tilespmem:v6+s30+$0x0], $0xffff;
	_ =	sdelay $0x2  }
0x222: {  	v52 =	vor.u32 $0x14, v4;
	_ =	sdelay $0x1  }
0x223: {  	v3 =	vmul.f32 v3, v5;
	_ =	sdelay $0x1  }
0x224: {  	[tilespmem:v6+s23+$0x0] =	vst.idx.msk $0xffff, v3  }
0x225: {  	v3 =	vld.idx.msk [tilespmem:v52+s30+$0x0], $0xffff;
	_ =	sdelay $0x2  }
0x226: {  	v53 =	vor.u32 $0x15, v4;
	_ =	sdelay $0x1  }
0x227: {  	v3 =	vmul.f32 v3, v5;
	_ =	sdelay $0x1  }
0x228: {  	[tilespmem:v52+s23+$0x0] =	vst.idx.msk $0xffff, v3  }
0x229: {  	v3 =	vld.idx.msk [tilespmem:v53+s30+$0x0], $0xffff;
	_ =	sdelay $0x2  }
0x22a: {  	v54 =	vor.u32 $0x16, v4;
	_ =	sdelay $0x1  }
0x22b: {  	v3 =	vmul.f32 v3, v5;
	_ =	sdelay $0x1  }
0x22c: {  	[tilespmem:v53+s23+$0x0] =	vst.idx.msk $0xffff, v3  }
0x22d: {  	v3 =	vld.idx.msk [tilespmem:v54+s30+$0x0], $0xffff;
	_ =	sdelay $0x2  }
0x22e: {  	v55 =	vor.u32 $0x17, v4;
	_ =	sdelay $0x1  }
0x22f: {  	v3 =	vmul.f32 v3, v5;
	_ =	sdelay $0x1  }
0x230: {  	[tilespmem:v54+s23+$0x0] =	vst.idx.msk $0xffff, v3  }
0x231: {  	v3 =	vld.idx.msk [tilespmem:v55+s30+$0x0], $0xffff;
	_ =	sdelay $0x2  }
0x232: {  	v56 =	vor.u32 $0x18, v4;
	_ =	sdelay $0x1  }
0x233: {  	v3 =	vmul.f32 v3, v5;
	_ =	sdelay $0x1  }
0x234: {  	[tilespmem:v55+s23+$0x0] =	vst.idx.msk $0xffff, v3  }
0x235: {  	v3 =	vld.idx.msk [tilespmem:v56+s30+$0x0], $0xffff;
	_ =	sdelay $0x2  }
0x236: {  	v57 =	vor.u32 $0x19, v4;
	_ =	sdelay $0x1  }
0x237: {  	v3 =	vmul.f32 v3, v5;
	_ =	sdelay $0x1  }
0x238: {  	[tilespmem:v56+s23+$0x0] =	vst.idx.msk $0xffff, v3  }
0x239: {  	v3 =	vld.idx.msk [tilespmem:v57+s30+$0x0], $0xffff;
	_ =	sdelay $0x2  }
0x23a: {  	v58 =	vor.u32 $0x1A, v4;
	_ =	sdelay $0x1  }
0x23b: {  	v3 =	vmul.f32 v3, v5;
	_ =	sdelay $0x1  }
0x23c: {  	[tilespmem:v57+s23+$0x0] =	vst.idx.msk $0xffff, v3  }
0x23d: {  	v3 =	vld.idx.msk [tilespmem:v58+s30+$0x0], $0xffff;
	_ =	sdelay $0x2  }
0x23e: {  	v59 =	vor.u32 $0x1B, v4;
	_ =	sdelay $0x1  }
0x23f: {  	v3 =	vmul.f32 v3, v5;
	_ =	sdelay $0x1  }
0x240: {  	[tilespmem:v58+s23+$0x0] =	vst.idx.msk $0xffff, v3  }
0x241: {  	v3 =	vld.idx.msk [tilespmem:v59+s30+$0x0], $0xffff;
	_ =	sdelay $0x2  }
0x242: {  	v60 =	vor.u32 $0x1C, v4;
	_ =	sdelay $0x1  }
0x243: {  	v3 =	vmul.f32 v3, v5;
	_ =	sdelay $0x1  }
0x244: {  	[tilespmem:v59+s23+$0x0] =	vst.idx.msk $0xffff, v3  }
0x245: {  	v3 =	vld.idx.msk [tilespmem:v60+s30+$0x0], $0xffff;
	_ =	sdelay $0x2  }
0x246: {  	v61 =	vor.u32 $0x1D, v4;
	_ =	sdelay $0x1  }
0x247: {  	v3 =	vmul.f32 v3, v5;
	_ =	sdelay $0x1  }
0x248: {  	[tilespmem:v60+s23+$0x0] =	vst.idx.msk $0xffff, v3  }
0x249: {  	v3 =	vld.idx.msk [tilespmem:v61+s30+$0x0], $0xffff;
	_ =	sdelay $0x2  }
0x24a: {  	v62 =	vor.u32 $0x1E, v4;
	_ =	sdelay $0x1  }
0x24b: {  	v3 =	vmul.f32 v3, v5;
	_ =	sdelay $0x1  }
0x24c: {  	[tilespmem:v61+s23+$0x0] =	vst.idx.msk $0xffff, v3  }
0x24d: {  	v3 =	vld.idx.msk [tilespmem:v62+s30+$0x0], $0xffff;
	_ =	sdelay $0x2  }
0x24e: {  	v63 =	vor.u32 $0x1F, v4;
	_ =	sdelay $0x1  }
0x24f: {  	v3 =	vmul.f32 v3, v5;
	_ =	sdelay $0x1  }
0x250: {  	[tilespmem:v62+s23+$0x0] =	vst.idx.msk $0xffff, v3  }
0x251: {  	v3 =	vld.idx.msk [tilespmem:v63+s30+$0x0], $0xffff;
	_ =	sdelay $0x4  }
0x252: {  	v3 =	vmul.f32 v3, v5;
	_ =	sdelay $0x1  }
0x253: {  	[tilespmem:v63+s23+$0x0] =	vst.idx.msk $0xffff, v3  }
0x254: {  	[spmem:s2] =	stream.indirect.scatter.add.f32 [tilespmem:s23], [sflag:$0x2], $0x20, s19, s29, $0xb8;
	[tilespmem:$0x1E800] =	vst v63  }
0x255: {  	_ =	swait.ge [sflag:s24], $0x1000  }
0x256: {  	[sflag:s24] =	ssyncset.done $0x0  }
0x257: {  	[sflag:s24] =	ssyncadd.s32 $0xFFFFF000  }
0x258: {  	[spmem:s2] =	stream.indirect.scatter.add.f32 [tilespmem:s21], [sflag:$0x2], $0x20, s20, s29, $0xb8;
	[tilespmem:$0x1E800] =	vst v63  }
0x259: {  	_ =	swait.ge [sflag:s24], $0x1000  }
0x25a: {  	[sflag:s24] =	ssyncset.done $0x0  }
0x25b: {  	[sflag:s24] =	ssyncadd.s32 $0xFFFFF000  }
0x25c: {  	[spmem:s2] =	stream.indirect.scatter.add.f32 [tilespmem:s9], [sflag:$0x2], $0x20, s22, s29, $0xb8;
	[tilespmem:$0x1E800] =	vst v63  }
0x25d: {  	s13 =	sadd.s32 $0x1, s13;
	_ =	swait.ge [sflag:s24], $0x1000  }
0x25e: {  	p0 =	sne.s32 s13, $0xC8;
	[sflag:s24] =	ssyncset.done $0x0  }
.Ltmp1:
0x25f: {  	[sflag:s24] =	ssyncadd.s32 $0xFFFFF000;
	(pc) =	sbr.rel @p0 .LBB2_2-.Ltmp1, $4  }
0x260: {  	[spmem:s2] =	stream.indirect.scatter.add.f32 [tilespmem:s11], [sflag:$0x2], $0x20, s10, s29, $0xb8;
	[tilespmem:$0x1E800] =	vst v63  }
0x261: {  	_ =	swait.ge [sflag:s24], $0x1000  }
0x262: {  	[sflag:s24] =	ssyncset.done $0x0  }
0x263: {  	[sflag:s24] =	ssyncadd.s32 $0xFFFFF000  }
0x264: {  	[bflag:$0x0] =	sbarrier.arrive $0xFFFF  }
0x265: {  	s12 =	rddreg [dreg:$0x4]  }
0x266: {  	[tilespmem:s30], [sflag:$0x2] =	stream.linear.gather [spmem:s12], $0x4000, $0x38;
	[tilespmem:$0x1E800] =	vst v63  }
0x267: {  	_ =	swait.ge [sflag:s24], $0x4000  }
0x268: {  	[sflag:s24] =	ssyncset.done $0x0  }
0x269: {  	s26 =	simm.s32 $0x0;
	s0 =	rddreg [dreg:$0xa];
	[sflag:s24] =	ssyncadd.s32 $0xFFFFC000  }
0x26a: {  	[hbm4b:s0+s26] =	stream.linear.scatter [tilespmem:s30], [sflag:$0x2], $0x4000, $0x38;
	[tilespmem:$0x1E800] =	vst v63  }
0x26b: {  	_ =	swait.ge [sflag:s24], $0x4000  }
0x26c: {  	[sflag:s24] =	ssyncset.done $0x0  }
0x26d: {  	s13 =	rddreg [dreg:$0x5];
	[sflag:s24] =	ssyncadd.s32 $0xFFFFC000  }
0x26e: {  	[tilespmem:s30], [sflag:$0x2] =	stream.linear.gather [spmem:s13], $0x4000, $0x38;
	[tilespmem:$0x1E800] =	vst v63  }
0x26f: {  	_ =	swait.ge [sflag:s24], $0x4000  }
0x270: {  	[sflag:s24] =	ssyncset.done $0x0  }
0x271: {  	s3 =	rddreg [dreg:$0xb];
	[sflag:s24] =	ssyncadd.s32 $0xFFFFC000  }
0x272: {  	[hbm4b:s3+s26] =	stream.linear.scatter [tilespmem:s30], [sflag:$0x2], $0x4000, $0x38;
	[tilespmem:$0x1E800] =	vst v63  }
0x273: {  	_ =	swait.ge [sflag:s24], $0x4000  }
0x274: {  	[sflag:s24] =	ssyncset.done $0x0  }
0x275: {  	s14 =	rddreg [dreg:$0x6];
	[sflag:s24] =	ssyncadd.s32 $0xFFFFC000  }
0x276: {  	[tilespmem:s30], [sflag:$0x2] =	stream.linear.gather [spmem:s14], $0x4000, $0x38;
	[tilespmem:$0x1E800] =	vst v63  }
0x277: {  	_ =	swait.ge [sflag:s24], $0x4000  }
0x278: {  	[sflag:s24] =	ssyncset.done $0x0  }
0x279: {  	s4 =	rddreg [dreg:$0xc];
	[sflag:s24] =	ssyncadd.s32 $0xFFFFC000  }
0x27a: {  	[hbm4b:s4+s26] =	stream.linear.scatter [tilespmem:s30], [sflag:$0x2], $0x4000, $0x38;
	[tilespmem:$0x1E800] =	vst v63  }
0x27b: {  	_ =	swait.ge [sflag:s24], $0x4000  }
0x27c: {  	[sflag:s24] =	ssyncset.done $0x0  }
0x27d: {  	s28 =	rddreg [dreg:$0x7];
	[sflag:s24] =	ssyncadd.s32 $0xFFFFC000  }
0x27e: {  	[tilespmem:s30], [sflag:$0x2] =	stream.linear.gather [spmem:s28], $0x4000, $0x38;
	[tilespmem:$0x1E800] =	vst v63  }
0x27f: {  	_ =	swait.ge [sflag:s24], $0x4000  }
0x280: {  	[sflag:s24] =	ssyncset.done $0x0  }
0x281: {  	s3 =	rddreg [dreg:$0xd];
	[sflag:s24] =	ssyncadd.s32 $0xFFFFC000  }
0x282: {  	[hbm4b:s3+s26] =	stream.linear.scatter [tilespmem:s30], [sflag:$0x2], $0x4000, $0x38;
	[tilespmem:$0x1E800] =	vst v63  }
0x283: {  	_ =	swait.ge [sflag:s24], $0x4000  }
0x284: {  	[sflag:s24] =	ssyncset.done $0x0  }
0x285: {  	s31 =	rddreg [dreg:$0x8];
	[sflag:s24] =	ssyncadd.s32 $0xFFFFC000  }
0x286: {  	[tilespmem:s30], [sflag:$0x2] =	stream.linear.gather [spmem:s31], $0x4000, $0x38;
	[tilespmem:$0x1E800] =	vst v63  }
0x287: {  	_ =	swait.ge [sflag:s24], $0x4000  }
0x288: {  	[sflag:s24] =	ssyncset.done $0x0  }
0x289: {  	s4 =	rddreg [dreg:$0xe];
	[sflag:s24] =	ssyncadd.s32 $0xFFFFC000  }
0x28a: {  	[hbm4b:s4+s26] =	stream.linear.scatter [tilespmem:s30], [sflag:$0x2], $0x4000, $0x38;
	[tilespmem:$0x1E800] =	vst v63  }
0x28b: {  	_ =	swait.ge [sflag:s24], $0x4000  }
0x28c: {  	[sflag:s24] =	ssyncset.done $0x0  }
0x28d: {  	s0 =	rddreg [dreg:$0x9];
	[sflag:s24] =	ssyncadd.s32 $0xFFFFC000  }
0x28e: {  	[tilespmem:s30], [sflag:$0x2] =	stream.linear.gather [spmem:s0], $0x1E00, $0x38;
	[tilespmem:$0x1E800] =	vst v63  }
0x28f: {  	_ =	swait.ge [sflag:s24], $0x1E00  }
0x290: {  	[sflag:s24] =	ssyncset.done $0x0  }
0x291: {  	s3 =	rddreg [dreg:$0xf];
	[sflag:s24] =	ssyncadd.s32 $0xFFFFE200  }
0x292: {  	[hbm4b:s3+s26] =	stream.linear.scatter [tilespmem:s30], [sflag:$0x2], $0x1E00, $0x38;
	[tilespmem:$0x1E800] =	vst v63  }
0x293: {  	_ =	swait.ge [sflag:s24], $0x1E00  }
0x294: {  	s4 =	rddreg [dreg:$0x11]  }
0x295: {  	s3 =	rddreg [dreg:$0x10];
	s4 =	sadd.s32 $0x1, s4  }
0x296: {  	p0 =	sne.s32 s4, s3  }
.Ltmp2:
0x297: {  	_ = 	snop;
	(pc) =	sbr.rel @p0 .LBB2_1-.Ltmp2, $3  }
0x298: {  	_ =	sdelay $0x1  }
0x299: {  	[sflag:s24] =	ssyncset.done $0x0  }
0x29a: {  	[sflag:s24] =	ssyncadd.s32 $0xFFFFE200;
	[dreg:$0x11] =	wrdreg s4;
	s4 =	simm.s32 $0x15F00  }
0x29b: {  	_ =	sfence.sel $0x180000  }
0x29c: {  	[bflag:$0x0] =	sbarrier.arrive $0xFFFF  }
0x29d: {  	_ =	strace $0x9000004A  }
0x29e: {  	s0 =	stileid.u32;
	[bflag:$0x2] =	sbarrier.arrive $0xFFFF  }
0x29f: {  	p0 =	sne.s32 s0, $0x0;
	s0 =	rddreg [dreg:$0x3]  }
0x2a0: {  	s0 =	sadd.s32 @!p0 $0x100000, s0  }
0x2a1: {  	[sflag:s0] =	ssyncadd.tile.s32 @!p0 $0x1;
	_ =	shalt  }
.Lfunc_end2:
_tile_overlayer_lowered:
.L_overlay_start_2:
0x2a2: {  	(tag) =	ssettag $0x2  }
0x2a3: {  	s0 =	rddreg [dreg:$0x0];
	s2 =	stileid.u32  }
0x2a4: {  	s1 =	rddreg [dreg:$0x1];
	p0 =	sne.s32 s2, $0x0  }
0x2a5: {  	s3 =	rddreg [dreg:$0x2];
	[bflag:$0x3] =	sbarrier.arrive $0xFFFF;
	s2 =	simm.s32 @!p0 $0x1C02  }
0x2a6: {  	[timem:s3], [sflag:s2] =	dma.local @!p0 [hbm:s0], s1  }
0x2a7: {  	s0 =	simm.s32 @!p0 $0x2  }
0x2a8: {  	_ =	swait.ge @!p0 [sflag:s0], s1  }
0x2a9: {  	s1 =	ssub.s32 @!p0 $0x0, s1;
	[sflag:s0] =	ssyncset.done @!p0 $0x0  }
0x2aa: {  	[sflag:s0] =	ssyncadd.s32 @!p0 s1  }
0x2ab: {  	[bflag:$0x3] =	sbarrier.arrive $0xFFFF  }
0x2ac: {  	_ =	shalt  }

</sc_bundles>
